<compile_context>
chip_gen: v7x
topology: tpu7x:2x2x1
jax: 0.10.2.dev20260603
libtpu: 0.0.44.dev20260713+nightly
codegen_flags: <defaults>
</compile_context>

<pallas_src>
import functools

import jax
import jax.numpy as jnp
from jax import lax
from jax.experimental import pallas as pl
from jax.experimental.pallas import tpu as pltpu
from jax.experimental.pallas import tpu_sc as plsc

_MAXG = 5976
_V = _MAXG + 1
_T, _B, _R, _C, _D, _NINV = 16, 32, 21, 79, 64, 55
_TB = _T * _B
_RC = _R * _C
_DG = 8
_NDG = _D // _DG
_NPG = 32 // _NDG
_TBP = _TB // _NPG
_GW = 16
_VT = 376


def _body(g3_hbm, tabp_hbm, inv3_hbm, y_hbm, x_hbm,
          scr_hbm, vic_hbm, invo_hbm,
          tbl_v, ybuf, xbuf, vbuf, ibuf,
          gbuf0, gbuf1, invb0, invb1, st0, st1,
          semg0, semg1, semi0, semi1, semo0, semo1):
    cid = lax.axis_index("c")
    sid = lax.axis_index("s")
    wid = sid * 2 + cid
    dg = wid % _NDG
    pg = wid // _NDG
    d0 = pl.multiple_of(dg * _DG, _DG)
    tb0 = pl.multiple_of(pg * _TBP, _TBP)

    iota = lax.broadcasted_iota(jnp.int32, (16,), 0)
    dvecs = [jnp.full((16,), dd, jnp.int32) for dd in range(_DG)]
    zvec = jnp.zeros((16,), jnp.int32)
    civ = [iota + k * 16 for k in range(5)]
    m_last = iota < (_C - 64)

    ri = iota // 3
    ci = iota - ri * 3
    vic_lane = iota < 9

    pltpu.sync_copy(tabp_hbm.at[dg], tbl_v)
    pltpu.sync_copy(y_hbm.at[pl.ds(tb0, _TBP)], ybuf)
    pltpu.sync_copy(x_hbm.at[pl.ds(tb0, _TBP)], xbuf)

    bufs = ((gbuf0, invb0, st0, semg0, semi0, semo0),
            (gbuf1, invb1, st1, semg1, semi1, semo1))
    for b in range(2):
        gbuf, invb, _, semg, semi, _ = bufs[b]
        pltpu.async_copy(g3_hbm.at[tb0 + b], gbuf, semg)
        pltpu.async_copy(inv3_hbm.at[tb0 + b], invb, semi)

    def t2_body(t2, _):
        for b in range(2):
            gbuf, invb, st, semg, semi, semo = bufs[b]
            tl = t2 * 2 + b
            t = tb0 + tl
            tt = t // _B
            bb = t % _B

            pltpu.make_async_copy(g3_hbm.at[t], gbuf, semg).wait()
            pltpu.make_async_copy(inv3_hbm.at[t], invb, semi).wait()

            @pl.when(t2 > 0)
            def _wait_out():
                tp = t - 2
                pltpu.make_async_copy(
                    st, scr_hbm.at[tp // _B, tp % _B, :, pl.ds(d0, _DG), :],
                    semo).wait()

            def r_body(r):
                rvec = jnp.full((16,), r, jnp.int32)
                r79 = r * _C
                for k in range(5):
                    p = civ[k] + r79
                    gid = plsc.load_gather(gbuf, [p >> 7, p & 127])
                    grow = (gid >> 7) << 3
                    glane = gid & 127
                    m = m_last if k == 4 else None
                    for dd in range(_DG):
                        val = plsc.load_gather(tbl_v, [grow + dd, glane])
                        plsc.store_scatter(st, [rvec, dvecs[dd], civ[k]],
                                           val, mask=m)

            plsc.parallel_loop(0, _R)(r_body)

            tvec = jnp.full((16,), tl, jnp.int32)
            yv = jnp.clip(plsc.load_gather(ybuf, [tvec]), 0, _R - 1)
            xv = jnp.clip(plsc.load_gather(xbuf, [tvec]), 0, _C - 1)
            row = yv - 1 + ri
            col = xv - 1 + ci
            valid = ((row >= 0) & (row < _R) & (col >= 0) & (col < _C)
                     & vic_lane)
            flat = jnp.clip(row * _C + col, 0, _RC - 1)
            g9 = jnp.where(valid,
                           plsc.load_gather(gbuf, [flat >> 7, flat & 127]),
                           _MAXG)
            g9row = (g9 >> 7) << 3
            g9lane = g9 & 127
            tv63 = jnp.full((16,), tl & 63, jnp.int32)
            for dd in range(_DG):
                vals = plsc.load_gather(tbl_v, [g9row + dd, g9lane])
                plsc.store_scatter(vbuf, [tv63, iota + dd * 9], vals,
                                   mask=vic_lane)

            tv7 = jnp.full((16,), tl & 7, jnp.int32)
            for jj in range(4):
                gi = plsc.load_gather(invb, [zvec, iota + jj * 16])
                girow = (gi >> 7) << 3
                gilane = gi & 127
                m = (iota + jj * 16) < _NINV
                for dd in range(_DG):
                    vals = plsc.load_gather(tbl_v, [girow + dd, gilane])
                    plsc.store_scatter(ibuf, [dvecs[dd], tv7,
                                              iota + jj * 16], vals, mask=m)

            @pl.when(tl + 2 < _TBP)
            def _prefetch():
                pltpu.async_copy(g3_hbm.at[t + 2], gbuf, semg)
                pltpu.async_copy(inv3_hbm.at[t + 2], invb, semi)

            pltpu.async_copy(
                st, scr_hbm.at[tt, bb, :, pl.ds(d0, _DG), :], semo)

            @pl.when((tl & 7) == 7)
            def _flush_inv():
                t8 = pl.multiple_of(tb0 + (tl & ~7), 8)
                pltpu.sync_copy(ibuf, invo_hbm.at[dg, :, pl.ds(t8, 8), :])

            @pl.when((tl & 63) == 63)
            def _flush_vic():
                t64 = pl.multiple_of(tb0 + (tl & ~63), 64)
                pltpu.sync_copy(vbuf, vic_hbm.at[dg, pl.ds(t64, 64), :])
        return 0

    lax.fori_loop(0, _TBP // 2, t2_body, 0, unroll=False)

    for b in range(2):
        _, _, st, _, _, semo = bufs[b]
        t = tb0 + _TBP - 2 + b
        pltpu.make_async_copy(
            st, scr_hbm.at[t // _B, t % _B, :, pl.ds(d0, _DG), :],
            semo).wait()


@jax.jit
def _sc_call(g3, tabp, inv3, y, x):
    mesh = plsc.VectorSubcoreMesh(core_axis_name="c", subcore_axis_name="s")
    fn = pl.kernel(
        _body,
        out_type=(
            jax.ShapeDtypeStruct((_T, _B, _R, _D, 128), jnp.float32),
            jax.ShapeDtypeStruct((_NDG, _TB, 128), jnp.float32),
            jax.ShapeDtypeStruct((_NDG, _DG, _TB, 128), jnp.float32),
        ),
        mesh=mesh,
        compiler_params=pltpu.CompilerParams(use_tc_tiling_on_sc=True,
                                             needs_layout_passes=False),
        scratch_types=[
            pltpu.VMEM((_VT, 128), jnp.float32),
            pltpu.VMEM((_TBP,), jnp.int32),
            pltpu.VMEM((_TBP,), jnp.int32),
            pltpu.VMEM((64, 128), jnp.float32),
            pltpu.VMEM((_DG, 8, 128), jnp.float32),
            pltpu.VMEM((_GW, 128), jnp.int32),
            pltpu.VMEM((_GW, 128), jnp.int32),
            pltpu.VMEM((8, 128), jnp.int32),
            pltpu.VMEM((8, 128), jnp.int32),
            pltpu.VMEM((_R, _DG, 128), jnp.float32),
            pltpu.VMEM((_R, _DG, 128), jnp.float32),
            pltpu.SemaphoreType.DMA,
            pltpu.SemaphoreType.DMA,
            pltpu.SemaphoreType.DMA,
            pltpu.SemaphoreType.DMA,
            pltpu.SemaphoreType.DMA,
            pltpu.SemaphoreType.DMA,
        ],
    )
    return fn(g3, tabp, inv3, y, x)


def kernel(glyphs, blstats, inv_glyphs, emb_table):
    T, B, R, C = glyphs.shape
    g_flat = glyphs.reshape(T * B, R * C).astype(jnp.int32)
    g3 = jnp.pad(g_flat, ((0, 0), (0, _GW * 128 - _RC))).reshape(_TB, _GW, 128)
    inv = inv_glyphs.reshape(T * B, _NINV).astype(jnp.int32)
    inv3 = jnp.pad(inv, ((0, 0), (0, 1024 - _NINV))).reshape(_TB, 8, 128)
    tabT = jnp.pad(emb_table.T, ((0, 0), (0, 47 * 128 - _V)))
    tabp = (tabT.reshape(_NDG, _DG, 47, 128)
            .transpose(0, 2, 1, 3)
            .reshape(_NDG, _VT, 128))
    y = blstats[..., 1].reshape(-1).astype(jnp.int32)
    x = blstats[..., 0].reshape(-1).astype(jnp.int32)
    scr_pad, vic_o, inv_o = _sc_call(g3, tabp, inv3, y, x)
    screen = scr_pad[:, :, :, :, :C].transpose(0, 1, 3, 2, 4)
    vicinity = (vic_o[:, :, :_DG * 9].reshape(_NDG, _TB, _DG, 9)
                .transpose(1, 0, 2, 3).reshape(T, B, _D, 3, 3))
    inventory = (inv_o[:, :, :, :_NINV].transpose(2, 0, 1, 3)
                 .reshape(T, B, _D, _NINV))
    self_ = vicinity[..., 1, 1]
    return screen, vicinity, inventory, self_

# --- scband reference (transcript-rebuilt; emitter-appended) ---
"""Pipeline reference for scband-glyph-features-5849745457243 (READ-ONLY COPY).

The authoritative reference and input builder live on the scoring server;
editing this copy changes nothing except your own understanding.
"""

import jax, jax.numpy as jnp
import numpy as np

MAX_GLYPH = 5976
NLE_BL_X = 0
NLE_BL_Y = 1
K = 1
T, B, R, C, D, N_INV = 16, 32, 21, 79, 64, 55


def setup_inputs(seed: int = 0) -> dict:
    key = jax.random.key(seed)
    k1, k2, k3, k4 = jax.random.split(key, 4)
    glyphs = jax.random.randint(k1, (T, B, R, C), 0, MAX_GLYPH)
    blstats = jax.random.randint(k2, (T, B, 27), 0, 21)
    inv_glyphs = jax.random.randint(k3, (T, B, N_INV), 0, MAX_GLYPH)
    emb_table = jax.random.normal(k4, (MAX_GLYPH + 1, D), dtype=jnp.float32)
    return {"glyphs": glyphs, "blstats": blstats, "inv_glyphs": inv_glyphs, "emb_table": emb_table}


def _forward(glyphs, blstats, inv_glyphs, emb_table):
    k = K
    d = emb_table.shape[1]
    padded = jnp.pad(glyphs, ((0, 0), (0, 0), (k, k), (k, k)), constant_values=MAX_GLYPH)
    gl_padded = jnp.take(emb_table, padded, axis=0)  # [T, B, R+2k, C+2k, D]
    y = blstats[..., NLE_BL_Y]
    x = blstats[..., NLE_BL_X]

    def slice_one(pad_tb, yy, xx):
        win = jax.lax.dynamic_slice(pad_tb, (yy, xx, 0), (2 * k + 1, 2 * k + 1, d))
        return jnp.transpose(win, (2, 0, 1))  # [D, 2k+1, 2k+1]

    vicinity = jax.vmap(jax.vmap(slice_one))(gl_padded, y, x)  # [T, B, D, 3, 3]
    screen = jnp.transpose(gl_padded[:, :, k:-k, k:-k], (0, 1, 4, 2, 3))  # [T, B, D, R, C]
    inventory = jnp.transpose(jnp.take(emb_table, inv_glyphs, axis=0), (0, 1, 3, 2))  # [T, B, D, N]
    self_ = vicinity[..., k, k]  # [T, B, D]
    return screen, vicinity, inventory, self_


def reference(glyphs, blstats, inv_glyphs, emb_table):
    return _forward(glyphs, blstats, inv_glyphs, emb_table)

if __name__ == "__main__":
    import jax
    _d = setup_inputs()
    print(jax.jit(kernel)(*tuple(_d.values())))

</pallas_src>

<mosaic_0001>
#map = affine_map<(d0, d1) -> (0, 0, 0)>
#map1 = affine_map<(d0, d1) -> (0)>
#map2 = affine_map<(d0, d1) -> (0, 0, 0, 0, 0)>
#map3 = affine_map<(d0, d1) -> (0, 0, 0, 0)>
module attributes {stable_mosaic.version = 14 : i64} {
  func.func @_body(%arg0: i32, %arg1: i32, %arg2: memref<512x16x128xi32, #tpu.memory_space<hbm>>, %arg3: memref<8x376x128xf32, #tpu.memory_space<hbm>>, %arg4: memref<512x8x128xi32, #tpu.memory_space<hbm>>, %arg5: memref<512xi32, #tpu.memory_space<hbm>>, %arg6: memref<512xi32, #tpu.memory_space<hbm>>, %arg7: memref<16x32x21x64x128xf32, #tpu.memory_space<hbm>>, %arg8: memref<8x512x128xf32, #tpu.memory_space<hbm>>, %arg9: memref<8x8x512x128xf32, #tpu.memory_space<hbm>>, %arg10: memref<376x128xf32, #tpu.memory_space<vmem>>, %arg11: memref<128xi32, #tpu.memory_space<vmem>>, %arg12: memref<128xi32, #tpu.memory_space<vmem>>, %arg13: memref<64x128xf32, #tpu.memory_space<vmem>>, %arg14: memref<8x8x128xf32, #tpu.memory_space<vmem>>, %arg15: memref<16x128xi32, #tpu.memory_space<vmem>>, %arg16: memref<16x128xi32, #tpu.memory_space<vmem>>, %arg17: memref<8x128xi32, #tpu.memory_space<vmem>>, %arg18: memref<8x128xi32, #tpu.memory_space<vmem>>, %arg19: memref<21x8x128xf32, #tpu.memory_space<vmem>>, %arg20: memref<21x8x128xf32, #tpu.memory_space<vmem>>, %arg21: memref<!tpu.dma_semaphore, #tpu.memory_space<semaphore_mem>>, %arg22: memref<!tpu.dma_semaphore, #tpu.memory_space<semaphore_mem>>, %arg23: memref<!tpu.dma_semaphore, #tpu.memory_space<semaphore_mem>>, %arg24: memref<!tpu.dma_semaphore, #tpu.memory_space<semaphore_mem>>, %arg25: memref<!tpu.dma_semaphore, #tpu.memory_space<semaphore_mem>>, %arg26: memref<!tpu.dma_semaphore, #tpu.memory_space<semaphore_mem>>) attributes {dimension_semantics = [#tpu.dimension_semantics<core_parallel>, #tpu.dimension_semantics<subcore_parallel>], iteration_bounds = array<i64: 2, 16>, scalar_prefetch = 0 : i64, scratch_operands = 17 : i64, tpu.core_type = #tpu.core_type<sc_vector_subcore>, window_params = [{transform_indices = #map}, {transform_indices = #map}, {transform_indices = #map}, {transform_indices = #map1}, {transform_indices = #map1}, {transform_indices = #map2}, {transform_indices = #map}, {transform_indices = #map3}]} {
    %mul3A = arith.constant 2 : i32
    %mul3A_0 = arith.muli %arg1, %mul3A : i32
    %add3A = arith.addi %mul3A_0, %arg0 : i32
    %jit3A = arith.constant 8 : i32
    %eq3A = arith.constant 0 : i32
    %eq3A_1 = arith.cmpi eq, %jit3A, %eq3A : i32
    %jit3A_2 = arith.constant 1 : i32
    %select_n3A = arith.select %eq3A_1, %jit3A_2, %jit3A : i32
    %rem3A = arith.remsi %add3A, %select_n3A : i32
    %ne3A = arith.constant 0 : i32
    %ne3A_3 = arith.cmpi ne, %rem3A, %ne3A : i32
    %lt3A = arith.constant 0 : i32
    %lt3A_4 = arith.cmpi slt, %rem3A, %lt3A : i32
    %lt3A_5 = arith.constant 0 : i32
    %lt3A_6 = arith.cmpi slt, %select_n3A, %lt3A_5 : i32
    %ne3A_7 = arith.xori %lt3A_4, %lt3A_6 : i1
    %and3A = arith.andi %ne3A_7, %ne3A_3 : i1
    %add3A_8 = arith.addi %rem3A, %select_n3A : i32
    %select_n3A_9 = arith.select %and3A, %add3A_8, %rem3A : i32
    %jit3A_10 = arith.constant 8 : i32
    %div3A = arith.divsi %add3A, %jit3A_10 : i32
    %sign3A = arith.constant 0 : i32
    %sign3A_11 = arith.cmpi sgt, %add3A, %sign3A : i32
    %sign3A_12 = arith.extui %sign3A_11 : i1 to i32
    %sign3A_13 = arith.constant 0 : i32
    %sign3A_14 = arith.cmpi slt, %add3A, %sign3A_13 : i32
    %sign3A_15 = arith.extui %sign3A_14 : i1 to i32
    %sign3A_16 = arith.subi %sign3A_12, %sign3A_15 : i32
    %sign3A_17 = arith.constant 0 : i32
    %sign3A_18 = arith.cmpi sgt, %jit3A_10, %sign3A_17 : i32
    %sign3A_19 = arith.extui %sign3A_18 : i1 to i32
    %sign3A_20 = arith.constant 0 : i32
    %sign3A_21 = arith.cmpi slt, %jit3A_10, %sign3A_20 : i32
    %sign3A_22 = arith.extui %sign3A_21 : i1 to i32
    %sign3A_23 = arith.subi %sign3A_19, %sign3A_22 : i32
    %ne3A_24 = arith.cmpi ne, %sign3A_16, %sign3A_23 : i32
    %rem3A_25 = arith.remsi %add3A, %jit3A_10 : i32
    %ne3A_26 = arith.constant 0 : i32
    %ne3A_27 = arith.cmpi ne, %rem3A_25, %ne3A_26 : i32
    %and3A_28 = arith.andi %ne3A_24, %ne3A_27 : i1
    %sub3A = arith.constant 1 : i32
    %sub3A_29 = arith.subi %div3A, %sub3A : i32
    %select_n3A_30 = arith.select %and3A_28, %sub3A_29, %div3A : i32
    %mul3A_31 = arith.constant 8 : i32
    %mul3A_32 = arith.muli %select_n3A_9, %mul3A_31 : i32
    %multiple_of3A = tpu.assume_multiple %mul3A_32, 8 : i32
    %mul3A_33 = arith.constant 128 : i32
    %mul3A_34 = arith.muli %select_n3A_30, %mul3A_33 : i32
    %multiple_of3A_35 = tpu.assume_multiple %mul3A_34, 128 : i32
    %iota3A = tpu.iota {dimensions = array<i32: 0>} : vector<16xi32>
    %broadcast_in_dim3A = arith.constant 0 : i32
    %broadcast_in_dim3A_36 = vector.broadcast %broadcast_in_dim3A : i32 to vector<16xi32>
    %broadcast_in_dim3A_37 = arith.constant 1 : i32
    %broadcast_in_dim3A_38 = vector.broadcast %broadcast_in_dim3A_37 : i32 to vector<16xi32>
    %broadcast_in_dim3A_39 = arith.constant 2 : i32
    %broadcast_in_dim3A_40 = vector.broadcast %broadcast_in_dim3A_39 : i32 to vector<16xi32>
    %broadcast_in_dim3A_41 = arith.constant 3 : i32
    %broadcast_in_dim3A_42 = vector.broadcast %broadcast_in_dim3A_41 : i32 to vector<16xi32>
    %broadcast_in_dim3A_43 = arith.constant 4 : i32
    %broadcast_in_dim3A_44 = vector.broadcast %broadcast_in_dim3A_43 : i32 to vector<16xi32>
    %broadcast_in_dim3A_45 = arith.constant 5 : i32
    %broadcast_in_dim3A_46 = vector.broadcast %broadcast_in_dim3A_45 : i32 to vector<16xi32>
    %broadcast_in_dim3A_47 = arith.constant 6 : i32
    %broadcast_in_dim3A_48 = vector.broadcast %broadcast_in_dim3A_47 : i32 to vector<16xi32>
    %broadcast_in_dim3A_49 = arith.constant 7 : i32
    %broadcast_in_dim3A_50 = vector.broadcast %broadcast_in_dim3A_49 : i32 to vector<16xi32>
    %broadcast_in_dim3A_51 = arith.constant 0 : i32
    %broadcast_in_dim3A_52 = vector.broadcast %broadcast_in_dim3A_51 : i32 to vector<16xi32>
    %add3A_53 = arith.constant 0 : i32
    %add3A_54 = vector.broadcast %add3A_53 : i32 to vector<16xi32>
    %add3A_55 = arith.addi %iota3A, %add3A_54 : vector<16xi32>
    %add3A_56 = arith.constant 16 : i32
    %add3A_57 = vector.broadcast %add3A_56 : i32 to vector<16xi32>
    %add3A_58 = arith.addi %iota3A, %add3A_57 : vector<16xi32>
    %add3A_59 = arith.constant 32 : i32
    %add3A_60 = vector.broadcast %add3A_59 : i32 to vector<16xi32>
    %add3A_61 = arith.addi %iota3A, %add3A_60 : vector<16xi32>
    %add3A_62 = arith.constant 48 : i32
    %add3A_63 = vector.broadcast %add3A_62 : i32 to vector<16xi32>
    %add3A_64 = arith.addi %iota3A, %add3A_63 : vector<16xi32>
    %add3A_65 = arith.constant 64 : i32
    %add3A_66 = vector.broadcast %add3A_65 : i32 to vector<16xi32>
    %add3A_67 = arith.addi %iota3A, %add3A_66 : vector<16xi32>
    %lt3A_68 = arith.constant 15 : i32
    %lt3A_69 = vector.broadcast %lt3A_68 : i32 to vector<16xi32>
    %lt3A_70 = arith.cmpi slt, %iota3A, %lt3A_69 : vector<16xi32>
    %jit3A_71 = arith.constant 3 : i32
    %div3A_72 = vector.broadcast %jit3A_71 : i32 to vector<16xi32>
    %div3A_73 = arith.divsi %iota3A, %div3A_72 : vector<16xi32>
    %sign3A_74 = arith.constant 0 : i32
    %sign3A_75 = vector.broadcast %sign3A_74 : i32 to vector<16xi32>
    %sign3A_76 = arith.cmpi sgt, %iota3A, %sign3A_75 : vector<16xi32>
    %sign3A_77 = arith.extui %sign3A_76 : vector<16xi1> to vector<16xi32>
    %sign3A_78 = arith.constant 0 : i32
    %sign3A_79 = vector.broadcast %sign3A_78 : i32 to vector<16xi32>
    %sign3A_80 = arith.cmpi slt, %iota3A, %sign3A_79 : vector<16xi32>
    %sign3A_81 = arith.extui %sign3A_80 : vector<16xi1> to vector<16xi32>
    %sign3A_82 = arith.subi %sign3A_77, %sign3A_81 : vector<16xi32>
    %sign3A_83 = arith.constant 0 : i32
    %sign3A_84 = arith.cmpi sgt, %jit3A_71, %sign3A_83 : i32
    %sign3A_85 = arith.extui %sign3A_84 : i1 to i32
    %sign3A_86 = arith.constant 0 : i32
    %sign3A_87 = arith.cmpi slt, %jit3A_71, %sign3A_86 : i32
    %sign3A_88 = arith.extui %sign3A_87 : i1 to i32
    %sign3A_89 = arith.subi %sign3A_85, %sign3A_88 : i32
    %ne3A_90 = vector.broadcast %sign3A_89 : i32 to vector<16xi32>
    %ne3A_91 = arith.cmpi ne, %sign3A_82, %ne3A_90 : vector<16xi32>
    %rem3A_92 = vector.broadcast %jit3A_71 : i32 to vector<16xi32>
    %rem3A_93 = arith.remsi %iota3A, %rem3A_92 : vector<16xi32>
    %ne3A_94 = arith.constant 0 : i32
    %ne3A_95 = vector.broadcast %ne3A_94 : i32 to vector<16xi32>
    %ne3A_96 = arith.cmpi ne, %rem3A_93, %ne3A_95 : vector<16xi32>
    %and3A_97 = arith.andi %ne3A_91, %ne3A_96 : vector<16xi1>
    %sub3A_98 = arith.constant 1 : i32
    %sub3A_99 = vector.broadcast %sub3A_98 : i32 to vector<16xi32>
    %sub3A_100 = arith.subi %div3A_73, %sub3A_99 : vector<16xi32>
    %select_n3A_101 = arith.select %and3A_97, %sub3A_100, %div3A_73 : vector<16xi1>, vector<16xi32>
    %mul3A_102 = arith.constant 3 : i32
    %mul3A_103 = vector.broadcast %mul3A_102 : i32 to vector<16xi32>
    %mul3A_104 = arith.muli %select_n3A_101, %mul3A_103 : vector<16xi32>
    %sub3A_105 = arith.subi %iota3A, %mul3A_104 : vector<16xi32>
    %lt3A_106 = arith.constant 9 : i32
    %lt3A_107 = vector.broadcast %lt3A_106 : i32 to vector<16xi32>
    %lt3A_108 = arith.cmpi slt, %iota3A, %lt3A_107 : vector<16xi32>
    "tpu.region"() ({
      %run_scoped3A = tpu.sem_alloc : memref<!tpu.dma_semaphore, #tpu.memory_space<semaphore_mem>>
      %dma_start3A_261 = arith.constant 0 : i32
      %dma_start3A_262 = arith.constant 0 : i32
      %dma_start3A_263 = tpu.memref_slice %arg3[%select_n3A_9, %dma_start3A_261, %dma_start3A_262] : memref<8x376x128xf32, #tpu.memory_space<hbm>> -> memref<1x376x128xf32, #tpu.memory_space<hbm>>
      %dma_start3A_264 = tpu.memref_squeeze %dma_start3A_263 : memref<1x376x128xf32, #tpu.memory_space<hbm>> -> memref<376x128xf32, #tpu.memory_space<hbm>>
      %dma_start3A_265 = arith.constant 0 : i32
      %dma_start3A_266 = arith.constant 0 : i32
      %dma_start3A_267 = tpu.memref_slice %arg3[%select_n3A_9, %dma_start3A_265, %dma_start3A_266] : memref<8x376x128xf32, #tpu.memory_space<hbm>> -> memref<1x376x128xf32, #tpu.memory_space<hbm>>
      %dma_start3A_268 = tpu.memref_squeeze %dma_start3A_267 : memref<1x376x128xf32, #tpu.memory_space<hbm>> -> memref<376x128xf32, #tpu.memory_space<hbm>>
      tpu.enqueue_dma source(%dma_start3A_268 : memref<376x128xf32, #tpu.memory_space<hbm>>) target(%arg10 : memref<376x128xf32, #tpu.memory_space<vmem>>) target_semaphore(%run_scoped3A : memref<!tpu.dma_semaphore, #tpu.memory_space<semaphore_mem>>)
      %dma_wait3A_269 = arith.constant 0 : i32
      %dma_wait3A_270 = arith.constant 0 : i32
      %dma_wait3A_271 = tpu.memref_slice %arg3[%select_n3A_9, %dma_wait3A_269, %dma_wait3A_270] : memref<8x376x128xf32, #tpu.memory_space<hbm>> -> memref<1x376x128xf32, #tpu.memory_space<hbm>>
      %dma_wait3A_272 = tpu.memref_squeeze %dma_wait3A_271 : memref<1x376x128xf32, #tpu.memory_space<hbm>> -> memref<376x128xf32, #tpu.memory_space<hbm>>
      %dma_wait3A_273 = arith.constant 0 : i32
      %dma_wait3A_274 = arith.constant 0 : i32
      %dma_wait3A_275 = tpu.memref_slice %arg3[%select_n3A_9, %dma_wait3A_273, %dma_wait3A_274] : memref<8x376x128xf32, #tpu.memory_space<hbm>> -> memref<1x376x128xf32, #tpu.memory_space<hbm>>
      %dma_wait3A_276 = tpu.memref_squeeze %dma_wait3A_275 : memref<1x376x128xf32, #tpu.memory_space<hbm>> -> memref<376x128xf32, #tpu.memory_space<hbm>>
      tpu.wait_dma2 semaphore(%run_scoped3A : memref<!tpu.dma_semaphore, #tpu.memory_space<semaphore_mem>>) src(%dma_wait3A_276 : memref<376x128xf32, #tpu.memory_space<hbm>>) dst(%arg10 : memref<376x128xf32, #tpu.memory_space<vmem>>)
      tpu.yield
    }) : () -> ()
    "tpu.region"() ({
      %run_scoped3A = tpu.sem_alloc : memref<!tpu.dma_semaphore, #tpu.memory_space<semaphore_mem>>
      %dma_start3A_261 = tpu.memref_slice %arg5[%multiple_of3A_35] : memref<512xi32, #tpu.memory_space<hbm>> -> memref<128xi32, #tpu.memory_space<hbm>>
      %dma_start3A_262 = tpu.memref_slice %arg5[%multiple_of3A_35] : memref<512xi32, #tpu.memory_space<hbm>> -> memref<128xi32, #tpu.memory_space<hbm>>
      tpu.enqueue_dma source(%dma_start3A_262 : memref<128xi32, #tpu.memory_space<hbm>>) target(%arg11 : memref<128xi32, #tpu.memory_space<vmem>>) target_semaphore(%run_scoped3A : memref<!tpu.dma_semaphore, #tpu.memory_space<semaphore_mem>>)
      %dma_wait3A_263 = tpu.memref_slice %arg5[%multiple_of3A_35] : memref<512xi32, #tpu.memory_space<hbm>> -> memref<128xi32, #tpu.memory_space<hbm>>
      %dma_wait3A_264 = tpu.memref_slice %arg5[%multiple_of3A_35] : memref<512xi32, #tpu.memory_space<hbm>> -> memref<128xi32, #tpu.memory_space<hbm>>
      tpu.wait_dma2 semaphore(%run_scoped3A : memref<!tpu.dma_semaphore, #tpu.memory_space<semaphore_mem>>) src(%dma_wait3A_264 : memref<128xi32, #tpu.memory_space<hbm>>) dst(%arg11 : memref<128xi32, #tpu.memory_space<vmem>>)
      tpu.yield
    }) : () -> ()
    "tpu.region"() ({
      %run_scoped3A = tpu.sem_alloc : memref<!tpu.dma_semaphore, #tpu.memory_space<semaphore_mem>>
      %dma_start3A_261 = tpu.memref_slice %arg6[%multiple_of3A_35] : memref<512xi32, #tpu.memory_space<hbm>> -> memref<128xi32, #tpu.memory_space<hbm>>
      %dma_start3A_262 = tpu.memref_slice %arg6[%multiple_of3A_35] : memref<512xi32, #tpu.memory_space<hbm>> -> memref<128xi32, #tpu.memory_space<hbm>>
      tpu.enqueue_dma source(%dma_start3A_262 : memref<128xi32, #tpu.memory_space<hbm>>) target(%arg12 : memref<128xi32, #tpu.memory_space<vmem>>) target_semaphore(%run_scoped3A : memref<!tpu.dma_semaphore, #tpu.memory_space<semaphore_mem>>)
      %dma_wait3A_263 = tpu.memref_slice %arg6[%multiple_of3A_35] : memref<512xi32, #tpu.memory_space<hbm>> -> memref<128xi32, #tpu.memory_space<hbm>>
      %dma_wait3A_264 = tpu.memref_slice %arg6[%multiple_of3A_35] : memref<512xi32, #tpu.memory_space<hbm>> -> memref<128xi32, #tpu.memory_space<hbm>>
      tpu.wait_dma2 semaphore(%run_scoped3A : memref<!tpu.dma_semaphore, #tpu.memory_space<semaphore_mem>>) src(%dma_wait3A_264 : memref<128xi32, #tpu.memory_space<hbm>>) dst(%arg12 : memref<128xi32, #tpu.memory_space<vmem>>)
      tpu.yield
    }) : () -> ()
    %add3A_109 = arith.constant 0 : i32
    %add3A_110 = arith.addi %multiple_of3A_35, %add3A_109 : i32
    %dma_start3A = arith.constant 0 : i32
    %dma_start3A_111 = arith.constant 0 : i32
    %dma_start3A_112 = tpu.memref_slice %arg2[%add3A_110, %dma_start3A, %dma_start3A_111] : memref<512x16x128xi32, #tpu.memory_space<hbm>> -> memref<1x16x128xi32, #tpu.memory_space<hbm>>
    %dma_start3A_113 = tpu.memref_squeeze %dma_start3A_112 : memref<1x16x128xi32, #tpu.memory_space<hbm>> -> memref<16x128xi32, #tpu.memory_space<hbm>>
    %dma_start3A_114 = arith.constant 0 : i32
    %dma_start3A_115 = arith.constant 0 : i32
    %dma_start3A_116 = tpu.memref_slice %arg2[%add3A_110, %dma_start3A_114, %dma_start3A_115] : memref<512x16x128xi32, #tpu.memory_space<hbm>> -> memref<1x16x128xi32, #tpu.memory_space<hbm>>
    %dma_start3A_117 = tpu.memref_squeeze %dma_start3A_116 : memref<1x16x128xi32, #tpu.memory_space<hbm>> -> memref<16x128xi32, #tpu.memory_space<hbm>>
    tpu.enqueue_dma source(%dma_start3A_117 : memref<16x128xi32, #tpu.memory_space<hbm>>) target(%arg15 : memref<16x128xi32, #tpu.memory_space<vmem>>) target_semaphore(%arg21 : memref<!tpu.dma_semaphore, #tpu.memory_space<semaphore_mem>>)
    %add3A_118 = arith.constant 0 : i32
    %add3A_119 = arith.addi %multiple_of3A_35, %add3A_118 : i32
    %dma_start3A_120 = arith.constant 0 : i32
    %dma_start3A_121 = arith.constant 0 : i32
    %dma_start3A_122 = tpu.memref_slice %arg4[%add3A_119, %dma_start3A_120, %dma_start3A_121] : memref<512x8x128xi32, #tpu.memory_space<hbm>> -> memref<1x8x128xi32, #tpu.memory_space<hbm>>
    %dma_start3A_123 = tpu.memref_squeeze %dma_start3A_122 : memref<1x8x128xi32, #tpu.memory_space<hbm>> -> memref<8x128xi32, #tpu.memory_space<hbm>>
    %dma_start3A_124 = arith.constant 0 : i32
    %dma_start3A_125 = arith.constant 0 : i32
    %dma_start3A_126 = tpu.memref_slice %arg4[%add3A_119, %dma_start3A_124, %dma_start3A_125] : memref<512x8x128xi32, #tpu.memory_space<hbm>> -> memref<1x8x128xi32, #tpu.memory_space<hbm>>
    %dma_start3A_127 = tpu.memref_squeeze %dma_start3A_126 : memref<1x8x128xi32, #tpu.memory_space<hbm>> -> memref<8x128xi32, #tpu.memory_space<hbm>>
    tpu.enqueue_dma source(%dma_start3A_127 : memref<8x128xi32, #tpu.memory_space<hbm>>) target(%arg17 : memref<8x128xi32, #tpu.memory_space<vmem>>) target_semaphore(%arg23 : memref<!tpu.dma_semaphore, #tpu.memory_space<semaphore_mem>>)
    %add3A_128 = arith.constant 1 : i32
    %add3A_129 = arith.addi %multiple_of3A_35, %add3A_128 : i32
    %dma_start3A_130 = arith.constant 0 : i32
    %dma_start3A_131 = arith.constant 0 : i32
    %dma_start3A_132 = tpu.memref_slice %arg2[%add3A_129, %dma_start3A_130, %dma_start3A_131] : memref<512x16x128xi32, #tpu.memory_space<hbm>> -> memref<1x16x128xi32, #tpu.memory_space<hbm>>
    %dma_start3A_133 = tpu.memref_squeeze %dma_start3A_132 : memref<1x16x128xi32, #tpu.memory_space<hbm>> -> memref<16x128xi32, #tpu.memory_space<hbm>>
    %dma_start3A_134 = arith.constant 0 : i32
    %dma_start3A_135 = arith.constant 0 : i32
    %dma_start3A_136 = tpu.memref_slice %arg2[%add3A_129, %dma_start3A_134, %dma_start3A_135] : memref<512x16x128xi32, #tpu.memory_space<hbm>> -> memref<1x16x128xi32, #tpu.memory_space<hbm>>
    %dma_start3A_137 = tpu.memref_squeeze %dma_start3A_136 : memref<1x16x128xi32, #tpu.memory_space<hbm>> -> memref<16x128xi32, #tpu.memory_space<hbm>>
    tpu.enqueue_dma source(%dma_start3A_137 : memref<16x128xi32, #tpu.memory_space<hbm>>) target(%arg16 : memref<16x128xi32, #tpu.memory_space<vmem>>) target_semaphore(%arg22 : memref<!tpu.dma_semaphore, #tpu.memory_space<semaphore_mem>>)
    %add3A_138 = arith.constant 1 : i32
    %add3A_139 = arith.addi %multiple_of3A_35, %add3A_138 : i32
    %dma_start3A_140 = arith.constant 0 : i32
    %dma_start3A_141 = arith.constant 0 : i32
    %dma_start3A_142 = tpu.memref_slice %arg4[%add3A_139, %dma_start3A_140, %dma_start3A_141] : memref<512x8x128xi32, #tpu.memory_space<hbm>> -> memref<1x8x128xi32, #tpu.memory_space<hbm>>
    %dma_start3A_143 = tpu.memref_squeeze %dma_start3A_142 : memref<1x8x128xi32, #tpu.memory_space<hbm>> -> memref<8x128xi32, #tpu.memory_space<hbm>>
    %dma_start3A_144 = arith.constant 0 : i32
    %dma_start3A_145 = arith.constant 0 : i32
    %dma_start3A_146 = tpu.memref_slice %arg4[%add3A_139, %dma_start3A_144, %dma_start3A_145] : memref<512x8x128xi32, #tpu.memory_space<hbm>> -> memref<1x8x128xi32, #tpu.memory_space<hbm>>
    %dma_start3A_147 = tpu.memref_squeeze %dma_start3A_146 : memref<1x8x128xi32, #tpu.memory_space<hbm>> -> memref<8x128xi32, #tpu.memory_space<hbm>>
    tpu.enqueue_dma source(%dma_start3A_147 : memref<8x128xi32, #tpu.memory_space<hbm>>) target(%arg18 : memref<8x128xi32, #tpu.memory_space<vmem>>) target_semaphore(%arg24 : memref<!tpu.dma_semaphore, #tpu.memory_space<semaphore_mem>>)
    %scan3A = arith.constant 0 : i32
    %scan3A_148 = arith.constant 0 : i32
    %scan3A_149 = arith.constant 64 : i32
    %scan3A_150 = arith.addi %scan3A_148, %scan3A_149 : i32
    %scan3A_151 = arith.constant 1 : i32
    %scan3A_152 = scf.for %scan3A_261 = %scan3A_148 to %scan3A_150 step %scan3A_151 iter_args(%scan3A_262 = %scan3A) -> (i32)  : i32 {
      %mul3A_263 = arith.constant 2 : i32
      %mul3A_264 = arith.muli %scan3A_261, %mul3A_263 : i32
      %add3A_265 = arith.constant 0 : i32
      %add3A_266 = arith.addi %mul3A_264, %add3A_265 : i32
      %add3A_267 = arith.addi %multiple_of3A_35, %add3A_266 : i32
      %jit3A_268 = arith.constant 32 : i32
      %div3A_269 = arith.divsi %add3A_267, %jit3A_268 : i32
      %sign3A_270 = arith.constant 0 : i32
      %sign3A_271 = arith.cmpi sgt, %add3A_267, %sign3A_270 : i32
      %sign3A_272 = arith.extui %sign3A_271 : i1 to i32
      %sign3A_273 = arith.constant 0 : i32
      %sign3A_274 = arith.cmpi slt, %add3A_267, %sign3A_273 : i32
      %sign3A_275 = arith.extui %sign3A_274 : i1 to i32
      %sign3A_276 = arith.subi %sign3A_272, %sign3A_275 : i32
      %sign3A_277 = arith.constant 0 : i32
      %sign3A_278 = arith.cmpi sgt, %jit3A_268, %sign3A_277 : i32
      %sign3A_279 = arith.extui %sign3A_278 : i1 to i32
      %sign3A_280 = arith.constant 0 : i32
      %sign3A_281 = arith.cmpi slt, %jit3A_268, %sign3A_280 : i32
      %sign3A_282 = arith.extui %sign3A_281 : i1 to i32
      %sign3A_283 = arith.subi %sign3A_279, %sign3A_282 : i32
      %ne3A_284 = arith.cmpi ne, %sign3A_276, %sign3A_283 : i32
      %rem3A_285 = arith.remsi %add3A_267, %jit3A_268 : i32
      %ne3A_286 = arith.constant 0 : i32
      %ne3A_287 = arith.cmpi ne, %rem3A_285, %ne3A_286 : i32
      %and3A_288 = arith.andi %ne3A_284, %ne3A_287 : i1
      %sub3A_289 = arith.constant 1 : i32
      %sub3A_290 = arith.subi %div3A_269, %sub3A_289 : i32
      %select_n3A_291 = arith.select %and3A_288, %sub3A_290, %div3A_269 : i32
      %jit3A_292 = arith.constant 32 : i32
      %eq3A_293 = arith.constant 0 : i32
      %eq3A_294 = arith.cmpi eq, %jit3A_292, %eq3A_293 : i32
      %jit3A_295 = arith.constant 1 : i32
      %select_n3A_296 = arith.select %eq3A_294, %jit3A_295, %jit3A_292 : i32
      %rem3A_297 = arith.remsi %add3A_267, %select_n3A_296 : i32
      %ne3A_298 = arith.constant 0 : i32
      %ne3A_299 = arith.cmpi ne, %rem3A_297, %ne3A_298 : i32
      %lt3A_300 = arith.constant 0 : i32
      %lt3A_301 = arith.cmpi slt, %rem3A_297, %lt3A_300 : i32
      %lt3A_302 = arith.constant 0 : i32
      %lt3A_303 = arith.cmpi slt, %select_n3A_296, %lt3A_302 : i32
      %ne3A_304 = arith.xori %lt3A_301, %lt3A_303 : i1
      %and3A_305 = arith.andi %ne3A_304, %ne3A_299 : i1
      %add3A_306 = arith.addi %rem3A_297, %select_n3A_296 : i32
      %select_n3A_307 = arith.select %and3A_305, %add3A_306, %rem3A_297 : i32
      %dma_wait3A_308 = arith.constant 0 : i32
      %dma_wait3A_309 = arith.constant 0 : i32
      %dma_wait3A_310 = tpu.memref_slice %arg2[%add3A_267, %dma_wait3A_308, %dma_wait3A_309] : memref<512x16x128xi32, #tpu.memory_space<hbm>> -> memref<1x16x128xi32, #tpu.memory_space<hbm>>
      %dma_wait3A_311 = tpu.memref_squeeze %dma_wait3A_310 : memref<1x16x128xi32, #tpu.memory_space<hbm>> -> memref<16x128xi32, #tpu.memory_space<hbm>>
      %dma_wait3A_312 = arith.constant 0 : i32
      %dma_wait3A_313 = arith.constant 0 : i32
      %dma_wait3A_314 = tpu.memref_slice %arg2[%add3A_267, %dma_wait3A_312, %dma_wait3A_313] : memref<512x16x128xi32, #tpu.memory_space<hbm>> -> memref<1x16x128xi32, #tpu.memory_space<hbm>>
      %dma_wait3A_315 = tpu.memref_squeeze %dma_wait3A_314 : memref<1x16x128xi32, #tpu.memory_space<hbm>> -> memref<16x128xi32, #tpu.memory_space<hbm>>
      tpu.wait_dma2 semaphore(%arg21 : memref<!tpu.dma_semaphore, #tpu.memory_space<semaphore_mem>>) src(%dma_wait3A_315 : memref<16x128xi32, #tpu.memory_space<hbm>>) dst(%arg15 : memref<16x128xi32, #tpu.memory_space<vmem>>)
      %dma_wait3A_316 = arith.constant 0 : i32
      %dma_wait3A_317 = arith.constant 0 : i32
      %dma_wait3A_318 = tpu.memref_slice %arg4[%add3A_267, %dma_wait3A_316, %dma_wait3A_317] : memref<512x8x128xi32, #tpu.memory_space<hbm>> -> memref<1x8x128xi32, #tpu.memory_space<hbm>>
      %dma_wait3A_319 = tpu.memref_squeeze %dma_wait3A_318 : memref<1x8x128xi32, #tpu.memory_space<hbm>> -> memref<8x128xi32, #tpu.memory_space<hbm>>
      %dma_wait3A_320 = arith.constant 0 : i32
      %dma_wait3A_321 = arith.constant 0 : i32
      %dma_wait3A_322 = tpu.memref_slice %arg4[%add3A_267, %dma_wait3A_320, %dma_wait3A_321] : memref<512x8x128xi32, #tpu.memory_space<hbm>> -> memref<1x8x128xi32, #tpu.memory_space<hbm>>
      %dma_wait3A_323 = tpu.memref_squeeze %dma_wait3A_322 : memref<1x8x128xi32, #tpu.memory_space<hbm>> -> memref<8x128xi32, #tpu.memory_space<hbm>>
      tpu.wait_dma2 semaphore(%arg23 : memref<!tpu.dma_semaphore, #tpu.memory_space<semaphore_mem>>) src(%dma_wait3A_323 : memref<8x128xi32, #tpu.memory_space<hbm>>) dst(%arg17 : memref<8x128xi32, #tpu.memory_space<vmem>>)
      %gt3A = arith.constant 0 : i32
      %gt3A_324 = arith.cmpi sgt, %scan3A_261, %gt3A : i32
      %convert_element_type3A = arith.extui %gt3A_324 : i1 to i32
      %cond3A = arith.constant 0 : i32
      %cond3A_325 = arith.cmpi ne, %convert_element_type3A, %cond3A : i32
      scf.if %cond3A_325 {
        %sub3A_1310 = arith.constant 2 : i32
        %sub3A_1311 = arith.subi %add3A_267, %sub3A_1310 : i32
        %jit3A_1312 = arith.constant 32 : i32
        %div3A_1313 = arith.divsi %sub3A_1311, %jit3A_1312 : i32
        %sign3A_1314 = arith.constant 0 : i32
        %sign3A_1315 = arith.cmpi sgt, %sub3A_1311, %sign3A_1314 : i32
        %sign3A_1316 = arith.extui %sign3A_1315 : i1 to i32
        %sign3A_1317 = arith.constant 0 : i32
        %sign3A_1318 = arith.cmpi slt, %sub3A_1311, %sign3A_1317 : i32
        %sign3A_1319 = arith.extui %sign3A_1318 : i1 to i32
        %sign3A_1320 = arith.subi %sign3A_1316, %sign3A_1319 : i32
        %sign3A_1321 = arith.constant 0 : i32
        %sign3A_1322 = arith.cmpi sgt, %jit3A_1312, %sign3A_1321 : i32
        %sign3A_1323 = arith.extui %sign3A_1322 : i1 to i32
        %sign3A_1324 = arith.constant 0 : i32
        %sign3A_1325 = arith.cmpi slt, %jit3A_1312, %sign3A_1324 : i32
        %sign3A_1326 = arith.extui %sign3A_1325 : i1 to i32
        %sign3A_1327 = arith.subi %sign3A_1323, %sign3A_1326 : i32
        %ne3A_1328 = arith.cmpi ne, %sign3A_1320, %sign3A_1327 : i32
        %rem3A_1329 = arith.remsi %sub3A_1311, %jit3A_1312 : i32
        %ne3A_1330 = arith.constant 0 : i32
        %ne3A_1331 = arith.cmpi ne, %rem3A_1329, %ne3A_1330 : i32
        %and3A_1332 = arith.andi %ne3A_1328, %ne3A_1331 : i1
        %sub3A_1333 = arith.constant 1 : i32
        %sub3A_1334 = arith.subi %div3A_1313, %sub3A_1333 : i32
        %select_n3A_1335 = arith.select %and3A_1332, %sub3A_1334, %div3A_1313 : i32
        %jit3A_1336 = arith.constant 32 : i32
        %eq3A_1337 = arith.constant 0 : i32
        %eq3A_1338 = arith.cmpi eq, %jit3A_1336, %eq3A_1337 : i32
        %jit3A_1339 = arith.constant 1 : i32
        %select_n3A_1340 = arith.select %eq3A_1338, %jit3A_1339, %jit3A_1336 : i32
        %rem3A_1341 = arith.remsi %sub3A_1311, %select_n3A_1340 : i32
        %ne3A_1342 = arith.constant 0 : i32
        %ne3A_1343 = arith.cmpi ne, %rem3A_1341, %ne3A_1342 : i32
        %lt3A_1344 = arith.constant 0 : i32
        %lt3A_1345 = arith.cmpi slt, %rem3A_1341, %lt3A_1344 : i32
        %lt3A_1346 = arith.constant 0 : i32
        %lt3A_1347 = arith.cmpi slt, %select_n3A_1340, %lt3A_1346 : i32
        %ne3A_1348 = arith.xori %lt3A_1345, %lt3A_1347 : i1
        %and3A_1349 = arith.andi %ne3A_1348, %ne3A_1343 : i1
        %add3A_1350 = arith.addi %rem3A_1341, %select_n3A_1340 : i32
        %select_n3A_1351 = arith.select %and3A_1349, %add3A_1350, %rem3A_1341 : i32
        %dma_wait3A_1352 = arith.constant 0 : i32
        %dma_wait3A_1353 = arith.constant 0 : i32
        %dma_wait3A_1354 = tpu.memref_slice %arg7[%select_n3A_1335, %select_n3A_1351, %dma_wait3A_1352, %multiple_of3A, %dma_wait3A_1353] : memref<16x32x21x64x128xf32, #tpu.memory_space<hbm>> -> memref<1x1x21x8x128xf32, #tpu.memory_space<hbm>>
        %dma_wait3A_1355 = tpu.memref_squeeze %dma_wait3A_1354 : memref<1x1x21x8x128xf32, #tpu.memory_space<hbm>> -> memref<21x8x128xf32, #tpu.memory_space<hbm>>
        %dma_wait3A_1356 = arith.constant 0 : i32
        %dma_wait3A_1357 = arith.constant 0 : i32
        %dma_wait3A_1358 = tpu.memref_slice %arg7[%select_n3A_1335, %select_n3A_1351, %dma_wait3A_1356, %multiple_of3A, %dma_wait3A_1357] : memref<16x32x21x64x128xf32, #tpu.memory_space<hbm>> -> memref<1x1x21x8x128xf32, #tpu.memory_space<hbm>>
        %dma_wait3A_1359 = tpu.memref_squeeze %dma_wait3A_1358 : memref<1x1x21x8x128xf32, #tpu.memory_space<hbm>> -> memref<21x8x128xf32, #tpu.memory_space<hbm>>
        tpu.wait_dma2 semaphore(%arg25 : memref<!tpu.dma_semaphore, #tpu.memory_space<semaphore_mem>>) src(%arg19 : memref<21x8x128xf32, #tpu.memory_space<vmem>>) dst(%dma_wait3A_1359 : memref<21x8x128xf32, #tpu.memory_space<hbm>>)
      } else {
      }
      %parallel_loop3A = arith.constant 0 : i32
      %parallel_loop3A_326 = arith.constant 21 : i32
      %parallel_loop3A_327 = arith.constant 1 : i32
      scf.for %parallel_loop3A_1310 = %parallel_loop3A to %parallel_loop3A_326 step %parallel_loop3A_327  : i32 {
        %parallel_loop3A_1311 = vector.broadcast %parallel_loop3A_1310 : i32 to vector<16xi32>
        %parallel_loop3A_1312 = arith.constant 79 : i32
        %parallel_loop3A_1313 = arith.muli %parallel_loop3A_1310, %parallel_loop3A_1312 : i32
        %parallel_loop3A_1314 = vector.broadcast %parallel_loop3A_1313 : i32 to vector<16xi32>
        %parallel_loop3A_1315 = arith.addi %add3A_55, %parallel_loop3A_1314 : vector<16xi32>
        %parallel_loop3A_1316 = arith.constant 7 : i32
        %parallel_loop3A_1317 = vector.broadcast %parallel_loop3A_1316 : i32 to vector<16xi32>
        %parallel_loop3A_1318 = arith.shrsi %parallel_loop3A_1315, %parallel_loop3A_1317 : vector<16xi32>
        %parallel_loop3A_1319 = arith.constant 127 : i32
        %parallel_loop3A_1320 = vector.broadcast %parallel_loop3A_1319 : i32 to vector<16xi32>
        %parallel_loop3A_1321 = arith.andi %parallel_loop3A_1315, %parallel_loop3A_1320 : vector<16xi32>
        %parallel_loop3A_1322 = tpu.vector_load_idx %arg15[%parallel_loop3A_1318, %parallel_loop3A_1321] : memref<16x128xi32, #tpu.memory_space<vmem>>[vector<16xi32>, vector<16xi32>], vector<16xi32>,
        %parallel_loop3A_1323 = arith.constant 7 : i32
        %parallel_loop3A_1324 = vector.broadcast %parallel_loop3A_1323 : i32 to vector<16xi32>
        %parallel_loop3A_1325 = arith.shrsi %parallel_loop3A_1322, %parallel_loop3A_1324 : vector<16xi32>
        %parallel_loop3A_1326 = arith.constant 3 : i32
        %parallel_loop3A_1327 = vector.broadcast %parallel_loop3A_1326 : i32 to vector<16xi32>
        %parallel_loop3A_1328 = arith.shli %parallel_loop3A_1325, %parallel_loop3A_1327 : vector<16xi32>
        %parallel_loop3A_1329 = arith.constant 127 : i32
        %parallel_loop3A_1330 = vector.broadcast %parallel_loop3A_1329 : i32 to vector<16xi32>
        %parallel_loop3A_1331 = arith.andi %parallel_loop3A_1322, %parallel_loop3A_1330 : vector<16xi32>
        %parallel_loop3A_1332 = arith.constant 0 : i32
        %parallel_loop3A_1333 = vector.broadcast %parallel_loop3A_1332 : i32 to vector<16xi32>
        %parallel_loop3A_1334 = arith.addi %parallel_loop3A_1328, %parallel_loop3A_1333 : vector<16xi32>
        %parallel_loop3A_1335 = tpu.vector_load_idx %arg10[%parallel_loop3A_1334, %parallel_loop3A_1331] : memref<376x128xf32, #tpu.memory_space<vmem>>[vector<16xi32>, vector<16xi32>], vector<16xf32>,
        tpu.vector_store_idx %arg19[%parallel_loop3A_1311, %broadcast_in_dim3A_36, %add3A_55], %parallel_loop3A_1335 : memref<21x8x128xf32, #tpu.memory_space<vmem>>[vector<16xi32>, vector<16xi32>, vector<16xi32>], vector<16xf32>,
        %parallel_loop3A_1336 = arith.constant 1 : i32
        %parallel_loop3A_1337 = vector.broadcast %parallel_loop3A_1336 : i32 to vector<16xi32>
        %parallel_loop3A_1338 = arith.addi %parallel_loop3A_1328, %parallel_loop3A_1337 : vector<16xi32>
        %parallel_loop3A_1339 = tpu.vector_load_idx %arg10[%parallel_loop3A_1338, %parallel_loop3A_1331] : memref<376x128xf32, #tpu.memory_space<vmem>>[vector<16xi32>, vector<16xi32>], vector<16xf32>,
        tpu.vector_store_idx %arg19[%parallel_loop3A_1311, %broadcast_in_dim3A_38, %add3A_55], %parallel_loop3A_1339 : memref<21x8x128xf32, #tpu.memory_space<vmem>>[vector<16xi32>, vector<16xi32>, vector<16xi32>], vector<16xf32>,
        %parallel_loop3A_1340 = arith.constant 2 : i32
        %parallel_loop3A_1341 = vector.broadcast %parallel_loop3A_1340 : i32 to vector<16xi32>
        %parallel_loop3A_1342 = arith.addi %parallel_loop3A_1328, %parallel_loop3A_1341 : vector<16xi32>
        %parallel_loop3A_1343 = tpu.vector_load_idx %arg10[%parallel_loop3A_1342, %parallel_loop3A_1331] : memref<376x128xf32, #tpu.memory_space<vmem>>[vector<16xi32>, vector<16xi32>], vector<16xf32>,
        tpu.vector_store_idx %arg19[%parallel_loop3A_1311, %broadcast_in_dim3A_40, %add3A_55], %parallel_loop3A_1343 : memref<21x8x128xf32, #tpu.memory_space<vmem>>[vector<16xi32>, vector<16xi32>, vector<16xi32>], vector<16xf32>,
        %parallel_loop3A_1344 = arith.constant 3 : i32
        %parallel_loop3A_1345 = vector.broadcast %parallel_loop3A_1344 : i32 to vector<16xi32>
        %parallel_loop3A_1346 = arith.addi %parallel_loop3A_1328, %parallel_loop3A_1345 : vector<16xi32>
        %parallel_loop3A_1347 = tpu.vector_load_idx %arg10[%parallel_loop3A_1346, %parallel_loop3A_1331] : memref<376x128xf32, #tpu.memory_space<vmem>>[vector<16xi32>, vector<16xi32>], vector<16xf32>,
        tpu.vector_store_idx %arg19[%parallel_loop3A_1311, %broadcast_in_dim3A_42, %add3A_55], %parallel_loop3A_1347 : memref<21x8x128xf32, #tpu.memory_space<vmem>>[vector<16xi32>, vector<16xi32>, vector<16xi32>], vector<16xf32>,
        %parallel_loop3A_1348 = arith.constant 4 : i32
        %parallel_loop3A_1349 = vector.broadcast %parallel_loop3A_1348 : i32 to vector<16xi32>
        %parallel_loop3A_1350 = arith.addi %parallel_loop3A_1328, %parallel_loop3A_1349 : vector<16xi32>
        %parallel_loop3A_1351 = tpu.vector_load_idx %arg10[%parallel_loop3A_1350, %parallel_loop3A_1331] : memref<376x128xf32, #tpu.memory_space<vmem>>[vector<16xi32>, vector<16xi32>], vector<16xf32>,
        tpu.vector_store_idx %arg19[%parallel_loop3A_1311, %broadcast_in_dim3A_44, %add3A_55], %parallel_loop3A_1351 : memref<21x8x128xf32, #tpu.memory_space<vmem>>[vector<16xi32>, vector<16xi32>, vector<16xi32>], vector<16xf32>,
        %parallel_loop3A_1352 = arith.constant 5 : i32
        %parallel_loop3A_1353 = vector.broadcast %parallel_loop3A_1352 : i32 to vector<16xi32>
        %parallel_loop3A_1354 = arith.addi %parallel_loop3A_1328, %parallel_loop3A_1353 : vector<16xi32>
        %parallel_loop3A_1355 = tpu.vector_load_idx %arg10[%parallel_loop3A_1354, %parallel_loop3A_1331] : memref<376x128xf32, #tpu.memory_space<vmem>>[vector<16xi32>, vector<16xi32>], vector<16xf32>,
        tpu.vector_store_idx %arg19[%parallel_loop3A_1311, %broadcast_in_dim3A_46, %add3A_55], %parallel_loop3A_1355 : memref<21x8x128xf32, #tpu.memory_space<vmem>>[vector<16xi32>, vector<16xi32>, vector<16xi32>], vector<16xf32>,
        %parallel_loop3A_1356 = arith.constant 6 : i32
        %parallel_loop3A_1357 = vector.broadcast %parallel_loop3A_1356 : i32 to vector<16xi32>
        %parallel_loop3A_1358 = arith.addi %parallel_loop3A_1328, %parallel_loop3A_1357 : vector<16xi32>
        %parallel_loop3A_1359 = tpu.vector_load_idx %arg10[%parallel_loop3A_1358, %parallel_loop3A_1331] : memref<376x128xf32, #tpu.memory_space<vmem>>[vector<16xi32>, vector<16xi32>], vector<16xf32>,
        tpu.vector_store_idx %arg19[%parallel_loop3A_1311, %broadcast_in_dim3A_48, %add3A_55], %parallel_loop3A_1359 : memref<21x8x128xf32, #tpu.memory_space<vmem>>[vector<16xi32>, vector<16xi32>, vector<16xi32>], vector<16xf32>,
        %parallel_loop3A_1360 = arith.constant 7 : i32
        %parallel_loop3A_1361 = vector.broadcast %parallel_loop3A_1360 : i32 to vector<16xi32>
        %parallel_loop3A_1362 = arith.addi %parallel_loop3A_1328, %parallel_loop3A_1361 : vector<16xi32>
        %parallel_loop3A_1363 = tpu.vector_load_idx %arg10[%parallel_loop3A_1362, %parallel_loop3A_1331] : memref<376x128xf32, #tpu.memory_space<vmem>>[vector<16xi32>, vector<16xi32>], vector<16xf32>,
        tpu.vector_store_idx %arg19[%parallel_loop3A_1311, %broadcast_in_dim3A_50, %add3A_55], %parallel_loop3A_1363 : memref<21x8x128xf32, #tpu.memory_space<vmem>>[vector<16xi32>, vector<16xi32>, vector<16xi32>], vector<16xf32>,
        %parallel_loop3A_1364 = vector.broadcast %parallel_loop3A_1313 : i32 to vector<16xi32>
        %parallel_loop3A_1365 = arith.addi %add3A_58, %parallel_loop3A_1364 : vector<16xi32>
        %parallel_loop3A_1366 = arith.constant 7 : i32
        %parallel_loop3A_1367 = vector.broadcast %parallel_loop3A_1366 : i32 to vector<16xi32>
        %parallel_loop3A_1368 = arith.shrsi %parallel_loop3A_1365, %parallel_loop3A_1367 : vector<16xi32>
        %parallel_loop3A_1369 = arith.constant 127 : i32
        %parallel_loop3A_1370 = vector.broadcast %parallel_loop3A_1369 : i32 to vector<16xi32>
        %parallel_loop3A_1371 = arith.andi %parallel_loop3A_1365, %parallel_loop3A_1370 : vector<16xi32>
        %parallel_loop3A_1372 = tpu.vector_load_idx %arg15[%parallel_loop3A_1368, %parallel_loop3A_1371] : memref<16x128xi32, #tpu.memory_space<vmem>>[vector<16xi32>, vector<16xi32>], vector<16xi32>,
        %parallel_loop3A_1373 = arith.constant 7 : i32
        %parallel_loop3A_1374 = vector.broadcast %parallel_loop3A_1373 : i32 to vector<16xi32>
        %parallel_loop3A_1375 = arith.shrsi %parallel_loop3A_1372, %parallel_loop3A_1374 : vector<16xi32>
        %parallel_loop3A_1376 = arith.constant 3 : i32
        %parallel_loop3A_1377 = vector.broadcast %parallel_loop3A_1376 : i32 to vector<16xi32>
        %parallel_loop3A_1378 = arith.shli %parallel_loop3A_1375, %parallel_loop3A_1377 : vector<16xi32>
        %parallel_loop3A_1379 = arith.constant 127 : i32
        %parallel_loop3A_1380 = vector.broadcast %parallel_loop3A_1379 : i32 to vector<16xi32>
        %parallel_loop3A_1381 = arith.andi %parallel_loop3A_1372, %parallel_loop3A_1380 : vector<16xi32>
        %parallel_loop3A_1382 = arith.constant 0 : i32
        %parallel_loop3A_1383 = vector.broadcast %parallel_loop3A_1382 : i32 to vector<16xi32>
        %parallel_loop3A_1384 = arith.addi %parallel_loop3A_1378, %parallel_loop3A_1383 : vector<16xi32>
        %parallel_loop3A_1385 = tpu.vector_load_idx %arg10[%parallel_loop3A_1384, %parallel_loop3A_1381] : memref<376x128xf32, #tpu.memory_space<vmem>>[vector<16xi32>, vector<16xi32>], vector<16xf32>,
        tpu.vector_store_idx %arg19[%parallel_loop3A_1311, %broadcast_in_dim3A_36, %add3A_58], %parallel_loop3A_1385 : memref<21x8x128xf32, #tpu.memory_space<vmem>>[vector<16xi32>, vector<16xi32>, vector<16xi32>], vector<16xf32>,
        %parallel_loop3A_1386 = arith.constant 1 : i32
        %parallel_loop3A_1387 = vector.broadcast %parallel_loop3A_1386 : i32 to vector<16xi32>
        %parallel_loop3A_1388 = arith.addi %parallel_loop3A_1378, %parallel_loop3A_1387 : vector<16xi32>
        %parallel_loop3A_1389 = tpu.vector_load_idx %arg10[%parallel_loop3A_1388, %parallel_loop3A_1381] : memref<376x128xf32, #tpu.memory_space<vmem>>[vector<16xi32>, vector<16xi32>], vector<16xf32>,
        tpu.vector_store_idx %arg19[%parallel_loop3A_1311, %broadcast_in_dim3A_38, %add3A_58], %parallel_loop3A_1389 : memref<21x8x128xf32, #tpu.memory_space<vmem>>[vector<16xi32>, vector<16xi32>, vector<16xi32>], vector<16xf32>,
        %parallel_loop3A_1390 = arith.constant 2 : i32
        %parallel_loop3A_1391 = vector.broadcast %parallel_loop3A_1390 : i32 to vector<16xi32>
        %parallel_loop3A_1392 = arith.addi %parallel_loop3A_1378, %parallel_loop3A_1391 : vector<16xi32>
        %parallel_loop3A_1393 = tpu.vector_load_idx %arg10[%parallel_loop3A_1392, %parallel_loop3A_1381] : memref<376x128xf32, #tpu.memory_space<vmem>>[vector<16xi32>, vector<16xi32>], vector<16xf32>,
        tpu.vector_store_idx %arg19[%parallel_loop3A_1311, %broadcast_in_dim3A_40, %add3A_58], %parallel_loop3A_1393 : memref<21x8x128xf32, #tpu.memory_space<vmem>>[vector<16xi32>, vector<16xi32>, vector<16xi32>], vector<16xf32>,
        %parallel_loop3A_1394 = arith.constant 3 : i32
        %parallel_loop3A_1395 = vector.broadcast %parallel_loop3A_1394 : i32 to vector<16xi32>
        %parallel_loop3A_1396 = arith.addi %parallel_loop3A_1378, %parallel_loop3A_1395 : vector<16xi32>
        %parallel_loop3A_1397 = tpu.vector_load_idx %arg10[%parallel_loop3A_1396, %parallel_loop3A_1381] : memref<376x128xf32, #tpu.memory_space<vmem>>[vector<16xi32>, vector<16xi32>], vector<16xf32>,
        tpu.vector_store_idx %arg19[%parallel_loop3A_1311, %broadcast_in_dim3A_42, %add3A_58], %parallel_loop3A_1397 : memref<21x8x128xf32, #tpu.memory_space<vmem>>[vector<16xi32>, vector<16xi32>, vector<16xi32>], vector<16xf32>,
        %parallel_loop3A_1398 = arith.constant 4 : i32
        %parallel_loop3A_1399 = vector.broadcast %parallel_loop3A_1398 : i32 to vector<16xi32>
        %parallel_loop3A_1400 = arith.addi %parallel_loop3A_1378, %parallel_loop3A_1399 : vector<16xi32>
        %parallel_loop3A_1401 = tpu.vector_load_idx %arg10[%parallel_loop3A_1400, %parallel_loop3A_1381] : memref<376x128xf32, #tpu.memory_space<vmem>>[vector<16xi32>, vector<16xi32>], vector<16xf32>,
        tpu.vector_store_idx %arg19[%parallel_loop3A_1311, %broadcast_in_dim3A_44, %add3A_58], %parallel_loop3A_1401 : memref<21x8x128xf32, #tpu.memory_space<vmem>>[vector<16xi32>, vector<16xi32>, vector<16xi32>], vector<16xf32>,
        %parallel_loop3A_1402 = arith.constant 5 : i32
        %parallel_loop3A_1403 = vector.broadcast %parallel_loop3A_1402 : i32 to vector<16xi32>
        %parallel_loop3A_1404 = arith.addi %parallel_loop3A_1378, %parallel_loop3A_1403 : vector<16xi32>
        %parallel_loop3A_1405 = tpu.vector_load_idx %arg10[%parallel_loop3A_1404, %parallel_loop3A_1381] : memref<376x128xf32, #tpu.memory_space<vmem>>[vector<16xi32>, vector<16xi32>], vector<16xf32>,
        tpu.vector_store_idx %arg19[%parallel_loop3A_1311, %broadcast_in_dim3A_46, %add3A_58], %parallel_loop3A_1405 : memref<21x8x128xf32, #tpu.memory_space<vmem>>[vector<16xi32>, vector<16xi32>, vector<16xi32>], vector<16xf32>,
        %parallel_loop3A_1406 = arith.constant 6 : i32
        %parallel_loop3A_1407 = vector.broadcast %parallel_loop3A_1406 : i32 to vector<16xi32>
        %parallel_loop3A_1408 = arith.addi %parallel_loop3A_1378, %parallel_loop3A_1407 : vector<16xi32>
        %parallel_loop3A_1409 = tpu.vector_load_idx %arg10[%parallel_loop3A_1408, %parallel_loop3A_1381] : memref<376x128xf32, #tpu.memory_space<vmem>>[vector<16xi32>, vector<16xi32>], vector<16xf32>,
        tpu.vector_store_idx %arg19[%parallel_loop3A_1311, %broadcast_in_dim3A_48, %add3A_58], %parallel_loop3A_1409 : memref<21x8x128xf32, #tpu.memory_space<vmem>>[vector<16xi32>, vector<16xi32>, vector<16xi32>], vector<16xf32>,
        %parallel_loop3A_1410 = arith.constant 7 : i32
        %parallel_loop3A_1411 = vector.broadcast %parallel_loop3A_1410 : i32 to vector<16xi32>
        %parallel_loop3A_1412 = arith.addi %parallel_loop3A_1378, %parallel_loop3A_1411 : vector<16xi32>
        %parallel_loop3A_1413 = tpu.vector_load_idx %arg10[%parallel_loop3A_1412, %parallel_loop3A_1381] : memref<376x128xf32, #tpu.memory_space<vmem>>[vector<16xi32>, vector<16xi32>], vector<16xf32>,
        tpu.vector_store_idx %arg19[%parallel_loop3A_1311, %broadcast_in_dim3A_50, %add3A_58], %parallel_loop3A_1413 : memref<21x8x128xf32, #tpu.memory_space<vmem>>[vector<16xi32>, vector<16xi32>, vector<16xi32>], vector<16xf32>,
        %parallel_loop3A_1414 = vector.broadcast %parallel_loop3A_1313 : i32 to vector<16xi32>
        %parallel_loop3A_1415 = arith.addi %add3A_61, %parallel_loop3A_1414 : vector<16xi32>
        %parallel_loop3A_1416 = arith.constant 7 : i32
        %parallel_loop3A_1417 = vector.broadcast %parallel_loop3A_1416 : i32 to vector<16xi32>
        %parallel_loop3A_1418 = arith.shrsi %parallel_loop3A_1415, %parallel_loop3A_1417 : vector<16xi32>
        %parallel_loop3A_1419 = arith.constant 127 : i32
        %parallel_loop3A_1420 = vector.broadcast %parallel_loop3A_1419 : i32 to vector<16xi32>
        %parallel_loop3A_1421 = arith.andi %parallel_loop3A_1415, %parallel_loop3A_1420 : vector<16xi32>
        %parallel_loop3A_1422 = tpu.vector_load_idx %arg15[%parallel_loop3A_1418, %parallel_loop3A_1421] : memref<16x128xi32, #tpu.memory_space<vmem>>[vector<16xi32>, vector<16xi32>], vector<16xi32>,
        %parallel_loop3A_1423 = arith.constant 7 : i32
        %parallel_loop3A_1424 = vector.broadcast %parallel_loop3A_1423 : i32 to vector<16xi32>
        %parallel_loop3A_1425 = arith.shrsi %parallel_loop3A_1422, %parallel_loop3A_1424 : vector<16xi32>
        %parallel_loop3A_1426 = arith.constant 3 : i32
        %parallel_loop3A_1427 = vector.broadcast %parallel_loop3A_1426 : i32 to vector<16xi32>
        %parallel_loop3A_1428 = arith.shli %parallel_loop3A_1425, %parallel_loop3A_1427 : vector<16xi32>
        %parallel_loop3A_1429 = arith.constant 127 : i32
        %parallel_loop3A_1430 = vector.broadcast %parallel_loop3A_1429 : i32 to vector<16xi32>
        %parallel_loop3A_1431 = arith.andi %parallel_loop3A_1422, %parallel_loop3A_1430 : vector<16xi32>
        %parallel_loop3A_1432 = arith.constant 0 : i32
        %parallel_loop3A_1433 = vector.broadcast %parallel_loop3A_1432 : i32 to vector<16xi32>
        %parallel_loop3A_1434 = arith.addi %parallel_loop3A_1428, %parallel_loop3A_1433 : vector<16xi32>
        %parallel_loop3A_1435 = tpu.vector_load_idx %arg10[%parallel_loop3A_1434, %parallel_loop3A_1431] : memref<376x128xf32, #tpu.memory_space<vmem>>[vector<16xi32>, vector<16xi32>], vector<16xf32>,
        tpu.vector_store_idx %arg19[%parallel_loop3A_1311, %broadcast_in_dim3A_36, %add3A_61], %parallel_loop3A_1435 : memref<21x8x128xf32, #tpu.memory_space<vmem>>[vector<16xi32>, vector<16xi32>, vector<16xi32>], vector<16xf32>,
        %parallel_loop3A_1436 = arith.constant 1 : i32
        %parallel_loop3A_1437 = vector.broadcast %parallel_loop3A_1436 : i32 to vector<16xi32>
        %parallel_loop3A_1438 = arith.addi %parallel_loop3A_1428, %parallel_loop3A_1437 : vector<16xi32>
        %parallel_loop3A_1439 = tpu.vector_load_idx %arg10[%parallel_loop3A_1438, %parallel_loop3A_1431] : memref<376x128xf32, #tpu.memory_space<vmem>>[vector<16xi32>, vector<16xi32>], vector<16xf32>,
        tpu.vector_store_idx %arg19[%parallel_loop3A_1311, %broadcast_in_dim3A_38, %add3A_61], %parallel_loop3A_1439 : memref<21x8x128xf32, #tpu.memory_space<vmem>>[vector<16xi32>, vector<16xi32>, vector<16xi32>], vector<16xf32>,
        %parallel_loop3A_1440 = arith.constant 2 : i32
        %parallel_loop3A_1441 = vector.broadcast %parallel_loop3A_1440 : i32 to vector<16xi32>
        %parallel_loop3A_1442 = arith.addi %parallel_loop3A_1428, %parallel_loop3A_1441 : vector<16xi32>
        %parallel_loop3A_1443 = tpu.vector_load_idx %arg10[%parallel_loop3A_1442, %parallel_loop3A_1431] : memref<376x128xf32, #tpu.memory_space<vmem>>[vector<16xi32>, vector<16xi32>], vector<16xf32>,
        tpu.vector_store_idx %arg19[%parallel_loop3A_1311, %broadcast_in_dim3A_40, %add3A_61], %parallel_loop3A_1443 : memref<21x8x128xf32, #tpu.memory_space<vmem>>[vector<16xi32>, vector<16xi32>, vector<16xi32>], vector<16xf32>,
        %parallel_loop3A_1444 = arith.constant 3 : i32
        %parallel_loop3A_1445 = vector.broadcast %parallel_loop3A_1444 : i32 to vector<16xi32>
        %parallel_loop3A_1446 = arith.addi %parallel_loop3A_1428, %parallel_loop3A_1445 : vector<16xi32>
        %parallel_loop3A_1447 = tpu.vector_load_idx %arg10[%parallel_loop3A_1446, %parallel_loop3A_1431] : memref<376x128xf32, #tpu.memory_space<vmem>>[vector<16xi32>, vector<16xi32>], vector<16xf32>,
        tpu.vector_store_idx %arg19[%parallel_loop3A_1311, %broadcast_in_dim3A_42, %add3A_61], %parallel_loop3A_1447 : memref<21x8x128xf32, #tpu.memory_space<vmem>>[vector<16xi32>, vector<16xi32>, vector<16xi32>], vector<16xf32>,
        %parallel_loop3A_1448 = arith.constant 4 : i32
        %parallel_loop3A_1449 = vector.broadcast %parallel_loop3A_1448 : i32 to vector<16xi32>
        %parallel_loop3A_1450 = arith.addi %parallel_loop3A_1428, %parallel_loop3A_1449 : vector<16xi32>
        %parallel_loop3A_1451 = tpu.vector_load_idx %arg10[%parallel_loop3A_1450, %parallel_loop3A_1431] : memref<376x128xf32, #tpu.memory_space<vmem>>[vector<16xi32>, vector<16xi32>], vector<16xf32>,
        tpu.vector_store_idx %arg19[%parallel_loop3A_1311, %broadcast_in_dim3A_44, %add3A_61], %parallel_loop3A_1451 : memref<21x8x128xf32, #tpu.memory_space<vmem>>[vector<16xi32>, vector<16xi32>, vector<16xi32>], vector<16xf32>,
        %parallel_loop3A_1452 = arith.constant 5 : i32
        %parallel_loop3A_1453 = vector.broadcast %parallel_loop3A_1452 : i32 to vector<16xi32>
        %parallel_loop3A_1454 = arith.addi %parallel_loop3A_1428, %parallel_loop3A_1453 : vector<16xi32>
        %parallel_loop3A_1455 = tpu.vector_load_idx %arg10[%parallel_loop3A_1454, %parallel_loop3A_1431] : memref<376x128xf32, #tpu.memory_space<vmem>>[vector<16xi32>, vector<16xi32>], vector<16xf32>,
        tpu.vector_store_idx %arg19[%parallel_loop3A_1311, %broadcast_in_dim3A_46, %add3A_61], %parallel_loop3A_1455 : memref<21x8x128xf32, #tpu.memory_space<vmem>>[vector<16xi32>, vector<16xi32>, vector<16xi32>], vector<16xf32>,
        %parallel_loop3A_1456 = arith.constant 6 : i32
        %parallel_loop3A_1457 = vector.broadcast %parallel_loop3A_1456 : i32 to vector<16xi32>
        %parallel_loop3A_1458 = arith.addi %parallel_loop3A_1428, %parallel_loop3A_1457 : vector<16xi32>
        %parallel_loop3A_1459 = tpu.vector_load_idx %arg10[%parallel_loop3A_1458, %parallel_loop3A_1431] : memref<376x128xf32, #tpu.memory_space<vmem>>[vector<16xi32>, vector<16xi32>], vector<16xf32>,
        tpu.vector_store_idx %arg19[%parallel_loop3A_1311, %broadcast_in_dim3A_48, %add3A_61], %parallel_loop3A_1459 : memref<21x8x128xf32, #tpu.memory_space<vmem>>[vector<16xi32>, vector<16xi32>, vector<16xi32>], vector<16xf32>,
        %parallel_loop3A_1460 = arith.constant 7 : i32
        %parallel_loop3A_1461 = vector.broadcast %parallel_loop3A_1460 : i32 to vector<16xi32>
        %parallel_loop3A_1462 = arith.addi %parallel_loop3A_1428, %parallel_loop3A_1461 : vector<16xi32>
        %parallel_loop3A_1463 = tpu.vector_load_idx %arg10[%parallel_loop3A_1462, %parallel_loop3A_1431] : memref<376x128xf32, #tpu.memory_space<vmem>>[vector<16xi32>, vector<16xi32>], vector<16xf32>,
        tpu.vector_store_idx %arg19[%parallel_loop3A_1311, %broadcast_in_dim3A_50, %add3A_61], %parallel_loop3A_1463 : memref<21x8x128xf32, #tpu.memory_space<vmem>>[vector<16xi32>, vector<16xi32>, vector<16xi32>], vector<16xf32>,
        %parallel_loop3A_1464 = vector.broadcast %parallel_loop3A_1313 : i32 to vector<16xi32>
        %parallel_loop3A_1465 = arith.addi %add3A_64, %parallel_loop3A_1464 : vector<16xi32>
        %parallel_loop3A_1466 = arith.constant 7 : i32
        %parallel_loop3A_1467 = vector.broadcast %parallel_loop3A_1466 : i32 to vector<16xi32>
        %parallel_loop3A_1468 = arith.shrsi %parallel_loop3A_1465, %parallel_loop3A_1467 : vector<16xi32>
        %parallel_loop3A_1469 = arith.constant 127 : i32
        %parallel_loop3A_1470 = vector.broadcast %parallel_loop3A_1469 : i32 to vector<16xi32>
        %parallel_loop3A_1471 = arith.andi %parallel_loop3A_1465, %parallel_loop3A_1470 : vector<16xi32>
        %parallel_loop3A_1472 = tpu.vector_load_idx %arg15[%parallel_loop3A_1468, %parallel_loop3A_1471] : memref<16x128xi32, #tpu.memory_space<vmem>>[vector<16xi32>, vector<16xi32>], vector<16xi32>,
        %parallel_loop3A_1473 = arith.constant 7 : i32
        %parallel_loop3A_1474 = vector.broadcast %parallel_loop3A_1473 : i32 to vector<16xi32>
        %parallel_loop3A_1475 = arith.shrsi %parallel_loop3A_1472, %parallel_loop3A_1474 : vector<16xi32>
        %parallel_loop3A_1476 = arith.constant 3 : i32
        %parallel_loop3A_1477 = vector.broadcast %parallel_loop3A_1476 : i32 to vector<16xi32>
        %parallel_loop3A_1478 = arith.shli %parallel_loop3A_1475, %parallel_loop3A_1477 : vector<16xi32>
        %parallel_loop3A_1479 = arith.constant 127 : i32
        %parallel_loop3A_1480 = vector.broadcast %parallel_loop3A_1479 : i32 to vector<16xi32>
        %parallel_loop3A_1481 = arith.andi %parallel_loop3A_1472, %parallel_loop3A_1480 : vector<16xi32>
        %parallel_loop3A_1482 = arith.constant 0 : i32
        %parallel_loop3A_1483 = vector.broadcast %parallel_loop3A_1482 : i32 to vector<16xi32>
        %parallel_loop3A_1484 = arith.addi %parallel_loop3A_1478, %parallel_loop3A_1483 : vector<16xi32>
        %parallel_loop3A_1485 = tpu.vector_load_idx %arg10[%parallel_loop3A_1484, %parallel_loop3A_1481] : memref<376x128xf32, #tpu.memory_space<vmem>>[vector<16xi32>, vector<16xi32>], vector<16xf32>,
        tpu.vector_store_idx %arg19[%parallel_loop3A_1311, %broadcast_in_dim3A_36, %add3A_64], %parallel_loop3A_1485 : memref<21x8x128xf32, #tpu.memory_space<vmem>>[vector<16xi32>, vector<16xi32>, vector<16xi32>], vector<16xf32>,
        %parallel_loop3A_1486 = arith.constant 1 : i32
        %parallel_loop3A_1487 = vector.broadcast %parallel_loop3A_1486 : i32 to vector<16xi32>
        %parallel_loop3A_1488 = arith.addi %parallel_loop3A_1478, %parallel_loop3A_1487 : vector<16xi32>
        %parallel_loop3A_1489 = tpu.vector_load_idx %arg10[%parallel_loop3A_1488, %parallel_loop3A_1481] : memref<376x128xf32, #tpu.memory_space<vmem>>[vector<16xi32>, vector<16xi32>], vector<16xf32>,
        tpu.vector_store_idx %arg19[%parallel_loop3A_1311, %broadcast_in_dim3A_38, %add3A_64], %parallel_loop3A_1489 : memref<21x8x128xf32, #tpu.memory_space<vmem>>[vector<16xi32>, vector<16xi32>, vector<16xi32>], vector<16xf32>,
        %parallel_loop3A_1490 = arith.constant 2 : i32
        %parallel_loop3A_1491 = vector.broadcast %parallel_loop3A_1490 : i32 to vector<16xi32>
        %parallel_loop3A_1492 = arith.addi %parallel_loop3A_1478, %parallel_loop3A_1491 : vector<16xi32>
        %parallel_loop3A_1493 = tpu.vector_load_idx %arg10[%parallel_loop3A_1492, %parallel_loop3A_1481] : memref<376x128xf32, #tpu.memory_space<vmem>>[vector<16xi32>, vector<16xi32>], vector<16xf32>,
        tpu.vector_store_idx %arg19[%parallel_loop3A_1311, %broadcast_in_dim3A_40, %add3A_64], %parallel_loop3A_1493 : memref<21x8x128xf32, #tpu.memory_space<vmem>>[vector<16xi32>, vector<16xi32>, vector<16xi32>], vector<16xf32>,
        %parallel_loop3A_1494 = arith.constant 3 : i32
        %parallel_loop3A_1495 = vector.broadcast %parallel_loop3A_1494 : i32 to vector<16xi32>
        %parallel_loop3A_1496 = arith.addi %parallel_loop3A_1478, %parallel_loop3A_1495 : vector<16xi32>
        %parallel_loop3A_1497 = tpu.vector_load_idx %arg10[%parallel_loop3A_1496, %parallel_loop3A_1481] : memref<376x128xf32, #tpu.memory_space<vmem>>[vector<16xi32>, vector<16xi32>], vector<16xf32>,
        tpu.vector_store_idx %arg19[%parallel_loop3A_1311, %broadcast_in_dim3A_42, %add3A_64], %parallel_loop3A_1497 : memref<21x8x128xf32, #tpu.memory_space<vmem>>[vector<16xi32>, vector<16xi32>, vector<16xi32>], vector<16xf32>,
        %parallel_loop3A_1498 = arith.constant 4 : i32
        %parallel_loop3A_1499 = vector.broadcast %parallel_loop3A_1498 : i32 to vector<16xi32>
        %parallel_loop3A_1500 = arith.addi %parallel_loop3A_1478, %parallel_loop3A_1499 : vector<16xi32>
        %parallel_loop3A_1501 = tpu.vector_load_idx %arg10[%parallel_loop3A_1500, %parallel_loop3A_1481] : memref<376x128xf32, #tpu.memory_space<vmem>>[vector<16xi32>, vector<16xi32>], vector<16xf32>,
        tpu.vector_store_idx %arg19[%parallel_loop3A_1311, %broadcast_in_dim3A_44, %add3A_64], %parallel_loop3A_1501 : memref<21x8x128xf32, #tpu.memory_space<vmem>>[vector<16xi32>, vector<16xi32>, vector<16xi32>], vector<16xf32>,
        %parallel_loop3A_1502 = arith.constant 5 : i32
        %parallel_loop3A_1503 = vector.broadcast %parallel_loop3A_1502 : i32 to vector<16xi32>
        %parallel_loop3A_1504 = arith.addi %parallel_loop3A_1478, %parallel_loop3A_1503 : vector<16xi32>
        %parallel_loop3A_1505 = tpu.vector_load_idx %arg10[%parallel_loop3A_1504, %parallel_loop3A_1481] : memref<376x128xf32, #tpu.memory_space<vmem>>[vector<16xi32>, vector<16xi32>], vector<16xf32>,
        tpu.vector_store_idx %arg19[%parallel_loop3A_1311, %broadcast_in_dim3A_46, %add3A_64], %parallel_loop3A_1505 : memref<21x8x128xf32, #tpu.memory_space<vmem>>[vector<16xi32>, vector<16xi32>, vector<16xi32>], vector<16xf32>,
        %parallel_loop3A_1506 = arith.constant 6 : i32
        %parallel_loop3A_1507 = vector.broadcast %parallel_loop3A_1506 : i32 to vector<16xi32>
        %parallel_loop3A_1508 = arith.addi %parallel_loop3A_1478, %parallel_loop3A_1507 : vector<16xi32>
        %parallel_loop3A_1509 = tpu.vector_load_idx %arg10[%parallel_loop3A_1508, %parallel_loop3A_1481] : memref<376x128xf32, #tpu.memory_space<vmem>>[vector<16xi32>, vector<16xi32>], vector<16xf32>,
        tpu.vector_store_idx %arg19[%parallel_loop3A_1311, %broadcast_in_dim3A_48, %add3A_64], %parallel_loop3A_1509 : memref<21x8x128xf32, #tpu.memory_space<vmem>>[vector<16xi32>, vector<16xi32>, vector<16xi32>], vector<16xf32>,
        %parallel_loop3A_1510 = arith.constant 7 : i32
        %parallel_loop3A_1511 = vector.broadcast %parallel_loop3A_1510 : i32 to vector<16xi32>
        %parallel_loop3A_1512 = arith.addi %parallel_loop3A_1478, %parallel_loop3A_1511 : vector<16xi32>
        %parallel_loop3A_1513 = tpu.vector_load_idx %arg10[%parallel_loop3A_1512, %parallel_loop3A_1481] : memref<376x128xf32, #tpu.memory_space<vmem>>[vector<16xi32>, vector<16xi32>], vector<16xf32>,
        tpu.vector_store_idx %arg19[%parallel_loop3A_1311, %broadcast_in_dim3A_50, %add3A_64], %parallel_loop3A_1513 : memref<21x8x128xf32, #tpu.memory_space<vmem>>[vector<16xi32>, vector<16xi32>, vector<16xi32>], vector<16xf32>,
        %parallel_loop3A_1514 = vector.broadcast %parallel_loop3A_1313 : i32 to vector<16xi32>
        %parallel_loop3A_1515 = arith.addi %add3A_67, %parallel_loop3A_1514 : vector<16xi32>
        %parallel_loop3A_1516 = arith.constant 7 : i32
        %parallel_loop3A_1517 = vector.broadcast %parallel_loop3A_1516 : i32 to vector<16xi32>
        %parallel_loop3A_1518 = arith.shrsi %parallel_loop3A_1515, %parallel_loop3A_1517 : vector<16xi32>
        %parallel_loop3A_1519 = arith.constant 127 : i32
        %parallel_loop3A_1520 = vector.broadcast %parallel_loop3A_1519 : i32 to vector<16xi32>
        %parallel_loop3A_1521 = arith.andi %parallel_loop3A_1515, %parallel_loop3A_1520 : vector<16xi32>
        %parallel_loop3A_1522 = tpu.vector_load_idx %arg15[%parallel_loop3A_1518, %parallel_loop3A_1521] : memref<16x128xi32, #tpu.memory_space<vmem>>[vector<16xi32>, vector<16xi32>], vector<16xi32>,
        %parallel_loop3A_1523 = arith.constant 7 : i32
        %parallel_loop3A_1524 = vector.broadcast %parallel_loop3A_1523 : i32 to vector<16xi32>
        %parallel_loop3A_1525 = arith.shrsi %parallel_loop3A_1522, %parallel_loop3A_1524 : vector<16xi32>
        %parallel_loop3A_1526 = arith.constant 3 : i32
        %parallel_loop3A_1527 = vector.broadcast %parallel_loop3A_1526 : i32 to vector<16xi32>
        %parallel_loop3A_1528 = arith.shli %parallel_loop3A_1525, %parallel_loop3A_1527 : vector<16xi32>
        %parallel_loop3A_1529 = arith.constant 127 : i32
        %parallel_loop3A_1530 = vector.broadcast %parallel_loop3A_1529 : i32 to vector<16xi32>
        %parallel_loop3A_1531 = arith.andi %parallel_loop3A_1522, %parallel_loop3A_1530 : vector<16xi32>
        %parallel_loop3A_1532 = arith.constant 0 : i32
        %parallel_loop3A_1533 = vector.broadcast %parallel_loop3A_1532 : i32 to vector<16xi32>
        %parallel_loop3A_1534 = arith.addi %parallel_loop3A_1528, %parallel_loop3A_1533 : vector<16xi32>
        %parallel_loop3A_1535 = tpu.vector_load_idx %arg10[%parallel_loop3A_1534, %parallel_loop3A_1531] : memref<376x128xf32, #tpu.memory_space<vmem>>[vector<16xi32>, vector<16xi32>], vector<16xf32>,
        tpu.vector_store_idx %arg19[%parallel_loop3A_1311, %broadcast_in_dim3A_36, %add3A_67], %parallel_loop3A_1535 masked %lt3A_70 : memref<21x8x128xf32, #tpu.memory_space<vmem>>[vector<16xi32>, vector<16xi32>, vector<16xi32>], vector<16xf32>, vector<16xi1>
        %parallel_loop3A_1536 = arith.constant 1 : i32
        %parallel_loop3A_1537 = vector.broadcast %parallel_loop3A_1536 : i32 to vector<16xi32>
        %parallel_loop3A_1538 = arith.addi %parallel_loop3A_1528, %parallel_loop3A_1537 : vector<16xi32>
        %parallel_loop3A_1539 = tpu.vector_load_idx %arg10[%parallel_loop3A_1538, %parallel_loop3A_1531] : memref<376x128xf32, #tpu.memory_space<vmem>>[vector<16xi32>, vector<16xi32>], vector<16xf32>,
        tpu.vector_store_idx %arg19[%parallel_loop3A_1311, %broadcast_in_dim3A_38, %add3A_67], %parallel_loop3A_1539 masked %lt3A_70 : memref<21x8x128xf32, #tpu.memory_space<vmem>>[vector<16xi32>, vector<16xi32>, vector<16xi32>], vector<16xf32>, vector<16xi1>
        %parallel_loop3A_1540 = arith.constant 2 : i32
        %parallel_loop3A_1541 = vector.broadcast %parallel_loop3A_1540 : i32 to vector<16xi32>
        %parallel_loop3A_1542 = arith.addi %parallel_loop3A_1528, %parallel_loop3A_1541 : vector<16xi32>
        %parallel_loop3A_1543 = tpu.vector_load_idx %arg10[%parallel_loop3A_1542, %parallel_loop3A_1531] : memref<376x128xf32, #tpu.memory_space<vmem>>[vector<16xi32>, vector<16xi32>], vector<16xf32>,
        tpu.vector_store_idx %arg19[%parallel_loop3A_1311, %broadcast_in_dim3A_40, %add3A_67], %parallel_loop3A_1543 masked %lt3A_70 : memref<21x8x128xf32, #tpu.memory_space<vmem>>[vector<16xi32>, vector<16xi32>, vector<16xi32>], vector<16xf32>, vector<16xi1>
        %parallel_loop3A_1544 = arith.constant 3 : i32
        %parallel_loop3A_1545 = vector.broadcast %parallel_loop3A_1544 : i32 to vector<16xi32>
        %parallel_loop3A_1546 = arith.addi %parallel_loop3A_1528, %parallel_loop3A_1545 : vector<16xi32>
        %parallel_loop3A_1547 = tpu.vector_load_idx %arg10[%parallel_loop3A_1546, %parallel_loop3A_1531] : memref<376x128xf32, #tpu.memory_space<vmem>>[vector<16xi32>, vector<16xi32>], vector<16xf32>,
        tpu.vector_store_idx %arg19[%parallel_loop3A_1311, %broadcast_in_dim3A_42, %add3A_67], %parallel_loop3A_1547 masked %lt3A_70 : memref<21x8x128xf32, #tpu.memory_space<vmem>>[vector<16xi32>, vector<16xi32>, vector<16xi32>], vector<16xf32>, vector<16xi1>
        %parallel_loop3A_1548 = arith.constant 4 : i32
        %parallel_loop3A_1549 = vector.broadcast %parallel_loop3A_1548 : i32 to vector<16xi32>
        %parallel_loop3A_1550 = arith.addi %parallel_loop3A_1528, %parallel_loop3A_1549 : vector<16xi32>
        %parallel_loop3A_1551 = tpu.vector_load_idx %arg10[%parallel_loop3A_1550, %parallel_loop3A_1531] : memref<376x128xf32, #tpu.memory_space<vmem>>[vector<16xi32>, vector<16xi32>], vector<16xf32>,
        tpu.vector_store_idx %arg19[%parallel_loop3A_1311, %broadcast_in_dim3A_44, %add3A_67], %parallel_loop3A_1551 masked %lt3A_70 : memref<21x8x128xf32, #tpu.memory_space<vmem>>[vector<16xi32>, vector<16xi32>, vector<16xi32>], vector<16xf32>, vector<16xi1>
        %parallel_loop3A_1552 = arith.constant 5 : i32
        %parallel_loop3A_1553 = vector.broadcast %parallel_loop3A_1552 : i32 to vector<16xi32>
        %parallel_loop3A_1554 = arith.addi %parallel_loop3A_1528, %parallel_loop3A_1553 : vector<16xi32>
        %parallel_loop3A_1555 = tpu.vector_load_idx %arg10[%parallel_loop3A_1554, %parallel_loop3A_1531] : memref<376x128xf32, #tpu.memory_space<vmem>>[vector<16xi32>, vector<16xi32>], vector<16xf32>,
        tpu.vector_store_idx %arg19[%parallel_loop3A_1311, %broadcast_in_dim3A_46, %add3A_67], %parallel_loop3A_1555 masked %lt3A_70 : memref<21x8x128xf32, #tpu.memory_space<vmem>>[vector<16xi32>, vector<16xi32>, vector<16xi32>], vector<16xf32>, vector<16xi1>
        %parallel_loop3A_1556 = arith.constant 6 : i32
        %parallel_loop3A_1557 = vector.broadcast %parallel_loop3A_1556 : i32 to vector<16xi32>
        %parallel_loop3A_1558 = arith.addi %parallel_loop3A_1528, %parallel_loop3A_1557 : vector<16xi32>
        %parallel_loop3A_1559 = tpu.vector_load_idx %arg10[%parallel_loop3A_1558, %parallel_loop3A_1531] : memref<376x128xf32, #tpu.memory_space<vmem>>[vector<16xi32>, vector<16xi32>], vector<16xf32>,
        tpu.vector_store_idx %arg19[%parallel_loop3A_1311, %broadcast_in_dim3A_48, %add3A_67], %parallel_loop3A_1559 masked %lt3A_70 : memref<21x8x128xf32, #tpu.memory_space<vmem>>[vector<16xi32>, vector<16xi32>, vector<16xi32>], vector<16xf32>, vector<16xi1>
        %parallel_loop3A_1560 = arith.constant 7 : i32
        %parallel_loop3A_1561 = vector.broadcast %parallel_loop3A_1560 : i32 to vector<16xi32>
        %parallel_loop3A_1562 = arith.addi %parallel_loop3A_1528, %parallel_loop3A_1561 : vector<16xi32>
        %parallel_loop3A_1563 = tpu.vector_load_idx %arg10[%parallel_loop3A_1562, %parallel_loop3A_1531] : memref<376x128xf32, #tpu.memory_space<vmem>>[vector<16xi32>, vector<16xi32>], vector<16xf32>,
        tpu.vector_store_idx %arg19[%parallel_loop3A_1311, %broadcast_in_dim3A_50, %add3A_67], %parallel_loop3A_1563 masked %lt3A_70 : memref<21x8x128xf32, #tpu.memory_space<vmem>>[vector<16xi32>, vector<16xi32>, vector<16xi32>], vector<16xf32>, vector<16xi1>
      } {sc.loop_unroll_factor = 1 : i64, sc.parallel_access}
      %broadcast_in_dim3A_328 = vector.broadcast %add3A_266 : i32 to vector<16xi32>
      %gather3A = tpu.vector_load_idx %arg11[%broadcast_in_dim3A_328] : memref<128xi32, #tpu.memory_space<vmem>>[vector<16xi32>], vector<16xi32>,
      %jit3A_329 = arith.constant 0 : i32
      %jit3A_330 = arith.constant 20 : i32
      %max3A = vector.broadcast %jit3A_329 : i32 to vector<16xi32>
      %max3A_331 = arith.maxsi %max3A, %gather3A : vector<16xi32>
      %min3A = vector.broadcast %jit3A_330 : i32 to vector<16xi32>
      %min3A_332 = arith.minsi %min3A, %max3A_331 : vector<16xi32>
      %gather3A_333 = tpu.vector_load_idx %arg12[%broadcast_in_dim3A_328] : memref<128xi32, #tpu.memory_space<vmem>>[vector<16xi32>], vector<16xi32>,
      %jit3A_334 = arith.constant 0 : i32
      %jit3A_335 = arith.constant 78 : i32
      %max3A_336 = vector.broadcast %jit3A_334 : i32 to vector<16xi32>
      %max3A_337 = arith.maxsi %max3A_336, %gather3A_333 : vector<16xi32>
      %min3A_338 = vector.broadcast %jit3A_335 : i32 to vector<16xi32>
      %min3A_339 = arith.minsi %min3A_338, %max3A_337 : vector<16xi32>
      %sub3A_340 = arith.constant 1 : i32
      %sub3A_341 = vector.broadcast %sub3A_340 : i32 to vector<16xi32>
      %sub3A_342 = arith.subi %min3A_332, %sub3A_341 : vector<16xi32>
      %add3A_343 = arith.addi %sub3A_342, %select_n3A_101 : vector<16xi32>
      %sub3A_344 = arith.constant 1 : i32
      %sub3A_345 = vector.broadcast %sub3A_344 : i32 to vector<16xi32>
      %sub3A_346 = arith.subi %min3A_339, %sub3A_345 : vector<16xi32>
      %add3A_347 = arith.addi %sub3A_346, %sub3A_105 : vector<16xi32>
      %ge3A = arith.constant 0 : i32
      %ge3A_348 = vector.broadcast %ge3A : i32 to vector<16xi32>
      %ge3A_349 = arith.cmpi sge, %add3A_343, %ge3A_348 : vector<16xi32>
      %lt3A_350 = arith.constant 21 : i32
      %lt3A_351 = vector.broadcast %lt3A_350 : i32 to vector<16xi32>
      %lt3A_352 = arith.cmpi slt, %add3A_343, %lt3A_351 : vector<16xi32>
      %and3A_353 = arith.andi %ge3A_349, %lt3A_352 : vector<16xi1>
      %ge3A_354 = arith.constant 0 : i32
      %ge3A_355 = vector.broadcast %ge3A_354 : i32 to vector<16xi32>
      %ge3A_356 = arith.cmpi sge, %add3A_347, %ge3A_355 : vector<16xi32>
      %and3A_357 = arith.andi %and3A_353, %ge3A_356 : vector<16xi1>
      %lt3A_358 = arith.constant 79 : i32
      %lt3A_359 = vector.broadcast %lt3A_358 : i32 to vector<16xi32>
      %lt3A_360 = arith.cmpi slt, %add3A_347, %lt3A_359 : vector<16xi32>
      %and3A_361 = arith.andi %and3A_357, %lt3A_360 : vector<16xi1>
      %and3A_362 = arith.andi %and3A_361, %lt3A_108 : vector<16xi1>
      %mul3A_363 = arith.constant 79 : i32
      %mul3A_364 = vector.broadcast %mul3A_363 : i32 to vector<16xi32>
      %mul3A_365 = arith.muli %add3A_343, %mul3A_364 : vector<16xi32>
      %add3A_366 = arith.addi %mul3A_365, %add3A_347 : vector<16xi32>
      %jit3A_367 = arith.constant 0 : i32
      %jit3A_368 = arith.constant 1658 : i32
      %max3A_369 = vector.broadcast %jit3A_367 : i32 to vector<16xi32>
      %max3A_370 = arith.maxsi %max3A_369, %add3A_366 : vector<16xi32>
      %min3A_371 = vector.broadcast %jit3A_368 : i32 to vector<16xi32>
      %min3A_372 = arith.minsi %min3A_371, %max3A_370 : vector<16xi32>
      %shift_right_arithmetic3A = arith.constant 7 : i32
      %shift_right_arithmetic3A_373 = vector.broadcast %shift_right_arithmetic3A : i32 to vector<16xi32>
      %shift_right_arithmetic3A_374 = arith.shrsi %min3A_372, %shift_right_arithmetic3A_373 : vector<16xi32>
      %and3A_375 = arith.constant 127 : i32
      %and3A_376 = vector.broadcast %and3A_375 : i32 to vector<16xi32>
      %and3A_377 = arith.andi %min3A_372, %and3A_376 : vector<16xi32>
      %gather3A_378 = tpu.vector_load_idx %arg15[%shift_right_arithmetic3A_374, %and3A_377] : memref<16x128xi32, #tpu.memory_space<vmem>>[vector<16xi32>, vector<16xi32>], vector<16xi32>,
      %jit3A_379 = arith.constant 5976 : i32
      %broadcast_in_dim3A_380 = vector.broadcast %jit3A_379 : i32 to vector<16xi32>
      %select_n3A_381 = arith.select %and3A_362, %gather3A_378, %broadcast_in_dim3A_380 : vector<16xi1>, vector<16xi32>
      %shift_right_arithmetic3A_382 = arith.constant 7 : i32
      %shift_right_arithmetic3A_383 = vector.broadcast %shift_right_arithmetic3A_382 : i32 to vector<16xi32>
      %shift_right_arithmetic3A_384 = arith.shrsi %select_n3A_381, %shift_right_arithmetic3A_383 : vector<16xi32>
      %shift_left3A = arith.constant 3 : i32
      %shift_left3A_385 = vector.broadcast %shift_left3A : i32 to vector<16xi32>
      %shift_left3A_386 = arith.shli %shift_right_arithmetic3A_384, %shift_left3A_385 : vector<16xi32>
      %and3A_387 = arith.constant 127 : i32
      %and3A_388 = vector.broadcast %and3A_387 : i32 to vector<16xi32>
      %and3A_389 = arith.andi %select_n3A_381, %and3A_388 : vector<16xi32>
      %and3A_390 = arith.constant 63 : i32
      %and3A_391 = arith.andi %add3A_266, %and3A_390 : i32
      %broadcast_in_dim3A_392 = vector.broadcast %and3A_391 : i32 to vector<16xi32>
      %add3A_393 = arith.constant 0 : i32
      %add3A_394 = vector.broadcast %add3A_393 : i32 to vector<16xi32>
      %add3A_395 = arith.addi %shift_left3A_386, %add3A_394 : vector<16xi32>
      %gather3A_396 = tpu.vector_load_idx %arg10[%add3A_395, %and3A_389] : memref<376x128xf32, #tpu.memory_space<vmem>>[vector<16xi32>, vector<16xi32>], vector<16xf32>,
      %add3A_397 = arith.constant 0 : i32
      %add3A_398 = vector.broadcast %add3A_397 : i32 to vector<16xi32>
      %add3A_399 = arith.addi %iota3A, %add3A_398 : vector<16xi32>
      tpu.vector_store_idx %arg13[%broadcast_in_dim3A_392, %add3A_399], %gather3A_396 masked %lt3A_108 : memref<64x128xf32, #tpu.memory_space<vmem>>[vector<16xi32>, vector<16xi32>], vector<16xf32>, vector<16xi1>
      %add3A_400 = arith.constant 1 : i32
      %add3A_401 = vector.broadcast %add3A_400 : i32 to vector<16xi32>
      %add3A_402 = arith.addi %shift_left3A_386, %add3A_401 : vector<16xi32>
      %gather3A_403 = tpu.vector_load_idx %arg10[%add3A_402, %and3A_389] : memref<376x128xf32, #tpu.memory_space<vmem>>[vector<16xi32>, vector<16xi32>], vector<16xf32>,
      %add3A_404 = arith.constant 9 : i32
      %add3A_405 = vector.broadcast %add3A_404 : i32 to vector<16xi32>
      %add3A_406 = arith.addi %iota3A, %add3A_405 : vector<16xi32>
      tpu.vector_store_idx %arg13[%broadcast_in_dim3A_392, %add3A_406], %gather3A_403 masked %lt3A_108 : memref<64x128xf32, #tpu.memory_space<vmem>>[vector<16xi32>, vector<16xi32>], vector<16xf32>, vector<16xi1>
      %add3A_407 = arith.constant 2 : i32
      %add3A_408 = vector.broadcast %add3A_407 : i32 to vector<16xi32>
      %add3A_409 = arith.addi %shift_left3A_386, %add3A_408 : vector<16xi32>
      %gather3A_410 = tpu.vector_load_idx %arg10[%add3A_409, %and3A_389] : memref<376x128xf32, #tpu.memory_space<vmem>>[vector<16xi32>, vector<16xi32>], vector<16xf32>,
      %add3A_411 = arith.constant 18 : i32
      %add3A_412 = vector.broadcast %add3A_411 : i32 to vector<16xi32>
      %add3A_413 = arith.addi %iota3A, %add3A_412 : vector<16xi32>
      tpu.vector_store_idx %arg13[%broadcast_in_dim3A_392, %add3A_413], %gather3A_410 masked %lt3A_108 : memref<64x128xf32, #tpu.memory_space<vmem>>[vector<16xi32>, vector<16xi32>], vector<16xf32>, vector<16xi1>
      %add3A_414 = arith.constant 3 : i32
      %add3A_415 = vector.broadcast %add3A_414 : i32 to vector<16xi32>
      %add3A_416 = arith.addi %shift_left3A_386, %add3A_415 : vector<16xi32>
      %gather3A_417 = tpu.vector_load_idx %arg10[%add3A_416, %and3A_389] : memref<376x128xf32, #tpu.memory_space<vmem>>[vector<16xi32>, vector<16xi32>], vector<16xf32>,
      %add3A_418 = arith.constant 27 : i32
      %add3A_419 = vector.broadcast %add3A_418 : i32 to vector<16xi32>
      %add3A_420 = arith.addi %iota3A, %add3A_419 : vector<16xi32>
      tpu.vector_store_idx %arg13[%broadcast_in_dim3A_392, %add3A_420], %gather3A_417 masked %lt3A_108 : memref<64x128xf32, #tpu.memory_space<vmem>>[vector<16xi32>, vector<16xi32>], vector<16xf32>, vector<16xi1>
      %add3A_421 = arith.constant 4 : i32
      %add3A_422 = vector.broadcast %add3A_421 : i32 to vector<16xi32>
      %add3A_423 = arith.addi %shift_left3A_386, %add3A_422 : vector<16xi32>
      %gather3A_424 = tpu.vector_load_idx %arg10[%add3A_423, %and3A_389] : memref<376x128xf32, #tpu.memory_space<vmem>>[vector<16xi32>, vector<16xi32>], vector<16xf32>,
      %add3A_425 = arith.constant 36 : i32
      %add3A_426 = vector.broadcast %add3A_425 : i32 to vector<16xi32>
      %add3A_427 = arith.addi %iota3A, %add3A_426 : vector<16xi32>
      tpu.vector_store_idx %arg13[%broadcast_in_dim3A_392, %add3A_427], %gather3A_424 masked %lt3A_108 : memref<64x128xf32, #tpu.memory_space<vmem>>[vector<16xi32>, vector<16xi32>], vector<16xf32>, vector<16xi1>
      %add3A_428 = arith.constant 5 : i32
      %add3A_429 = vector.broadcast %add3A_428 : i32 to vector<16xi32>
      %add3A_430 = arith.addi %shift_left3A_386, %add3A_429 : vector<16xi32>
      %gather3A_431 = tpu.vector_load_idx %arg10[%add3A_430, %and3A_389] : memref<376x128xf32, #tpu.memory_space<vmem>>[vector<16xi32>, vector<16xi32>], vector<16xf32>,
      %add3A_432 = arith.constant 45 : i32
      %add3A_433 = vector.broadcast %add3A_432 : i32 to vector<16xi32>
      %add3A_434 = arith.addi %iota3A, %add3A_433 : vector<16xi32>
      tpu.vector_store_idx %arg13[%broadcast_in_dim3A_392, %add3A_434], %gather3A_431 masked %lt3A_108 : memref<64x128xf32, #tpu.memory_space<vmem>>[vector<16xi32>, vector<16xi32>], vector<16xf32>, vector<16xi1>
      %add3A_435 = arith.constant 6 : i32
      %add3A_436 = vector.broadcast %add3A_435 : i32 to vector<16xi32>
      %add3A_437 = arith.addi %shift_left3A_386, %add3A_436 : vector<16xi32>
      %gather3A_438 = tpu.vector_load_idx %arg10[%add3A_437, %and3A_389] : memref<376x128xf32, #tpu.memory_space<vmem>>[vector<16xi32>, vector<16xi32>], vector<16xf32>,
      %add3A_439 = arith.constant 54 : i32
      %add3A_440 = vector.broadcast %add3A_439 : i32 to vector<16xi32>
      %add3A_441 = arith.addi %iota3A, %add3A_440 : vector<16xi32>
      tpu.vector_store_idx %arg13[%broadcast_in_dim3A_392, %add3A_441], %gather3A_438 masked %lt3A_108 : memref<64x128xf32, #tpu.memory_space<vmem>>[vector<16xi32>, vector<16xi32>], vector<16xf32>, vector<16xi1>
      %add3A_442 = arith.constant 7 : i32
      %add3A_443 = vector.broadcast %add3A_442 : i32 to vector<16xi32>
      %add3A_444 = arith.addi %shift_left3A_386, %add3A_443 : vector<16xi32>
      %gather3A_445 = tpu.vector_load_idx %arg10[%add3A_444, %and3A_389] : memref<376x128xf32, #tpu.memory_space<vmem>>[vector<16xi32>, vector<16xi32>], vector<16xf32>,
      %add3A_446 = arith.constant 63 : i32
      %add3A_447 = vector.broadcast %add3A_446 : i32 to vector<16xi32>
      %add3A_448 = arith.addi %iota3A, %add3A_447 : vector<16xi32>
      tpu.vector_store_idx %arg13[%broadcast_in_dim3A_392, %add3A_448], %gather3A_445 masked %lt3A_108 : memref<64x128xf32, #tpu.memory_space<vmem>>[vector<16xi32>, vector<16xi32>], vector<16xf32>, vector<16xi1>
      %and3A_449 = arith.constant 7 : i32
      %and3A_450 = arith.andi %add3A_266, %and3A_449 : i32
      %broadcast_in_dim3A_451 = vector.broadcast %and3A_450 : i32 to vector<16xi32>
      %add3A_452 = arith.constant 0 : i32
      %add3A_453 = vector.broadcast %add3A_452 : i32 to vector<16xi32>
      %add3A_454 = arith.addi %iota3A, %add3A_453 : vector<16xi32>
      %gather3A_455 = tpu.vector_load_idx %arg17[%broadcast_in_dim3A_52, %add3A_454] : memref<8x128xi32, #tpu.memory_space<vmem>>[vector<16xi32>, vector<16xi32>], vector<16xi32>,
      %shift_right_arithmetic3A_456 = arith.constant 7 : i32
      %shift_right_arithmetic3A_457 = vector.broadcast %shift_right_arithmetic3A_456 : i32 to vector<16xi32>
      %shift_right_arithmetic3A_458 = arith.shrsi %gather3A_455, %shift_right_arithmetic3A_457 : vector<16xi32>
      %shift_left3A_459 = arith.constant 3 : i32
      %shift_left3A_460 = vector.broadcast %shift_left3A_459 : i32 to vector<16xi32>
      %shift_left3A_461 = arith.shli %shift_right_arithmetic3A_458, %shift_left3A_460 : vector<16xi32>
      %and3A_462 = arith.constant 127 : i32
      %and3A_463 = vector.broadcast %and3A_462 : i32 to vector<16xi32>
      %and3A_464 = arith.andi %gather3A_455, %and3A_463 : vector<16xi32>
      %add3A_465 = arith.constant 0 : i32
      %add3A_466 = vector.broadcast %add3A_465 : i32 to vector<16xi32>
      %add3A_467 = arith.addi %iota3A, %add3A_466 : vector<16xi32>
      %lt3A_468 = arith.constant 55 : i32
      %lt3A_469 = vector.broadcast %lt3A_468 : i32 to vector<16xi32>
      %lt3A_470 = arith.cmpi slt, %add3A_467, %lt3A_469 : vector<16xi32>
      %add3A_471 = arith.constant 0 : i32
      %add3A_472 = vector.broadcast %add3A_471 : i32 to vector<16xi32>
      %add3A_473 = arith.addi %shift_left3A_461, %add3A_472 : vector<16xi32>
      %gather3A_474 = tpu.vector_load_idx %arg10[%add3A_473, %and3A_464] : memref<376x128xf32, #tpu.memory_space<vmem>>[vector<16xi32>, vector<16xi32>], vector<16xf32>,
      %add3A_475 = arith.constant 0 : i32
      %add3A_476 = vector.broadcast %add3A_475 : i32 to vector<16xi32>
      %add3A_477 = arith.addi %iota3A, %add3A_476 : vector<16xi32>
      tpu.vector_store_idx %arg14[%broadcast_in_dim3A_36, %broadcast_in_dim3A_451, %add3A_477], %gather3A_474 masked %lt3A_470 : memref<8x8x128xf32, #tpu.memory_space<vmem>>[vector<16xi32>, vector<16xi32>, vector<16xi32>], vector<16xf32>, vector<16xi1>
      %add3A_478 = arith.constant 1 : i32
      %add3A_479 = vector.broadcast %add3A_478 : i32 to vector<16xi32>
      %add3A_480 = arith.addi %shift_left3A_461, %add3A_479 : vector<16xi32>
      %gather3A_481 = tpu.vector_load_idx %arg10[%add3A_480, %and3A_464] : memref<376x128xf32, #tpu.memory_space<vmem>>[vector<16xi32>, vector<16xi32>], vector<16xf32>,
      %add3A_482 = arith.constant 0 : i32
      %add3A_483 = vector.broadcast %add3A_482 : i32 to vector<16xi32>
      %add3A_484 = arith.addi %iota3A, %add3A_483 : vector<16xi32>
      tpu.vector_store_idx %arg14[%broadcast_in_dim3A_38, %broadcast_in_dim3A_451, %add3A_484], %gather3A_481 masked %lt3A_470 : memref<8x8x128xf32, #tpu.memory_space<vmem>>[vector<16xi32>, vector<16xi32>, vector<16xi32>], vector<16xf32>, vector<16xi1>
      %add3A_485 = arith.constant 2 : i32
      %add3A_486 = vector.broadcast %add3A_485 : i32 to vector<16xi32>
      %add3A_487 = arith.addi %shift_left3A_461, %add3A_486 : vector<16xi32>
      %gather3A_488 = tpu.vector_load_idx %arg10[%add3A_487, %and3A_464] : memref<376x128xf32, #tpu.memory_space<vmem>>[vector<16xi32>, vector<16xi32>], vector<16xf32>,
      %add3A_489 = arith.constant 0 : i32
      %add3A_490 = vector.broadcast %add3A_489 : i32 to vector<16xi32>
      %add3A_491 = arith.addi %iota3A, %add3A_490 : vector<16xi32>
      tpu.vector_store_idx %arg14[%broadcast_in_dim3A_40, %broadcast_in_dim3A_451, %add3A_491], %gather3A_488 masked %lt3A_470 : memref<8x8x128xf32, #tpu.memory_space<vmem>>[vector<16xi32>, vector<16xi32>, vector<16xi32>], vector<16xf32>, vector<16xi1>
      %add3A_492 = arith.constant 3 : i32
      %add3A_493 = vector.broadcast %add3A_492 : i32 to vector<16xi32>
      %add3A_494 = arith.addi %shift_left3A_461, %add3A_493 : vector<16xi32>
      %gather3A_495 = tpu.vector_load_idx %arg10[%add3A_494, %and3A_464] : memref<376x128xf32, #tpu.memory_space<vmem>>[vector<16xi32>, vector<16xi32>], vector<16xf32>,
      %add3A_496 = arith.constant 0 : i32
      %add3A_497 = vector.broadcast %add3A_496 : i32 to vector<16xi32>
      %add3A_498 = arith.addi %iota3A, %add3A_497 : vector<16xi32>
      tpu.vector_store_idx %arg14[%broadcast_in_dim3A_42, %broadcast_in_dim3A_451, %add3A_498], %gather3A_495 masked %lt3A_470 : memref<8x8x128xf32, #tpu.memory_space<vmem>>[vector<16xi32>, vector<16xi32>, vector<16xi32>], vector<16xf32>, vector<16xi1>
      %add3A_499 = arith.constant 4 : i32
      %add3A_500 = vector.broadcast %add3A_499 : i32 to vector<16xi32>
      %add3A_501 = arith.addi %shift_left3A_461, %add3A_500 : vector<16xi32>
      %gather3A_502 = tpu.vector_load_idx %arg10[%add3A_501, %and3A_464] : memref<376x128xf32, #tpu.memory_space<vmem>>[vector<16xi32>, vector<16xi32>], vector<16xf32>,
      %add3A_503 = arith.constant 0 : i32
      %add3A_504 = vector.broadcast %add3A_503 : i32 to vector<16xi32>
      %add3A_505 = arith.addi %iota3A, %add3A_504 : vector<16xi32>
      tpu.vector_store_idx %arg14[%broadcast_in_dim3A_44, %broadcast_in_dim3A_451, %add3A_505], %gather3A_502 masked %lt3A_470 : memref<8x8x128xf32, #tpu.memory_space<vmem>>[vector<16xi32>, vector<16xi32>, vector<16xi32>], vector<16xf32>, vector<16xi1>
      %add3A_506 = arith.constant 5 : i32
      %add3A_507 = vector.broadcast %add3A_506 : i32 to vector<16xi32>
      %add3A_508 = arith.addi %shift_left3A_461, %add3A_507 : vector<16xi32>
      %gather3A_509 = tpu.vector_load_idx %arg10[%add3A_508, %and3A_464] : memref<376x128xf32, #tpu.memory_space<vmem>>[vector<16xi32>, vector<16xi32>], vector<16xf32>,
      %add3A_510 = arith.constant 0 : i32
      %add3A_511 = vector.broadcast %add3A_510 : i32 to vector<16xi32>
      %add3A_512 = arith.addi %iota3A, %add3A_511 : vector<16xi32>
      tpu.vector_store_idx %arg14[%broadcast_in_dim3A_46, %broadcast_in_dim3A_451, %add3A_512], %gather3A_509 masked %lt3A_470 : memref<8x8x128xf32, #tpu.memory_space<vmem>>[vector<16xi32>, vector<16xi32>, vector<16xi32>], vector<16xf32>, vector<16xi1>
      %add3A_513 = arith.constant 6 : i32
      %add3A_514 = vector.broadcast %add3A_513 : i32 to vector<16xi32>
      %add3A_515 = arith.addi %shift_left3A_461, %add3A_514 : vector<16xi32>
      %gather3A_516 = tpu.vector_load_idx %arg10[%add3A_515, %and3A_464] : memref<376x128xf32, #tpu.memory_space<vmem>>[vector<16xi32>, vector<16xi32>], vector<16xf32>,
      %add3A_517 = arith.constant 0 : i32
      %add3A_518 = vector.broadcast %add3A_517 : i32 to vector<16xi32>
      %add3A_519 = arith.addi %iota3A, %add3A_518 : vector<16xi32>
      tpu.vector_store_idx %arg14[%broadcast_in_dim3A_48, %broadcast_in_dim3A_451, %add3A_519], %gather3A_516 masked %lt3A_470 : memref<8x8x128xf32, #tpu.memory_space<vmem>>[vector<16xi32>, vector<16xi32>, vector<16xi32>], vector<16xf32>, vector<16xi1>
      %add3A_520 = arith.constant 7 : i32
      %add3A_521 = vector.broadcast %add3A_520 : i32 to vector<16xi32>
      %add3A_522 = arith.addi %shift_left3A_461, %add3A_521 : vector<16xi32>
      %gather3A_523 = tpu.vector_load_idx %arg10[%add3A_522, %and3A_464] : memref<376x128xf32, #tpu.memory_space<vmem>>[vector<16xi32>, vector<16xi32>], vector<16xf32>,
      %add3A_524 = arith.constant 0 : i32
      %add3A_525 = vector.broadcast %add3A_524 : i32 to vector<16xi32>
      %add3A_526 = arith.addi %iota3A, %add3A_525 : vector<16xi32>
      tpu.vector_store_idx %arg14[%broadcast_in_dim3A_50, %broadcast_in_dim3A_451, %add3A_526], %gather3A_523 masked %lt3A_470 : memref<8x8x128xf32, #tpu.memory_space<vmem>>[vector<16xi32>, vector<16xi32>, vector<16xi32>], vector<16xf32>, vector<16xi1>
      %add3A_527 = arith.constant 16 : i32
      %add3A_528 = vector.broadcast %add3A_527 : i32 to vector<16xi32>
      %add3A_529 = arith.addi %iota3A, %add3A_528 : vector<16xi32>
      %gather3A_530 = tpu.vector_load_idx %arg17[%broadcast_in_dim3A_52, %add3A_529] : memref<8x128xi32, #tpu.memory_space<vmem>>[vector<16xi32>, vector<16xi32>], vector<16xi32>,
      %shift_right_arithmetic3A_531 = arith.constant 7 : i32
      %shift_right_arithmetic3A_532 = vector.broadcast %shift_right_arithmetic3A_531 : i32 to vector<16xi32>
      %shift_right_arithmetic3A_533 = arith.shrsi %gather3A_530, %shift_right_arithmetic3A_532 : vector<16xi32>
      %shift_left3A_534 = arith.constant 3 : i32
      %shift_left3A_535 = vector.broadcast %shift_left3A_534 : i32 to vector<16xi32>
      %shift_left3A_536 = arith.shli %shift_right_arithmetic3A_533, %shift_left3A_535 : vector<16xi32>
      %and3A_537 = arith.constant 127 : i32
      %and3A_538 = vector.broadcast %and3A_537 : i32 to vector<16xi32>
      %and3A_539 = arith.andi %gather3A_530, %and3A_538 : vector<16xi32>
      %add3A_540 = arith.constant 16 : i32
      %add3A_541 = vector.broadcast %add3A_540 : i32 to vector<16xi32>
      %add3A_542 = arith.addi %iota3A, %add3A_541 : vector<16xi32>
      %lt3A_543 = arith.constant 55 : i32
      %lt3A_544 = vector.broadcast %lt3A_543 : i32 to vector<16xi32>
      %lt3A_545 = arith.cmpi slt, %add3A_542, %lt3A_544 : vector<16xi32>
      %add3A_546 = arith.constant 0 : i32
      %add3A_547 = vector.broadcast %add3A_546 : i32 to vector<16xi32>
      %add3A_548 = arith.addi %shift_left3A_536, %add3A_547 : vector<16xi32>
      %gather3A_549 = tpu.vector_load_idx %arg10[%add3A_548, %and3A_539] : memref<376x128xf32, #tpu.memory_space<vmem>>[vector<16xi32>, vector<16xi32>], vector<16xf32>,
      %add3A_550 = arith.constant 16 : i32
      %add3A_551 = vector.broadcast %add3A_550 : i32 to vector<16xi32>
      %add3A_552 = arith.addi %iota3A, %add3A_551 : vector<16xi32>
      tpu.vector_store_idx %arg14[%broadcast_in_dim3A_36, %broadcast_in_dim3A_451, %add3A_552], %gather3A_549 masked %lt3A_545 : memref<8x8x128xf32, #tpu.memory_space<vmem>>[vector<16xi32>, vector<16xi32>, vector<16xi32>], vector<16xf32>, vector<16xi1>
      %add3A_553 = arith.constant 1 : i32
      %add3A_554 = vector.broadcast %add3A_553 : i32 to vector<16xi32>
      %add3A_555 = arith.addi %shift_left3A_536, %add3A_554 : vector<16xi32>
      %gather3A_556 = tpu.vector_load_idx %arg10[%add3A_555, %and3A_539] : memref<376x128xf32, #tpu.memory_space<vmem>>[vector<16xi32>, vector<16xi32>], vector<16xf32>,
      %add3A_557 = arith.constant 16 : i32
      %add3A_558 = vector.broadcast %add3A_557 : i32 to vector<16xi32>
      %add3A_559 = arith.addi %iota3A, %add3A_558 : vector<16xi32>
      tpu.vector_store_idx %arg14[%broadcast_in_dim3A_38, %broadcast_in_dim3A_451, %add3A_559], %gather3A_556 masked %lt3A_545 : memref<8x8x128xf32, #tpu.memory_space<vmem>>[vector<16xi32>, vector<16xi32>, vector<16xi32>], vector<16xf32>, vector<16xi1>
      %add3A_560 = arith.constant 2 : i32
      %add3A_561 = vector.broadcast %add3A_560 : i32 to vector<16xi32>
      %add3A_562 = arith.addi %shift_left3A_536, %add3A_561 : vector<16xi32>
      %gather3A_563 = tpu.vector_load_idx %arg10[%add3A_562, %and3A_539] : memref<376x128xf32, #tpu.memory_space<vmem>>[vector<16xi32>, vector<16xi32>], vector<16xf32>,
      %add3A_564 = arith.constant 16 : i32
      %add3A_565 = vector.broadcast %add3A_564 : i32 to vector<16xi32>
      %add3A_566 = arith.addi %iota3A, %add3A_565 : vector<16xi32>
      tpu.vector_store_idx %arg14[%broadcast_in_dim3A_40, %broadcast_in_dim3A_451, %add3A_566], %gather3A_563 masked %lt3A_545 : memref<8x8x128xf32, #tpu.memory_space<vmem>>[vector<16xi32>, vector<16xi32>, vector<16xi32>], vector<16xf32>, vector<16xi1>
      %add3A_567 = arith.constant 3 : i32
      %add3A_568 = vector.broadcast %add3A_567 : i32 to vector<16xi32>
      %add3A_569 = arith.addi %shift_left3A_536, %add3A_568 : vector<16xi32>
      %gather3A_570 = tpu.vector_load_idx %arg10[%add3A_569, %and3A_539] : memref<376x128xf32, #tpu.memory_space<vmem>>[vector<16xi32>, vector<16xi32>], vector<16xf32>,
      %add3A_571 = arith.constant 16 : i32
      %add3A_572 = vector.broadcast %add3A_571 : i32 to vector<16xi32>
      %add3A_573 = arith.addi %iota3A, %add3A_572 : vector<16xi32>
      tpu.vector_store_idx %arg14[%broadcast_in_dim3A_42, %broadcast_in_dim3A_451, %add3A_573], %gather3A_570 masked %lt3A_545 : memref<8x8x128xf32, #tpu.memory_space<vmem>>[vector<16xi32>, vector<16xi32>, vector<16xi32>], vector<16xf32>, vector<16xi1>
      %add3A_574 = arith.constant 4 : i32
      %add3A_575 = vector.broadcast %add3A_574 : i32 to vector<16xi32>
      %add3A_576 = arith.addi %shift_left3A_536, %add3A_575 : vector<16xi32>
      %gather3A_577 = tpu.vector_load_idx %arg10[%add3A_576, %and3A_539] : memref<376x128xf32, #tpu.memory_space<vmem>>[vector<16xi32>, vector<16xi32>], vector<16xf32>,
      %add3A_578 = arith.constant 16 : i32
      %add3A_579 = vector.broadcast %add3A_578 : i32 to vector<16xi32>
      %add3A_580 = arith.addi %iota3A, %add3A_579 : vector<16xi32>
      tpu.vector_store_idx %arg14[%broadcast_in_dim3A_44, %broadcast_in_dim3A_451, %add3A_580], %gather3A_577 masked %lt3A_545 : memref<8x8x128xf32, #tpu.memory_space<vmem>>[vector<16xi32>, vector<16xi32>, vector<16xi32>], vector<16xf32>, vector<16xi1>
      %add3A_581 = arith.constant 5 : i32
      %add3A_582 = vector.broadcast %add3A_581 : i32 to vector<16xi32>
      %add3A_583 = arith.addi %shift_left3A_536, %add3A_582 : vector<16xi32>
      %gather3A_584 = tpu.vector_load_idx %arg10[%add3A_583, %and3A_539] : memref<376x128xf32, #tpu.memory_space<vmem>>[vector<16xi32>, vector<16xi32>], vector<16xf32>,
      %add3A_585 = arith.constant 16 : i32
      %add3A_586 = vector.broadcast %add3A_585 : i32 to vector<16xi32>
      %add3A_587 = arith.addi %iota3A, %add3A_586 : vector<16xi32>
      tpu.vector_store_idx %arg14[%broadcast_in_dim3A_46, %broadcast_in_dim3A_451, %add3A_587], %gather3A_584 masked %lt3A_545 : memref<8x8x128xf32, #tpu.memory_space<vmem>>[vector<16xi32>, vector<16xi32>, vector<16xi32>], vector<16xf32>, vector<16xi1>
      %add3A_588 = arith.constant 6 : i32
      %add3A_589 = vector.broadcast %add3A_588 : i32 to vector<16xi32>
      %add3A_590 = arith.addi %shift_left3A_536, %add3A_589 : vector<16xi32>
      %gather3A_591 = tpu.vector_load_idx %arg10[%add3A_590, %and3A_539] : memref<376x128xf32, #tpu.memory_space<vmem>>[vector<16xi32>, vector<16xi32>], vector<16xf32>,
      %add3A_592 = arith.constant 16 : i32
      %add3A_593 = vector.broadcast %add3A_592 : i32 to vector<16xi32>
      %add3A_594 = arith.addi %iota3A, %add3A_593 : vector<16xi32>
      tpu.vector_store_idx %arg14[%broadcast_in_dim3A_48, %broadcast_in_dim3A_451, %add3A_594], %gather3A_591 masked %lt3A_545 : memref<8x8x128xf32, #tpu.memory_space<vmem>>[vector<16xi32>, vector<16xi32>, vector<16xi32>], vector<16xf32>, vector<16xi1>
      %add3A_595 = arith.constant 7 : i32
      %add3A_596 = vector.broadcast %add3A_595 : i32 to vector<16xi32>
      %add3A_597 = arith.addi %shift_left3A_536, %add3A_596 : vector<16xi32>
      %gather3A_598 = tpu.vector_load_idx %arg10[%add3A_597, %and3A_539] : memref<376x128xf32, #tpu.memory_space<vmem>>[vector<16xi32>, vector<16xi32>], vector<16xf32>,
      %add3A_599 = arith.constant 16 : i32
      %add3A_600 = vector.broadcast %add3A_599 : i32 to vector<16xi32>
      %add3A_601 = arith.addi %iota3A, %add3A_600 : vector<16xi32>
      tpu.vector_store_idx %arg14[%broadcast_in_dim3A_50, %broadcast_in_dim3A_451, %add3A_601], %gather3A_598 masked %lt3A_545 : memref<8x8x128xf32, #tpu.memory_space<vmem>>[vector<16xi32>, vector<16xi32>, vector<16xi32>], vector<16xf32>, vector<16xi1>
      %add3A_602 = arith.constant 32 : i32
      %add3A_603 = vector.broadcast %add3A_602 : i32 to vector<16xi32>
      %add3A_604 = arith.addi %iota3A, %add3A_603 : vector<16xi32>
      %gather3A_605 = tpu.vector_load_idx %arg17[%broadcast_in_dim3A_52, %add3A_604] : memref<8x128xi32, #tpu.memory_space<vmem>>[vector<16xi32>, vector<16xi32>], vector<16xi32>,
      %shift_right_arithmetic3A_606 = arith.constant 7 : i32
      %shift_right_arithmetic3A_607 = vector.broadcast %shift_right_arithmetic3A_606 : i32 to vector<16xi32>
      %shift_right_arithmetic3A_608 = arith.shrsi %gather3A_605, %shift_right_arithmetic3A_607 : vector<16xi32>
      %shift_left3A_609 = arith.constant 3 : i32
      %shift_left3A_610 = vector.broadcast %shift_left3A_609 : i32 to vector<16xi32>
      %shift_left3A_611 = arith.shli %shift_right_arithmetic3A_608, %shift_left3A_610 : vector<16xi32>
      %and3A_612 = arith.constant 127 : i32
      %and3A_613 = vector.broadcast %and3A_612 : i32 to vector<16xi32>
      %and3A_614 = arith.andi %gather3A_605, %and3A_613 : vector<16xi32>
      %add3A_615 = arith.constant 32 : i32
      %add3A_616 = vector.broadcast %add3A_615 : i32 to vector<16xi32>
      %add3A_617 = arith.addi %iota3A, %add3A_616 : vector<16xi32>
      %lt3A_618 = arith.constant 55 : i32
      %lt3A_619 = vector.broadcast %lt3A_618 : i32 to vector<16xi32>
      %lt3A_620 = arith.cmpi slt, %add3A_617, %lt3A_619 : vector<16xi32>
      %add3A_621 = arith.constant 0 : i32
      %add3A_622 = vector.broadcast %add3A_621 : i32 to vector<16xi32>
      %add3A_623 = arith.addi %shift_left3A_611, %add3A_622 : vector<16xi32>
      %gather3A_624 = tpu.vector_load_idx %arg10[%add3A_623, %and3A_614] : memref<376x128xf32, #tpu.memory_space<vmem>>[vector<16xi32>, vector<16xi32>], vector<16xf32>,
      %add3A_625 = arith.constant 32 : i32
      %add3A_626 = vector.broadcast %add3A_625 : i32 to vector<16xi32>
      %add3A_627 = arith.addi %iota3A, %add3A_626 : vector<16xi32>
      tpu.vector_store_idx %arg14[%broadcast_in_dim3A_36, %broadcast_in_dim3A_451, %add3A_627], %gather3A_624 masked %lt3A_620 : memref<8x8x128xf32, #tpu.memory_space<vmem>>[vector<16xi32>, vector<16xi32>, vector<16xi32>], vector<16xf32>, vector<16xi1>
      %add3A_628 = arith.constant 1 : i32
      %add3A_629 = vector.broadcast %add3A_628 : i32 to vector<16xi32>
      %add3A_630 = arith.addi %shift_left3A_611, %add3A_629 : vector<16xi32>
      %gather3A_631 = tpu.vector_load_idx %arg10[%add3A_630, %and3A_614] : memref<376x128xf32, #tpu.memory_space<vmem>>[vector<16xi32>, vector<16xi32>], vector<16xf32>,
      %add3A_632 = arith.constant 32 : i32
      %add3A_633 = vector.broadcast %add3A_632 : i32 to vector<16xi32>
      %add3A_634 = arith.addi %iota3A, %add3A_633 : vector<16xi32>
      tpu.vector_store_idx %arg14[%broadcast_in_dim3A_38, %broadcast_in_dim3A_451, %add3A_634], %gather3A_631 masked %lt3A_620 : memref<8x8x128xf32, #tpu.memory_space<vmem>>[vector<16xi32>, vector<16xi32>, vector<16xi32>], vector<16xf32>, vector<16xi1>
      %add3A_635 = arith.constant 2 : i32
      %add3A_636 = vector.broadcast %add3A_635 : i32 to vector<16xi32>
      %add3A_637 = arith.addi %shift_left3A_611, %add3A_636 : vector<16xi32>
      %gather3A_638 = tpu.vector_load_idx %arg10[%add3A_637, %and3A_614] : memref<376x128xf32, #tpu.memory_space<vmem>>[vector<16xi32>, vector<16xi32>], vector<16xf32>,
      %add3A_639 = arith.constant 32 : i32
      %add3A_640 = vector.broadcast %add3A_639 : i32 to vector<16xi32>
      %add3A_641 = arith.addi %iota3A, %add3A_640 : vector<16xi32>
      tpu.vector_store_idx %arg14[%broadcast_in_dim3A_40, %broadcast_in_dim3A_451, %add3A_641], %gather3A_638 masked %lt3A_620 : memref<8x8x128xf32, #tpu.memory_space<vmem>>[vector<16xi32>, vector<16xi32>, vector<16xi32>], vector<16xf32>, vector<16xi1>
      %add3A_642 = arith.constant 3 : i32
      %add3A_643 = vector.broadcast %add3A_642 : i32 to vector<16xi32>
      %add3A_644 = arith.addi %shift_left3A_611, %add3A_643 : vector<16xi32>
      %gather3A_645 = tpu.vector_load_idx %arg10[%add3A_644, %and3A_614] : memref<376x128xf32, #tpu.memory_space<vmem>>[vector<16xi32>, vector<16xi32>], vector<16xf32>,
      %add3A_646 = arith.constant 32 : i32
      %add3A_647 = vector.broadcast %add3A_646 : i32 to vector<16xi32>
      %add3A_648 = arith.addi %iota3A, %add3A_647 : vector<16xi32>
      tpu.vector_store_idx %arg14[%broadcast_in_dim3A_42, %broadcast_in_dim3A_451, %add3A_648], %gather3A_645 masked %lt3A_620 : memref<8x8x128xf32, #tpu.memory_space<vmem>>[vector<16xi32>, vector<16xi32>, vector<16xi32>], vector<16xf32>, vector<16xi1>
      %add3A_649 = arith.constant 4 : i32
      %add3A_650 = vector.broadcast %add3A_649 : i32 to vector<16xi32>
      %add3A_651 = arith.addi %shift_left3A_611, %add3A_650 : vector<16xi32>
      %gather3A_652 = tpu.vector_load_idx %arg10[%add3A_651, %and3A_614] : memref<376x128xf32, #tpu.memory_space<vmem>>[vector<16xi32>, vector<16xi32>], vector<16xf32>,
      %add3A_653 = arith.constant 32 : i32
      %add3A_654 = vector.broadcast %add3A_653 : i32 to vector<16xi32>
      %add3A_655 = arith.addi %iota3A, %add3A_654 : vector<16xi32>
      tpu.vector_store_idx %arg14[%broadcast_in_dim3A_44, %broadcast_in_dim3A_451, %add3A_655], %gather3A_652 masked %lt3A_620 : memref<8x8x128xf32, #tpu.memory_space<vmem>>[vector<16xi32>, vector<16xi32>, vector<16xi32>], vector<16xf32>, vector<16xi1>
      %add3A_656 = arith.constant 5 : i32
      %add3A_657 = vector.broadcast %add3A_656 : i32 to vector<16xi32>
      %add3A_658 = arith.addi %shift_left3A_611, %add3A_657 : vector<16xi32>
      %gather3A_659 = tpu.vector_load_idx %arg10[%add3A_658, %and3A_614] : memref<376x128xf32, #tpu.memory_space<vmem>>[vector<16xi32>, vector<16xi32>], vector<16xf32>,
      %add3A_660 = arith.constant 32 : i32
      %add3A_661 = vector.broadcast %add3A_660 : i32 to vector<16xi32>
      %add3A_662 = arith.addi %iota3A, %add3A_661 : vector<16xi32>
      tpu.vector_store_idx %arg14[%broadcast_in_dim3A_46, %broadcast_in_dim3A_451, %add3A_662], %gather3A_659 masked %lt3A_620 : memref<8x8x128xf32, #tpu.memory_space<vmem>>[vector<16xi32>, vector<16xi32>, vector<16xi32>], vector<16xf32>, vector<16xi1>
      %add3A_663 = arith.constant 6 : i32
      %add3A_664 = vector.broadcast %add3A_663 : i32 to vector<16xi32>
      %add3A_665 = arith.addi %shift_left3A_611, %add3A_664 : vector<16xi32>
      %gather3A_666 = tpu.vector_load_idx %arg10[%add3A_665, %and3A_614] : memref<376x128xf32, #tpu.memory_space<vmem>>[vector<16xi32>, vector<16xi32>], vector<16xf32>,
      %add3A_667 = arith.constant 32 : i32
      %add3A_668 = vector.broadcast %add3A_667 : i32 to vector<16xi32>
      %add3A_669 = arith.addi %iota3A, %add3A_668 : vector<16xi32>
      tpu.vector_store_idx %arg14[%broadcast_in_dim3A_48, %broadcast_in_dim3A_451, %add3A_669], %gather3A_666 masked %lt3A_620 : memref<8x8x128xf32, #tpu.memory_space<vmem>>[vector<16xi32>, vector<16xi32>, vector<16xi32>], vector<16xf32>, vector<16xi1>
      %add3A_670 = arith.constant 7 : i32
      %add3A_671 = vector.broadcast %add3A_670 : i32 to vector<16xi32>
      %add3A_672 = arith.addi %shift_left3A_611, %add3A_671 : vector<16xi32>
      %gather3A_673 = tpu.vector_load_idx %arg10[%add3A_672, %and3A_614] : memref<376x128xf32, #tpu.memory_space<vmem>>[vector<16xi32>, vector<16xi32>], vector<16xf32>,
      %add3A_674 = arith.constant 32 : i32
      %add3A_675 = vector.broadcast %add3A_674 : i32 to vector<16xi32>
      %add3A_676 = arith.addi %iota3A, %add3A_675 : vector<16xi32>
      tpu.vector_store_idx %arg14[%broadcast_in_dim3A_50, %broadcast_in_dim3A_451, %add3A_676], %gather3A_673 masked %lt3A_620 : memref<8x8x128xf32, #tpu.memory_space<vmem>>[vector<16xi32>, vector<16xi32>, vector<16xi32>], vector<16xf32>, vector<16xi1>
      %add3A_677 = arith.constant 48 : i32
      %add3A_678 = vector.broadcast %add3A_677 : i32 to vector<16xi32>
      %add3A_679 = arith.addi %iota3A, %add3A_678 : vector<16xi32>
      %gather3A_680 = tpu.vector_load_idx %arg17[%broadcast_in_dim3A_52, %add3A_679] : memref<8x128xi32, #tpu.memory_space<vmem>>[vector<16xi32>, vector<16xi32>], vector<16xi32>,
      %shift_right_arithmetic3A_681 = arith.constant 7 : i32
      %shift_right_arithmetic3A_682 = vector.broadcast %shift_right_arithmetic3A_681 : i32 to vector<16xi32>
      %shift_right_arithmetic3A_683 = arith.shrsi %gather3A_680, %shift_right_arithmetic3A_682 : vector<16xi32>
      %shift_left3A_684 = arith.constant 3 : i32
      %shift_left3A_685 = vector.broadcast %shift_left3A_684 : i32 to vector<16xi32>
      %shift_left3A_686 = arith.shli %shift_right_arithmetic3A_683, %shift_left3A_685 : vector<16xi32>
      %and3A_687 = arith.constant 127 : i32
      %and3A_688 = vector.broadcast %and3A_687 : i32 to vector<16xi32>
      %and3A_689 = arith.andi %gather3A_680, %and3A_688 : vector<16xi32>
      %add3A_690 = arith.constant 48 : i32
      %add3A_691 = vector.broadcast %add3A_690 : i32 to vector<16xi32>
      %add3A_692 = arith.addi %iota3A, %add3A_691 : vector<16xi32>
      %lt3A_693 = arith.constant 55 : i32
      %lt3A_694 = vector.broadcast %lt3A_693 : i32 to vector<16xi32>
      %lt3A_695 = arith.cmpi slt, %add3A_692, %lt3A_694 : vector<16xi32>
      %add3A_696 = arith.constant 0 : i32
      %add3A_697 = vector.broadcast %add3A_696 : i32 to vector<16xi32>
      %add3A_698 = arith.addi %shift_left3A_686, %add3A_697 : vector<16xi32>
      %gather3A_699 = tpu.vector_load_idx %arg10[%add3A_698, %and3A_689] : memref<376x128xf32, #tpu.memory_space<vmem>>[vector<16xi32>, vector<16xi32>], vector<16xf32>,
      %add3A_700 = arith.constant 48 : i32
      %add3A_701 = vector.broadcast %add3A_700 : i32 to vector<16xi32>
      %add3A_702 = arith.addi %iota3A, %add3A_701 : vector<16xi32>
      tpu.vector_store_idx %arg14[%broadcast_in_dim3A_36, %broadcast_in_dim3A_451, %add3A_702], %gather3A_699 masked %lt3A_695 : memref<8x8x128xf32, #tpu.memory_space<vmem>>[vector<16xi32>, vector<16xi32>, vector<16xi32>], vector<16xf32>, vector<16xi1>
      %add3A_703 = arith.constant 1 : i32
      %add3A_704 = vector.broadcast %add3A_703 : i32 to vector<16xi32>
      %add3A_705 = arith.addi %shift_left3A_686, %add3A_704 : vector<16xi32>
      %gather3A_706 = tpu.vector_load_idx %arg10[%add3A_705, %and3A_689] : memref<376x128xf32, #tpu.memory_space<vmem>>[vector<16xi32>, vector<16xi32>], vector<16xf32>,
      %add3A_707 = arith.constant 48 : i32
      %add3A_708 = vector.broadcast %add3A_707 : i32 to vector<16xi32>
      %add3A_709 = arith.addi %iota3A, %add3A_708 : vector<16xi32>
      tpu.vector_store_idx %arg14[%broadcast_in_dim3A_38, %broadcast_in_dim3A_451, %add3A_709], %gather3A_706 masked %lt3A_695 : memref<8x8x128xf32, #tpu.memory_space<vmem>>[vector<16xi32>, vector<16xi32>, vector<16xi32>], vector<16xf32>, vector<16xi1>
      %add3A_710 = arith.constant 2 : i32
      %add3A_711 = vector.broadcast %add3A_710 : i32 to vector<16xi32>
      %add3A_712 = arith.addi %shift_left3A_686, %add3A_711 : vector<16xi32>
      %gather3A_713 = tpu.vector_load_idx %arg10[%add3A_712, %and3A_689] : memref<376x128xf32, #tpu.memory_space<vmem>>[vector<16xi32>, vector<16xi32>], vector<16xf32>,
      %add3A_714 = arith.constant 48 : i32
      %add3A_715 = vector.broadcast %add3A_714 : i32 to vector<16xi32>
      %add3A_716 = arith.addi %iota3A, %add3A_715 : vector<16xi32>
      tpu.vector_store_idx %arg14[%broadcast_in_dim3A_40, %broadcast_in_dim3A_451, %add3A_716], %gather3A_713 masked %lt3A_695 : memref<8x8x128xf32, #tpu.memory_space<vmem>>[vector<16xi32>, vector<16xi32>, vector<16xi32>], vector<16xf32>, vector<16xi1>
      %add3A_717 = arith.constant 3 : i32
      %add3A_718 = vector.broadcast %add3A_717 : i32 to vector<16xi32>
      %add3A_719 = arith.addi %shift_left3A_686, %add3A_718 : vector<16xi32>
      %gather3A_720 = tpu.vector_load_idx %arg10[%add3A_719, %and3A_689] : memref<376x128xf32, #tpu.memory_space<vmem>>[vector<16xi32>, vector<16xi32>], vector<16xf32>,
      %add3A_721 = arith.constant 48 : i32
      %add3A_722 = vector.broadcast %add3A_721 : i32 to vector<16xi32>
      %add3A_723 = arith.addi %iota3A, %add3A_722 : vector<16xi32>
      tpu.vector_store_idx %arg14[%broadcast_in_dim3A_42, %broadcast_in_dim3A_451, %add3A_723], %gather3A_720 masked %lt3A_695 : memref<8x8x128xf32, #tpu.memory_space<vmem>>[vector<16xi32>, vector<16xi32>, vector<16xi32>], vector<16xf32>, vector<16xi1>
      %add3A_724 = arith.constant 4 : i32
      %add3A_725 = vector.broadcast %add3A_724 : i32 to vector<16xi32>
      %add3A_726 = arith.addi %shift_left3A_686, %add3A_725 : vector<16xi32>
      %gather3A_727 = tpu.vector_load_idx %arg10[%add3A_726, %and3A_689] : memref<376x128xf32, #tpu.memory_space<vmem>>[vector<16xi32>, vector<16xi32>], vector<16xf32>,
      %add3A_728 = arith.constant 48 : i32
      %add3A_729 = vector.broadcast %add3A_728 : i32 to vector<16xi32>
      %add3A_730 = arith.addi %iota3A, %add3A_729 : vector<16xi32>
      tpu.vector_store_idx %arg14[%broadcast_in_dim3A_44, %broadcast_in_dim3A_451, %add3A_730], %gather3A_727 masked %lt3A_695 : memref<8x8x128xf32, #tpu.memory_space<vmem>>[vector<16xi32>, vector<16xi32>, vector<16xi32>], vector<16xf32>, vector<16xi1>
      %add3A_731 = arith.constant 5 : i32
      %add3A_732 = vector.broadcast %add3A_731 : i32 to vector<16xi32>
      %add3A_733 = arith.addi %shift_left3A_686, %add3A_732 : vector<16xi32>
      %gather3A_734 = tpu.vector_load_idx %arg10[%add3A_733, %and3A_689] : memref<376x128xf32, #tpu.memory_space<vmem>>[vector<16xi32>, vector<16xi32>], vector<16xf32>,
      %add3A_735 = arith.constant 48 : i32
      %add3A_736 = vector.broadcast %add3A_735 : i32 to vector<16xi32>
      %add3A_737 = arith.addi %iota3A, %add3A_736 : vector<16xi32>
      tpu.vector_store_idx %arg14[%broadcast_in_dim3A_46, %broadcast_in_dim3A_451, %add3A_737], %gather3A_734 masked %lt3A_695 : memref<8x8x128xf32, #tpu.memory_space<vmem>>[vector<16xi32>, vector<16xi32>, vector<16xi32>], vector<16xf32>, vector<16xi1>
      %add3A_738 = arith.constant 6 : i32
      %add3A_739 = vector.broadcast %add3A_738 : i32 to vector<16xi32>
      %add3A_740 = arith.addi %shift_left3A_686, %add3A_739 : vector<16xi32>
      %gather3A_741 = tpu.vector_load_idx %arg10[%add3A_740, %and3A_689] : memref<376x128xf32, #tpu.memory_space<vmem>>[vector<16xi32>, vector<16xi32>], vector<16xf32>,
      %add3A_742 = arith.constant 48 : i32
      %add3A_743 = vector.broadcast %add3A_742 : i32 to vector<16xi32>
      %add3A_744 = arith.addi %iota3A, %add3A_743 : vector<16xi32>
      tpu.vector_store_idx %arg14[%broadcast_in_dim3A_48, %broadcast_in_dim3A_451, %add3A_744], %gather3A_741 masked %lt3A_695 : memref<8x8x128xf32, #tpu.memory_space<vmem>>[vector<16xi32>, vector<16xi32>, vector<16xi32>], vector<16xf32>, vector<16xi1>
      %add3A_745 = arith.constant 7 : i32
      %add3A_746 = vector.broadcast %add3A_745 : i32 to vector<16xi32>
      %add3A_747 = arith.addi %shift_left3A_686, %add3A_746 : vector<16xi32>
      %gather3A_748 = tpu.vector_load_idx %arg10[%add3A_747, %and3A_689] : memref<376x128xf32, #tpu.memory_space<vmem>>[vector<16xi32>, vector<16xi32>], vector<16xf32>,
      %add3A_749 = arith.constant 48 : i32
      %add3A_750 = vector.broadcast %add3A_749 : i32 to vector<16xi32>
      %add3A_751 = arith.addi %iota3A, %add3A_750 : vector<16xi32>
      tpu.vector_store_idx %arg14[%broadcast_in_dim3A_50, %broadcast_in_dim3A_451, %add3A_751], %gather3A_748 masked %lt3A_695 : memref<8x8x128xf32, #tpu.memory_space<vmem>>[vector<16xi32>, vector<16xi32>, vector<16xi32>], vector<16xf32>, vector<16xi1>
      %add3A_752 = arith.constant 2 : i32
      %add3A_753 = arith.addi %add3A_266, %add3A_752 : i32
      %lt3A_754 = arith.constant 128 : i32
      %lt3A_755 = arith.cmpi slt, %add3A_753, %lt3A_754 : i32
      %convert_element_type3A_756 = arith.extui %lt3A_755 : i1 to i32
      %cond3A_757 = arith.constant 0 : i32
      %cond3A_758 = arith.cmpi ne, %convert_element_type3A_756, %cond3A_757 : i32
      scf.if %cond3A_758 {
        %add3A_1310 = arith.constant 2 : i32
        %add3A_1311 = arith.addi %add3A_267, %add3A_1310 : i32
        %dma_start3A_1312 = arith.constant 0 : i32
        %dma_start3A_1313 = arith.constant 0 : i32
        %dma_start3A_1314 = tpu.memref_slice %arg2[%add3A_1311, %dma_start3A_1312, %dma_start3A_1313] : memref<512x16x128xi32, #tpu.memory_space<hbm>> -> memref<1x16x128xi32, #tpu.memory_space<hbm>>
        %dma_start3A_1315 = tpu.memref_squeeze %dma_start3A_1314 : memref<1x16x128xi32, #tpu.memory_space<hbm>> -> memref<16x128xi32, #tpu.memory_space<hbm>>
        %dma_start3A_1316 = arith.constant 0 : i32
        %dma_start3A_1317 = arith.constant 0 : i32
        %dma_start3A_1318 = tpu.memref_slice %arg2[%add3A_1311, %dma_start3A_1316, %dma_start3A_1317] : memref<512x16x128xi32, #tpu.memory_space<hbm>> -> memref<1x16x128xi32, #tpu.memory_space<hbm>>
        %dma_start3A_1319 = tpu.memref_squeeze %dma_start3A_1318 : memref<1x16x128xi32, #tpu.memory_space<hbm>> -> memref<16x128xi32, #tpu.memory_space<hbm>>
        tpu.enqueue_dma source(%dma_start3A_1319 : memref<16x128xi32, #tpu.memory_space<hbm>>) target(%arg15 : memref<16x128xi32, #tpu.memory_space<vmem>>) target_semaphore(%arg21 : memref<!tpu.dma_semaphore, #tpu.memory_space<semaphore_mem>>)
        %add3A_1320 = arith.constant 2 : i32
        %add3A_1321 = arith.addi %add3A_267, %add3A_1320 : i32
        %dma_start3A_1322 = arith.constant 0 : i32
        %dma_start3A_1323 = arith.constant 0 : i32
        %dma_start3A_1324 = tpu.memref_slice %arg4[%add3A_1321, %dma_start3A_1322, %dma_start3A_1323] : memref<512x8x128xi32, #tpu.memory_space<hbm>> -> memref<1x8x128xi32, #tpu.memory_space<hbm>>
        %dma_start3A_1325 = tpu.memref_squeeze %dma_start3A_1324 : memref<1x8x128xi32, #tpu.memory_space<hbm>> -> memref<8x128xi32, #tpu.memory_space<hbm>>
        %dma_start3A_1326 = arith.constant 0 : i32
        %dma_start3A_1327 = arith.constant 0 : i32
        %dma_start3A_1328 = tpu.memref_slice %arg4[%add3A_1321, %dma_start3A_1326, %dma_start3A_1327] : memref<512x8x128xi32, #tpu.memory_space<hbm>> -> memref<1x8x128xi32, #tpu.memory_space<hbm>>
        %dma_start3A_1329 = tpu.memref_squeeze %dma_start3A_1328 : memref<1x8x128xi32, #tpu.memory_space<hbm>> -> memref<8x128xi32, #tpu.memory_space<hbm>>
        tpu.enqueue_dma source(%dma_start3A_1329 : memref<8x128xi32, #tpu.memory_space<hbm>>) target(%arg17 : memref<8x128xi32, #tpu.memory_space<vmem>>) target_semaphore(%arg23 : memref<!tpu.dma_semaphore, #tpu.memory_space<semaphore_mem>>)
      } else {
      }
      %dma_start3A_759 = arith.constant 0 : i32
      %dma_start3A_760 = arith.constant 0 : i32
      %dma_start3A_761 = tpu.memref_slice %arg7[%select_n3A_291, %select_n3A_307, %dma_start3A_759, %multiple_of3A, %dma_start3A_760] : memref<16x32x21x64x128xf32, #tpu.memory_space<hbm>> -> memref<1x1x21x8x128xf32, #tpu.memory_space<hbm>>
      %dma_start3A_762 = tpu.memref_squeeze %dma_start3A_761 : memref<1x1x21x8x128xf32, #tpu.memory_space<hbm>> -> memref<21x8x128xf32, #tpu.memory_space<hbm>>
      %dma_start3A_763 = arith.constant 0 : i32
      %dma_start3A_764 = arith.constant 0 : i32
      %dma_start3A_765 = tpu.memref_slice %arg7[%select_n3A_291, %select_n3A_307, %dma_start3A_763, %multiple_of3A, %dma_start3A_764] : memref<16x32x21x64x128xf32, #tpu.memory_space<hbm>> -> memref<1x1x21x8x128xf32, #tpu.memory_space<hbm>>
      %dma_start3A_766 = tpu.memref_squeeze %dma_start3A_765 : memref<1x1x21x8x128xf32, #tpu.memory_space<hbm>> -> memref<21x8x128xf32, #tpu.memory_space<hbm>>
      tpu.enqueue_dma source(%arg19 : memref<21x8x128xf32, #tpu.memory_space<vmem>>) target(%dma_start3A_766 : memref<21x8x128xf32, #tpu.memory_space<hbm>>) target_semaphore(%arg25 : memref<!tpu.dma_semaphore, #tpu.memory_space<semaphore_mem>>)
      %and3A_767 = arith.constant 7 : i32
      %and3A_768 = arith.andi %add3A_266, %and3A_767 : i32
      %eq3A_769 = arith.constant 7 : i32
      %eq3A_770 = arith.cmpi eq, %and3A_768, %eq3A_769 : i32
      %convert_element_type3A_771 = arith.extui %eq3A_770 : i1 to i32
      %cond3A_772 = arith.constant 0 : i32
      %cond3A_773 = arith.cmpi ne, %convert_element_type3A_771, %cond3A_772 : i32
      scf.if %cond3A_773 {
        %and3A_1310 = arith.constant -8 : i32
        %and3A_1311 = arith.andi %add3A_266, %and3A_1310 : i32
        %add3A_1312 = arith.addi %multiple_of3A_35, %and3A_1311 : i32
        %multiple_of3A_1313 = tpu.assume_multiple %add3A_1312, 8 : i32
        "tpu.region"() ({
          %run_scoped3A = tpu.sem_alloc : memref<!tpu.dma_semaphore, #tpu.memory_space<semaphore_mem>>
          %dma_start3A_1314 = arith.constant 0 : i32
          %dma_start3A_1315 = arith.constant 0 : i32
          %dma_start3A_1316 = tpu.memref_slice %arg9[%select_n3A_9, %dma_start3A_1314, %multiple_of3A_1313, %dma_start3A_1315] : memref<8x8x512x128xf32, #tpu.memory_space<hbm>> -> memref<1x8x8x128xf32, #tpu.memory_space<hbm>>
          %dma_start3A_1317 = tpu.memref_squeeze %dma_start3A_1316 : memref<1x8x8x128xf32, #tpu.memory_space<hbm>> -> memref<8x8x128xf32, #tpu.memory_space<hbm>>
          %dma_start3A_1318 = arith.constant 0 : i32
          %dma_start3A_1319 = arith.constant 0 : i32
          %dma_start3A_1320 = tpu.memref_slice %arg9[%select_n3A_9, %dma_start3A_1318, %multiple_of3A_1313, %dma_start3A_1319] : memref<8x8x512x128xf32, #tpu.memory_space<hbm>> -> memref<1x8x8x128xf32, #tpu.memory_space<hbm>>
          %dma_start3A_1321 = tpu.memref_squeeze %dma_start3A_1320 : memref<1x8x8x128xf32, #tpu.memory_space<hbm>> -> memref<8x8x128xf32, #tpu.memory_space<hbm>>
          tpu.enqueue_dma source(%arg14 : memref<8x8x128xf32, #tpu.memory_space<vmem>>) target(%dma_start3A_1321 : memref<8x8x128xf32, #tpu.memory_space<hbm>>) target_semaphore(%run_scoped3A : memref<!tpu.dma_semaphore, #tpu.memory_space<semaphore_mem>>)
          %dma_wait3A_1322 = arith.constant 0 : i32
          %dma_wait3A_1323 = arith.constant 0 : i32
          %dma_wait3A_1324 = tpu.memref_slice %arg9[%select_n3A_9, %dma_wait3A_1322, %multiple_of3A_1313, %dma_wait3A_1323] : memref<8x8x512x128xf32, #tpu.memory_space<hbm>> -> memref<1x8x8x128xf32, #tpu.memory_space<hbm>>
          %dma_wait3A_1325 = tpu.memref_squeeze %dma_wait3A_1324 : memref<1x8x8x128xf32, #tpu.memory_space<hbm>> -> memref<8x8x128xf32, #tpu.memory_space<hbm>>
          %dma_wait3A_1326 = arith.constant 0 : i32
          %dma_wait3A_1327 = arith.constant 0 : i32
          %dma_wait3A_1328 = tpu.memref_slice %arg9[%select_n3A_9, %dma_wait3A_1326, %multiple_of3A_1313, %dma_wait3A_1327] : memref<8x8x512x128xf32, #tpu.memory_space<hbm>> -> memref<1x8x8x128xf32, #tpu.memory_space<hbm>>
          %dma_wait3A_1329 = tpu.memref_squeeze %dma_wait3A_1328 : memref<1x8x8x128xf32, #tpu.memory_space<hbm>> -> memref<8x8x128xf32, #tpu.memory_space<hbm>>
          tpu.wait_dma2 semaphore(%run_scoped3A : memref<!tpu.dma_semaphore, #tpu.memory_space<semaphore_mem>>) src(%arg14 : memref<8x8x128xf32, #tpu.memory_space<vmem>>) dst(%dma_wait3A_1329 : memref<8x8x128xf32, #tpu.memory_space<hbm>>)
          tpu.yield
        }) : () -> ()
      } else {
      }
      %and3A_774 = arith.constant 63 : i32
      %and3A_775 = arith.andi %add3A_266, %and3A_774 : i32
      %eq3A_776 = arith.constant 63 : i32
      %eq3A_777 = arith.cmpi eq, %and3A_775, %eq3A_776 : i32
      %convert_element_type3A_778 = arith.extui %eq3A_777 : i1 to i32
      %cond3A_779 = arith.constant 0 : i32
      %cond3A_780 = arith.cmpi ne, %convert_element_type3A_778, %cond3A_779 : i32
      scf.if %cond3A_780 {
        %and3A_1310 = arith.constant -64 : i32
        %and3A_1311 = arith.andi %add3A_266, %and3A_1310 : i32
        %add3A_1312 = arith.addi %multiple_of3A_35, %and3A_1311 : i32
        %multiple_of3A_1313 = tpu.assume_multiple %add3A_1312, 64 : i32
        "tpu.region"() ({
          %run_scoped3A = tpu.sem_alloc : memref<!tpu.dma_semaphore, #tpu.memory_space<semaphore_mem>>
          %dma_start3A_1314 = arith.constant 0 : i32
          %dma_start3A_1315 = tpu.memref_slice %arg8[%select_n3A_9, %multiple_of3A_1313, %dma_start3A_1314] : memref<8x512x128xf32, #tpu.memory_space<hbm>> -> memref<1x64x128xf32, #tpu.memory_space<hbm>>
          %dma_start3A_1316 = tpu.memref_squeeze %dma_start3A_1315 : memref<1x64x128xf32, #tpu.memory_space<hbm>> -> memref<64x128xf32, #tpu.memory_space<hbm>>
          %dma_start3A_1317 = arith.constant 0 : i32
          %dma_start3A_1318 = tpu.memref_slice %arg8[%select_n3A_9, %multiple_of3A_1313, %dma_start3A_1317] : memref<8x512x128xf32, #tpu.memory_space<hbm>> -> memref<1x64x128xf32, #tpu.memory_space<hbm>>
          %dma_start3A_1319 = tpu.memref_squeeze %dma_start3A_1318 : memref<1x64x128xf32, #tpu.memory_space<hbm>> -> memref<64x128xf32, #tpu.memory_space<hbm>>
          tpu.enqueue_dma source(%arg13 : memref<64x128xf32, #tpu.memory_space<vmem>>) target(%dma_start3A_1319 : memref<64x128xf32, #tpu.memory_space<hbm>>) target_semaphore(%run_scoped3A : memref<!tpu.dma_semaphore, #tpu.memory_space<semaphore_mem>>)
          %dma_wait3A_1320 = arith.constant 0 : i32
          %dma_wait3A_1321 = tpu.memref_slice %arg8[%select_n3A_9, %multiple_of3A_1313, %dma_wait3A_1320] : memref<8x512x128xf32, #tpu.memory_space<hbm>> -> memref<1x64x128xf32, #tpu.memory_space<hbm>>
          %dma_wait3A_1322 = tpu.memref_squeeze %dma_wait3A_1321 : memref<1x64x128xf32, #tpu.memory_space<hbm>> -> memref<64x128xf32, #tpu.memory_space<hbm>>
          %dma_wait3A_1323 = arith.constant 0 : i32
          %dma_wait3A_1324 = tpu.memref_slice %arg8[%select_n3A_9, %multiple_of3A_1313, %dma_wait3A_1323] : memref<8x512x128xf32, #tpu.memory_space<hbm>> -> memref<1x64x128xf32, #tpu.memory_space<hbm>>
          %dma_wait3A_1325 = tpu.memref_squeeze %dma_wait3A_1324 : memref<1x64x128xf32, #tpu.memory_space<hbm>> -> memref<64x128xf32, #tpu.memory_space<hbm>>
          tpu.wait_dma2 semaphore(%run_scoped3A : memref<!tpu.dma_semaphore, #tpu.memory_space<semaphore_mem>>) src(%arg13 : memref<64x128xf32, #tpu.memory_space<vmem>>) dst(%dma_wait3A_1325 : memref<64x128xf32, #tpu.memory_space<hbm>>)
          tpu.yield
        }) : () -> ()
      } else {
      }
      %mul3A_781 = arith.constant 2 : i32
      %mul3A_782 = arith.muli %scan3A_261, %mul3A_781 : i32
      %add3A_783 = arith.constant 1 : i32
      %add3A_784 = arith.addi %mul3A_782, %add3A_783 : i32
      %add3A_785 = arith.addi %multiple_of3A_35, %add3A_784 : i32
      %jit3A_786 = arith.constant 32 : i32
      %div3A_787 = arith.divsi %add3A_785, %jit3A_786 : i32
      %sign3A_788 = arith.constant 0 : i32
      %sign3A_789 = arith.cmpi sgt, %add3A_785, %sign3A_788 : i32
      %sign3A_790 = arith.extui %sign3A_789 : i1 to i32
      %sign3A_791 = arith.constant 0 : i32
      %sign3A_792 = arith.cmpi slt, %add3A_785, %sign3A_791 : i32
      %sign3A_793 = arith.extui %sign3A_792 : i1 to i32
      %sign3A_794 = arith.subi %sign3A_790, %sign3A_793 : i32
      %sign3A_795 = arith.constant 0 : i32
      %sign3A_796 = arith.cmpi sgt, %jit3A_786, %sign3A_795 : i32
      %sign3A_797 = arith.extui %sign3A_796 : i1 to i32
      %sign3A_798 = arith.constant 0 : i32
      %sign3A_799 = arith.cmpi slt, %jit3A_786, %sign3A_798 : i32
      %sign3A_800 = arith.extui %sign3A_799 : i1 to i32
      %sign3A_801 = arith.subi %sign3A_797, %sign3A_800 : i32
      %ne3A_802 = arith.cmpi ne, %sign3A_794, %sign3A_801 : i32
      %rem3A_803 = arith.remsi %add3A_785, %jit3A_786 : i32
      %ne3A_804 = arith.constant 0 : i32
      %ne3A_805 = arith.cmpi ne, %rem3A_803, %ne3A_804 : i32
      %and3A_806 = arith.andi %ne3A_802, %ne3A_805 : i1
      %sub3A_807 = arith.constant 1 : i32
      %sub3A_808 = arith.subi %div3A_787, %sub3A_807 : i32
      %select_n3A_809 = arith.select %and3A_806, %sub3A_808, %div3A_787 : i32
      %jit3A_810 = arith.constant 32 : i32
      %eq3A_811 = arith.constant 0 : i32
      %eq3A_812 = arith.cmpi eq, %jit3A_810, %eq3A_811 : i32
      %jit3A_813 = arith.constant 1 : i32
      %select_n3A_814 = arith.select %eq3A_812, %jit3A_813, %jit3A_810 : i32
      %rem3A_815 = arith.remsi %add3A_785, %select_n3A_814 : i32
      %ne3A_816 = arith.constant 0 : i32
      %ne3A_817 = arith.cmpi ne, %rem3A_815, %ne3A_816 : i32
      %lt3A_818 = arith.constant 0 : i32
      %lt3A_819 = arith.cmpi slt, %rem3A_815, %lt3A_818 : i32
      %lt3A_820 = arith.constant 0 : i32
      %lt3A_821 = arith.cmpi slt, %select_n3A_814, %lt3A_820 : i32
      %ne3A_822 = arith.xori %lt3A_819, %lt3A_821 : i1
      %and3A_823 = arith.andi %ne3A_822, %ne3A_817 : i1
      %add3A_824 = arith.addi %rem3A_815, %select_n3A_814 : i32
      %select_n3A_825 = arith.select %and3A_823, %add3A_824, %rem3A_815 : i32
      %dma_wait3A_826 = arith.constant 0 : i32
      %dma_wait3A_827 = arith.constant 0 : i32
      %dma_wait3A_828 = tpu.memref_slice %arg2[%add3A_785, %dma_wait3A_826, %dma_wait3A_827] : memref<512x16x128xi32, #tpu.memory_space<hbm>> -> memref<1x16x128xi32, #tpu.memory_space<hbm>>
      %dma_wait3A_829 = tpu.memref_squeeze %dma_wait3A_828 : memref<1x16x128xi32, #tpu.memory_space<hbm>> -> memref<16x128xi32, #tpu.memory_space<hbm>>
      %dma_wait3A_830 = arith.constant 0 : i32
      %dma_wait3A_831 = arith.constant 0 : i32
      %dma_wait3A_832 = tpu.memref_slice %arg2[%add3A_785, %dma_wait3A_830, %dma_wait3A_831] : memref<512x16x128xi32, #tpu.memory_space<hbm>> -> memref<1x16x128xi32, #tpu.memory_space<hbm>>
      %dma_wait3A_833 = tpu.memref_squeeze %dma_wait3A_832 : memref<1x16x128xi32, #tpu.memory_space<hbm>> -> memref<16x128xi32, #tpu.memory_space<hbm>>
      tpu.wait_dma2 semaphore(%arg22 : memref<!tpu.dma_semaphore, #tpu.memory_space<semaphore_mem>>) src(%dma_wait3A_833 : memref<16x128xi32, #tpu.memory_space<hbm>>) dst(%arg16 : memref<16x128xi32, #tpu.memory_space<vmem>>)
      %dma_wait3A_834 = arith.constant 0 : i32
      %dma_wait3A_835 = arith.constant 0 : i32
      %dma_wait3A_836 = tpu.memref_slice %arg4[%add3A_785, %dma_wait3A_834, %dma_wait3A_835] : memref<512x8x128xi32, #tpu.memory_space<hbm>> -> memref<1x8x128xi32, #tpu.memory_space<hbm>>
      %dma_wait3A_837 = tpu.memref_squeeze %dma_wait3A_836 : memref<1x8x128xi32, #tpu.memory_space<hbm>> -> memref<8x128xi32, #tpu.memory_space<hbm>>
      %dma_wait3A_838 = arith.constant 0 : i32
      %dma_wait3A_839 = arith.constant 0 : i32
      %dma_wait3A_840 = tpu.memref_slice %arg4[%add3A_785, %dma_wait3A_838, %dma_wait3A_839] : memref<512x8x128xi32, #tpu.memory_space<hbm>> -> memref<1x8x128xi32, #tpu.memory_space<hbm>>
      %dma_wait3A_841 = tpu.memref_squeeze %dma_wait3A_840 : memref<1x8x128xi32, #tpu.memory_space<hbm>> -> memref<8x128xi32, #tpu.memory_space<hbm>>
      tpu.wait_dma2 semaphore(%arg24 : memref<!tpu.dma_semaphore, #tpu.memory_space<semaphore_mem>>) src(%dma_wait3A_841 : memref<8x128xi32, #tpu.memory_space<hbm>>) dst(%arg18 : memref<8x128xi32, #tpu.memory_space<vmem>>)
      %gt3A_842 = arith.constant 0 : i32
      %gt3A_843 = arith.cmpi sgt, %scan3A_261, %gt3A_842 : i32
      %convert_element_type3A_844 = arith.extui %gt3A_843 : i1 to i32
      %cond3A_845 = arith.constant 0 : i32
      %cond3A_846 = arith.cmpi ne, %convert_element_type3A_844, %cond3A_845 : i32
      scf.if %cond3A_846 {
        %sub3A_1310 = arith.constant 2 : i32
        %sub3A_1311 = arith.subi %add3A_785, %sub3A_1310 : i32
        %jit3A_1312 = arith.constant 32 : i32
        %div3A_1313 = arith.divsi %sub3A_1311, %jit3A_1312 : i32
        %sign3A_1314 = arith.constant 0 : i32
        %sign3A_1315 = arith.cmpi sgt, %sub3A_1311, %sign3A_1314 : i32
        %sign3A_1316 = arith.extui %sign3A_1315 : i1 to i32
        %sign3A_1317 = arith.constant 0 : i32
        %sign3A_1318 = arith.cmpi slt, %sub3A_1311, %sign3A_1317 : i32
        %sign3A_1319 = arith.extui %sign3A_1318 : i1 to i32
        %sign3A_1320 = arith.subi %sign3A_1316, %sign3A_1319 : i32
        %sign3A_1321 = arith.constant 0 : i32
        %sign3A_1322 = arith.cmpi sgt, %jit3A_1312, %sign3A_1321 : i32
        %sign3A_1323 = arith.extui %sign3A_1322 : i1 to i32
        %sign3A_1324 = arith.constant 0 : i32
        %sign3A_1325 = arith.cmpi slt, %jit3A_1312, %sign3A_1324 : i32
        %sign3A_1326 = arith.extui %sign3A_1325 : i1 to i32
        %sign3A_1327 = arith.subi %sign3A_1323, %sign3A_1326 : i32
        %ne3A_1328 = arith.cmpi ne, %sign3A_1320, %sign3A_1327 : i32
        %rem3A_1329 = arith.remsi %sub3A_1311, %jit3A_1312 : i32
        %ne3A_1330 = arith.constant 0 : i32
        %ne3A_1331 = arith.cmpi ne, %rem3A_1329, %ne3A_1330 : i32
        %and3A_1332 = arith.andi %ne3A_1328, %ne3A_1331 : i1
        %sub3A_1333 = arith.constant 1 : i32
        %sub3A_1334 = arith.subi %div3A_1313, %sub3A_1333 : i32
        %select_n3A_1335 = arith.select %and3A_1332, %sub3A_1334, %div3A_1313 : i32
        %jit3A_1336 = arith.constant 32 : i32
        %eq3A_1337 = arith.constant 0 : i32
        %eq3A_1338 = arith.cmpi eq, %jit3A_1336, %eq3A_1337 : i32
        %jit3A_1339 = arith.constant 1 : i32
        %select_n3A_1340 = arith.select %eq3A_1338, %jit3A_1339, %jit3A_1336 : i32
        %rem3A_1341 = arith.remsi %sub3A_1311, %select_n3A_1340 : i32
        %ne3A_1342 = arith.constant 0 : i32
        %ne3A_1343 = arith.cmpi ne, %rem3A_1341, %ne3A_1342 : i32
        %lt3A_1344 = arith.constant 0 : i32
        %lt3A_1345 = arith.cmpi slt, %rem3A_1341, %lt3A_1344 : i32
        %lt3A_1346 = arith.constant 0 : i32
        %lt3A_1347 = arith.cmpi slt, %select_n3A_1340, %lt3A_1346 : i32
        %ne3A_1348 = arith.xori %lt3A_1345, %lt3A_1347 : i1
        %and3A_1349 = arith.andi %ne3A_1348, %ne3A_1343 : i1
        %add3A_1350 = arith.addi %rem3A_1341, %select_n3A_1340 : i32
        %select_n3A_1351 = arith.select %and3A_1349, %add3A_1350, %rem3A_1341 : i32
        %dma_wait3A_1352 = arith.constant 0 : i32
        %dma_wait3A_1353 = arith.constant 0 : i32
        %dma_wait3A_1354 = tpu.memref_slice %arg7[%select_n3A_1335, %select_n3A_1351, %dma_wait3A_1352, %multiple_of3A, %dma_wait3A_1353] : memref<16x32x21x64x128xf32, #tpu.memory_space<hbm>> -> memref<1x1x21x8x128xf32, #tpu.memory_space<hbm>>
        %dma_wait3A_1355 = tpu.memref_squeeze %dma_wait3A_1354 : memref<1x1x21x8x128xf32, #tpu.memory_space<hbm>> -> memref<21x8x128xf32, #tpu.memory_space<hbm>>
        %dma_wait3A_1356 = arith.constant 0 : i32
        %dma_wait3A_1357 = arith.constant 0 : i32
        %dma_wait3A_1358 = tpu.memref_slice %arg7[%select_n3A_1335, %select_n3A_1351, %dma_wait3A_1356, %multiple_of3A, %dma_wait3A_1357] : memref<16x32x21x64x128xf32, #tpu.memory_space<hbm>> -> memref<1x1x21x8x128xf32, #tpu.memory_space<hbm>>
        %dma_wait3A_1359 = tpu.memref_squeeze %dma_wait3A_1358 : memref<1x1x21x8x128xf32, #tpu.memory_space<hbm>> -> memref<21x8x128xf32, #tpu.memory_space<hbm>>
        tpu.wait_dma2 semaphore(%arg26 : memref<!tpu.dma_semaphore, #tpu.memory_space<semaphore_mem>>) src(%arg20 : memref<21x8x128xf32, #tpu.memory_space<vmem>>) dst(%dma_wait3A_1359 : memref<21x8x128xf32, #tpu.memory_space<hbm>>)
      } else {
      }
      %parallel_loop3A_847 = arith.constant 0 : i32
      %parallel_loop3A_848 = arith.constant 21 : i32
      %parallel_loop3A_849 = arith.constant 1 : i32
      scf.for %parallel_loop3A_1310 = %parallel_loop3A_847 to %parallel_loop3A_848 step %parallel_loop3A_849  : i32 {
        %parallel_loop3A_1311 = vector.broadcast %parallel_loop3A_1310 : i32 to vector<16xi32>
        %parallel_loop3A_1312 = arith.constant 79 : i32
        %parallel_loop3A_1313 = arith.muli %parallel_loop3A_1310, %parallel_loop3A_1312 : i32
        %parallel_loop3A_1314 = vector.broadcast %parallel_loop3A_1313 : i32 to vector<16xi32>
        %parallel_loop3A_1315 = arith.addi %add3A_55, %parallel_loop3A_1314 : vector<16xi32>
        %parallel_loop3A_1316 = arith.constant 7 : i32
        %parallel_loop3A_1317 = vector.broadcast %parallel_loop3A_1316 : i32 to vector<16xi32>
        %parallel_loop3A_1318 = arith.shrsi %parallel_loop3A_1315, %parallel_loop3A_1317 : vector<16xi32>
        %parallel_loop3A_1319 = arith.constant 127 : i32
        %parallel_loop3A_1320 = vector.broadcast %parallel_loop3A_1319 : i32 to vector<16xi32>
        %parallel_loop3A_1321 = arith.andi %parallel_loop3A_1315, %parallel_loop3A_1320 : vector<16xi32>
        %parallel_loop3A_1322 = tpu.vector_load_idx %arg16[%parallel_loop3A_1318, %parallel_loop3A_1321] : memref<16x128xi32, #tpu.memory_space<vmem>>[vector<16xi32>, vector<16xi32>], vector<16xi32>,
        %parallel_loop3A_1323 = arith.constant 7 : i32
        %parallel_loop3A_1324 = vector.broadcast %parallel_loop3A_1323 : i32 to vector<16xi32>
        %parallel_loop3A_1325 = arith.shrsi %parallel_loop3A_1322, %parallel_loop3A_1324 : vector<16xi32>
        %parallel_loop3A_1326 = arith.constant 3 : i32
        %parallel_loop3A_1327 = vector.broadcast %parallel_loop3A_1326 : i32 to vector<16xi32>
        %parallel_loop3A_1328 = arith.shli %parallel_loop3A_1325, %parallel_loop3A_1327 : vector<16xi32>
        %parallel_loop3A_1329 = arith.constant 127 : i32
        %parallel_loop3A_1330 = vector.broadcast %parallel_loop3A_1329 : i32 to vector<16xi32>
        %parallel_loop3A_1331 = arith.andi %parallel_loop3A_1322, %parallel_loop3A_1330 : vector<16xi32>
        %parallel_loop3A_1332 = arith.constant 0 : i32
        %parallel_loop3A_1333 = vector.broadcast %parallel_loop3A_1332 : i32 to vector<16xi32>
        %parallel_loop3A_1334 = arith.addi %parallel_loop3A_1328, %parallel_loop3A_1333 : vector<16xi32>
        %parallel_loop3A_1335 = tpu.vector_load_idx %arg10[%parallel_loop3A_1334, %parallel_loop3A_1331] : memref<376x128xf32, #tpu.memory_space<vmem>>[vector<16xi32>, vector<16xi32>], vector<16xf32>,
        tpu.vector_store_idx %arg20[%parallel_loop3A_1311, %broadcast_in_dim3A_36, %add3A_55], %parallel_loop3A_1335 : memref<21x8x128xf32, #tpu.memory_space<vmem>>[vector<16xi32>, vector<16xi32>, vector<16xi32>], vector<16xf32>,
        %parallel_loop3A_1336 = arith.constant 1 : i32
        %parallel_loop3A_1337 = vector.broadcast %parallel_loop3A_1336 : i32 to vector<16xi32>
        %parallel_loop3A_1338 = arith.addi %parallel_loop3A_1328, %parallel_loop3A_1337 : vector<16xi32>
        %parallel_loop3A_1339 = tpu.vector_load_idx %arg10[%parallel_loop3A_1338, %parallel_loop3A_1331] : memref<376x128xf32, #tpu.memory_space<vmem>>[vector<16xi32>, vector<16xi32>], vector<16xf32>,
        tpu.vector_store_idx %arg20[%parallel_loop3A_1311, %broadcast_in_dim3A_38, %add3A_55], %parallel_loop3A_1339 : memref<21x8x128xf32, #tpu.memory_space<vmem>>[vector<16xi32>, vector<16xi32>, vector<16xi32>], vector<16xf32>,
        %parallel_loop3A_1340 = arith.constant 2 : i32
        %parallel_loop3A_1341 = vector.broadcast %parallel_loop3A_1340 : i32 to vector<16xi32>
        %parallel_loop3A_1342 = arith.addi %parallel_loop3A_1328, %parallel_loop3A_1341 : vector<16xi32>
        %parallel_loop3A_1343 = tpu.vector_load_idx %arg10[%parallel_loop3A_1342, %parallel_loop3A_1331] : memref<376x128xf32, #tpu.memory_space<vmem>>[vector<16xi32>, vector<16xi32>], vector<16xf32>,
        tpu.vector_store_idx %arg20[%parallel_loop3A_1311, %broadcast_in_dim3A_40, %add3A_55], %parallel_loop3A_1343 : memref<21x8x128xf32, #tpu.memory_space<vmem>>[vector<16xi32>, vector<16xi32>, vector<16xi32>], vector<16xf32>,
        %parallel_loop3A_1344 = arith.constant 3 : i32
        %parallel_loop3A_1345 = vector.broadcast %parallel_loop3A_1344 : i32 to vector<16xi32>
        %parallel_loop3A_1346 = arith.addi %parallel_loop3A_1328, %parallel_loop3A_1345 : vector<16xi32>
        %parallel_loop3A_1347 = tpu.vector_load_idx %arg10[%parallel_loop3A_1346, %parallel_loop3A_1331] : memref<376x128xf32, #tpu.memory_space<vmem>>[vector<16xi32>, vector<16xi32>], vector<16xf32>,
        tpu.vector_store_idx %arg20[%parallel_loop3A_1311, %broadcast_in_dim3A_42, %add3A_55], %parallel_loop3A_1347 : memref<21x8x128xf32, #tpu.memory_space<vmem>>[vector<16xi32>, vector<16xi32>, vector<16xi32>], vector<16xf32>,
        %parallel_loop3A_1348 = arith.constant 4 : i32
        %parallel_loop3A_1349 = vector.broadcast %parallel_loop3A_1348 : i32 to vector<16xi32>
        %parallel_loop3A_1350 = arith.addi %parallel_loop3A_1328, %parallel_loop3A_1349 : vector<16xi32>
        %parallel_loop3A_1351 = tpu.vector_load_idx %arg10[%parallel_loop3A_1350, %parallel_loop3A_1331] : memref<376x128xf32, #tpu.memory_space<vmem>>[vector<16xi32>, vector<16xi32>], vector<16xf32>,
        tpu.vector_store_idx %arg20[%parallel_loop3A_1311, %broadcast_in_dim3A_44, %add3A_55], %parallel_loop3A_1351 : memref<21x8x128xf32, #tpu.memory_space<vmem>>[vector<16xi32>, vector<16xi32>, vector<16xi32>], vector<16xf32>,
        %parallel_loop3A_1352 = arith.constant 5 : i32
        %parallel_loop3A_1353 = vector.broadcast %parallel_loop3A_1352 : i32 to vector<16xi32>
        %parallel_loop3A_1354 = arith.addi %parallel_loop3A_1328, %parallel_loop3A_1353 : vector<16xi32>
        %parallel_loop3A_1355 = tpu.vector_load_idx %arg10[%parallel_loop3A_1354, %parallel_loop3A_1331] : memref<376x128xf32, #tpu.memory_space<vmem>>[vector<16xi32>, vector<16xi32>], vector<16xf32>,
        tpu.vector_store_idx %arg20[%parallel_loop3A_1311, %broadcast_in_dim3A_46, %add3A_55], %parallel_loop3A_1355 : memref<21x8x128xf32, #tpu.memory_space<vmem>>[vector<16xi32>, vector<16xi32>, vector<16xi32>], vector<16xf32>,
        %parallel_loop3A_1356 = arith.constant 6 : i32
        %parallel_loop3A_1357 = vector.broadcast %parallel_loop3A_1356 : i32 to vector<16xi32>
        %parallel_loop3A_1358 = arith.addi %parallel_loop3A_1328, %parallel_loop3A_1357 : vector<16xi32>
        %parallel_loop3A_1359 = tpu.vector_load_idx %arg10[%parallel_loop3A_1358, %parallel_loop3A_1331] : memref<376x128xf32, #tpu.memory_space<vmem>>[vector<16xi32>, vector<16xi32>], vector<16xf32>,
        tpu.vector_store_idx %arg20[%parallel_loop3A_1311, %broadcast_in_dim3A_48, %add3A_55], %parallel_loop3A_1359 : memref<21x8x128xf32, #tpu.memory_space<vmem>>[vector<16xi32>, vector<16xi32>, vector<16xi32>], vector<16xf32>,
        %parallel_loop3A_1360 = arith.constant 7 : i32
        %parallel_loop3A_1361 = vector.broadcast %parallel_loop3A_1360 : i32 to vector<16xi32>
        %parallel_loop3A_1362 = arith.addi %parallel_loop3A_1328, %parallel_loop3A_1361 : vector<16xi32>
        %parallel_loop3A_1363 = tpu.vector_load_idx %arg10[%parallel_loop3A_1362, %parallel_loop3A_1331] : memref<376x128xf32, #tpu.memory_space<vmem>>[vector<16xi32>, vector<16xi32>], vector<16xf32>,
        tpu.vector_store_idx %arg20[%parallel_loop3A_1311, %broadcast_in_dim3A_50, %add3A_55], %parallel_loop3A_1363 : memref<21x8x128xf32, #tpu.memory_space<vmem>>[vector<16xi32>, vector<16xi32>, vector<16xi32>], vector<16xf32>,
        %parallel_loop3A_1364 = vector.broadcast %parallel_loop3A_1313 : i32 to vector<16xi32>
        %parallel_loop3A_1365 = arith.addi %add3A_58, %parallel_loop3A_1364 : vector<16xi32>
        %parallel_loop3A_1366 = arith.constant 7 : i32
        %parallel_loop3A_1367 = vector.broadcast %parallel_loop3A_1366 : i32 to vector<16xi32>
        %parallel_loop3A_1368 = arith.shrsi %parallel_loop3A_1365, %parallel_loop3A_1367 : vector<16xi32>
        %parallel_loop3A_1369 = arith.constant 127 : i32
        %parallel_loop3A_1370 = vector.broadcast %parallel_loop3A_1369 : i32 to vector<16xi32>
        %parallel_loop3A_1371 = arith.andi %parallel_loop3A_1365, %parallel_loop3A_1370 : vector<16xi32>
        %parallel_loop3A_1372 = tpu.vector_load_idx %arg16[%parallel_loop3A_1368, %parallel_loop3A_1371] : memref<16x128xi32, #tpu.memory_space<vmem>>[vector<16xi32>, vector<16xi32>], vector<16xi32>,
        %parallel_loop3A_1373 = arith.constant 7 : i32
        %parallel_loop3A_1374 = vector.broadcast %parallel_loop3A_1373 : i32 to vector<16xi32>
        %parallel_loop3A_1375 = arith.shrsi %parallel_loop3A_1372, %parallel_loop3A_1374 : vector<16xi32>
        %parallel_loop3A_1376 = arith.constant 3 : i32
        %parallel_loop3A_1377 = vector.broadcast %parallel_loop3A_1376 : i32 to vector<16xi32>
        %parallel_loop3A_1378 = arith.shli %parallel_loop3A_1375, %parallel_loop3A_1377 : vector<16xi32>
        %parallel_loop3A_1379 = arith.constant 127 : i32
        %parallel_loop3A_1380 = vector.broadcast %parallel_loop3A_1379 : i32 to vector<16xi32>
        %parallel_loop3A_1381 = arith.andi %parallel_loop3A_1372, %parallel_loop3A_1380 : vector<16xi32>
        %parallel_loop3A_1382 = arith.constant 0 : i32
        %parallel_loop3A_1383 = vector.broadcast %parallel_loop3A_1382 : i32 to vector<16xi32>
        %parallel_loop3A_1384 = arith.addi %parallel_loop3A_1378, %parallel_loop3A_1383 : vector<16xi32>
        %parallel_loop3A_1385 = tpu.vector_load_idx %arg10[%parallel_loop3A_1384, %parallel_loop3A_1381] : memref<376x128xf32, #tpu.memory_space<vmem>>[vector<16xi32>, vector<16xi32>], vector<16xf32>,
        tpu.vector_store_idx %arg20[%parallel_loop3A_1311, %broadcast_in_dim3A_36, %add3A_58], %parallel_loop3A_1385 : memref<21x8x128xf32, #tpu.memory_space<vmem>>[vector<16xi32>, vector<16xi32>, vector<16xi32>], vector<16xf32>,
        %parallel_loop3A_1386 = arith.constant 1 : i32
        %parallel_loop3A_1387 = vector.broadcast %parallel_loop3A_1386 : i32 to vector<16xi32>
        %parallel_loop3A_1388 = arith.addi %parallel_loop3A_1378, %parallel_loop3A_1387 : vector<16xi32>
        %parallel_loop3A_1389 = tpu.vector_load_idx %arg10[%parallel_loop3A_1388, %parallel_loop3A_1381] : memref<376x128xf32, #tpu.memory_space<vmem>>[vector<16xi32>, vector<16xi32>], vector<16xf32>,
        tpu.vector_store_idx %arg20[%parallel_loop3A_1311, %broadcast_in_dim3A_38, %add3A_58], %parallel_loop3A_1389 : memref<21x8x128xf32, #tpu.memory_space<vmem>>[vector<16xi32>, vector<16xi32>, vector<16xi32>], vector<16xf32>,
        %parallel_loop3A_1390 = arith.constant 2 : i32
        %parallel_loop3A_1391 = vector.broadcast %parallel_loop3A_1390 : i32 to vector<16xi32>
        %parallel_loop3A_1392 = arith.addi %parallel_loop3A_1378, %parallel_loop3A_1391 : vector<16xi32>
        %parallel_loop3A_1393 = tpu.vector_load_idx %arg10[%parallel_loop3A_1392, %parallel_loop3A_1381] : memref<376x128xf32, #tpu.memory_space<vmem>>[vector<16xi32>, vector<16xi32>], vector<16xf32>,
        tpu.vector_store_idx %arg20[%parallel_loop3A_1311, %broadcast_in_dim3A_40, %add3A_58], %parallel_loop3A_1393 : memref<21x8x128xf32, #tpu.memory_space<vmem>>[vector<16xi32>, vector<16xi32>, vector<16xi32>], vector<16xf32>,
        %parallel_loop3A_1394 = arith.constant 3 : i32
        %parallel_loop3A_1395 = vector.broadcast %parallel_loop3A_1394 : i32 to vector<16xi32>
        %parallel_loop3A_1396 = arith.addi %parallel_loop3A_1378, %parallel_loop3A_1395 : vector<16xi32>
        %parallel_loop3A_1397 = tpu.vector_load_idx %arg10[%parallel_loop3A_1396, %parallel_loop3A_1381] : memref<376x128xf32, #tpu.memory_space<vmem>>[vector<16xi32>, vector<16xi32>], vector<16xf32>,
        tpu.vector_store_idx %arg20[%parallel_loop3A_1311, %broadcast_in_dim3A_42, %add3A_58], %parallel_loop3A_1397 : memref<21x8x128xf32, #tpu.memory_space<vmem>>[vector<16xi32>, vector<16xi32>, vector<16xi32>], vector<16xf32>,
        %parallel_loop3A_1398 = arith.constant 4 : i32
        %parallel_loop3A_1399 = vector.broadcast %parallel_loop3A_1398 : i32 to vector<16xi32>
        %parallel_loop3A_1400 = arith.addi %parallel_loop3A_1378, %parallel_loop3A_1399 : vector<16xi32>
        %parallel_loop3A_1401 = tpu.vector_load_idx %arg10[%parallel_loop3A_1400, %parallel_loop3A_1381] : memref<376x128xf32, #tpu.memory_space<vmem>>[vector<16xi32>, vector<16xi32>], vector<16xf32>,
        tpu.vector_store_idx %arg20[%parallel_loop3A_1311, %broadcast_in_dim3A_44, %add3A_58], %parallel_loop3A_1401 : memref<21x8x128xf32, #tpu.memory_space<vmem>>[vector<16xi32>, vector<16xi32>, vector<16xi32>], vector<16xf32>,
        %parallel_loop3A_1402 = arith.constant 5 : i32
        %parallel_loop3A_1403 = vector.broadcast %parallel_loop3A_1402 : i32 to vector<16xi32>
        %parallel_loop3A_1404 = arith.addi %parallel_loop3A_1378, %parallel_loop3A_1403 : vector<16xi32>
        %parallel_loop3A_1405 = tpu.vector_load_idx %arg10[%parallel_loop3A_1404, %parallel_loop3A_1381] : memref<376x128xf32, #tpu.memory_space<vmem>>[vector<16xi32>, vector<16xi32>], vector<16xf32>,
        tpu.vector_store_idx %arg20[%parallel_loop3A_1311, %broadcast_in_dim3A_46, %add3A_58], %parallel_loop3A_1405 : memref<21x8x128xf32, #tpu.memory_space<vmem>>[vector<16xi32>, vector<16xi32>, vector<16xi32>], vector<16xf32>,
        %parallel_loop3A_1406 = arith.constant 6 : i32
        %parallel_loop3A_1407 = vector.broadcast %parallel_loop3A_1406 : i32 to vector<16xi32>
        %parallel_loop3A_1408 = arith.addi %parallel_loop3A_1378, %parallel_loop3A_1407 : vector<16xi32>
        %parallel_loop3A_1409 = tpu.vector_load_idx %arg10[%parallel_loop3A_1408, %parallel_loop3A_1381] : memref<376x128xf32, #tpu.memory_space<vmem>>[vector<16xi32>, vector<16xi32>], vector<16xf32>,
        tpu.vector_store_idx %arg20[%parallel_loop3A_1311, %broadcast_in_dim3A_48, %add3A_58], %parallel_loop3A_1409 : memref<21x8x128xf32, #tpu.memory_space<vmem>>[vector<16xi32>, vector<16xi32>, vector<16xi32>], vector<16xf32>,
        %parallel_loop3A_1410 = arith.constant 7 : i32
        %parallel_loop3A_1411 = vector.broadcast %parallel_loop3A_1410 : i32 to vector<16xi32>
        %parallel_loop3A_1412 = arith.addi %parallel_loop3A_1378, %parallel_loop3A_1411 : vector<16xi32>
        %parallel_loop3A_1413 = tpu.vector_load_idx %arg10[%parallel_loop3A_1412, %parallel_loop3A_1381] : memref<376x128xf32, #tpu.memory_space<vmem>>[vector<16xi32>, vector<16xi32>], vector<16xf32>,
        tpu.vector_store_idx %arg20[%parallel_loop3A_1311, %broadcast_in_dim3A_50, %add3A_58], %parallel_loop3A_1413 : memref<21x8x128xf32, #tpu.memory_space<vmem>>[vector<16xi32>, vector<16xi32>, vector<16xi32>], vector<16xf32>,
        %parallel_loop3A_1414 = vector.broadcast %parallel_loop3A_1313 : i32 to vector<16xi32>
        %parallel_loop3A_1415 = arith.addi %add3A_61, %parallel_loop3A_1414 : vector<16xi32>
        %parallel_loop3A_1416 = arith.constant 7 : i32
        %parallel_loop3A_1417 = vector.broadcast %parallel_loop3A_1416 : i32 to vector<16xi32>
        %parallel_loop3A_1418 = arith.shrsi %parallel_loop3A_1415, %parallel_loop3A_1417 : vector<16xi32>
        %parallel_loop3A_1419 = arith.constant 127 : i32
        %parallel_loop3A_1420 = vector.broadcast %parallel_loop3A_1419 : i32 to vector<16xi32>
        %parallel_loop3A_1421 = arith.andi %parallel_loop3A_1415, %parallel_loop3A_1420 : vector<16xi32>
        %parallel_loop3A_1422 = tpu.vector_load_idx %arg16[%parallel_loop3A_1418, %parallel_loop3A_1421] : memref<16x128xi32, #tpu.memory_space<vmem>>[vector<16xi32>, vector<16xi32>], vector<16xi32>,
        %parallel_loop3A_1423 = arith.constant 7 : i32
        %parallel_loop3A_1424 = vector.broadcast %parallel_loop3A_1423 : i32 to vector<16xi32>
        %parallel_loop3A_1425 = arith.shrsi %parallel_loop3A_1422, %parallel_loop3A_1424 : vector<16xi32>
        %parallel_loop3A_1426 = arith.constant 3 : i32
        %parallel_loop3A_1427 = vector.broadcast %parallel_loop3A_1426 : i32 to vector<16xi32>
        %parallel_loop3A_1428 = arith.shli %parallel_loop3A_1425, %parallel_loop3A_1427 : vector<16xi32>
        %parallel_loop3A_1429 = arith.constant 127 : i32
        %parallel_loop3A_1430 = vector.broadcast %parallel_loop3A_1429 : i32 to vector<16xi32>
        %parallel_loop3A_1431 = arith.andi %parallel_loop3A_1422, %parallel_loop3A_1430 : vector<16xi32>
        %parallel_loop3A_1432 = arith.constant 0 : i32
        %parallel_loop3A_1433 = vector.broadcast %parallel_loop3A_1432 : i32 to vector<16xi32>
        %parallel_loop3A_1434 = arith.addi %parallel_loop3A_1428, %parallel_loop3A_1433 : vector<16xi32>
        %parallel_loop3A_1435 = tpu.vector_load_idx %arg10[%parallel_loop3A_1434, %parallel_loop3A_1431] : memref<376x128xf32, #tpu.memory_space<vmem>>[vector<16xi32>, vector<16xi32>], vector<16xf32>,
        tpu.vector_store_idx %arg20[%parallel_loop3A_1311, %broadcast_in_dim3A_36, %add3A_61], %parallel_loop3A_1435 : memref<21x8x128xf32, #tpu.memory_space<vmem>>[vector<16xi32>, vector<16xi32>, vector<16xi32>], vector<16xf32>,
        %parallel_loop3A_1436 = arith.constant 1 : i32
        %parallel_loop3A_1437 = vector.broadcast %parallel_loop3A_1436 : i32 to vector<16xi32>
        %parallel_loop3A_1438 = arith.addi %parallel_loop3A_1428, %parallel_loop3A_1437 : vector<16xi32>
        %parallel_loop3A_1439 = tpu.vector_load_idx %arg10[%parallel_loop3A_1438, %parallel_loop3A_1431] : memref<376x128xf32, #tpu.memory_space<vmem>>[vector<16xi32>, vector<16xi32>], vector<16xf32>,
        tpu.vector_store_idx %arg20[%parallel_loop3A_1311, %broadcast_in_dim3A_38, %add3A_61], %parallel_loop3A_1439 : memref<21x8x128xf32, #tpu.memory_space<vmem>>[vector<16xi32>, vector<16xi32>, vector<16xi32>], vector<16xf32>,
        %parallel_loop3A_1440 = arith.constant 2 : i32
        %parallel_loop3A_1441 = vector.broadcast %parallel_loop3A_1440 : i32 to vector<16xi32>
        %parallel_loop3A_1442 = arith.addi %parallel_loop3A_1428, %parallel_loop3A_1441 : vector<16xi32>
        %parallel_loop3A_1443 = tpu.vector_load_idx %arg10[%parallel_loop3A_1442, %parallel_loop3A_1431] : memref<376x128xf32, #tpu.memory_space<vmem>>[vector<16xi32>, vector<16xi32>], vector<16xf32>,
        tpu.vector_store_idx %arg20[%parallel_loop3A_1311, %broadcast_in_dim3A_40, %add3A_61], %parallel_loop3A_1443 : memref<21x8x128xf32, #tpu.memory_space<vmem>>[vector<16xi32>, vector<16xi32>, vector<16xi32>], vector<16xf32>,
        %parallel_loop3A_1444 = arith.constant 3 : i32
        %parallel_loop3A_1445 = vector.broadcast %parallel_loop3A_1444 : i32 to vector<16xi32>
        %parallel_loop3A_1446 = arith.addi %parallel_loop3A_1428, %parallel_loop3A_1445 : vector<16xi32>
        %parallel_loop3A_1447 = tpu.vector_load_idx %arg10[%parallel_loop3A_1446, %parallel_loop3A_1431] : memref<376x128xf32, #tpu.memory_space<vmem>>[vector<16xi32>, vector<16xi32>], vector<16xf32>,
        tpu.vector_store_idx %arg20[%parallel_loop3A_1311, %broadcast_in_dim3A_42, %add3A_61], %parallel_loop3A_1447 : memref<21x8x128xf32, #tpu.memory_space<vmem>>[vector<16xi32>, vector<16xi32>, vector<16xi32>], vector<16xf32>,
        %parallel_loop3A_1448 = arith.constant 4 : i32
        %parallel_loop3A_1449 = vector.broadcast %parallel_loop3A_1448 : i32 to vector<16xi32>
        %parallel_loop3A_1450 = arith.addi %parallel_loop3A_1428, %parallel_loop3A_1449 : vector<16xi32>
        %parallel_loop3A_1451 = tpu.vector_load_idx %arg10[%parallel_loop3A_1450, %parallel_loop3A_1431] : memref<376x128xf32, #tpu.memory_space<vmem>>[vector<16xi32>, vector<16xi32>], vector<16xf32>,
        tpu.vector_store_idx %arg20[%parallel_loop3A_1311, %broadcast_in_dim3A_44, %add3A_61], %parallel_loop3A_1451 : memref<21x8x128xf32, #tpu.memory_space<vmem>>[vector<16xi32>, vector<16xi32>, vector<16xi32>], vector<16xf32>,
        %parallel_loop3A_1452 = arith.constant 5 : i32
        %parallel_loop3A_1453 = vector.broadcast %parallel_loop3A_1452 : i32 to vector<16xi32>
        %parallel_loop3A_1454 = arith.addi %parallel_loop3A_1428, %parallel_loop3A_1453 : vector<16xi32>
        %parallel_loop3A_1455 = tpu.vector_load_idx %arg10[%parallel_loop3A_1454, %parallel_loop3A_1431] : memref<376x128xf32, #tpu.memory_space<vmem>>[vector<16xi32>, vector<16xi32>], vector<16xf32>,
        tpu.vector_store_idx %arg20[%parallel_loop3A_1311, %broadcast_in_dim3A_46, %add3A_61], %parallel_loop3A_1455 : memref<21x8x128xf32, #tpu.memory_space<vmem>>[vector<16xi32>, vector<16xi32>, vector<16xi32>], vector<16xf32>,
        %parallel_loop3A_1456 = arith.constant 6 : i32
        %parallel_loop3A_1457 = vector.broadcast %parallel_loop3A_1456 : i32 to vector<16xi32>
        %parallel_loop3A_1458 = arith.addi %parallel_loop3A_1428, %parallel_loop3A_1457 : vector<16xi32>
        %parallel_loop3A_1459 = tpu.vector_load_idx %arg10[%parallel_loop3A_1458, %parallel_loop3A_1431] : memref<376x128xf32, #tpu.memory_space<vmem>>[vector<16xi32>, vector<16xi32>], vector<16xf32>,
        tpu.vector_store_idx %arg20[%parallel_loop3A_1311, %broadcast_in_dim3A_48, %add3A_61], %parallel_loop3A_1459 : memref<21x8x128xf32, #tpu.memory_space<vmem>>[vector<16xi32>, vector<16xi32>, vector<16xi32>], vector<16xf32>,
        %parallel_loop3A_1460 = arith.constant 7 : i32
        %parallel_loop3A_1461 = vector.broadcast %parallel_loop3A_1460 : i32 to vector<16xi32>
        %parallel_loop3A_1462 = arith.addi %parallel_loop3A_1428, %parallel_loop3A_1461 : vector<16xi32>
        %parallel_loop3A_1463 = tpu.vector_load_idx %arg10[%parallel_loop3A_1462, %parallel_loop3A_1431] : memref<376x128xf32, #tpu.memory_space<vmem>>[vector<16xi32>, vector<16xi32>], vector<16xf32>,
        tpu.vector_store_idx %arg20[%parallel_loop3A_1311, %broadcast_in_dim3A_50, %add3A_61], %parallel_loop3A_1463 : memref<21x8x128xf32, #tpu.memory_space<vmem>>[vector<16xi32>, vector<16xi32>, vector<16xi32>], vector<16xf32>,
        %parallel_loop3A_1464 = vector.broadcast %parallel_loop3A_1313 : i32 to vector<16xi32>
        %parallel_loop3A_1465 = arith.addi %add3A_64, %parallel_loop3A_1464 : vector<16xi32>
        %parallel_loop3A_1466 = arith.constant 7 : i32
        %parallel_loop3A_1467 = vector.broadcast %parallel_loop3A_1466 : i32 to vector<16xi32>
        %parallel_loop3A_1468 = arith.shrsi %parallel_loop3A_1465, %parallel_loop3A_1467 : vector<16xi32>
        %parallel_loop3A_1469 = arith.constant 127 : i32
        %parallel_loop3A_1470 = vector.broadcast %parallel_loop3A_1469 : i32 to vector<16xi32>
        %parallel_loop3A_1471 = arith.andi %parallel_loop3A_1465, %parallel_loop3A_1470 : vector<16xi32>
        %parallel_loop3A_1472 = tpu.vector_load_idx %arg16[%parallel_loop3A_1468, %parallel_loop3A_1471] : memref<16x128xi32, #tpu.memory_space<vmem>>[vector<16xi32>, vector<16xi32>], vector<16xi32>,
        %parallel_loop3A_1473 = arith.constant 7 : i32
        %parallel_loop3A_1474 = vector.broadcast %parallel_loop3A_1473 : i32 to vector<16xi32>
        %parallel_loop3A_1475 = arith.shrsi %parallel_loop3A_1472, %parallel_loop3A_1474 : vector<16xi32>
        %parallel_loop3A_1476 = arith.constant 3 : i32
        %parallel_loop3A_1477 = vector.broadcast %parallel_loop3A_1476 : i32 to vector<16xi32>
        %parallel_loop3A_1478 = arith.shli %parallel_loop3A_1475, %parallel_loop3A_1477 : vector<16xi32>
        %parallel_loop3A_1479 = arith.constant 127 : i32
        %parallel_loop3A_1480 = vector.broadcast %parallel_loop3A_1479 : i32 to vector<16xi32>
        %parallel_loop3A_1481 = arith.andi %parallel_loop3A_1472, %parallel_loop3A_1480 : vector<16xi32>
        %parallel_loop3A_1482 = arith.constant 0 : i32
        %parallel_loop3A_1483 = vector.broadcast %parallel_loop3A_1482 : i32 to vector<16xi32>
        %parallel_loop3A_1484 = arith.addi %parallel_loop3A_1478, %parallel_loop3A_1483 : vector<16xi32>
        %parallel_loop3A_1485 = tpu.vector_load_idx %arg10[%parallel_loop3A_1484, %parallel_loop3A_1481] : memref<376x128xf32, #tpu.memory_space<vmem>>[vector<16xi32>, vector<16xi32>], vector<16xf32>,
        tpu.vector_store_idx %arg20[%parallel_loop3A_1311, %broadcast_in_dim3A_36, %add3A_64], %parallel_loop3A_1485 : memref<21x8x128xf32, #tpu.memory_space<vmem>>[vector<16xi32>, vector<16xi32>, vector<16xi32>], vector<16xf32>,
        %parallel_loop3A_1486 = arith.constant 1 : i32
        %parallel_loop3A_1487 = vector.broadcast %parallel_loop3A_1486 : i32 to vector<16xi32>
        %parallel_loop3A_1488 = arith.addi %parallel_loop3A_1478, %parallel_loop3A_1487 : vector<16xi32>
        %parallel_loop3A_1489 = tpu.vector_load_idx %arg10[%parallel_loop3A_1488, %parallel_loop3A_1481] : memref<376x128xf32, #tpu.memory_space<vmem>>[vector<16xi32>, vector<16xi32>], vector<16xf32>,
        tpu.vector_store_idx %arg20[%parallel_loop3A_1311, %broadcast_in_dim3A_38, %add3A_64], %parallel_loop3A_1489 : memref<21x8x128xf32, #tpu.memory_space<vmem>>[vector<16xi32>, vector<16xi32>, vector<16xi32>], vector<16xf32>,
        %parallel_loop3A_1490 = arith.constant 2 : i32
        %parallel_loop3A_1491 = vector.broadcast %parallel_loop3A_1490 : i32 to vector<16xi32>
        %parallel_loop3A_1492 = arith.addi %parallel_loop3A_1478, %parallel_loop3A_1491 : vector<16xi32>
        %parallel_loop3A_1493 = tpu.vector_load_idx %arg10[%parallel_loop3A_1492, %parallel_loop3A_1481] : memref<376x128xf32, #tpu.memory_space<vmem>>[vector<16xi32>, vector<16xi32>], vector<16xf32>,
        tpu.vector_store_idx %arg20[%parallel_loop3A_1311, %broadcast_in_dim3A_40, %add3A_64], %parallel_loop3A_1493 : memref<21x8x128xf32, #tpu.memory_space<vmem>>[vector<16xi32>, vector<16xi32>, vector<16xi32>], vector<16xf32>,
        %parallel_loop3A_1494 = arith.constant 3 : i32
        %parallel_loop3A_1495 = vector.broadcast %parallel_loop3A_1494 : i32 to vector<16xi32>
        %parallel_loop3A_1496 = arith.addi %parallel_loop3A_1478, %parallel_loop3A_1495 : vector<16xi32>
        %parallel_loop3A_1497 = tpu.vector_load_idx %arg10[%parallel_loop3A_1496, %parallel_loop3A_1481] : memref<376x128xf32, #tpu.memory_space<vmem>>[vector<16xi32>, vector<16xi32>], vector<16xf32>,
        tpu.vector_store_idx %arg20[%parallel_loop3A_1311, %broadcast_in_dim3A_42, %add3A_64], %parallel_loop3A_1497 : memref<21x8x128xf32, #tpu.memory_space<vmem>>[vector<16xi32>, vector<16xi32>, vector<16xi32>], vector<16xf32>,
        %parallel_loop3A_1498 = arith.constant 4 : i32
        %parallel_loop3A_1499 = vector.broadcast %parallel_loop3A_1498 : i32 to vector<16xi32>
        %parallel_loop3A_1500 = arith.addi %parallel_loop3A_1478, %parallel_loop3A_1499 : vector<16xi32>
        %parallel_loop3A_1501 = tpu.vector_load_idx %arg10[%parallel_loop3A_1500, %parallel_loop3A_1481] : memref<376x128xf32, #tpu.memory_space<vmem>>[vector<16xi32>, vector<16xi32>], vector<16xf32>,
        tpu.vector_store_idx %arg20[%parallel_loop3A_1311, %broadcast_in_dim3A_44, %add3A_64], %parallel_loop3A_1501 : memref<21x8x128xf32, #tpu.memory_space<vmem>>[vector<16xi32>, vector<16xi32>, vector<16xi32>], vector<16xf32>,
        %parallel_loop3A_1502 = arith.constant 5 : i32
        %parallel_loop3A_1503 = vector.broadcast %parallel_loop3A_1502 : i32 to vector<16xi32>
        %parallel_loop3A_1504 = arith.addi %parallel_loop3A_1478, %parallel_loop3A_1503 : vector<16xi32>
        %parallel_loop3A_1505 = tpu.vector_load_idx %arg10[%parallel_loop3A_1504, %parallel_loop3A_1481] : memref<376x128xf32, #tpu.memory_space<vmem>>[vector<16xi32>, vector<16xi32>], vector<16xf32>,
        tpu.vector_store_idx %arg20[%parallel_loop3A_1311, %broadcast_in_dim3A_46, %add3A_64], %parallel_loop3A_1505 : memref<21x8x128xf32, #tpu.memory_space<vmem>>[vector<16xi32>, vector<16xi32>, vector<16xi32>], vector<16xf32>,
        %parallel_loop3A_1506 = arith.constant 6 : i32
        %parallel_loop3A_1507 = vector.broadcast %parallel_loop3A_1506 : i32 to vector<16xi32>
        %parallel_loop3A_1508 = arith.addi %parallel_loop3A_1478, %parallel_loop3A_1507 : vector<16xi32>
        %parallel_loop3A_1509 = tpu.vector_load_idx %arg10[%parallel_loop3A_1508, %parallel_loop3A_1481] : memref<376x128xf32, #tpu.memory_space<vmem>>[vector<16xi32>, vector<16xi32>], vector<16xf32>,
        tpu.vector_store_idx %arg20[%parallel_loop3A_1311, %broadcast_in_dim3A_48, %add3A_64], %parallel_loop3A_1509 : memref<21x8x128xf32, #tpu.memory_space<vmem>>[vector<16xi32>, vector<16xi32>, vector<16xi32>], vector<16xf32>,
        %parallel_loop3A_1510 = arith.constant 7 : i32
        %parallel_loop3A_1511 = vector.broadcast %parallel_loop3A_1510 : i32 to vector<16xi32>
        %parallel_loop3A_1512 = arith.addi %parallel_loop3A_1478, %parallel_loop3A_1511 : vector<16xi32>
        %parallel_loop3A_1513 = tpu.vector_load_idx %arg10[%parallel_loop3A_1512, %parallel_loop3A_1481] : memref<376x128xf32, #tpu.memory_space<vmem>>[vector<16xi32>, vector<16xi32>], vector<16xf32>,
        tpu.vector_store_idx %arg20[%parallel_loop3A_1311, %broadcast_in_dim3A_50, %add3A_64], %parallel_loop3A_1513 : memref<21x8x128xf32, #tpu.memory_space<vmem>>[vector<16xi32>, vector<16xi32>, vector<16xi32>], vector<16xf32>,
        %parallel_loop3A_1514 = vector.broadcast %parallel_loop3A_1313 : i32 to vector<16xi32>
        %parallel_loop3A_1515 = arith.addi %add3A_67, %parallel_loop3A_1514 : vector<16xi32>
        %parallel_loop3A_1516 = arith.constant 7 : i32
        %parallel_loop3A_1517 = vector.broadcast %parallel_loop3A_1516 : i32 to vector<16xi32>
        %parallel_loop3A_1518 = arith.shrsi %parallel_loop3A_1515, %parallel_loop3A_1517 : vector<16xi32>
        %parallel_loop3A_1519 = arith.constant 127 : i32
        %parallel_loop3A_1520 = vector.broadcast %parallel_loop3A_1519 : i32 to vector<16xi32>
        %parallel_loop3A_1521 = arith.andi %parallel_loop3A_1515, %parallel_loop3A_1520 : vector<16xi32>
        %parallel_loop3A_1522 = tpu.vector_load_idx %arg16[%parallel_loop3A_1518, %parallel_loop3A_1521] : memref<16x128xi32, #tpu.memory_space<vmem>>[vector<16xi32>, vector<16xi32>], vector<16xi32>,
        %parallel_loop3A_1523 = arith.constant 7 : i32
        %parallel_loop3A_1524 = vector.broadcast %parallel_loop3A_1523 : i32 to vector<16xi32>
        %parallel_loop3A_1525 = arith.shrsi %parallel_loop3A_1522, %parallel_loop3A_1524 : vector<16xi32>
        %parallel_loop3A_1526 = arith.constant 3 : i32
        %parallel_loop3A_1527 = vector.broadcast %parallel_loop3A_1526 : i32 to vector<16xi32>
        %parallel_loop3A_1528 = arith.shli %parallel_loop3A_1525, %parallel_loop3A_1527 : vector<16xi32>
        %parallel_loop3A_1529 = arith.constant 127 : i32
        %parallel_loop3A_1530 = vector.broadcast %parallel_loop3A_1529 : i32 to vector<16xi32>
        %parallel_loop3A_1531 = arith.andi %parallel_loop3A_1522, %parallel_loop3A_1530 : vector<16xi32>
        %parallel_loop3A_1532 = arith.constant 0 : i32
        %parallel_loop3A_1533 = vector.broadcast %parallel_loop3A_1532 : i32 to vector<16xi32>
        %parallel_loop3A_1534 = arith.addi %parallel_loop3A_1528, %parallel_loop3A_1533 : vector<16xi32>
        %parallel_loop3A_1535 = tpu.vector_load_idx %arg10[%parallel_loop3A_1534, %parallel_loop3A_1531] : memref<376x128xf32, #tpu.memory_space<vmem>>[vector<16xi32>, vector<16xi32>], vector<16xf32>,
        tpu.vector_store_idx %arg20[%parallel_loop3A_1311, %broadcast_in_dim3A_36, %add3A_67], %parallel_loop3A_1535 masked %lt3A_70 : memref<21x8x128xf32, #tpu.memory_space<vmem>>[vector<16xi32>, vector<16xi32>, vector<16xi32>], vector<16xf32>, vector<16xi1>
        %parallel_loop3A_1536 = arith.constant 1 : i32
        %parallel_loop3A_1537 = vector.broadcast %parallel_loop3A_1536 : i32 to vector<16xi32>
        %parallel_loop3A_1538 = arith.addi %parallel_loop3A_1528, %parallel_loop3A_1537 : vector<16xi32>
        %parallel_loop3A_1539 = tpu.vector_load_idx %arg10[%parallel_loop3A_1538, %parallel_loop3A_1531] : memref<376x128xf32, #tpu.memory_space<vmem>>[vector<16xi32>, vector<16xi32>], vector<16xf32>,
        tpu.vector_store_idx %arg20[%parallel_loop3A_1311, %broadcast_in_dim3A_38, %add3A_67], %parallel_loop3A_1539 masked %lt3A_70 : memref<21x8x128xf32, #tpu.memory_space<vmem>>[vector<16xi32>, vector<16xi32>, vector<16xi32>], vector<16xf32>, vector<16xi1>
        %parallel_loop3A_1540 = arith.constant 2 : i32
        %parallel_loop3A_1541 = vector.broadcast %parallel_loop3A_1540 : i32 to vector<16xi32>
        %parallel_loop3A_1542 = arith.addi %parallel_loop3A_1528, %parallel_loop3A_1541 : vector<16xi32>
        %parallel_loop3A_1543 = tpu.vector_load_idx %arg10[%parallel_loop3A_1542, %parallel_loop3A_1531] : memref<376x128xf32, #tpu.memory_space<vmem>>[vector<16xi32>, vector<16xi32>], vector<16xf32>,
        tpu.vector_store_idx %arg20[%parallel_loop3A_1311, %broadcast_in_dim3A_40, %add3A_67], %parallel_loop3A_1543 masked %lt3A_70 : memref<21x8x128xf32, #tpu.memory_space<vmem>>[vector<16xi32>, vector<16xi32>, vector<16xi32>], vector<16xf32>, vector<16xi1>
        %parallel_loop3A_1544 = arith.constant 3 : i32
        %parallel_loop3A_1545 = vector.broadcast %parallel_loop3A_1544 : i32 to vector<16xi32>
        %parallel_loop3A_1546 = arith.addi %parallel_loop3A_1528, %parallel_loop3A_1545 : vector<16xi32>
        %parallel_loop3A_1547 = tpu.vector_load_idx %arg10[%parallel_loop3A_1546, %parallel_loop3A_1531] : memref<376x128xf32, #tpu.memory_space<vmem>>[vector<16xi32>, vector<16xi32>], vector<16xf32>,
        tpu.vector_store_idx %arg20[%parallel_loop3A_1311, %broadcast_in_dim3A_42, %add3A_67], %parallel_loop3A_1547 masked %lt3A_70 : memref<21x8x128xf32, #tpu.memory_space<vmem>>[vector<16xi32>, vector<16xi32>, vector<16xi32>], vector<16xf32>, vector<16xi1>
        %parallel_loop3A_1548 = arith.constant 4 : i32
        %parallel_loop3A_1549 = vector.broadcast %parallel_loop3A_1548 : i32 to vector<16xi32>
        %parallel_loop3A_1550 = arith.addi %parallel_loop3A_1528, %parallel_loop3A_1549 : vector<16xi32>
        %parallel_loop3A_1551 = tpu.vector_load_idx %arg10[%parallel_loop3A_1550, %parallel_loop3A_1531] : memref<376x128xf32, #tpu.memory_space<vmem>>[vector<16xi32>, vector<16xi32>], vector<16xf32>,
        tpu.vector_store_idx %arg20[%parallel_loop3A_1311, %broadcast_in_dim3A_44, %add3A_67], %parallel_loop3A_1551 masked %lt3A_70 : memref<21x8x128xf32, #tpu.memory_space<vmem>>[vector<16xi32>, vector<16xi32>, vector<16xi32>], vector<16xf32>, vector<16xi1>
        %parallel_loop3A_1552 = arith.constant 5 : i32
        %parallel_loop3A_1553 = vector.broadcast %parallel_loop3A_1552 : i32 to vector<16xi32>
        %parallel_loop3A_1554 = arith.addi %parallel_loop3A_1528, %parallel_loop3A_1553 : vector<16xi32>
        %parallel_loop3A_1555 = tpu.vector_load_idx %arg10[%parallel_loop3A_1554, %parallel_loop3A_1531] : memref<376x128xf32, #tpu.memory_space<vmem>>[vector<16xi32>, vector<16xi32>], vector<16xf32>,
        tpu.vector_store_idx %arg20[%parallel_loop3A_1311, %broadcast_in_dim3A_46, %add3A_67], %parallel_loop3A_1555 masked %lt3A_70 : memref<21x8x128xf32, #tpu.memory_space<vmem>>[vector<16xi32>, vector<16xi32>, vector<16xi32>], vector<16xf32>, vector<16xi1>
        %parallel_loop3A_1556 = arith.constant 6 : i32
        %parallel_loop3A_1557 = vector.broadcast %parallel_loop3A_1556 : i32 to vector<16xi32>
        %parallel_loop3A_1558 = arith.addi %parallel_loop3A_1528, %parallel_loop3A_1557 : vector<16xi32>
        %parallel_loop3A_1559 = tpu.vector_load_idx %arg10[%parallel_loop3A_1558, %parallel_loop3A_1531] : memref<376x128xf32, #tpu.memory_space<vmem>>[vector<16xi32>, vector<16xi32>], vector<16xf32>,
        tpu.vector_store_idx %arg20[%parallel_loop3A_1311, %broadcast_in_dim3A_48, %add3A_67], %parallel_loop3A_1559 masked %lt3A_70 : memref<21x8x128xf32, #tpu.memory_space<vmem>>[vector<16xi32>, vector<16xi32>, vector<16xi32>], vector<16xf32>, vector<16xi1>
        %parallel_loop3A_1560 = arith.constant 7 : i32
        %parallel_loop3A_1561 = vector.broadcast %parallel_loop3A_1560 : i32 to vector<16xi32>
        %parallel_loop3A_1562 = arith.addi %parallel_loop3A_1528, %parallel_loop3A_1561 : vector<16xi32>
        %parallel_loop3A_1563 = tpu.vector_load_idx %arg10[%parallel_loop3A_1562, %parallel_loop3A_1531] : memref<376x128xf32, #tpu.memory_space<vmem>>[vector<16xi32>, vector<16xi32>], vector<16xf32>,
        tpu.vector_store_idx %arg20[%parallel_loop3A_1311, %broadcast_in_dim3A_50, %add3A_67], %parallel_loop3A_1563 masked %lt3A_70 : memref<21x8x128xf32, #tpu.memory_space<vmem>>[vector<16xi32>, vector<16xi32>, vector<16xi32>], vector<16xf32>, vector<16xi1>
      } {sc.loop_unroll_factor = 1 : i64, sc.parallel_access}
      %broadcast_in_dim3A_850 = vector.broadcast %add3A_784 : i32 to vector<16xi32>
      %gather3A_851 = tpu.vector_load_idx %arg11[%broadcast_in_dim3A_850] : memref<128xi32, #tpu.memory_space<vmem>>[vector<16xi32>], vector<16xi32>,
      %jit3A_852 = arith.constant 0 : i32
      %jit3A_853 = arith.constant 20 : i32
      %max3A_854 = vector.broadcast %jit3A_852 : i32 to vector<16xi32>
      %max3A_855 = arith.maxsi %max3A_854, %gather3A_851 : vector<16xi32>
      %min3A_856 = vector.broadcast %jit3A_853 : i32 to vector<16xi32>
      %min3A_857 = arith.minsi %min3A_856, %max3A_855 : vector<16xi32>
      %gather3A_858 = tpu.vector_load_idx %arg12[%broadcast_in_dim3A_850] : memref<128xi32, #tpu.memory_space<vmem>>[vector<16xi32>], vector<16xi32>,
      %jit3A_859 = arith.constant 0 : i32
      %jit3A_860 = arith.constant 78 : i32
      %max3A_861 = vector.broadcast %jit3A_859 : i32 to vector<16xi32>
      %max3A_862 = arith.maxsi %max3A_861, %gather3A_858 : vector<16xi32>
      %min3A_863 = vector.broadcast %jit3A_860 : i32 to vector<16xi32>
      %min3A_864 = arith.minsi %min3A_863, %max3A_862 : vector<16xi32>
      %sub3A_865 = arith.constant 1 : i32
      %sub3A_866 = vector.broadcast %sub3A_865 : i32 to vector<16xi32>
      %sub3A_867 = arith.subi %min3A_857, %sub3A_866 : vector<16xi32>
      %add3A_868 = arith.addi %sub3A_867, %select_n3A_101 : vector<16xi32>
      %sub3A_869 = arith.constant 1 : i32
      %sub3A_870 = vector.broadcast %sub3A_869 : i32 to vector<16xi32>
      %sub3A_871 = arith.subi %min3A_864, %sub3A_870 : vector<16xi32>
      %add3A_872 = arith.addi %sub3A_871, %sub3A_105 : vector<16xi32>
      %ge3A_873 = arith.constant 0 : i32
      %ge3A_874 = vector.broadcast %ge3A_873 : i32 to vector<16xi32>
      %ge3A_875 = arith.cmpi sge, %add3A_868, %ge3A_874 : vector<16xi32>
      %lt3A_876 = arith.constant 21 : i32
      %lt3A_877 = vector.broadcast %lt3A_876 : i32 to vector<16xi32>
      %lt3A_878 = arith.cmpi slt, %add3A_868, %lt3A_877 : vector<16xi32>
      %and3A_879 = arith.andi %ge3A_875, %lt3A_878 : vector<16xi1>
      %ge3A_880 = arith.constant 0 : i32
      %ge3A_881 = vector.broadcast %ge3A_880 : i32 to vector<16xi32>
      %ge3A_882 = arith.cmpi sge, %add3A_872, %ge3A_881 : vector<16xi32>
      %and3A_883 = arith.andi %and3A_879, %ge3A_882 : vector<16xi1>
      %lt3A_884 = arith.constant 79 : i32
      %lt3A_885 = vector.broadcast %lt3A_884 : i32 to vector<16xi32>
      %lt3A_886 = arith.cmpi slt, %add3A_872, %lt3A_885 : vector<16xi32>
      %and3A_887 = arith.andi %and3A_883, %lt3A_886 : vector<16xi1>
      %and3A_888 = arith.andi %and3A_887, %lt3A_108 : vector<16xi1>
      %mul3A_889 = arith.constant 79 : i32
      %mul3A_890 = vector.broadcast %mul3A_889 : i32 to vector<16xi32>
      %mul3A_891 = arith.muli %add3A_868, %mul3A_890 : vector<16xi32>
      %add3A_892 = arith.addi %mul3A_891, %add3A_872 : vector<16xi32>
      %jit3A_893 = arith.constant 0 : i32
      %jit3A_894 = arith.constant 1658 : i32
      %max3A_895 = vector.broadcast %jit3A_893 : i32 to vector<16xi32>
      %max3A_896 = arith.maxsi %max3A_895, %add3A_892 : vector<16xi32>
      %min3A_897 = vector.broadcast %jit3A_894 : i32 to vector<16xi32>
      %min3A_898 = arith.minsi %min3A_897, %max3A_896 : vector<16xi32>
      %shift_right_arithmetic3A_899 = arith.constant 7 : i32
      %shift_right_arithmetic3A_900 = vector.broadcast %shift_right_arithmetic3A_899 : i32 to vector<16xi32>
      %shift_right_arithmetic3A_901 = arith.shrsi %min3A_898, %shift_right_arithmetic3A_900 : vector<16xi32>
      %and3A_902 = arith.constant 127 : i32
      %and3A_903 = vector.broadcast %and3A_902 : i32 to vector<16xi32>
      %and3A_904 = arith.andi %min3A_898, %and3A_903 : vector<16xi32>
      %gather3A_905 = tpu.vector_load_idx %arg16[%shift_right_arithmetic3A_901, %and3A_904] : memref<16x128xi32, #tpu.memory_space<vmem>>[vector<16xi32>, vector<16xi32>], vector<16xi32>,
      %jit3A_906 = arith.constant 5976 : i32
      %broadcast_in_dim3A_907 = vector.broadcast %jit3A_906 : i32 to vector<16xi32>
      %select_n3A_908 = arith.select %and3A_888, %gather3A_905, %broadcast_in_dim3A_907 : vector<16xi1>, vector<16xi32>
      %shift_right_arithmetic3A_909 = arith.constant 7 : i32
      %shift_right_arithmetic3A_910 = vector.broadcast %shift_right_arithmetic3A_909 : i32 to vector<16xi32>
      %shift_right_arithmetic3A_911 = arith.shrsi %select_n3A_908, %shift_right_arithmetic3A_910 : vector<16xi32>
      %shift_left3A_912 = arith.constant 3 : i32
      %shift_left3A_913 = vector.broadcast %shift_left3A_912 : i32 to vector<16xi32>
      %shift_left3A_914 = arith.shli %shift_right_arithmetic3A_911, %shift_left3A_913 : vector<16xi32>
      %and3A_915 = arith.constant 127 : i32
      %and3A_916 = vector.broadcast %and3A_915 : i32 to vector<16xi32>
      %and3A_917 = arith.andi %select_n3A_908, %and3A_916 : vector<16xi32>
      %and3A_918 = arith.constant 63 : i32
      %and3A_919 = arith.andi %add3A_784, %and3A_918 : i32
      %broadcast_in_dim3A_920 = vector.broadcast %and3A_919 : i32 to vector<16xi32>
      %add3A_921 = arith.constant 0 : i32
      %add3A_922 = vector.broadcast %add3A_921 : i32 to vector<16xi32>
      %add3A_923 = arith.addi %shift_left3A_914, %add3A_922 : vector<16xi32>
      %gather3A_924 = tpu.vector_load_idx %arg10[%add3A_923, %and3A_917] : memref<376x128xf32, #tpu.memory_space<vmem>>[vector<16xi32>, vector<16xi32>], vector<16xf32>,
      %add3A_925 = arith.constant 0 : i32
      %add3A_926 = vector.broadcast %add3A_925 : i32 to vector<16xi32>
      %add3A_927 = arith.addi %iota3A, %add3A_926 : vector<16xi32>
      tpu.vector_store_idx %arg13[%broadcast_in_dim3A_920, %add3A_927], %gather3A_924 masked %lt3A_108 : memref<64x128xf32, #tpu.memory_space<vmem>>[vector<16xi32>, vector<16xi32>], vector<16xf32>, vector<16xi1>
      %add3A_928 = arith.constant 1 : i32
      %add3A_929 = vector.broadcast %add3A_928 : i32 to vector<16xi32>
      %add3A_930 = arith.addi %shift_left3A_914, %add3A_929 : vector<16xi32>
      %gather3A_931 = tpu.vector_load_idx %arg10[%add3A_930, %and3A_917] : memref<376x128xf32, #tpu.memory_space<vmem>>[vector<16xi32>, vector<16xi32>], vector<16xf32>,
      %add3A_932 = arith.constant 9 : i32
      %add3A_933 = vector.broadcast %add3A_932 : i32 to vector<16xi32>
      %add3A_934 = arith.addi %iota3A, %add3A_933 : vector<16xi32>
      tpu.vector_store_idx %arg13[%broadcast_in_dim3A_920, %add3A_934], %gather3A_931 masked %lt3A_108 : memref<64x128xf32, #tpu.memory_space<vmem>>[vector<16xi32>, vector<16xi32>], vector<16xf32>, vector<16xi1>
      %add3A_935 = arith.constant 2 : i32
      %add3A_936 = vector.broadcast %add3A_935 : i32 to vector<16xi32>
      %add3A_937 = arith.addi %shift_left3A_914, %add3A_936 : vector<16xi32>
      %gather3A_938 = tpu.vector_load_idx %arg10[%add3A_937, %and3A_917] : memref<376x128xf32, #tpu.memory_space<vmem>>[vector<16xi32>, vector<16xi32>], vector<16xf32>,
      %add3A_939 = arith.constant 18 : i32
      %add3A_940 = vector.broadcast %add3A_939 : i32 to vector<16xi32>
      %add3A_941 = arith.addi %iota3A, %add3A_940 : vector<16xi32>
      tpu.vector_store_idx %arg13[%broadcast_in_dim3A_920, %add3A_941], %gather3A_938 masked %lt3A_108 : memref<64x128xf32, #tpu.memory_space<vmem>>[vector<16xi32>, vector<16xi32>], vector<16xf32>, vector<16xi1>
      %add3A_942 = arith.constant 3 : i32
      %add3A_943 = vector.broadcast %add3A_942 : i32 to vector<16xi32>
      %add3A_944 = arith.addi %shift_left3A_914, %add3A_943 : vector<16xi32>
      %gather3A_945 = tpu.vector_load_idx %arg10[%add3A_944, %and3A_917] : memref<376x128xf32, #tpu.memory_space<vmem>>[vector<16xi32>, vector<16xi32>], vector<16xf32>,
      %add3A_946 = arith.constant 27 : i32
      %add3A_947 = vector.broadcast %add3A_946 : i32 to vector<16xi32>
      %add3A_948 = arith.addi %iota3A, %add3A_947 : vector<16xi32>
      tpu.vector_store_idx %arg13[%broadcast_in_dim3A_920, %add3A_948], %gather3A_945 masked %lt3A_108 : memref<64x128xf32, #tpu.memory_space<vmem>>[vector<16xi32>, vector<16xi32>], vector<16xf32>, vector<16xi1>
      %add3A_949 = arith.constant 4 : i32
      %add3A_950 = vector.broadcast %add3A_949 : i32 to vector<16xi32>
      %add3A_951 = arith.addi %shift_left3A_914, %add3A_950 : vector<16xi32>
      %gather3A_952 = tpu.vector_load_idx %arg10[%add3A_951, %and3A_917] : memref<376x128xf32, #tpu.memory_space<vmem>>[vector<16xi32>, vector<16xi32>], vector<16xf32>,
      %add3A_953 = arith.constant 36 : i32
      %add3A_954 = vector.broadcast %add3A_953 : i32 to vector<16xi32>
      %add3A_955 = arith.addi %iota3A, %add3A_954 : vector<16xi32>
      tpu.vector_store_idx %arg13[%broadcast_in_dim3A_920, %add3A_955], %gather3A_952 masked %lt3A_108 : memref<64x128xf32, #tpu.memory_space<vmem>>[vector<16xi32>, vector<16xi32>], vector<16xf32>, vector<16xi1>
      %add3A_956 = arith.constant 5 : i32
      %add3A_957 = vector.broadcast %add3A_956 : i32 to vector<16xi32>
      %add3A_958 = arith.addi %shift_left3A_914, %add3A_957 : vector<16xi32>
      %gather3A_959 = tpu.vector_load_idx %arg10[%add3A_958, %and3A_917] : memref<376x128xf32, #tpu.memory_space<vmem>>[vector<16xi32>, vector<16xi32>], vector<16xf32>,
      %add3A_960 = arith.constant 45 : i32
      %add3A_961 = vector.broadcast %add3A_960 : i32 to vector<16xi32>
      %add3A_962 = arith.addi %iota3A, %add3A_961 : vector<16xi32>
      tpu.vector_store_idx %arg13[%broadcast_in_dim3A_920, %add3A_962], %gather3A_959 masked %lt3A_108 : memref<64x128xf32, #tpu.memory_space<vmem>>[vector<16xi32>, vector<16xi32>], vector<16xf32>, vector<16xi1>
      %add3A_963 = arith.constant 6 : i32
      %add3A_964 = vector.broadcast %add3A_963 : i32 to vector<16xi32>
      %add3A_965 = arith.addi %shift_left3A_914, %add3A_964 : vector<16xi32>
      %gather3A_966 = tpu.vector_load_idx %arg10[%add3A_965, %and3A_917] : memref<376x128xf32, #tpu.memory_space<vmem>>[vector<16xi32>, vector<16xi32>], vector<16xf32>,
      %add3A_967 = arith.constant 54 : i32
      %add3A_968 = vector.broadcast %add3A_967 : i32 to vector<16xi32>
      %add3A_969 = arith.addi %iota3A, %add3A_968 : vector<16xi32>
      tpu.vector_store_idx %arg13[%broadcast_in_dim3A_920, %add3A_969], %gather3A_966 masked %lt3A_108 : memref<64x128xf32, #tpu.memory_space<vmem>>[vector<16xi32>, vector<16xi32>], vector<16xf32>, vector<16xi1>
      %add3A_970 = arith.constant 7 : i32
      %add3A_971 = vector.broadcast %add3A_970 : i32 to vector<16xi32>
      %add3A_972 = arith.addi %shift_left3A_914, %add3A_971 : vector<16xi32>
      %gather3A_973 = tpu.vector_load_idx %arg10[%add3A_972, %and3A_917] : memref<376x128xf32, #tpu.memory_space<vmem>>[vector<16xi32>, vector<16xi32>], vector<16xf32>,
      %add3A_974 = arith.constant 63 : i32
      %add3A_975 = vector.broadcast %add3A_974 : i32 to vector<16xi32>
      %add3A_976 = arith.addi %iota3A, %add3A_975 : vector<16xi32>
      tpu.vector_store_idx %arg13[%broadcast_in_dim3A_920, %add3A_976], %gather3A_973 masked %lt3A_108 : memref<64x128xf32, #tpu.memory_space<vmem>>[vector<16xi32>, vector<16xi32>], vector<16xf32>, vector<16xi1>
      %and3A_977 = arith.constant 7 : i32
      %and3A_978 = arith.andi %add3A_784, %and3A_977 : i32
      %broadcast_in_dim3A_979 = vector.broadcast %and3A_978 : i32 to vector<16xi32>
      %add3A_980 = arith.constant 0 : i32
      %add3A_981 = vector.broadcast %add3A_980 : i32 to vector<16xi32>
      %add3A_982 = arith.addi %iota3A, %add3A_981 : vector<16xi32>
      %gather3A_983 = tpu.vector_load_idx %arg18[%broadcast_in_dim3A_52, %add3A_982] : memref<8x128xi32, #tpu.memory_space<vmem>>[vector<16xi32>, vector<16xi32>], vector<16xi32>,
      %shift_right_arithmetic3A_984 = arith.constant 7 : i32
      %shift_right_arithmetic3A_985 = vector.broadcast %shift_right_arithmetic3A_984 : i32 to vector<16xi32>
      %shift_right_arithmetic3A_986 = arith.shrsi %gather3A_983, %shift_right_arithmetic3A_985 : vector<16xi32>
      %shift_left3A_987 = arith.constant 3 : i32
      %shift_left3A_988 = vector.broadcast %shift_left3A_987 : i32 to vector<16xi32>
      %shift_left3A_989 = arith.shli %shift_right_arithmetic3A_986, %shift_left3A_988 : vector<16xi32>
      %and3A_990 = arith.constant 127 : i32
      %and3A_991 = vector.broadcast %and3A_990 : i32 to vector<16xi32>
      %and3A_992 = arith.andi %gather3A_983, %and3A_991 : vector<16xi32>
      %add3A_993 = arith.constant 0 : i32
      %add3A_994 = vector.broadcast %add3A_993 : i32 to vector<16xi32>
      %add3A_995 = arith.addi %iota3A, %add3A_994 : vector<16xi32>
      %lt3A_996 = arith.constant 55 : i32
      %lt3A_997 = vector.broadcast %lt3A_996 : i32 to vector<16xi32>
      %lt3A_998 = arith.cmpi slt, %add3A_995, %lt3A_997 : vector<16xi32>
      %add3A_999 = arith.constant 0 : i32
      %add3A_1000 = vector.broadcast %add3A_999 : i32 to vector<16xi32>
      %add3A_1001 = arith.addi %shift_left3A_989, %add3A_1000 : vector<16xi32>
      %gather3A_1002 = tpu.vector_load_idx %arg10[%add3A_1001, %and3A_992] : memref<376x128xf32, #tpu.memory_space<vmem>>[vector<16xi32>, vector<16xi32>], vector<16xf32>,
      %add3A_1003 = arith.constant 0 : i32
      %add3A_1004 = vector.broadcast %add3A_1003 : i32 to vector<16xi32>
      %add3A_1005 = arith.addi %iota3A, %add3A_1004 : vector<16xi32>
      tpu.vector_store_idx %arg14[%broadcast_in_dim3A_36, %broadcast_in_dim3A_979, %add3A_1005], %gather3A_1002 masked %lt3A_998 : memref<8x8x128xf32, #tpu.memory_space<vmem>>[vector<16xi32>, vector<16xi32>, vector<16xi32>], vector<16xf32>, vector<16xi1>
      %add3A_1006 = arith.constant 1 : i32
      %add3A_1007 = vector.broadcast %add3A_1006 : i32 to vector<16xi32>
      %add3A_1008 = arith.addi %shift_left3A_989, %add3A_1007 : vector<16xi32>
      %gather3A_1009 = tpu.vector_load_idx %arg10[%add3A_1008, %and3A_992] : memref<376x128xf32, #tpu.memory_space<vmem>>[vector<16xi32>, vector<16xi32>], vector<16xf32>,
      %add3A_1010 = arith.constant 0 : i32
      %add3A_1011 = vector.broadcast %add3A_1010 : i32 to vector<16xi32>
      %add3A_1012 = arith.addi %iota3A, %add3A_1011 : vector<16xi32>
      tpu.vector_store_idx %arg14[%broadcast_in_dim3A_38, %broadcast_in_dim3A_979, %add3A_1012], %gather3A_1009 masked %lt3A_998 : memref<8x8x128xf32, #tpu.memory_space<vmem>>[vector<16xi32>, vector<16xi32>, vector<16xi32>], vector<16xf32>, vector<16xi1>
      %add3A_1013 = arith.constant 2 : i32
      %add3A_1014 = vector.broadcast %add3A_1013 : i32 to vector<16xi32>
      %add3A_1015 = arith.addi %shift_left3A_989, %add3A_1014 : vector<16xi32>
      %gather3A_1016 = tpu.vector_load_idx %arg10[%add3A_1015, %and3A_992] : memref<376x128xf32, #tpu.memory_space<vmem>>[vector<16xi32>, vector<16xi32>], vector<16xf32>,
      %add3A_1017 = arith.constant 0 : i32
      %add3A_1018 = vector.broadcast %add3A_1017 : i32 to vector<16xi32>
      %add3A_1019 = arith.addi %iota3A, %add3A_1018 : vector<16xi32>
      tpu.vector_store_idx %arg14[%broadcast_in_dim3A_40, %broadcast_in_dim3A_979, %add3A_1019], %gather3A_1016 masked %lt3A_998 : memref<8x8x128xf32, #tpu.memory_space<vmem>>[vector<16xi32>, vector<16xi32>, vector<16xi32>], vector<16xf32>, vector<16xi1>
      %add3A_1020 = arith.constant 3 : i32
      %add3A_1021 = vector.broadcast %add3A_1020 : i32 to vector<16xi32>
      %add3A_1022 = arith.addi %shift_left3A_989, %add3A_1021 : vector<16xi32>
      %gather3A_1023 = tpu.vector_load_idx %arg10[%add3A_1022, %and3A_992] : memref<376x128xf32, #tpu.memory_space<vmem>>[vector<16xi32>, vector<16xi32>], vector<16xf32>,
      %add3A_1024 = arith.constant 0 : i32
      %add3A_1025 = vector.broadcast %add3A_1024 : i32 to vector<16xi32>
      %add3A_1026 = arith.addi %iota3A, %add3A_1025 : vector<16xi32>
      tpu.vector_store_idx %arg14[%broadcast_in_dim3A_42, %broadcast_in_dim3A_979, %add3A_1026], %gather3A_1023 masked %lt3A_998 : memref<8x8x128xf32, #tpu.memory_space<vmem>>[vector<16xi32>, vector<16xi32>, vector<16xi32>], vector<16xf32>, vector<16xi1>
      %add3A_1027 = arith.constant 4 : i32
      %add3A_1028 = vector.broadcast %add3A_1027 : i32 to vector<16xi32>
      %add3A_1029 = arith.addi %shift_left3A_989, %add3A_1028 : vector<16xi32>
      %gather3A_1030 = tpu.vector_load_idx %arg10[%add3A_1029, %and3A_992] : memref<376x128xf32, #tpu.memory_space<vmem>>[vector<16xi32>, vector<16xi32>], vector<16xf32>,
      %add3A_1031 = arith.constant 0 : i32
      %add3A_1032 = vector.broadcast %add3A_1031 : i32 to vector<16xi32>
      %add3A_1033 = arith.addi %iota3A, %add3A_1032 : vector<16xi32>
      tpu.vector_store_idx %arg14[%broadcast_in_dim3A_44, %broadcast_in_dim3A_979, %add3A_1033], %gather3A_1030 masked %lt3A_998 : memref<8x8x128xf32, #tpu.memory_space<vmem>>[vector<16xi32>, vector<16xi32>, vector<16xi32>], vector<16xf32>, vector<16xi1>
      %add3A_1034 = arith.constant 5 : i32
      %add3A_1035 = vector.broadcast %add3A_1034 : i32 to vector<16xi32>
      %add3A_1036 = arith.addi %shift_left3A_989, %add3A_1035 : vector<16xi32>
      %gather3A_1037 = tpu.vector_load_idx %arg10[%add3A_1036, %and3A_992] : memref<376x128xf32, #tpu.memory_space<vmem>>[vector<16xi32>, vector<16xi32>], vector<16xf32>,
      %add3A_1038 = arith.constant 0 : i32
      %add3A_1039 = vector.broadcast %add3A_1038 : i32 to vector<16xi32>
      %add3A_1040 = arith.addi %iota3A, %add3A_1039 : vector<16xi32>
      tpu.vector_store_idx %arg14[%broadcast_in_dim3A_46, %broadcast_in_dim3A_979, %add3A_1040], %gather3A_1037 masked %lt3A_998 : memref<8x8x128xf32, #tpu.memory_space<vmem>>[vector<16xi32>, vector<16xi32>, vector<16xi32>], vector<16xf32>, vector<16xi1>
      %add3A_1041 = arith.constant 6 : i32
      %add3A_1042 = vector.broadcast %add3A_1041 : i32 to vector<16xi32>
      %add3A_1043 = arith.addi %shift_left3A_989, %add3A_1042 : vector<16xi32>
      %gather3A_1044 = tpu.vector_load_idx %arg10[%add3A_1043, %and3A_992] : memref<376x128xf32, #tpu.memory_space<vmem>>[vector<16xi32>, vector<16xi32>], vector<16xf32>,
      %add3A_1045 = arith.constant 0 : i32
      %add3A_1046 = vector.broadcast %add3A_1045 : i32 to vector<16xi32>
      %add3A_1047 = arith.addi %iota3A, %add3A_1046 : vector<16xi32>
      tpu.vector_store_idx %arg14[%broadcast_in_dim3A_48, %broadcast_in_dim3A_979, %add3A_1047], %gather3A_1044 masked %lt3A_998 : memref<8x8x128xf32, #tpu.memory_space<vmem>>[vector<16xi32>, vector<16xi32>, vector<16xi32>], vector<16xf32>, vector<16xi1>
      %add3A_1048 = arith.constant 7 : i32
      %add3A_1049 = vector.broadcast %add3A_1048 : i32 to vector<16xi32>
      %add3A_1050 = arith.addi %shift_left3A_989, %add3A_1049 : vector<16xi32>
      %gather3A_1051 = tpu.vector_load_idx %arg10[%add3A_1050, %and3A_992] : memref<376x128xf32, #tpu.memory_space<vmem>>[vector<16xi32>, vector<16xi32>], vector<16xf32>,
      %add3A_1052 = arith.constant 0 : i32
      %add3A_1053 = vector.broadcast %add3A_1052 : i32 to vector<16xi32>
      %add3A_1054 = arith.addi %iota3A, %add3A_1053 : vector<16xi32>
      tpu.vector_store_idx %arg14[%broadcast_in_dim3A_50, %broadcast_in_dim3A_979, %add3A_1054], %gather3A_1051 masked %lt3A_998 : memref<8x8x128xf32, #tpu.memory_space<vmem>>[vector<16xi32>, vector<16xi32>, vector<16xi32>], vector<16xf32>, vector<16xi1>
      %add3A_1055 = arith.constant 16 : i32
      %add3A_1056 = vector.broadcast %add3A_1055 : i32 to vector<16xi32>
      %add3A_1057 = arith.addi %iota3A, %add3A_1056 : vector<16xi32>
      %gather3A_1058 = tpu.vector_load_idx %arg18[%broadcast_in_dim3A_52, %add3A_1057] : memref<8x128xi32, #tpu.memory_space<vmem>>[vector<16xi32>, vector<16xi32>], vector<16xi32>,
      %shift_right_arithmetic3A_1059 = arith.constant 7 : i32
      %shift_right_arithmetic3A_1060 = vector.broadcast %shift_right_arithmetic3A_1059 : i32 to vector<16xi32>
      %shift_right_arithmetic3A_1061 = arith.shrsi %gather3A_1058, %shift_right_arithmetic3A_1060 : vector<16xi32>
      %shift_left3A_1062 = arith.constant 3 : i32
      %shift_left3A_1063 = vector.broadcast %shift_left3A_1062 : i32 to vector<16xi32>
      %shift_left3A_1064 = arith.shli %shift_right_arithmetic3A_1061, %shift_left3A_1063 : vector<16xi32>
      %and3A_1065 = arith.constant 127 : i32
      %and3A_1066 = vector.broadcast %and3A_1065 : i32 to vector<16xi32>
      %and3A_1067 = arith.andi %gather3A_1058, %and3A_1066 : vector<16xi32>
      %add3A_1068 = arith.constant 16 : i32
      %add3A_1069 = vector.broadcast %add3A_1068 : i32 to vector<16xi32>
      %add3A_1070 = arith.addi %iota3A, %add3A_1069 : vector<16xi32>
      %lt3A_1071 = arith.constant 55 : i32
      %lt3A_1072 = vector.broadcast %lt3A_1071 : i32 to vector<16xi32>
      %lt3A_1073 = arith.cmpi slt, %add3A_1070, %lt3A_1072 : vector<16xi32>
      %add3A_1074 = arith.constant 0 : i32
      %add3A_1075 = vector.broadcast %add3A_1074 : i32 to vector<16xi32>
      %add3A_1076 = arith.addi %shift_left3A_1064, %add3A_1075 : vector<16xi32>
      %gather3A_1077 = tpu.vector_load_idx %arg10[%add3A_1076, %and3A_1067] : memref<376x128xf32, #tpu.memory_space<vmem>>[vector<16xi32>, vector<16xi32>], vector<16xf32>,
      %add3A_1078 = arith.constant 16 : i32
      %add3A_1079 = vector.broadcast %add3A_1078 : i32 to vector<16xi32>
      %add3A_1080 = arith.addi %iota3A, %add3A_1079 : vector<16xi32>
      tpu.vector_store_idx %arg14[%broadcast_in_dim3A_36, %broadcast_in_dim3A_979, %add3A_1080], %gather3A_1077 masked %lt3A_1073 : memref<8x8x128xf32, #tpu.memory_space<vmem>>[vector<16xi32>, vector<16xi32>, vector<16xi32>], vector<16xf32>, vector<16xi1>
      %add3A_1081 = arith.constant 1 : i32
      %add3A_1082 = vector.broadcast %add3A_1081 : i32 to vector<16xi32>
      %add3A_1083 = arith.addi %shift_left3A_1064, %add3A_1082 : vector<16xi32>
      %gather3A_1084 = tpu.vector_load_idx %arg10[%add3A_1083, %and3A_1067] : memref<376x128xf32, #tpu.memory_space<vmem>>[vector<16xi32>, vector<16xi32>], vector<16xf32>,
      %add3A_1085 = arith.constant 16 : i32
      %add3A_1086 = vector.broadcast %add3A_1085 : i32 to vector<16xi32>
      %add3A_1087 = arith.addi %iota3A, %add3A_1086 : vector<16xi32>
      tpu.vector_store_idx %arg14[%broadcast_in_dim3A_38, %broadcast_in_dim3A_979, %add3A_1087], %gather3A_1084 masked %lt3A_1073 : memref<8x8x128xf32, #tpu.memory_space<vmem>>[vector<16xi32>, vector<16xi32>, vector<16xi32>], vector<16xf32>, vector<16xi1>
      %add3A_1088 = arith.constant 2 : i32
      %add3A_1089 = vector.broadcast %add3A_1088 : i32 to vector<16xi32>
      %add3A_1090 = arith.addi %shift_left3A_1064, %add3A_1089 : vector<16xi32>
      %gather3A_1091 = tpu.vector_load_idx %arg10[%add3A_1090, %and3A_1067] : memref<376x128xf32, #tpu.memory_space<vmem>>[vector<16xi32>, vector<16xi32>], vector<16xf32>,
      %add3A_1092 = arith.constant 16 : i32
      %add3A_1093 = vector.broadcast %add3A_1092 : i32 to vector<16xi32>
      %add3A_1094 = arith.addi %iota3A, %add3A_1093 : vector<16xi32>
      tpu.vector_store_idx %arg14[%broadcast_in_dim3A_40, %broadcast_in_dim3A_979, %add3A_1094], %gather3A_1091 masked %lt3A_1073 : memref<8x8x128xf32, #tpu.memory_space<vmem>>[vector<16xi32>, vector<16xi32>, vector<16xi32>], vector<16xf32>, vector<16xi1>
      %add3A_1095 = arith.constant 3 : i32
      %add3A_1096 = vector.broadcast %add3A_1095 : i32 to vector<16xi32>
      %add3A_1097 = arith.addi %shift_left3A_1064, %add3A_1096 : vector<16xi32>
      %gather3A_1098 = tpu.vector_load_idx %arg10[%add3A_1097, %and3A_1067] : memref<376x128xf32, #tpu.memory_space<vmem>>[vector<16xi32>, vector<16xi32>], vector<16xf32>,
      %add3A_1099 = arith.constant 16 : i32
      %add3A_1100 = vector.broadcast %add3A_1099 : i32 to vector<16xi32>
      %add3A_1101 = arith.addi %iota3A, %add3A_1100 : vector<16xi32>
      tpu.vector_store_idx %arg14[%broadcast_in_dim3A_42, %broadcast_in_dim3A_979, %add3A_1101], %gather3A_1098 masked %lt3A_1073 : memref<8x8x128xf32, #tpu.memory_space<vmem>>[vector<16xi32>, vector<16xi32>, vector<16xi32>], vector<16xf32>, vector<16xi1>
      %add3A_1102 = arith.constant 4 : i32
      %add3A_1103 = vector.broadcast %add3A_1102 : i32 to vector<16xi32>
      %add3A_1104 = arith.addi %shift_left3A_1064, %add3A_1103 : vector<16xi32>
      %gather3A_1105 = tpu.vector_load_idx %arg10[%add3A_1104, %and3A_1067] : memref<376x128xf32, #tpu.memory_space<vmem>>[vector<16xi32>, vector<16xi32>], vector<16xf32>,
      %add3A_1106 = arith.constant 16 : i32
      %add3A_1107 = vector.broadcast %add3A_1106 : i32 to vector<16xi32>
      %add3A_1108 = arith.addi %iota3A, %add3A_1107 : vector<16xi32>
      tpu.vector_store_idx %arg14[%broadcast_in_dim3A_44, %broadcast_in_dim3A_979, %add3A_1108], %gather3A_1105 masked %lt3A_1073 : memref<8x8x128xf32, #tpu.memory_space<vmem>>[vector<16xi32>, vector<16xi32>, vector<16xi32>], vector<16xf32>, vector<16xi1>
      %add3A_1109 = arith.constant 5 : i32
      %add3A_1110 = vector.broadcast %add3A_1109 : i32 to vector<16xi32>
      %add3A_1111 = arith.addi %shift_left3A_1064, %add3A_1110 : vector<16xi32>
      %gather3A_1112 = tpu.vector_load_idx %arg10[%add3A_1111, %and3A_1067] : memref<376x128xf32, #tpu.memory_space<vmem>>[vector<16xi32>, vector<16xi32>], vector<16xf32>,
      %add3A_1113 = arith.constant 16 : i32
      %add3A_1114 = vector.broadcast %add3A_1113 : i32 to vector<16xi32>
      %add3A_1115 = arith.addi %iota3A, %add3A_1114 : vector<16xi32>
      tpu.vector_store_idx %arg14[%broadcast_in_dim3A_46, %broadcast_in_dim3A_979, %add3A_1115], %gather3A_1112 masked %lt3A_1073 : memref<8x8x128xf32, #tpu.memory_space<vmem>>[vector<16xi32>, vector<16xi32>, vector<16xi32>], vector<16xf32>, vector<16xi1>
      %add3A_1116 = arith.constant 6 : i32
      %add3A_1117 = vector.broadcast %add3A_1116 : i32 to vector<16xi32>
      %add3A_1118 = arith.addi %shift_left3A_1064, %add3A_1117 : vector<16xi32>
      %gather3A_1119 = tpu.vector_load_idx %arg10[%add3A_1118, %and3A_1067] : memref<376x128xf32, #tpu.memory_space<vmem>>[vector<16xi32>, vector<16xi32>], vector<16xf32>,
      %add3A_1120 = arith.constant 16 : i32
      %add3A_1121 = vector.broadcast %add3A_1120 : i32 to vector<16xi32>
      %add3A_1122 = arith.addi %iota3A, %add3A_1121 : vector<16xi32>
      tpu.vector_store_idx %arg14[%broadcast_in_dim3A_48, %broadcast_in_dim3A_979, %add3A_1122], %gather3A_1119 masked %lt3A_1073 : memref<8x8x128xf32, #tpu.memory_space<vmem>>[vector<16xi32>, vector<16xi32>, vector<16xi32>], vector<16xf32>, vector<16xi1>
      %add3A_1123 = arith.constant 7 : i32
      %add3A_1124 = vector.broadcast %add3A_1123 : i32 to vector<16xi32>
      %add3A_1125 = arith.addi %shift_left3A_1064, %add3A_1124 : vector<16xi32>
      %gather3A_1126 = tpu.vector_load_idx %arg10[%add3A_1125, %and3A_1067] : memref<376x128xf32, #tpu.memory_space<vmem>>[vector<16xi32>, vector<16xi32>], vector<16xf32>,
      %add3A_1127 = arith.constant 16 : i32
      %add3A_1128 = vector.broadcast %add3A_1127 : i32 to vector<16xi32>
      %add3A_1129 = arith.addi %iota3A, %add3A_1128 : vector<16xi32>
      tpu.vector_store_idx %arg14[%broadcast_in_dim3A_50, %broadcast_in_dim3A_979, %add3A_1129], %gather3A_1126 masked %lt3A_1073 : memref<8x8x128xf32, #tpu.memory_space<vmem>>[vector<16xi32>, vector<16xi32>, vector<16xi32>], vector<16xf32>, vector<16xi1>
      %add3A_1130 = arith.constant 32 : i32
      %add3A_1131 = vector.broadcast %add3A_1130 : i32 to vector<16xi32>
      %add3A_1132 = arith.addi %iota3A, %add3A_1131 : vector<16xi32>
      %gather3A_1133 = tpu.vector_load_idx %arg18[%broadcast_in_dim3A_52, %add3A_1132] : memref<8x128xi32, #tpu.memory_space<vmem>>[vector<16xi32>, vector<16xi32>], vector<16xi32>,
      %shift_right_arithmetic3A_1134 = arith.constant 7 : i32
      %shift_right_arithmetic3A_1135 = vector.broadcast %shift_right_arithmetic3A_1134 : i32 to vector<16xi32>
      %shift_right_arithmetic3A_1136 = arith.shrsi %gather3A_1133, %shift_right_arithmetic3A_1135 : vector<16xi32>
      %shift_left3A_1137 = arith.constant 3 : i32
      %shift_left3A_1138 = vector.broadcast %shift_left3A_1137 : i32 to vector<16xi32>
      %shift_left3A_1139 = arith.shli %shift_right_arithmetic3A_1136, %shift_left3A_1138 : vector<16xi32>
      %and3A_1140 = arith.constant 127 : i32
      %and3A_1141 = vector.broadcast %and3A_1140 : i32 to vector<16xi32>
      %and3A_1142 = arith.andi %gather3A_1133, %and3A_1141 : vector<16xi32>
      %add3A_1143 = arith.constant 32 : i32
      %add3A_1144 = vector.broadcast %add3A_1143 : i32 to vector<16xi32>
      %add3A_1145 = arith.addi %iota3A, %add3A_1144 : vector<16xi32>
      %lt3A_1146 = arith.constant 55 : i32
      %lt3A_1147 = vector.broadcast %lt3A_1146 : i32 to vector<16xi32>
      %lt3A_1148 = arith.cmpi slt, %add3A_1145, %lt3A_1147 : vector<16xi32>
      %add3A_1149 = arith.constant 0 : i32
      %add3A_1150 = vector.broadcast %add3A_1149 : i32 to vector<16xi32>
      %add3A_1151 = arith.addi %shift_left3A_1139, %add3A_1150 : vector<16xi32>
      %gather3A_1152 = tpu.vector_load_idx %arg10[%add3A_1151, %and3A_1142] : memref<376x128xf32, #tpu.memory_space<vmem>>[vector<16xi32>, vector<16xi32>], vector<16xf32>,
      %add3A_1153 = arith.constant 32 : i32
      %add3A_1154 = vector.broadcast %add3A_1153 : i32 to vector<16xi32>
      %add3A_1155 = arith.addi %iota3A, %add3A_1154 : vector<16xi32>
      tpu.vector_store_idx %arg14[%broadcast_in_dim3A_36, %broadcast_in_dim3A_979, %add3A_1155], %gather3A_1152 masked %lt3A_1148 : memref<8x8x128xf32, #tpu.memory_space<vmem>>[vector<16xi32>, vector<16xi32>, vector<16xi32>], vector<16xf32>, vector<16xi1>
      %add3A_1156 = arith.constant 1 : i32
      %add3A_1157 = vector.broadcast %add3A_1156 : i32 to vector<16xi32>
      %add3A_1158 = arith.addi %shift_left3A_1139, %add3A_1157 : vector<16xi32>
      %gather3A_1159 = tpu.vector_load_idx %arg10[%add3A_1158, %and3A_1142] : memref<376x128xf32, #tpu.memory_space<vmem>>[vector<16xi32>, vector<16xi32>], vector<16xf32>,
      %add3A_1160 = arith.constant 32 : i32
      %add3A_1161 = vector.broadcast %add3A_1160 : i32 to vector<16xi32>
      %add3A_1162 = arith.addi %iota3A, %add3A_1161 : vector<16xi32>
      tpu.vector_store_idx %arg14[%broadcast_in_dim3A_38, %broadcast_in_dim3A_979, %add3A_1162], %gather3A_1159 masked %lt3A_1148 : memref<8x8x128xf32, #tpu.memory_space<vmem>>[vector<16xi32>, vector<16xi32>, vector<16xi32>], vector<16xf32>, vector<16xi1>
      %add3A_1163 = arith.constant 2 : i32
      %add3A_1164 = vector.broadcast %add3A_1163 : i32 to vector<16xi32>
      %add3A_1165 = arith.addi %shift_left3A_1139, %add3A_1164 : vector<16xi32>
      %gather3A_1166 = tpu.vector_load_idx %arg10[%add3A_1165, %and3A_1142] : memref<376x128xf32, #tpu.memory_space<vmem>>[vector<16xi32>, vector<16xi32>], vector<16xf32>,
      %add3A_1167 = arith.constant 32 : i32
      %add3A_1168 = vector.broadcast %add3A_1167 : i32 to vector<16xi32>
      %add3A_1169 = arith.addi %iota3A, %add3A_1168 : vector<16xi32>
      tpu.vector_store_idx %arg14[%broadcast_in_dim3A_40, %broadcast_in_dim3A_979, %add3A_1169], %gather3A_1166 masked %lt3A_1148 : memref<8x8x128xf32, #tpu.memory_space<vmem>>[vector<16xi32>, vector<16xi32>, vector<16xi32>], vector<16xf32>, vector<16xi1>
      %add3A_1170 = arith.constant 3 : i32
      %add3A_1171 = vector.broadcast %add3A_1170 : i32 to vector<16xi32>
      %add3A_1172 = arith.addi %shift_left3A_1139, %add3A_1171 : vector<16xi32>
      %gather3A_1173 = tpu.vector_load_idx %arg10[%add3A_1172, %and3A_1142] : memref<376x128xf32, #tpu.memory_space<vmem>>[vector<16xi32>, vector<16xi32>], vector<16xf32>,
      %add3A_1174 = arith.constant 32 : i32
      %add3A_1175 = vector.broadcast %add3A_1174 : i32 to vector<16xi32>
      %add3A_1176 = arith.addi %iota3A, %add3A_1175 : vector<16xi32>
      tpu.vector_store_idx %arg14[%broadcast_in_dim3A_42, %broadcast_in_dim3A_979, %add3A_1176], %gather3A_1173 masked %lt3A_1148 : memref<8x8x128xf32, #tpu.memory_space<vmem>>[vector<16xi32>, vector<16xi32>, vector<16xi32>], vector<16xf32>, vector<16xi1>
      %add3A_1177 = arith.constant 4 : i32
      %add3A_1178 = vector.broadcast %add3A_1177 : i32 to vector<16xi32>
      %add3A_1179 = arith.addi %shift_left3A_1139, %add3A_1178 : vector<16xi32>
      %gather3A_1180 = tpu.vector_load_idx %arg10[%add3A_1179, %and3A_1142] : memref<376x128xf32, #tpu.memory_space<vmem>>[vector<16xi32>, vector<16xi32>], vector<16xf32>,
      %add3A_1181 = arith.constant 32 : i32
      %add3A_1182 = vector.broadcast %add3A_1181 : i32 to vector<16xi32>
      %add3A_1183 = arith.addi %iota3A, %add3A_1182 : vector<16xi32>
      tpu.vector_store_idx %arg14[%broadcast_in_dim3A_44, %broadcast_in_dim3A_979, %add3A_1183], %gather3A_1180 masked %lt3A_1148 : memref<8x8x128xf32, #tpu.memory_space<vmem>>[vector<16xi32>, vector<16xi32>, vector<16xi32>], vector<16xf32>, vector<16xi1>
      %add3A_1184 = arith.constant 5 : i32
      %add3A_1185 = vector.broadcast %add3A_1184 : i32 to vector<16xi32>
      %add3A_1186 = arith.addi %shift_left3A_1139, %add3A_1185 : vector<16xi32>
      %gather3A_1187 = tpu.vector_load_idx %arg10[%add3A_1186, %and3A_1142] : memref<376x128xf32, #tpu.memory_space<vmem>>[vector<16xi32>, vector<16xi32>], vector<16xf32>,
      %add3A_1188 = arith.constant 32 : i32
      %add3A_1189 = vector.broadcast %add3A_1188 : i32 to vector<16xi32>
      %add3A_1190 = arith.addi %iota3A, %add3A_1189 : vector<16xi32>
      tpu.vector_store_idx %arg14[%broadcast_in_dim3A_46, %broadcast_in_dim3A_979, %add3A_1190], %gather3A_1187 masked %lt3A_1148 : memref<8x8x128xf32, #tpu.memory_space<vmem>>[vector<16xi32>, vector<16xi32>, vector<16xi32>], vector<16xf32>, vector<16xi1>
      %add3A_1191 = arith.constant 6 : i32
      %add3A_1192 = vector.broadcast %add3A_1191 : i32 to vector<16xi32>
      %add3A_1193 = arith.addi %shift_left3A_1139, %add3A_1192 : vector<16xi32>
      %gather3A_1194 = tpu.vector_load_idx %arg10[%add3A_1193, %and3A_1142] : memref<376x128xf32, #tpu.memory_space<vmem>>[vector<16xi32>, vector<16xi32>], vector<16xf32>,
      %add3A_1195 = arith.constant 32 : i32
      %add3A_1196 = vector.broadcast %add3A_1195 : i32 to vector<16xi32>
      %add3A_1197 = arith.addi %iota3A, %add3A_1196 : vector<16xi32>
      tpu.vector_store_idx %arg14[%broadcast_in_dim3A_48, %broadcast_in_dim3A_979, %add3A_1197], %gather3A_1194 masked %lt3A_1148 : memref<8x8x128xf32, #tpu.memory_space<vmem>>[vector<16xi32>, vector<16xi32>, vector<16xi32>], vector<16xf32>, vector<16xi1>
      %add3A_1198 = arith.constant 7 : i32
      %add3A_1199 = vector.broadcast %add3A_1198 : i32 to vector<16xi32>
      %add3A_1200 = arith.addi %shift_left3A_1139, %add3A_1199 : vector<16xi32>
      %gather3A_1201 = tpu.vector_load_idx %arg10[%add3A_1200, %and3A_1142] : memref<376x128xf32, #tpu.memory_space<vmem>>[vector<16xi32>, vector<16xi32>], vector<16xf32>,
      %add3A_1202 = arith.constant 32 : i32
      %add3A_1203 = vector.broadcast %add3A_1202 : i32 to vector<16xi32>
      %add3A_1204 = arith.addi %iota3A, %add3A_1203 : vector<16xi32>
      tpu.vector_store_idx %arg14[%broadcast_in_dim3A_50, %broadcast_in_dim3A_979, %add3A_1204], %gather3A_1201 masked %lt3A_1148 : memref<8x8x128xf32, #tpu.memory_space<vmem>>[vector<16xi32>, vector<16xi32>, vector<16xi32>], vector<16xf32>, vector<16xi1>
      %add3A_1205 = arith.constant 48 : i32
      %add3A_1206 = vector.broadcast %add3A_1205 : i32 to vector<16xi32>
      %add3A_1207 = arith.addi %iota3A, %add3A_1206 : vector<16xi32>
      %gather3A_1208 = tpu.vector_load_idx %arg18[%broadcast_in_dim3A_52, %add3A_1207] : memref<8x128xi32, #tpu.memory_space<vmem>>[vector<16xi32>, vector<16xi32>], vector<16xi32>,
      %shift_right_arithmetic3A_1209 = arith.constant 7 : i32
      %shift_right_arithmetic3A_1210 = vector.broadcast %shift_right_arithmetic3A_1209 : i32 to vector<16xi32>
      %shift_right_arithmetic3A_1211 = arith.shrsi %gather3A_1208, %shift_right_arithmetic3A_1210 : vector<16xi32>
      %shift_left3A_1212 = arith.constant 3 : i32
      %shift_left3A_1213 = vector.broadcast %shift_left3A_1212 : i32 to vector<16xi32>
      %shift_left3A_1214 = arith.shli %shift_right_arithmetic3A_1211, %shift_left3A_1213 : vector<16xi32>
      %and3A_1215 = arith.constant 127 : i32
      %and3A_1216 = vector.broadcast %and3A_1215 : i32 to vector<16xi32>
      %and3A_1217 = arith.andi %gather3A_1208, %and3A_1216 : vector<16xi32>
      %add3A_1218 = arith.constant 48 : i32
      %add3A_1219 = vector.broadcast %add3A_1218 : i32 to vector<16xi32>
      %add3A_1220 = arith.addi %iota3A, %add3A_1219 : vector<16xi32>
      %lt3A_1221 = arith.constant 55 : i32
      %lt3A_1222 = vector.broadcast %lt3A_1221 : i32 to vector<16xi32>
      %lt3A_1223 = arith.cmpi slt, %add3A_1220, %lt3A_1222 : vector<16xi32>
      %add3A_1224 = arith.constant 0 : i32
      %add3A_1225 = vector.broadcast %add3A_1224 : i32 to vector<16xi32>
      %add3A_1226 = arith.addi %shift_left3A_1214, %add3A_1225 : vector<16xi32>
      %gather3A_1227 = tpu.vector_load_idx %arg10[%add3A_1226, %and3A_1217] : memref<376x128xf32, #tpu.memory_space<vmem>>[vector<16xi32>, vector<16xi32>], vector<16xf32>,
      %add3A_1228 = arith.constant 48 : i32
      %add3A_1229 = vector.broadcast %add3A_1228 : i32 to vector<16xi32>
      %add3A_1230 = arith.addi %iota3A, %add3A_1229 : vector<16xi32>
      tpu.vector_store_idx %arg14[%broadcast_in_dim3A_36, %broadcast_in_dim3A_979, %add3A_1230], %gather3A_1227 masked %lt3A_1223 : memref<8x8x128xf32, #tpu.memory_space<vmem>>[vector<16xi32>, vector<16xi32>, vector<16xi32>], vector<16xf32>, vector<16xi1>
      %add3A_1231 = arith.constant 1 : i32
      %add3A_1232 = vector.broadcast %add3A_1231 : i32 to vector<16xi32>
      %add3A_1233 = arith.addi %shift_left3A_1214, %add3A_1232 : vector<16xi32>
      %gather3A_1234 = tpu.vector_load_idx %arg10[%add3A_1233, %and3A_1217] : memref<376x128xf32, #tpu.memory_space<vmem>>[vector<16xi32>, vector<16xi32>], vector<16xf32>,
      %add3A_1235 = arith.constant 48 : i32
      %add3A_1236 = vector.broadcast %add3A_1235 : i32 to vector<16xi32>
      %add3A_1237 = arith.addi %iota3A, %add3A_1236 : vector<16xi32>
      tpu.vector_store_idx %arg14[%broadcast_in_dim3A_38, %broadcast_in_dim3A_979, %add3A_1237], %gather3A_1234 masked %lt3A_1223 : memref<8x8x128xf32, #tpu.memory_space<vmem>>[vector<16xi32>, vector<16xi32>, vector<16xi32>], vector<16xf32>, vector<16xi1>
      %add3A_1238 = arith.constant 2 : i32
      %add3A_1239 = vector.broadcast %add3A_1238 : i32 to vector<16xi32>
      %add3A_1240 = arith.addi %shift_left3A_1214, %add3A_1239 : vector<16xi32>
      %gather3A_1241 = tpu.vector_load_idx %arg10[%add3A_1240, %and3A_1217] : memref<376x128xf32, #tpu.memory_space<vmem>>[vector<16xi32>, vector<16xi32>], vector<16xf32>,
      %add3A_1242 = arith.constant 48 : i32
      %add3A_1243 = vector.broadcast %add3A_1242 : i32 to vector<16xi32>
      %add3A_1244 = arith.addi %iota3A, %add3A_1243 : vector<16xi32>
      tpu.vector_store_idx %arg14[%broadcast_in_dim3A_40, %broadcast_in_dim3A_979, %add3A_1244], %gather3A_1241 masked %lt3A_1223 : memref<8x8x128xf32, #tpu.memory_space<vmem>>[vector<16xi32>, vector<16xi32>, vector<16xi32>], vector<16xf32>, vector<16xi1>
      %add3A_1245 = arith.constant 3 : i32
      %add3A_1246 = vector.broadcast %add3A_1245 : i32 to vector<16xi32>
      %add3A_1247 = arith.addi %shift_left3A_1214, %add3A_1246 : vector<16xi32>
      %gather3A_1248 = tpu.vector_load_idx %arg10[%add3A_1247, %and3A_1217] : memref<376x128xf32, #tpu.memory_space<vmem>>[vector<16xi32>, vector<16xi32>], vector<16xf32>,
      %add3A_1249 = arith.constant 48 : i32
      %add3A_1250 = vector.broadcast %add3A_1249 : i32 to vector<16xi32>
      %add3A_1251 = arith.addi %iota3A, %add3A_1250 : vector<16xi32>
      tpu.vector_store_idx %arg14[%broadcast_in_dim3A_42, %broadcast_in_dim3A_979, %add3A_1251], %gather3A_1248 masked %lt3A_1223 : memref<8x8x128xf32, #tpu.memory_space<vmem>>[vector<16xi32>, vector<16xi32>, vector<16xi32>], vector<16xf32>, vector<16xi1>
      %add3A_1252 = arith.constant 4 : i32
      %add3A_1253 = vector.broadcast %add3A_1252 : i32 to vector<16xi32>
      %add3A_1254 = arith.addi %shift_left3A_1214, %add3A_1253 : vector<16xi32>
      %gather3A_1255 = tpu.vector_load_idx %arg10[%add3A_1254, %and3A_1217] : memref<376x128xf32, #tpu.memory_space<vmem>>[vector<16xi32>, vector<16xi32>], vector<16xf32>,
      %add3A_1256 = arith.constant 48 : i32
      %add3A_1257 = vector.broadcast %add3A_1256 : i32 to vector<16xi32>
      %add3A_1258 = arith.addi %iota3A, %add3A_1257 : vector<16xi32>
      tpu.vector_store_idx %arg14[%broadcast_in_dim3A_44, %broadcast_in_dim3A_979, %add3A_1258], %gather3A_1255 masked %lt3A_1223 : memref<8x8x128xf32, #tpu.memory_space<vmem>>[vector<16xi32>, vector<16xi32>, vector<16xi32>], vector<16xf32>, vector<16xi1>
      %add3A_1259 = arith.constant 5 : i32
      %add3A_1260 = vector.broadcast %add3A_1259 : i32 to vector<16xi32>
      %add3A_1261 = arith.addi %shift_left3A_1214, %add3A_1260 : vector<16xi32>
      %gather3A_1262 = tpu.vector_load_idx %arg10[%add3A_1261, %and3A_1217] : memref<376x128xf32, #tpu.memory_space<vmem>>[vector<16xi32>, vector<16xi32>], vector<16xf32>,
      %add3A_1263 = arith.constant 48 : i32
      %add3A_1264 = vector.broadcast %add3A_1263 : i32 to vector<16xi32>
      %add3A_1265 = arith.addi %iota3A, %add3A_1264 : vector<16xi32>
      tpu.vector_store_idx %arg14[%broadcast_in_dim3A_46, %broadcast_in_dim3A_979, %add3A_1265], %gather3A_1262 masked %lt3A_1223 : memref<8x8x128xf32, #tpu.memory_space<vmem>>[vector<16xi32>, vector<16xi32>, vector<16xi32>], vector<16xf32>, vector<16xi1>
      %add3A_1266 = arith.constant 6 : i32
      %add3A_1267 = vector.broadcast %add3A_1266 : i32 to vector<16xi32>
      %add3A_1268 = arith.addi %shift_left3A_1214, %add3A_1267 : vector<16xi32>
      %gather3A_1269 = tpu.vector_load_idx %arg10[%add3A_1268, %and3A_1217] : memref<376x128xf32, #tpu.memory_space<vmem>>[vector<16xi32>, vector<16xi32>], vector<16xf32>,
      %add3A_1270 = arith.constant 48 : i32
      %add3A_1271 = vector.broadcast %add3A_1270 : i32 to vector<16xi32>
      %add3A_1272 = arith.addi %iota3A, %add3A_1271 : vector<16xi32>
      tpu.vector_store_idx %arg14[%broadcast_in_dim3A_48, %broadcast_in_dim3A_979, %add3A_1272], %gather3A_1269 masked %lt3A_1223 : memref<8x8x128xf32, #tpu.memory_space<vmem>>[vector<16xi32>, vector<16xi32>, vector<16xi32>], vector<16xf32>, vector<16xi1>
      %add3A_1273 = arith.constant 7 : i32
      %add3A_1274 = vector.broadcast %add3A_1273 : i32 to vector<16xi32>
      %add3A_1275 = arith.addi %shift_left3A_1214, %add3A_1274 : vector<16xi32>
      %gather3A_1276 = tpu.vector_load_idx %arg10[%add3A_1275, %and3A_1217] : memref<376x128xf32, #tpu.memory_space<vmem>>[vector<16xi32>, vector<16xi32>], vector<16xf32>,
      %add3A_1277 = arith.constant 48 : i32
      %add3A_1278 = vector.broadcast %add3A_1277 : i32 to vector<16xi32>
      %add3A_1279 = arith.addi %iota3A, %add3A_1278 : vector<16xi32>
      tpu.vector_store_idx %arg14[%broadcast_in_dim3A_50, %broadcast_in_dim3A_979, %add3A_1279], %gather3A_1276 masked %lt3A_1223 : memref<8x8x128xf32, #tpu.memory_space<vmem>>[vector<16xi32>, vector<16xi32>, vector<16xi32>], vector<16xf32>, vector<16xi1>
      %add3A_1280 = arith.constant 2 : i32
      %add3A_1281 = arith.addi %add3A_784, %add3A_1280 : i32
      %lt3A_1282 = arith.constant 128 : i32
      %lt3A_1283 = arith.cmpi slt, %add3A_1281, %lt3A_1282 : i32
      %convert_element_type3A_1284 = arith.extui %lt3A_1283 : i1 to i32
      %cond3A_1285 = arith.constant 0 : i32
      %cond3A_1286 = arith.cmpi ne, %convert_element_type3A_1284, %cond3A_1285 : i32
      scf.if %cond3A_1286 {
        %add3A_1310 = arith.constant 2 : i32
        %add3A_1311 = arith.addi %add3A_785, %add3A_1310 : i32
        %dma_start3A_1312 = arith.constant 0 : i32
        %dma_start3A_1313 = arith.constant 0 : i32
        %dma_start3A_1314 = tpu.memref_slice %arg2[%add3A_1311, %dma_start3A_1312, %dma_start3A_1313] : memref<512x16x128xi32, #tpu.memory_space<hbm>> -> memref<1x16x128xi32, #tpu.memory_space<hbm>>
        %dma_start3A_1315 = tpu.memref_squeeze %dma_start3A_1314 : memref<1x16x128xi32, #tpu.memory_space<hbm>> -> memref<16x128xi32, #tpu.memory_space<hbm>>
        %dma_start3A_1316 = arith.constant 0 : i32
        %dma_start3A_1317 = arith.constant 0 : i32
        %dma_start3A_1318 = tpu.memref_slice %arg2[%add3A_1311, %dma_start3A_1316, %dma_start3A_1317] : memref<512x16x128xi32, #tpu.memory_space<hbm>> -> memref<1x16x128xi32, #tpu.memory_space<hbm>>
        %dma_start3A_1319 = tpu.memref_squeeze %dma_start3A_1318 : memref<1x16x128xi32, #tpu.memory_space<hbm>> -> memref<16x128xi32, #tpu.memory_space<hbm>>
        tpu.enqueue_dma source(%dma_start3A_1319 : memref<16x128xi32, #tpu.memory_space<hbm>>) target(%arg16 : memref<16x128xi32, #tpu.memory_space<vmem>>) target_semaphore(%arg22 : memref<!tpu.dma_semaphore, #tpu.memory_space<semaphore_mem>>)
        %add3A_1320 = arith.constant 2 : i32
        %add3A_1321 = arith.addi %add3A_785, %add3A_1320 : i32
        %dma_start3A_1322 = arith.constant 0 : i32
        %dma_start3A_1323 = arith.constant 0 : i32
        %dma_start3A_1324 = tpu.memref_slice %arg4[%add3A_1321, %dma_start3A_1322, %dma_start3A_1323] : memref<512x8x128xi32, #tpu.memory_space<hbm>> -> memref<1x8x128xi32, #tpu.memory_space<hbm>>
        %dma_start3A_1325 = tpu.memref_squeeze %dma_start3A_1324 : memref<1x8x128xi32, #tpu.memory_space<hbm>> -> memref<8x128xi32, #tpu.memory_space<hbm>>
        %dma_start3A_1326 = arith.constant 0 : i32
        %dma_start3A_1327 = arith.constant 0 : i32
        %dma_start3A_1328 = tpu.memref_slice %arg4[%add3A_1321, %dma_start3A_1326, %dma_start3A_1327] : memref<512x8x128xi32, #tpu.memory_space<hbm>> -> memref<1x8x128xi32, #tpu.memory_space<hbm>>
        %dma_start3A_1329 = tpu.memref_squeeze %dma_start3A_1328 : memref<1x8x128xi32, #tpu.memory_space<hbm>> -> memref<8x128xi32, #tpu.memory_space<hbm>>
        tpu.enqueue_dma source(%dma_start3A_1329 : memref<8x128xi32, #tpu.memory_space<hbm>>) target(%arg18 : memref<8x128xi32, #tpu.memory_space<vmem>>) target_semaphore(%arg24 : memref<!tpu.dma_semaphore, #tpu.memory_space<semaphore_mem>>)
      } else {
      }
      %dma_start3A_1287 = arith.constant 0 : i32
      %dma_start3A_1288 = arith.constant 0 : i32
      %dma_start3A_1289 = tpu.memref_slice %arg7[%select_n3A_809, %select_n3A_825, %dma_start3A_1287, %multiple_of3A, %dma_start3A_1288] : memref<16x32x21x64x128xf32, #tpu.memory_space<hbm>> -> memref<1x1x21x8x128xf32, #tpu.memory_space<hbm>>
      %dma_start3A_1290 = tpu.memref_squeeze %dma_start3A_1289 : memref<1x1x21x8x128xf32, #tpu.memory_space<hbm>> -> memref<21x8x128xf32, #tpu.memory_space<hbm>>
      %dma_start3A_1291 = arith.constant 0 : i32
      %dma_start3A_1292 = arith.constant 0 : i32
      %dma_start3A_1293 = tpu.memref_slice %arg7[%select_n3A_809, %select_n3A_825, %dma_start3A_1291, %multiple_of3A, %dma_start3A_1292] : memref<16x32x21x64x128xf32, #tpu.memory_space<hbm>> -> memref<1x1x21x8x128xf32, #tpu.memory_space<hbm>>
      %dma_start3A_1294 = tpu.memref_squeeze %dma_start3A_1293 : memref<1x1x21x8x128xf32, #tpu.memory_space<hbm>> -> memref<21x8x128xf32, #tpu.memory_space<hbm>>
      tpu.enqueue_dma source(%arg20 : memref<21x8x128xf32, #tpu.memory_space<vmem>>) target(%dma_start3A_1294 : memref<21x8x128xf32, #tpu.memory_space<hbm>>) target_semaphore(%arg26 : memref<!tpu.dma_semaphore, #tpu.memory_space<semaphore_mem>>)
      %and3A_1295 = arith.constant 7 : i32
      %and3A_1296 = arith.andi %add3A_784, %and3A_1295 : i32
      %eq3A_1297 = arith.constant 7 : i32
      %eq3A_1298 = arith.cmpi eq, %and3A_1296, %eq3A_1297 : i32
      %convert_element_type3A_1299 = arith.extui %eq3A_1298 : i1 to i32
      %cond3A_1300 = arith.constant 0 : i32
      %cond3A_1301 = arith.cmpi ne, %convert_element_type3A_1299, %cond3A_1300 : i32
      scf.if %cond3A_1301 {
        %and3A_1310 = arith.constant -8 : i32
        %and3A_1311 = arith.andi %add3A_784, %and3A_1310 : i32
        %add3A_1312 = arith.addi %multiple_of3A_35, %and3A_1311 : i32
        %multiple_of3A_1313 = tpu.assume_multiple %add3A_1312, 8 : i32
        "tpu.region"() ({
          %run_scoped3A = tpu.sem_alloc : memref<!tpu.dma_semaphore, #tpu.memory_space<semaphore_mem>>
          %dma_start3A_1314 = arith.constant 0 : i32
          %dma_start3A_1315 = arith.constant 0 : i32
          %dma_start3A_1316 = tpu.memref_slice %arg9[%select_n3A_9, %dma_start3A_1314, %multiple_of3A_1313, %dma_start3A_1315] : memref<8x8x512x128xf32, #tpu.memory_space<hbm>> -> memref<1x8x8x128xf32, #tpu.memory_space<hbm>>
          %dma_start3A_1317 = tpu.memref_squeeze %dma_start3A_1316 : memref<1x8x8x128xf32, #tpu.memory_space<hbm>> -> memref<8x8x128xf32, #tpu.memory_space<hbm>>
          %dma_start3A_1318 = arith.constant 0 : i32
          %dma_start3A_1319 = arith.constant 0 : i32
          %dma_start3A_1320 = tpu.memref_slice %arg9[%select_n3A_9, %dma_start3A_1318, %multiple_of3A_1313, %dma_start3A_1319] : memref<8x8x512x128xf32, #tpu.memory_space<hbm>> -> memref<1x8x8x128xf32, #tpu.memory_space<hbm>>
          %dma_start3A_1321 = tpu.memref_squeeze %dma_start3A_1320 : memref<1x8x8x128xf32, #tpu.memory_space<hbm>> -> memref<8x8x128xf32, #tpu.memory_space<hbm>>
          tpu.enqueue_dma source(%arg14 : memref<8x8x128xf32, #tpu.memory_space<vmem>>) target(%dma_start3A_1321 : memref<8x8x128xf32, #tpu.memory_space<hbm>>) target_semaphore(%run_scoped3A : memref<!tpu.dma_semaphore, #tpu.memory_space<semaphore_mem>>)
          %dma_wait3A_1322 = arith.constant 0 : i32
          %dma_wait3A_1323 = arith.constant 0 : i32
          %dma_wait3A_1324 = tpu.memref_slice %arg9[%select_n3A_9, %dma_wait3A_1322, %multiple_of3A_1313, %dma_wait3A_1323] : memref<8x8x512x128xf32, #tpu.memory_space<hbm>> -> memref<1x8x8x128xf32, #tpu.memory_space<hbm>>
          %dma_wait3A_1325 = tpu.memref_squeeze %dma_wait3A_1324 : memref<1x8x8x128xf32, #tpu.memory_space<hbm>> -> memref<8x8x128xf32, #tpu.memory_space<hbm>>
          %dma_wait3A_1326 = arith.constant 0 : i32
          %dma_wait3A_1327 = arith.constant 0 : i32
          %dma_wait3A_1328 = tpu.memref_slice %arg9[%select_n3A_9, %dma_wait3A_1326, %multiple_of3A_1313, %dma_wait3A_1327] : memref<8x8x512x128xf32, #tpu.memory_space<hbm>> -> memref<1x8x8x128xf32, #tpu.memory_space<hbm>>
          %dma_wait3A_1329 = tpu.memref_squeeze %dma_wait3A_1328 : memref<1x8x8x128xf32, #tpu.memory_space<hbm>> -> memref<8x8x128xf32, #tpu.memory_space<hbm>>
          tpu.wait_dma2 semaphore(%run_scoped3A : memref<!tpu.dma_semaphore, #tpu.memory_space<semaphore_mem>>) src(%arg14 : memref<8x8x128xf32, #tpu.memory_space<vmem>>) dst(%dma_wait3A_1329 : memref<8x8x128xf32, #tpu.memory_space<hbm>>)
          tpu.yield
        }) : () -> ()
      } else {
      }
      %and3A_1302 = arith.constant 63 : i32
      %and3A_1303 = arith.andi %add3A_784, %and3A_1302 : i32
      %eq3A_1304 = arith.constant 63 : i32
      %eq3A_1305 = arith.cmpi eq, %and3A_1303, %eq3A_1304 : i32
      %convert_element_type3A_1306 = arith.extui %eq3A_1305 : i1 to i32
      %cond3A_1307 = arith.constant 0 : i32
      %cond3A_1308 = arith.cmpi ne, %convert_element_type3A_1306, %cond3A_1307 : i32
      scf.if %cond3A_1308 {
        %and3A_1310 = arith.constant -64 : i32
        %and3A_1311 = arith.andi %add3A_784, %and3A_1310 : i32
        %add3A_1312 = arith.addi %multiple_of3A_35, %and3A_1311 : i32
        %multiple_of3A_1313 = tpu.assume_multiple %add3A_1312, 64 : i32
        "tpu.region"() ({
          %run_scoped3A = tpu.sem_alloc : memref<!tpu.dma_semaphore, #tpu.memory_space<semaphore_mem>>
          %dma_start3A_1314 = arith.constant 0 : i32
          %dma_start3A_1315 = tpu.memref_slice %arg8[%select_n3A_9, %multiple_of3A_1313, %dma_start3A_1314] : memref<8x512x128xf32, #tpu.memory_space<hbm>> -> memref<1x64x128xf32, #tpu.memory_space<hbm>>
          %dma_start3A_1316 = tpu.memref_squeeze %dma_start3A_1315 : memref<1x64x128xf32, #tpu.memory_space<hbm>> -> memref<64x128xf32, #tpu.memory_space<hbm>>
          %dma_start3A_1317 = arith.constant 0 : i32
          %dma_start3A_1318 = tpu.memref_slice %arg8[%select_n3A_9, %multiple_of3A_1313, %dma_start3A_1317] : memref<8x512x128xf32, #tpu.memory_space<hbm>> -> memref<1x64x128xf32, #tpu.memory_space<hbm>>
          %dma_start3A_1319 = tpu.memref_squeeze %dma_start3A_1318 : memref<1x64x128xf32, #tpu.memory_space<hbm>> -> memref<64x128xf32, #tpu.memory_space<hbm>>
          tpu.enqueue_dma source(%arg13 : memref<64x128xf32, #tpu.memory_space<vmem>>) target(%dma_start3A_1319 : memref<64x128xf32, #tpu.memory_space<hbm>>) target_semaphore(%run_scoped3A : memref<!tpu.dma_semaphore, #tpu.memory_space<semaphore_mem>>)
          %dma_wait3A_1320 = arith.constant 0 : i32
          %dma_wait3A_1321 = tpu.memref_slice %arg8[%select_n3A_9, %multiple_of3A_1313, %dma_wait3A_1320] : memref<8x512x128xf32, #tpu.memory_space<hbm>> -> memref<1x64x128xf32, #tpu.memory_space<hbm>>
          %dma_wait3A_1322 = tpu.memref_squeeze %dma_wait3A_1321 : memref<1x64x128xf32, #tpu.memory_space<hbm>> -> memref<64x128xf32, #tpu.memory_space<hbm>>
          %dma_wait3A_1323 = arith.constant 0 : i32
          %dma_wait3A_1324 = tpu.memref_slice %arg8[%select_n3A_9, %multiple_of3A_1313, %dma_wait3A_1323] : memref<8x512x128xf32, #tpu.memory_space<hbm>> -> memref<1x64x128xf32, #tpu.memory_space<hbm>>
          %dma_wait3A_1325 = tpu.memref_squeeze %dma_wait3A_1324 : memref<1x64x128xf32, #tpu.memory_space<hbm>> -> memref<64x128xf32, #tpu.memory_space<hbm>>
          tpu.wait_dma2 semaphore(%run_scoped3A : memref<!tpu.dma_semaphore, #tpu.memory_space<semaphore_mem>>) src(%arg13 : memref<64x128xf32, #tpu.memory_space<vmem>>) dst(%dma_wait3A_1325 : memref<64x128xf32, #tpu.memory_space<hbm>>)
          tpu.yield
        }) : () -> ()
      } else {
      }
      %scan3A_1309 = arith.constant 0 : i32
      scf.yield %scan3A_1309 : i32
    }
    %scan3A_153 = arith.constant 64 : i32
    %add3A_154 = arith.constant 128 : i32
    %add3A_155 = arith.addi %multiple_of3A_35, %add3A_154 : i32
    %sub3A_156 = arith.constant 2 : i32
    %sub3A_157 = arith.subi %add3A_155, %sub3A_156 : i32
    %add3A_158 = arith.constant 0 : i32
    %add3A_159 = arith.addi %sub3A_157, %add3A_158 : i32
    %jit3A_160 = arith.constant 32 : i32
    %div3A_161 = arith.divsi %add3A_159, %jit3A_160 : i32
    %sign3A_162 = arith.constant 0 : i32
    %sign3A_163 = arith.cmpi sgt, %add3A_159, %sign3A_162 : i32
    %sign3A_164 = arith.extui %sign3A_163 : i1 to i32
    %sign3A_165 = arith.constant 0 : i32
    %sign3A_166 = arith.cmpi slt, %add3A_159, %sign3A_165 : i32
    %sign3A_167 = arith.extui %sign3A_166 : i1 to i32
    %sign3A_168 = arith.subi %sign3A_164, %sign3A_167 : i32
    %sign3A_169 = arith.constant 0 : i32
    %sign3A_170 = arith.cmpi sgt, %jit3A_160, %sign3A_169 : i32
    %sign3A_171 = arith.extui %sign3A_170 : i1 to i32
    %sign3A_172 = arith.constant 0 : i32
    %sign3A_173 = arith.cmpi slt, %jit3A_160, %sign3A_172 : i32
    %sign3A_174 = arith.extui %sign3A_173 : i1 to i32
    %sign3A_175 = arith.subi %sign3A_171, %sign3A_174 : i32
    %ne3A_176 = arith.cmpi ne, %sign3A_168, %sign3A_175 : i32
    %rem3A_177 = arith.remsi %add3A_159, %jit3A_160 : i32
    %ne3A_178 = arith.constant 0 : i32
    %ne3A_179 = arith.cmpi ne, %rem3A_177, %ne3A_178 : i32
    %and3A_180 = arith.andi %ne3A_176, %ne3A_179 : i1
    %sub3A_181 = arith.constant 1 : i32
    %sub3A_182 = arith.subi %div3A_161, %sub3A_181 : i32
    %select_n3A_183 = arith.select %and3A_180, %sub3A_182, %div3A_161 : i32
    %jit3A_184 = arith.constant 32 : i32
    %eq3A_185 = arith.constant 0 : i32
    %eq3A_186 = arith.cmpi eq, %jit3A_184, %eq3A_185 : i32
    %jit3A_187 = arith.constant 1 : i32
    %select_n3A_188 = arith.select %eq3A_186, %jit3A_187, %jit3A_184 : i32
    %rem3A_189 = arith.remsi %add3A_159, %select_n3A_188 : i32
    %ne3A_190 = arith.constant 0 : i32
    %ne3A_191 = arith.cmpi ne, %rem3A_189, %ne3A_190 : i32
    %lt3A_192 = arith.constant 0 : i32
    %lt3A_193 = arith.cmpi slt, %rem3A_189, %lt3A_192 : i32
    %lt3A_194 = arith.constant 0 : i32
    %lt3A_195 = arith.cmpi slt, %select_n3A_188, %lt3A_194 : i32
    %ne3A_196 = arith.xori %lt3A_193, %lt3A_195 : i1
    %and3A_197 = arith.andi %ne3A_196, %ne3A_191 : i1
    %add3A_198 = arith.addi %rem3A_189, %select_n3A_188 : i32
    %select_n3A_199 = arith.select %and3A_197, %add3A_198, %rem3A_189 : i32
    %dma_wait3A = arith.constant 0 : i32
    %dma_wait3A_200 = arith.constant 0 : i32
    %dma_wait3A_201 = tpu.memref_slice %arg7[%select_n3A_183, %select_n3A_199, %dma_wait3A, %multiple_of3A, %dma_wait3A_200] : memref<16x32x21x64x128xf32, #tpu.memory_space<hbm>> -> memref<1x1x21x8x128xf32, #tpu.memory_space<hbm>>
    %dma_wait3A_202 = tpu.memref_squeeze %dma_wait3A_201 : memref<1x1x21x8x128xf32, #tpu.memory_space<hbm>> -> memref<21x8x128xf32, #tpu.memory_space<hbm>>
    %dma_wait3A_203 = arith.constant 0 : i32
    %dma_wait3A_204 = arith.constant 0 : i32
    %dma_wait3A_205 = tpu.memref_slice %arg7[%select_n3A_183, %select_n3A_199, %dma_wait3A_203, %multiple_of3A, %dma_wait3A_204] : memref<16x32x21x64x128xf32, #tpu.memory_space<hbm>> -> memref<1x1x21x8x128xf32, #tpu.memory_space<hbm>>
    %dma_wait3A_206 = tpu.memref_squeeze %dma_wait3A_205 : memref<1x1x21x8x128xf32, #tpu.memory_space<hbm>> -> memref<21x8x128xf32, #tpu.memory_space<hbm>>
    tpu.wait_dma2 semaphore(%arg25 : memref<!tpu.dma_semaphore, #tpu.memory_space<semaphore_mem>>) src(%arg19 : memref<21x8x128xf32, #tpu.memory_space<vmem>>) dst(%dma_wait3A_206 : memref<21x8x128xf32, #tpu.memory_space<hbm>>)
    %add3A_207 = arith.constant 128 : i32
    %add3A_208 = arith.addi %multiple_of3A_35, %add3A_207 : i32
    %sub3A_209 = arith.constant 2 : i32
    %sub3A_210 = arith.subi %add3A_208, %sub3A_209 : i32
    %add3A_211 = arith.constant 1 : i32
    %add3A_212 = arith.addi %sub3A_210, %add3A_211 : i32
    %jit3A_213 = arith.constant 32 : i32
    %div3A_214 = arith.divsi %add3A_212, %jit3A_213 : i32
    %sign3A_215 = arith.constant 0 : i32
    %sign3A_216 = arith.cmpi sgt, %add3A_212, %sign3A_215 : i32
    %sign3A_217 = arith.extui %sign3A_216 : i1 to i32
    %sign3A_218 = arith.constant 0 : i32
    %sign3A_219 = arith.cmpi slt, %add3A_212, %sign3A_218 : i32
    %sign3A_220 = arith.extui %sign3A_219 : i1 to i32
    %sign3A_221 = arith.subi %sign3A_217, %sign3A_220 : i32
    %sign3A_222 = arith.constant 0 : i32
    %sign3A_223 = arith.cmpi sgt, %jit3A_213, %sign3A_222 : i32
    %sign3A_224 = arith.extui %sign3A_223 : i1 to i32
    %sign3A_225 = arith.constant 0 : i32
    %sign3A_226 = arith.cmpi slt, %jit3A_213, %sign3A_225 : i32
    %sign3A_227 = arith.extui %sign3A_226 : i1 to i32
    %sign3A_228 = arith.subi %sign3A_224, %sign3A_227 : i32
    %ne3A_229 = arith.cmpi ne, %sign3A_221, %sign3A_228 : i32
    %rem3A_230 = arith.remsi %add3A_212, %jit3A_213 : i32
    %ne3A_231 = arith.constant 0 : i32
    %ne3A_232 = arith.cmpi ne, %rem3A_230, %ne3A_231 : i32
    %and3A_233 = arith.andi %ne3A_229, %ne3A_232 : i1
    %sub3A_234 = arith.constant 1 : i32
    %sub3A_235 = arith.subi %div3A_214, %sub3A_234 : i32
    %select_n3A_236 = arith.select %and3A_233, %sub3A_235, %div3A_214 : i32
    %jit3A_237 = arith.constant 32 : i32
    %eq3A_238 = arith.constant 0 : i32
    %eq3A_239 = arith.cmpi eq, %jit3A_237, %eq3A_238 : i32
    %jit3A_240 = arith.constant 1 : i32
    %select_n3A_241 = arith.select %eq3A_239, %jit3A_240, %jit3A_237 : i32
    %rem3A_242 = arith.remsi %add3A_212, %select_n3A_241 : i32
    %ne3A_243 = arith.constant 0 : i32
    %ne3A_244 = arith.cmpi ne, %rem3A_242, %ne3A_243 : i32
    %lt3A_245 = arith.constant 0 : i32
    %lt3A_246 = arith.cmpi slt, %rem3A_242, %lt3A_245 : i32
    %lt3A_247 = arith.constant 0 : i32
    %lt3A_248 = arith.cmpi slt, %select_n3A_241, %lt3A_247 : i32
    %ne3A_249 = arith.xori %lt3A_246, %lt3A_248 : i1
    %and3A_250 = arith.andi %ne3A_249, %ne3A_244 : i1
    %add3A_251 = arith.addi %rem3A_242, %select_n3A_241 : i32
    %select_n3A_252 = arith.select %and3A_250, %add3A_251, %rem3A_242 : i32
    %dma_wait3A_253 = arith.constant 0 : i32
    %dma_wait3A_254 = arith.constant 0 : i32
    %dma_wait3A_255 = tpu.memref_slice %arg7[%select_n3A_236, %select_n3A_252, %dma_wait3A_253, %multiple_of3A, %dma_wait3A_254] : memref<16x32x21x64x128xf32, #tpu.memory_space<hbm>> -> memref<1x1x21x8x128xf32, #tpu.memory_space<hbm>>
    %dma_wait3A_256 = tpu.memref_squeeze %dma_wait3A_255 : memref<1x1x21x8x128xf32, #tpu.memory_space<hbm>> -> memref<21x8x128xf32, #tpu.memory_space<hbm>>
    %dma_wait3A_257 = arith.constant 0 : i32
    %dma_wait3A_258 = arith.constant 0 : i32
    %dma_wait3A_259 = tpu.memref_slice %arg7[%select_n3A_236, %select_n3A_252, %dma_wait3A_257, %multiple_of3A, %dma_wait3A_258] : memref<16x32x21x64x128xf32, #tpu.memory_space<hbm>> -> memref<1x1x21x8x128xf32, #tpu.memory_space<hbm>>
    %dma_wait3A_260 = tpu.memref_squeeze %dma_wait3A_259 : memref<1x1x21x8x128xf32, #tpu.memory_space<hbm>> -> memref<21x8x128xf32, #tpu.memory_space<hbm>>
    tpu.wait_dma2 semaphore(%arg26 : memref<!tpu.dma_semaphore, #tpu.memory_space<semaphore_mem>>) src(%arg20 : memref<21x8x128xf32, #tpu.memory_space<vmem>>) dst(%dma_wait3A_260 : memref<21x8x128xf32, #tpu.memory_space<hbm>>)
    return
  }
}

</mosaic_0001>

<sc_bundles>
// kernel: _sc_call.3.cloned.1.call-start
scs
__scs_entry_jumppad:
0x0: {  	(pc) =	sbr.rel $0x88, $3  }
0x1: {  	(tag) =	ssettag $0x0;
	lr =	simm.s32 $0x1  }
0x2: {  	[smem:$0x3F9C] =	sst lr;
	_ =	strace $0xD0000000  }
0x3: {  	_ = 	snop  }
0x4: {  	_ = 	snop  }
0x5: {  	_ = 	snop  }
0x6: {  	_ = 	snop  }
0x7: {  	_ = 	snop  }
__scs_overlays_trampoline_lowered:
0x8: {  	[smem:$0x3FAB] =	sst s0  }
0x9: {  	[smem:$0x3FAC] =	sst s1  }
0xa: {  	[smem:$0x3FAD] =	sst s2  }
0xb: {  	[smem:$0x3FAE] =	sst s3  }
0xc: {  	[smem:$0x3FAF] =	sst s4  }
0xd: {  	[smem:$0x3FB0] =	sst s5  }
0xe: {  	[smem:$0x3FB1] =	sst s6  }
0xf: {  	[smem:$0x3FB2] =	sst s7  }
0x10: {  	[smem:$0x3FB3] =	sst s8  }
0x11: {  	[smem:$0x3FB4] =	sst s9;
	s0 =	simm.s32 @!p0 $0x0  }
0x12: {  	s1 =	sld [smem:$0x3F9A];
	s0 =	simm.s32 @p0 $0x1  }
0x13: {  	[smem:$0x3FB5] =	sst s0;
	s0 =	simm.s32 @!p1 $0x0  }
0x14: {  	s2 =	sld [smem:$0x3F99];
	s0 =	simm.s32 @p1 $0x1  }
0x15: {  	[smem:$0x3FB6] =	sst s0;
	s0 =	simm.s32 @!p2 $0x0  }
0x16: {  	s3 =	sld [smem:$0x3FDB];
	s0 =	simm.s32 @p2 $0x1  }
0x17: {  	s4 =	simm.s32 $0x1BF5;
	[smem:$0x3FB8] =	sst s0  }
0x18: {  	s0 =	sld [smem:$0x3F9B];
	_ =	swait.ge [sflag:s4], $0x0  }
0x19: {  	s7 =	sld [smem:$0x3F9C]  }
0x1a: {  	s8 =	sadd.s32 $0xFFFFE003, lr  }
0x1b: {  	s9 =	sadd.s32 $0xFFFFFEF7, lr;
	s5 =	simm.s32 $0xFFFFFFFF;
	p2 =	slt.u32 s8, $0xFFFFF086  }
0x1c: {  	p1 =	slt.u32 s9, $0xF7A;
	s5 =	simm.s32 @!p2 $0x0  }
0x1d: {  	s5 =	simm.s32 @p1 $0x1;
	p0 =	seq.s32 s7, s2  }
0x1e: {  	s7 =	smul.u32 @!p0 $0xF7A, s2;
	p2 =	seq.s32 @!p0 s5, $0x0  }
0x1f: {  	s9 =	smul.u32 $0xF7A, s1;
	s8 =	simm.s32 @!p0 $0x1BF5;
	p2 =	por !p2, p0  }
0x20: {  	[sflag:s8] =	ssyncset.s32 @!p0 $0xFFFFF086;
	s6 =	sadd.s32 @!p0 s3, s7;
	s7 =	simm.s32 @!p0 $0x108  }
0x21: {  	s3 =	sadd.s32 s3, s9;
	s6 =	sadd.s32 @!p0 $0x88, s6;
	s7 =	simm.s32 @p2 $0x1082  }
0x22: {  	[simem:s7], [sflag:s8] =	dma.local @!p0 [hbm:s6], $0xF7A  }
0x23: {  	s9 =	sor.u32 $0xD0000000, s2;
	s6 =	simm.s32 $0x108;
	_ =	swait.ge @!p0 [sflag:s8], $0x0  }
0x24: {  	s3 =	sadd.s32 $0x88, s3;
	s6 =	simm.s32 @!p1 $0x1082;
	[sflag:s4] =	ssyncset.s32 $0xFFFFF086  }
0x25: {  	[simem:s6], [sflag:s4] =	dma.local [hbm:s3], $0xF7A  }
0x26: {  	[smem:$0x3F9C] =	sst s1;
	(tag) =	ssettag s2;
	_ =	strace s9  }
0x27: {  	s1 =	sld [smem:$0x3FAC]  }
0x28: {  	s2 =	sld [smem:$0x3FAD]  }
0x29: {  	s4 =	sld [smem:$0x3FAF]  }
0x2a: {  	p0 =	seq.s32 s5, $0x0;
	s5 =	sld [smem:$0x3FB0]  }
0x2b: {  	s6 =	sld [smem:$0x3FB1]  }
0x2c: {  	s7 =	sld [smem:$0x3FB2]  }
0x2d: {  	s3 =	simm.s32 $0x108;
	s8 =	sld [smem:$0x3FB3]  }
0x2e: {  	s3 =	simm.s32 @!p0 $0x1082;
	s9 =	sld [smem:$0x3FB4]  }
0x2f: {  	lr =	sadd.s32 s0, s3;
	s0 =	sld [smem:$0x3FAB]  }
0x30: {  	s3 =	sld [smem:$0x3FAE]  }
0x31: {  	[smem:$0x3FB7] =	sst s10  }
0x32: {  	s10 =	sld [smem:$0x3FB5];
	_ =	sdelay $0x3  }
0x33: {  	p0 =	seq.s32 s10, $0x1;
	s10 =	sld [smem:$0x3FB7];
	_ =	sdelay $0x3  }
0x34: {  	[smem:$0x3FB7] =	sst s10  }
0x35: {  	s10 =	sld [smem:$0x3FB6];
	_ =	sdelay $0x3  }
0x36: {  	p1 =	seq.s32 s10, $0x1;
	s10 =	sld [smem:$0x3FB7];
	_ =	sdelay $0x3  }
0x37: {  	[smem:$0x3FB7] =	sst s10  }
0x38: {  	s10 =	sld [smem:$0x3FB8]  }
0x39: {  	_ = 	snop;
	(pc) =	sbr.ind lr, $3  }
0x3a: {  	_ = 	snop  }
0x3b: {  	_ = 	snop  }
0x3c: {  	p2 =	seq.s32 s10, $0x1;
	s10 =	sld [smem:$0x3FB7]  }
0x3d: {  	_ =	shalt  }
0x3e: {  	_ =	shalt  }
0x3f: {  	_ =	shalt  }
0x40: {  	_ =	shalt  }
0x41: {  	_ =	shalt  }
0x42: {  	_ =	shalt  }
0x43: {  	_ =	shalt  }
0x44: {  	_ =	shalt  }
0x45: {  	_ =	shalt  }
0x46: {  	_ =	shalt  }
0x47: {  	_ =	shalt  }
0x48: {  	_ =	shalt  }
0x49: {  	_ =	shalt  }
0x4a: {  	_ =	shalt  }
0x4b: {  	_ =	shalt  }
0x4c: {  	_ =	shalt  }
0x4d: {  	_ =	shalt  }
0x4e: {  	_ =	shalt  }
0x4f: {  	_ =	shalt  }
0x50: {  	_ =	shalt  }
0x51: {  	_ =	shalt  }
0x52: {  	_ =	shalt  }
0x53: {  	_ =	shalt  }
0x54: {  	_ =	shalt  }
0x55: {  	_ =	shalt  }
0x56: {  	_ =	shalt  }
0x57: {  	_ =	shalt  }
0x58: {  	_ =	shalt  }
0x59: {  	_ =	shalt  }
0x5a: {  	_ =	shalt  }
0x5b: {  	_ =	shalt  }
0x5c: {  	_ =	shalt  }
0x5d: {  	_ =	shalt  }
0x5e: {  	_ =	shalt  }
0x5f: {  	_ =	shalt  }
0x60: {  	_ =	shalt  }
0x61: {  	_ =	shalt  }
0x62: {  	_ =	shalt  }
0x63: {  	_ =	shalt  }
0x64: {  	_ =	shalt  }
0x65: {  	_ =	shalt  }
0x66: {  	_ =	shalt  }
0x67: {  	_ =	shalt  }
0x68: {  	_ =	shalt  }
0x69: {  	_ =	shalt  }
0x6a: {  	_ =	shalt  }
0x6b: {  	_ =	shalt  }
0x6c: {  	_ =	shalt  }
0x6d: {  	_ =	shalt  }
0x6e: {  	_ =	shalt  }
0x6f: {  	_ =	shalt  }
0x70: {  	_ =	shalt  }
0x71: {  	_ =	shalt  }
0x72: {  	_ =	shalt  }
0x73: {  	_ =	shalt  }
0x74: {  	_ =	shalt  }
0x75: {  	_ =	shalt  }
0x76: {  	_ =	shalt  }
0x77: {  	_ =	shalt  }
0x78: {  	_ =	shalt  }
0x79: {  	_ =	shalt  }
0x7a: {  	_ =	shalt  }
0x7b: {  	_ =	shalt  }
0x7c: {  	_ =	shalt  }
0x7d: {  	_ =	shalt  }
0x7e: {  	_ =	shalt  }
0x7f: {  	_ =	shalt  }
0x80: {  	_ =	shalt  }
0x81: {  	_ =	shalt  }
0x82: {  	_ =	shalt  }
0x83: {  	_ =	shalt  }
0x84: {  	_ =	shalt  }
0x85: {  	_ =	shalt  }
0x86: {  	_ =	shalt  }
0x87: {  	_ =	shalt  }
.Lfunc_end0:
.L_simem_size_0:
called_computation_lowered:
.L_overlay_start_0:
0x88: {  	s2 =	sld [smem:$0x3FD9]  }
0x89: {  	s3 =	sld [smem:$0x3FFE];
	_ =	sdelay $0x1  }
0x8a: {  	s1 =	srdreg.scid  }
0x8b: {  	s0 =	sand.u32 $0x1, s1  }
0x8c: {  	s15 =	sshll.u32 s0, $0xA;
	s2 =	sadd.s32 s3, s2  }
0x8d: {  	s2 =	sadd.s32 s2, s15  }
0x8e: {  	[smem:$0x3FC3] =	sst s2  }
0x8f: {  	_ = 	snop  }
0x90: {  	s2 =	sld [smem:$0x3FC9]  }
0x91: {  	s16 =	sld [smem:$0x3FC8]  }
0x92: {  	s4 =	sld [smem:$0x3FD0]  }
0x93: {  	s5 =	sld [smem:$0x3FC7]  }
0x94: {  	s6 =	sld [smem:$0x3FC6]  }
0x95: {  	s8 =	simm.s32 $0xA;
	s9 =	simm.s32 $0x10;
	s7 =	sld [smem:$0x3FC5]  }
0x96: {  	[smem:s9], [sflag:s8] =	dma.local [hbm:s4], $0x1  }
0x97: {  	_ =	swait.eq [sflag:s8], $0x1  }
0x98: {  	s17 =	sld [smem:$0x10];
	[sflag:s8] =	ssyncset.done $0x0  }
0x99: {  	s18 =	sld [smem:$0x11];
	[sflag:s8] =	ssyncadd.s32 $0xFFFFFFFF  }
0x9a: {  	s19 =	sld [smem:$0x12];
	(tm) =	ssettm $0x1  }
0x9b: {  	s10 =	sld [smem:$0x3FFB];
	_ =	sdelay $0x3  }
0x9c: {  	_ =	strace s10  }
0x9d: {  	s10 =	sld [smem:$0x3FFC];
	_ =	sdelay $0x3  }
0x9e: {  	_ =	strace s10  }
0x9f: {  	s10 =	sld [smem:$0x3FFD];
	_ =	sdelay $0x3  }
0xa0: {  	_ =	strace s10  }
0xa1: {  	_ =	strace $0x8FFFFFFF  }
0xa2: {  	s20 =	sld [smem:$0x3FDB];
	_ =	sdelay $0x1  }
0xa3: {  	s11 =	simm.s32 $_scs_section_size  }
0xa4: {  	s12 =	simm.s32 $_size__tile_overlayer_lowered;
	s13 =	simm.s32 $_tile_overlayer_lowered  }
0xa5: {  	s23 =	simm.s32 $0x1BFF;
	s22 =	sshll.u32 s13, $0x1;
	s10 =	sadd.s32 s11, s20  }
0xa6: {  	s14 =	simm.s32 $0x0;
	s21 =	sshll.u32 s12, $0x1;
	s12 =	sadd.s32 s22, s10  }
0xa7: {  	[timem:s14], [sflag:s23] =	dma.local [hbm:s12], s21  }
0xa8: {  	_ =	swait.ge [sflag:s23], s21  }
0xa9: {  	s11 =	ssub.s32 $0x0, s21;
	[sflag:s23] =	ssyncset.done $0x0  }
0xaa: {  	[sflag:s23] =	ssyncadd.s32 s11;
	_ =	sdelay $0x1  }
0xab: {  	s24 =	simm.s32 $0x1B8B  }
0xac: {  	_ =	swait.ge [sflag:s24], $0x1  }
0xad: {  	[sflag:s24] =	ssyncset.done $0x0  }
0xae: {  	s25 =	simm.s32 $0x1B8E;
	[sflag:s24] =	ssyncadd.s32 $0xFFFFFFFF  }
0xaf: {  	s26 =	simm.s32 $execute0_lowered;
	[smem:$0x3FD2] =	sst s25  }
0xb0: {  	s11 =	sshll.u32 s26, $0x1;
	_ =	strace $0x80000046;
	[dreg:$0x1] =	wrdreg $0xFFFFFFFF  }
0xb1: {  	s28 =	simm.s32 $_size_execute0_lowered;
	s10 =	sadd.s32 s10, s11;
	[dreg:$0x0] =	wrdreg $0x0  }
0xb2: {  	s11 =	sshll.u32 s28, $0x1;
	[dreg:$0x2] =	wrdreg s10  }
0xb3: {  	[dreg:$0x3] =	wrdreg s11  }
0xb4: {  	[dreg:$0x4] =	wrdreg $0xC0  }
0xb5: {  	_ =	task [dreg:s14], $0x5FFFF  }
0xb6: {  	[dreg:$0x1] =	wrdreg $0xFFFFFFFF  }
0xb7: {  	[dreg:$0x0] =	wrdreg $0x60  }
0xb8: {  	[dreg:$0x2] =	wrdreg s2  }
0xb9: {  	[dreg:$0x3] =	wrdreg s16  }
0xba: {  	[dreg:$0x4] =	wrdreg s5  }
0xbb: {  	[dreg:$0x5] =	wrdreg s6  }
0xbc: {  	[dreg:$0x6] =	wrdreg s7  }
0xbd: {  	[dreg:$0x7] =	wrdreg s17  }
0xbe: {  	[dreg:$0x8] =	wrdreg s18  }
0xbf: {  	[dreg:$0x9] =	wrdreg s19  }
0xc0: {  	[dreg:$0xa] =	wrdreg $0x9  }
0xc1: {  	_ =	task.clear_ibuf [dreg:s14], $0xBFFFF;
	_ =	strace $0x90000046  }
0xc2: {  	s29 =	simm.s32 $0x9;
	_ =	strace $0x80000048  }
0xc3: {  	_ =	swait.ge [sflag:s29], $0x1  }
0xc4: {  	[sflag:s29] =	ssyncadd.s32 $0xFFFFFFFF  }
0xc5: {  	_ =	strace $0x90000048  }
0xc6: {  	_ =	sfence  }
0xc7: {  	s30 =	sld [smem:$0x0];
	_ =	sdelay $0x2  }
0xc8: {  	s31 =	sshll.u32 s1, $0xD;
	s1 =	sshrl.u32 s1, $0x2  }
0xc9: {  	s3 =	sand.u32 $0x4000, s31;
	s1 =	sadd.s32 s1, s30  }
0xca: {  	s0 =	sor.u32 s3, s0;
	s1 =	sshll.u32 s1, $0x11  }
0xcb: {  	s0 =	sor.u32 s1, s0  }
0xcc: {  	s0 =	sadd.s32 $0x8F2B, s0  }
0xcd: {  	[sflag:s0] =	ssyncadd.remote.s32 $0x1  }
0xce: {  	_ =	sfence.sel $0xFFFF  }
0xcf: {  	[dreg:$0x0] =	wrdreg $0xFFFFFFFF;
	(pc) =	sbr.abs _section_cstart, $3  }
0xd0: {  	[dreg:$0x1] =	wrdreg $0xFFFFFFFF  }
0xd1: {  	_ =	task.clear_ibuf [dreg:s14], $0x2FFFF;
	_ =	strace $0x9FFFFFFF  }
0xd2: {  	(tm) =	ssettm $0x7FFFFFFF  }
0xd3: {  	_ =	shalt  }
tec
execute0_lowered:
.L_overlay_start_1:
0x0: {  	(tag) =	ssettag $0x1  }
0x1: {  	s24 =	rddreg [dreg:$0x0]  }
0x2: {  	s2 =	rddreg [dreg:$0x1]  }
0x3: {  	s12 =	rddreg [dreg:$0x2]  }
0x4: {  	s3 =	rddreg [dreg:$0x3]  }
0x5: {  	s4 =	rddreg [dreg:$0x4]  }
0x6: {  	v21 =	vlaneseq.u32;
	s0 =	rddreg [dreg:$0x6];
	s5 =	simm.s32 $0x0  }
0x7: {  	[smem:$0x7FF] =	sst s5;
	v61 =	vor.u32 $0x3C0, v21  }
0x8: {  	s1 =	rddreg [dreg:$0x7];
	v5 =	vor.u32 $0x240, v21;
	_ =	strace $0x80000047;
	[tilespmem:$0x1FE80] =	vst v61  }
0x9: {  	v41 =	vor.u32 $0xC0, v21;
	[tilespmem:$0x1FE90] =	vst v5  }
0xa: {  	v40 =	vor.u32 $0x1C0, v21;
	[tilespmem:$0x1FEA0] =	vst v41  }
0xb: {  	v6 =	vor.u32 $0x2C0, v21;
	[tilespmem:$0x1FEB0] =	vst v40  }
0xc: {  	v0 =	vor.u32 $0x3B0, v21;
	[tilespmem:$0x1FEC0] =	vst v6  }
0xd: {  	v14 =	vor.u32 $0xB0, v21;
	[tilespmem:$0x1FED0] =	vst v0  }
0xe: {  	v15 =	vor.u32 $0x130, v21;
	[tilespmem:$0x1FEE0] =	vst v14  }
0xf: {  	v20 =	vor.u32 $0x1B0, v21;
	[tilespmem:$0x1FEF0] =	vst v15  }
0x10: {  	v62 =	vor.u32 $0x340, v21;
	[tilespmem:$0x1FF00] =	vst v20  }
0x11: {  	v63 =	vor.u32 $0x140, v21;
	[tilespmem:$0x1FF10] =	vst v62  }
0x12: {  	v10 =	vor.u32 $0x230, v21;
	[tilespmem:$0x1FF20] =	vst v63  }
0x13: {  	v17 =	vor.u32 $0x2B0, v21;
	[tilespmem:$0x1FF30] =	vst v10  }
0x14: {  	v18 =	vor.u32 $0x330, v21;
	[tilespmem:$0x1FF40] =	vst v17  }
0x15: {  	v11 =	vor.u32 $0x220, v21;
	[tilespmem:$0x1FF50] =	vst v18  }
0x16: {  	v12 =	vor.u32 $0x320, v21;
	[tilespmem:$0x1FF60] =	vst v11  }
0x17: {  	v9 =	vor.u32 $0x1A0, v21;
	[tilespmem:$0x1FF70] =	vst v12  }
0x18: {  	v1 =	vimm.s32 $0x43332221;
	v2 =	vimm.s32 $0x11000FFF;
	v13 =	vor.u32 $0x2A0, v21;
	[tilespmem:$0x1FF80] =	vst v9  }
0x19: {  	v19 =	vor.u32 $0x3A0, v21;
	v1 =	vunpack.c.l.s4.s8 v1;
	v2 =	vunpack.c.l.s4.s8 v2;
	[tilespmem:$0x1FF90] =	vst v13  }
0x1a: {  	v3 =	vimm.s32 $0xD34D34D3;
	v22 =	vor.u32 $0x80, v21;
	v23 =	vor.u32 $0x100, v21;
	[tilespmem:$0x1FFA0] =	vst v19  }
0x1b: {  	v3 =	vunpack.c.l.s2.s4 v3;
	[tilespmem:$0x1FFB0] =	vst v23;
	v1 =	vunpack.c.0.s8.s32 v1;
	v2 =	vunpack.c.0.s8.s32 v2  }
0x1c: {  	v26 =	vor.u32 $0x200, v21;
	[tilespmem:$0x1FFC0] =	vst v22  }
0x1d: {  	v28 =	vor.u32 $0x300, v21;
	[tilespmem:$0x1FFD0] =	vst v26;
	v3 =	vunpack.c.l.s4.s8 v3;
	v1 =	vcombine.low v2, v1  }
0x1e: {  	[tilespmem:$0x1FFE0] =	vst v28  }
0x1f: {  	v33 =	vor.u32 $0x190, v21;
	[tilespmem:$0x1FD00] =	vst v1;
	v1 =	vunpack.c.0.s8.s32 v3  }
0x20: {  	[tilespmem:$0x1FFF0] =	vst v33  }
0x21: {  	[tilespmem:$0x1FD10] =	vst v1;
	v1 =	vadd.s32 $0x9, v21  }
0x22: {  	[tilespmem:$0x1FD20] =	vst v1;
	v1 =	vadd.s32 $0x12, v21  }
0x23: {  	[tilespmem:$0x1FD30] =	vst v1;
	v1 =	vadd.s32 $0x1B, v21  }
0x24: {  	[tilespmem:$0x1FD40] =	vst v1;
	v1 =	vadd.s32 $0x24, v21  }
0x25: {  	[tilespmem:$0x1FD50] =	vst v1;
	v1 =	vadd.s32 $0x2D, v21  }
0x26: {  	[tilespmem:$0x1FD60] =	vst v1;
	v1 =	vadd.s32 $0x36, v21  }
0x27: {  	s9 =	stileid.u32;
	s6 =	srdreg.scid;
	s28 =	simm.s32 $0x11500;
	[tilespmem:$0x1FD70] =	vst v1;
	v1 =	vadd.s32 $0x3F, v21  }
0x28: {  	s29 =	simm.s32 $0xBD00;
	s30 =	simm.s32 $0xDD00;
	s7 =	sshll.u32 s9, $0x1;
	[tilespmem:$0x1FD80] =	vst v1;
	v1 =	vor.u32 $0x400, v21  }
0x29: {  	s6 =	sand.u32 $0x1, s6;
	s9 =	sshrl.u32 s9, $0x2;
	s7 =	sand.u32 $0x6, s7;
	[tilespmem:$0x1FD90] =	vst v1;
	v1 =	vor.u32 $0x800, v21  }
0x2a: {  	s8 =	ssub.s32 $0x2, s6;
	s11 =	sshll.u32 s9, $0x4;
	s17 =	sshll.u32 s9, $0xF;
	[tilespmem:$0x1FDA0] =	vst v1;
	v1 =	vor.u32 $0xC00, v21  }
0x2b: {  	s19 =	sshll.u32 s9, $0xE;
	s7 =	sor.u32 s6, s7;
	s15 =	sadd.s32 s3, s11;
	[tilespmem:$0x1FDB0] =	vst v1;
	v1 =	vor.u32 $0x1000, v21  }
0x2c: {  	s14 =	sshrl.u32 s8, $0x1;
	s16 =	sadd.s32 s4, s11;
	[dreg:$0xb] =	wrdreg s15;
	[tilespmem:$0x1FDC0] =	vst v1;
	v1 =	vor.u32 $0x1400, v21  }
0x2d: {  	s6 =	sshll.u32 s9, $0x7;
	s10 =	smul.u32 $0x1780, s7;
	[dreg:$0xc] =	wrdreg s16;
	[tilespmem:$0x1FDD0] =	vst v1;
	v1 =	vor.u32 $0x1800, v21  }
0x2e: {  	s23 =	sshll.u32 s7, $0x10;
	s26 =	sshll.u32 s7, $0xA;
	[dreg:$0x9] =	wrdreg s6;
	[tilespmem:$0x1FDE0] =	vst v1;
	v1 =	vor.u32 $0x1C00, v21  }
0x2f: {  	s25 =	sshll.u32 s7, $0xD;
	[dreg:$0x11] =	wrdreg s26;
	s1 =	sadd.s32 s1, s23;
	[tilespmem:$0x1FDF0] =	vst v1;
	v1 =	vor.u32 $0x410, v21  }
0x30: {  	vm0 =	vmmov $0x1ff;
	s8 =	ssub.s32 s8, s14;
	s0 =	sadd.s32 s0, s25;
	[dreg:$0x12] =	wrdreg s1;
	[tilespmem:$0x1FE00] =	vst v1;
	v1 =	vor.u32 $0x810, v21  }
0x31: {  	v25 =	vor.u32 $0x180, v21;
	v27 =	vor.u32 $0x280, v21;
	s18 =	sor.u32 $0x1, s6;
	s31 =	smax.u32 s8, $0x1;
	[dreg:$0x13] =	wrdreg s0;
	[tilespmem:$0x1FE10] =	vst v1;
	v1 =	vor.u32 $0xC10, v21  }
0x32: {  	v29 =	vor.u32 $0x380, v21;
	v8 =	vor.u32 $0x10, v21;
	s20 =	sshll.u32 s18, $0x8;
	s2 =	sadd.s32 s2, s10;
	[dreg:$0x14] =	wrdreg s31;
	[tilespmem:$0x1FE20] =	vst v1;
	v1 =	vor.u32 $0x1010, v21  }
0x33: {  	v30 =	vor.u32 $0x90, v21;
	v31 =	vor.u32 $0x110, v21;
	s22 =	sshll.u32 s18, $0x7;
	s21 =	sadd.s32 s24, s20;
	[dreg:$0xa] =	wrdreg s2;
	[tilespmem:$0x1FE30] =	vst v1;
	v1 =	vor.u32 $0x1410, v21  }
0x34: {  	v34 =	vor.u32 $0x210, v21;
	v35 =	vor.u32 $0x290, v21;
	s23 =	simm.s32 $0x10500;
	s2 =	sadd.s32 s24, s17;
	[dreg:$0xf] =	wrdreg s21;
	[tilespmem:$0x1FE40] =	vst v1;
	v1 =	vor.u32 $0x1810, v21  }
0x35: {  	v36 =	vor.u32 $0x310, v21;
	v37 =	vor.u32 $0x390, v21;
	s8 =	simm.s32 $0x16900;
	[dreg:$0xd] =	wrdreg s2;
	s2 =	sadd.s32 s12, s19;
	[tilespmem:$0x1FE50] =	vst v1;
	v1 =	vor.u32 $0x1C10, v21  }
0x36: {  	v16 =	vor.u32 $0x20, v21;
	v38 =	vor.u32 $0xA0, v21;
	s10 =	simm.s32 $0x11100;
	[dreg:$0xe] =	wrdreg s2;
	s2 =	sadd.s32 s12, s22;
	[tilespmem:$0x1FE60] =	vst v1;
	v1 =	vor.u32 $0x420, v21  }
0x37: {  	v39 =	vor.u32 $0x120, v21;
	v24 =	vor.u32 $0x30, v21;
	v32 =	vor.u32 $0x40, v21;
	s21 =	simm.s32 $0xFD00;
	[dreg:$0x10] =	wrdreg s2;
	s2 =	simm.s32 $0x0;
	[tilespmem:$0x1FE70] =	vst v1  }
.LBB2_1:
0x38: {  	[dreg:$0x15] =	wrdreg s2  }
0x39: {  	s0 =	rddreg [dreg:$0xa];
	s1 =	simm.s32 $0x7  }
0x3a: {  	[tilespmem:s5], [sflag:$0x7] =	stream.linear.gather [hbm4b:s0+s5], $0xBC00, $0x38;
	[tilespmem:$0x1BD00] =	vst v63  }
0x3b: {  	_ =	swait.ge [sflag:s1], $0xBC00  }
0x3c: {  	[sflag:s1] =	ssyncset.done $0x0  }
0x3d: {  	s17 =	simm.s32 $0xBC00;
	s16 =	rddreg [dreg:$0xb];
	[sflag:s1] =	ssyncadd.s32 $0xFFFF4400  }
0x3e: {  	[tilespmem:s17], [sflag:$0x7] =	stream.linear.gather [hbm4b:s16+s5], $0x80, $0x38;
	[tilespmem:$0x1BD00] =	vst v63  }
0x3f: {  	_ =	swait.ge [sflag:s1], $0x80  }
0x40: {  	[sflag:s1] =	ssyncset.done $0x0  }
0x41: {  	s19 =	simm.s32 $0xBC80;
	s18 =	rddreg [dreg:$0xc];
	[sflag:s1] =	ssyncadd.s32 $0xFFFFFF80  }
0x42: {  	[tilespmem:s19], [sflag:$0x7] =	stream.linear.gather [hbm4b:s18+s5], $0x80, $0x38;
	[tilespmem:$0x1BD00] =	vst v63  }
0x43: {  	_ =	swait.ge [sflag:s1], $0x80  }
0x44: {  	[sflag:s1] =	ssyncset.done $0x0  }
0x45: {  	s20 =	rddreg [dreg:$0xd];
	[sflag:s1] =	ssyncadd.s32 $0xFFFFFF80  }
0x46: {  	[tilespmem:s21], [sflag:$0x1] =	stream.linear.gather [hbm4b:s20+s5], $0x800, $0x38;
	[tilespmem:$0x1BD00] =	vst v63  }
0x47: {  	s25 =	simm.s32 $0x10D00;
	s22 =	rddreg [dreg:$0xe]  }
0x48: {  	[tilespmem:s25], [sflag:$0x3] =	stream.linear.gather [hbm4b:s22+s5], $0x400, $0x38;
	[tilespmem:$0x1BD00] =	vst v63  }
0x49: {  	s26 =	rddreg [dreg:$0xf]  }
0x4a: {  	[tilespmem:s23], [sflag:$0x2] =	stream.linear.gather [hbm4b:s26+s5], $0x800, $0x38;
	[tilespmem:$0x1BD00] =	vst v63  }
0x4b: {  	s12 =	simm.s32 $0x0;
	s31 =	rddreg [dreg:$0x10]  }
0x4c: {  	[tilespmem:s10], [sflag:$0x4] =	stream.linear.gather [hbm4b:s31+s5], $0x400, $0x38;
	[tilespmem:$0x1BD00] =	vst v63  }
.LBB2_2:
0x4d: {  	s0 =	simm.s32 $0x1  }
0x4e: {  	_ =	swait.ge [sflag:s0], $0x800  }
0x4f: {  	[sflag:s0] =	ssyncset.done $0x0  }
0x50: {  	s26 =	simm.s32 $0x3;
	[sflag:s0] =	ssyncadd.s32 $0xFFFFF800  }
0x51: {  	s3 =	simm.s32 $0x0;
	_ =	swait.ge [sflag:s26], $0x400  }
0x52: {  	p0 =	seq.s32 s12, $0x0;
	v1 =	vadd.s32 s3, v21;
	[sflag:s26] =	ssyncset.done $0x0  }
0x53: {  	s0 =	simm.s32 @!p0 $0x5;
	[sflag:s26] =	ssyncadd.s32 $0xFFFFFC00  }
0x54: {  	_ =	swait.ge @!p0 [sflag:s0], $0x5400  }
0x55: {  	[sflag:s0] =	ssyncset.done @!p0 $0x0  }
0x56: {  	[sflag:s0] =	ssyncadd.s32 @!p0 $0xFFFFAC00  }
0x57: {  	v1 =	vld.idx.msk [tilespmem:v1+s21+$0x0], $0xffff;
	_ =	sdelay $0x4  }
0x58: {  	v2 =	vshll.u32 v1, $0x3  }
0x59: {  	v1 =	vand.u32 $0x7F, v1;
	v3 =	vand.u32 $0xFFFFFC00, v2  }
0x5a: {  	v3 =	vor.u32 v1, v3;
	_ =	sdelay $0x3  }
0x5b: {  	s10 =	simm.s32 $0x0  }
0x5c: {  	v5 =	vor.u32 s10, v21;
	v4 =	vld.idx.msk [tilespmem:v3+s5+$0x0], $0xffff  }
0x5d: {  	v6 =	vor.u32 $0x80, v3;
	_ =	sdelay $0x3  }
0x5e: {  	[tilespmem:v5+s28+$0x0] =	vst.idx.msk $0xffff, v4  }
0x5f: {  	v5 =	vor.u32 s10, v22;
	v4 =	vld.idx.msk [tilespmem:v6+s5+$0x0], $0xffff  }
0x60: {  	v6 =	vor.u32 $0x100, v3;
	_ =	sdelay $0x3  }
0x61: {  	[tilespmem:v5+s28+$0x0] =	vst.idx.msk $0xffff, v4  }
0x62: {  	v5 =	vor.u32 s10, v23;
	v4 =	vld.idx.msk [tilespmem:v6+s5+$0x0], $0xffff  }
0x63: {  	v6 =	vor.u32 $0x180, v3;
	_ =	sdelay $0x3  }
0x64: {  	[tilespmem:v5+s28+$0x0] =	vst.idx.msk $0xffff, v4  }
0x65: {  	v5 =	vor.u32 s10, v25;
	v4 =	vld.idx.msk [tilespmem:v6+s5+$0x0], $0xffff  }
0x66: {  	s7 =	simm.s32 $0x4F;
	v6 =	vor.u32 $0x200, v3  }
0x67: {  	v7 =	vadd.s32 s7, v21;
	_ =	sdelay $0x2  }
0x68: {  	[tilespmem:v5+s28+$0x0] =	vst.idx.msk $0xffff, v4  }
0x69: {  	v5 =	vor.u32 s10, v26;
	v4 =	vld.idx.msk [tilespmem:v6+s5+$0x0], $0xffff  }
0x6a: {  	v6 =	vld.idx.msk [tilespmem:v7+s21+$0x0], $0xffff;
	v7 =	vor.u32 $0x280, v3;
	_ =	sdelay $0x3  }
0x6b: {  	[tilespmem:v5+s28+$0x0] =	vst.idx.msk $0xffff, v4  }
0x6c: {  	v4 =	vshll.u32 v6, $0x3;
	v5 =	vld.idx.msk [tilespmem:v7+s5+$0x0], $0xffff;
	v7 =	vor.u32 s10, v27  }
0x6d: {  	v54 =	vmovc v9;
	v3 =	vor.u32 $0x300, v3;
	v6 =	vand.u32 $0x7F, v6;
	v9 =	vand.u32 $0xFFFFFC00, v4  }
0x6e: {  	v9 =	vor.u32 v6, v9;
	_ =	sdelay $0x2  }
0x6f: {  	v2 =	vand.u32 $0xFFFFFF80, v2;
	[tilespmem:v7+s28+$0x0] =	vst.idx.msk $0xffff, v5  }
0x70: {  	s17 =	simm.s32 $0x400;
	v1 =	vor.u32 v2, v1;
	v2 =	vld.idx.msk [tilespmem:v3+s5+$0x0], $0xffff;
	v3 =	vor.u32 s10, v28  }
0x71: {  	v1 =	vor.u32 $0x380, v1;
	v7 =	vor.u32 s17, v21;
	v5 =	vld.idx.msk [tilespmem:v9+s5+$0x0], $0xffff  }
0x72: {  	v40 =	vor.u32 $0x80, v9;
	_ =	sdelay $0x2  }
0x73: {  	[tilespmem:v3+s28+$0x0] =	vst.idx.msk $0xffff, v2  }
0x74: {  	[tilespmem:v7+s28+$0x0] =	vst.idx.msk $0xffff, v5;
	v2 =	vor.u32 s10, v29;
	v1 =	vld.idx.msk [tilespmem:v1+s5+$0x0], $0xffff  }
0x75: {  	v5 =	vadd.s32 s3, v8;
	v7 =	vor.u32 s17, v22;
	v3 =	vld.idx.msk [tilespmem:v40+s5+$0x0], $0xffff  }
0x76: {  	v50 =	vor.u32 $0x100, v9;
	_ =	sdelay $0x2  }
0x77: {  	[tilespmem:v2+s28+$0x0] =	vst.idx.msk $0xffff, v1  }
0x78: {  	[tilespmem:v7+s28+$0x0] =	vst.idx.msk $0xffff, v3;
	v1 =	vld.idx.msk [tilespmem:v5+s21+$0x0], $0xffff  }
0x79: {  	v3 =	vor.u32 s17, v23;
	v2 =	vld.idx.msk [tilespmem:v50+s5+$0x0], $0xffff  }
0x7a: {  	v5 =	vor.u32 $0x180, v9;
	_ =	sdelay $0x2  }
0x7b: {  	v7 =	vshll.u32 v1, $0x3  }
0x7c: {  	v1 =	vand.u32 $0x7F, v1;
	[tilespmem:v3+s28+$0x0] =	vst.idx.msk $0xffff, v2;
	v51 =	vand.u32 $0xFFFFFC00, v7  }
0x7d: {  	v3 =	vld.idx.msk [tilespmem:v5+s5+$0x0], $0xffff;
	v5 =	vor.u32 s17, v25;
	v2 =	vor.u32 v1, v51  }
0x7e: {  	v52 =	vor.u32 $0x200, v9  }
0x7f: {  	s1 =	simm.s32 $0x9E  }
0x80: {  	v41 =	vadd.s32 s1, v21;
	_ =	sdelay $0x1  }
0x81: {  	v43 =	vor.u32 s10, v8;
	[tilespmem:v5+s28+$0x0] =	vst.idx.msk $0xffff, v3;
	v42 =	vld.idx.msk [tilespmem:v2+s5+$0x0], $0xffff  }
0x82: {  	v53 =	vor.u32 s17, v26;
	v3 =	vor.u32 $0x80, v2;
	v5 =	vld.idx.msk [tilespmem:v52+s5+$0x0], $0xffff  }
0x83: {  	v44 =	vor.u32 $0x280, v9  }
0x84: {  	v41 =	vld.idx.msk [tilespmem:v41+s21+$0x0], $0xffff;
	_ =	sdelay $0x1  }
0x85: {  	[tilespmem:v43+s28+$0x0] =	vst.idx.msk $0xffff, v42  }
0x86: {  	v55 =	vor.u32 s10, v30;
	[tilespmem:v53+s28+$0x0] =	vst.idx.msk $0xffff, v5;
	v3 =	vld.idx.msk [tilespmem:v3+s5+$0x0], $0xffff  }
0x87: {  	v56 =	vor.u32 s17, v27;
	v5 =	vor.u32 $0x100, v2;
	v40 =	vld.idx.msk [tilespmem:v44+s5+$0x0], $0xffff  }
0x88: {  	v9 =	vor.u32 $0x300, v9;
	v44 =	vshll.u32 v41, $0x3  }
0x89: {  	v41 =	vand.u32 $0x7F, v41;
	v45 =	vand.u32 $0xFFFFFC00, v44  }
0x8a: {  	v45 =	vor.u32 v41, v45  }
0x8b: {  	[tilespmem:v55+s28+$0x0] =	vst.idx.msk $0xffff, v3  }
0x8c: {  	v3 =	vand.u32 $0xFFFFFF80, v4;
	[tilespmem:v56+s28+$0x0] =	vst.idx.msk $0xffff, v40;
	v4 =	vld.idx.msk [tilespmem:v5+s5+$0x0], $0xffff;
	v5 =	vor.u32 s10, v31  }
0x8d: {  	v57 =	vor.u32 s17, v28;
	v3 =	vor.u32 v3, v6;
	v6 =	vor.u32 $0x180, v2;
	v9 =	vld.idx.msk [tilespmem:v9+s5+$0x0], $0xffff  }
0x8e: {  	s9 =	simm.s32 $0x800;
	v3 =	vor.u32 $0x380, v3  }
0x8f: {  	v59 =	vor.u32 s9, v21;
	v58 =	vld.idx.msk [tilespmem:v45+s5+$0x0], $0xffff  }
0x90: {  	v46 =	vor.u32 $0x80, v45  }
0x91: {  	[tilespmem:v5+s28+$0x0] =	vst.idx.msk $0xffff, v4  }
0x92: {  	v5 =	vor.u32 s10, v33;
	[tilespmem:v57+s28+$0x0] =	vst.idx.msk $0xffff, v9;
	v4 =	vld.idx.msk [tilespmem:v6+s5+$0x0], $0xffff  }
0x93: {  	v9 =	vor.u32 s17, v29;
	v6 =	vor.u32 $0x200, v2;
	v3 =	vld.idx.msk [tilespmem:v3+s5+$0x0], $0xffff  }
0x94: {  	v60 =	vadd.s32 s7, v8;
	[tilespmem:v59+s28+$0x0] =	vst.idx.msk $0xffff, v58  }
0x95: {  	v61 =	vor.u32 s9, v22;
	v42 =	vld.idx.msk [tilespmem:v46+s5+$0x0], $0xffff  }
0x96: {  	v62 =	vor.u32 $0x100, v45  }
0x97: {  	[tilespmem:v5+s28+$0x0] =	vst.idx.msk $0xffff, v4  }
0x98: {  	v5 =	vor.u32 s10, v34;
	[tilespmem:v9+s28+$0x0] =	vst.idx.msk $0xffff, v3;
	v4 =	vld.idx.msk [tilespmem:v6+s5+$0x0], $0xffff  }
0x99: {  	v3 =	vor.u32 $0x280, v2;
	v6 =	vld.idx.msk [tilespmem:v60+s21+$0x0], $0xffff  }
0x9a: {  	[tilespmem:v61+s28+$0x0] =	vst.idx.msk $0xffff, v42  }
0x9b: {  	v48 =	vor.u32 s9, v23;
	v9 =	vld.idx.msk [tilespmem:v62+s5+$0x0], $0xffff  }
0x9c: {  	v49 =	vor.u32 $0x180, v45  }
0x9d: {  	[tilespmem:v5+s28+$0x0] =	vst.idx.msk $0xffff, v4  }
0x9e: {  	v4 =	vor.u32 s10, v35;
	v5 =	vshll.u32 v6, $0x3;
	v3 =	vld.idx.msk [tilespmem:v3+s5+$0x0], $0xffff  }
0x9f: {  	v2 =	vor.u32 $0x300, v2;
	v6 =	vand.u32 $0x7F, v6;
	v50 =	vand.u32 $0xFFFFFC00, v5  }
0xa0: {  	[tilespmem:v48+s28+$0x0] =	vst.idx.msk $0xffff, v9;
	v9 =	vor.u32 v6, v50  }
0xa1: {  	v51 =	vor.u32 s9, v25;
	v40 =	vld.idx.msk [tilespmem:v49+s5+$0x0], $0xffff  }
0xa2: {  	v52 =	vor.u32 $0x200, v45  }
0xa3: {  	s2 =	simm.s32 $0xED;
	v7 =	vand.u32 $0xFFFFFF80, v7;
	[tilespmem:v4+s28+$0x0] =	vst.idx.msk $0xffff, v3  }
0xa4: {  	v1 =	vor.u32 v7, v1;
	v3 =	vadd.s32 s2, v21;
	v4 =	vor.u32 s10, v36;
	v2 =	vld.idx.msk [tilespmem:v2+s5+$0x0], $0xffff  }
0xa5: {  	v1 =	vor.u32 $0x380, v1;
	v53 =	vor.u32 s17, v8;
	v7 =	vld.idx.msk [tilespmem:v9+s5+$0x0], $0xffff  }
0xa6: {  	v47 =	vor.u32 $0x80, v9;
	[tilespmem:v51+s28+$0x0] =	vst.idx.msk $0xffff, v40  }
0xa7: {  	v55 =	vor.u32 s9, v26;
	v40 =	vld.idx.msk [tilespmem:v52+s5+$0x0], $0xffff  }
0xa8: {  	v56 =	vor.u32 $0x280, v45  }
0xa9: {  	v3 =	vld.idx.msk [tilespmem:v3+s21+$0x0], $0xffff;
	[tilespmem:v4+s28+$0x0] =	vst.idx.msk $0xffff, v2  }
0xaa: {  	[tilespmem:v53+s28+$0x0] =	vst.idx.msk $0xffff, v7;
	v2 =	vor.u32 s10, v37;
	v1 =	vld.idx.msk [tilespmem:v1+s5+$0x0], $0xffff  }
0xab: {  	v57 =	vor.u32 s17, v30;
	v7 =	vadd.s32 s3, v16;
	v4 =	vld.idx.msk [tilespmem:v47+s5+$0x0], $0xffff  }
0xac: {  	v58 =	vor.u32 $0x100, v9;
	[tilespmem:v55+s28+$0x0] =	vst.idx.msk $0xffff, v40  }
0xad: {  	v59 =	vor.u32 s9, v27;
	v40 =	vld.idx.msk [tilespmem:v56+s5+$0x0], $0xffff  }
0xae: {  	v60 =	vor.u32 $0x300, v45;
	v48 =	vshll.u32 v3, $0x3  }
0xaf: {  	v3 =	vand.u32 $0x7F, v3;
	v61 =	vand.u32 $0xFFFFFC00, v48;
	[tilespmem:v2+s28+$0x0] =	vst.idx.msk $0xffff, v1  }
0xb0: {  	v1 =	vor.u32 v3, v61;
	[tilespmem:v57+s28+$0x0] =	vst.idx.msk $0xffff, v4;
	v2 =	vld.idx.msk [tilespmem:v7+s21+$0x0], $0xffff  }
0xb1: {  	v4 =	vld.idx.msk [tilespmem:v58+s5+$0x0], $0xffff;
	v7 =	vor.u32 s17, v31  }
0xb2: {  	v44 =	vand.u32 $0xFFFFFF80, v44;
	v62 =	vor.u32 $0x180, v9;
	[tilespmem:v59+s28+$0x0] =	vst.idx.msk $0xffff, v40  }
0xb3: {  	v51 =	vor.u32 v44, v41;
	v53 =	vor.u32 s9, v28;
	v52 =	vld.idx.msk [tilespmem:v60+s5+$0x0], $0xffff  }
0xb4: {  	s11 =	simm.s32 $0xC00;
	v40 =	vor.u32 $0x380, v51  }
0xb5: {  	v56 =	vor.u32 s11, v21;
	v55 =	vld.idx.msk [tilespmem:v1+s5+$0x0], $0xffff;
	v47 =	vshll.u32 v2, $0x3  }
0xb6: {  	v49 =	vand.u32 $0x7F, v2;
	v2 =	vor.u32 $0x80, v1;
	[tilespmem:v7+s28+$0x0] =	vst.idx.msk $0xffff, v4;
	v4 =	vand.u32 $0xFFFFFC00, v47  }
0xb7: {  	v57 =	vor.u32 s17, v33;
	v7 =	vld.idx.msk [tilespmem:v62+s5+$0x0], $0xffff;
	v4 =	vor.u32 v49, v4  }
0xb8: {  	v58 =	vor.u32 $0x200, v9;
	[tilespmem:v53+s28+$0x0] =	vst.idx.msk $0xffff, v52  }
0xb9: {  	v59 =	vor.u32 s9, v29;
	v40 =	vld.idx.msk [tilespmem:v40+s5+$0x0], $0xffff  }
0xba: {  	v60 =	vadd.s32 s1, v8;
	[tilespmem:v56+s28+$0x0] =	vst.idx.msk $0xffff, v55  }
0xbb: {  	v61 =	vor.u32 s11, v22;
	v2 =	vld.idx.msk [tilespmem:v2+s5+$0x0], $0xffff  }
0xbc: {  	v50 =	vor.u32 $0x100, v1;
	[tilespmem:v57+s28+$0x0] =	vst.idx.msk $0xffff, v7;
	v7 =	vor.u32 s10, v16;
	v62 =	vld.idx.msk [tilespmem:v4+s5+$0x0], $0xffff  }
0xbd: {  	v51 =	vor.u32 s17, v34;
	v56 =	vor.u32 $0x80, v4;
	v45 =	vld.idx.msk [tilespmem:v58+s5+$0x0], $0xffff  }
0xbe: {  	v52 =	vor.u32 $0x280, v9;
	[tilespmem:v59+s28+$0x0] =	vst.idx.msk $0xffff, v40  }
0xbf: {  	v40 =	vld.idx.msk [tilespmem:v60+s21+$0x0], $0xffff  }
0xc0: {  	[tilespmem:v61+s28+$0x0] =	vst.idx.msk $0xffff, v2  }
0xc1: {  	v57 =	vor.u32 s11, v23;
	[tilespmem:v7+s28+$0x0] =	vst.idx.msk $0xffff, v62;
	v7 =	vld.idx.msk [tilespmem:v50+s5+$0x0], $0xffff  }
0xc2: {  	v59 =	vor.u32 s10, v38;
	v60 =	vor.u32 $0x180, v1;
	[tilespmem:v51+s28+$0x0] =	vst.idx.msk $0xffff, v45;
	v58 =	vld.idx.msk [tilespmem:v56+s5+$0x0], $0xffff  }
0xc3: {  	v55 =	vor.u32 s17, v35;
	v62 =	vor.u32 $0x100, v4;
	v61 =	vld.idx.msk [tilespmem:v52+s5+$0x0], $0xffff  }
0xc4: {  	v9 =	vor.u32 $0x300, v9;
	v43 =	vshll.u32 v40, $0x3  }
0xc5: {  	v2 =	vand.u32 $0x7F, v40;
	v56 =	vand.u32 $0xFFFFFC00, v43  }
0xc6: {  	[tilespmem:v57+s28+$0x0] =	vst.idx.msk $0xffff, v7;
	v7 =	vor.u32 v2, v56  }
0xc7: {  	[tilespmem:v59+s28+$0x0] =	vst.idx.msk $0xffff, v58;
	v57 =	vld.idx.msk [tilespmem:v60+s5+$0x0], $0xffff;
	v58 =	vor.u32 s11, v25  }
0xc8: {  	v5 =	vand.u32 $0xFFFFFF80, v5;
	v59 =	vor.u32 s10, v39;
	[tilespmem:v55+s28+$0x0] =	vst.idx.msk $0xffff, v61;
	v60 =	vor.u32 $0x200, v1;
	v42 =	vld.idx.msk [tilespmem:v62+s5+$0x0], $0xffff  }
0xc9: {  	v5 =	vor.u32 v5, v6;
	v61 =	vor.u32 s17, v36;
	v6 =	vld.idx.msk [tilespmem:v9+s5+$0x0], $0xffff;
	v9 =	vor.u32 $0x180, v4  }
0xca: {  	s31 =	simm.s32 $0x13C;
	v5 =	vor.u32 $0x380, v5  }
0xcb: {  	v50 =	vadd.s32 s31, v21;
	v62 =	vor.u32 s9, v8;
	v51 =	vld.idx.msk [tilespmem:v7+s5+$0x0], $0xffff  }
0xcc: {  	v53 =	vor.u32 $0x80, v7;
	[tilespmem:v58+s28+$0x0] =	vst.idx.msk $0xffff, v57  }
0xcd: {  	v41 =	vor.u32 s11, v26;
	[tilespmem:v59+s28+$0x0] =	vst.idx.msk $0xffff, v42;
	v40 =	vld.idx.msk [tilespmem:v60+s5+$0x0], $0xffff  }
0xce: {  	v42 =	vor.u32 s10, v54;
	[tilespmem:v61+s28+$0x0] =	vst.idx.msk $0xffff, v6;
	v6 =	vor.u32 $0x280, v1;
	v9 =	vld.idx.msk [tilespmem:v9+s5+$0x0], $0xffff  }
0xcf: {  	v60 =	vor.u32 $0x200, v4;
	v61 =	vor.u32 s17, v37;
	v5 =	vld.idx.msk [tilespmem:v5+s5+$0x0], $0xffff  }
0xd0: {  	v50 =	vld.idx.msk [tilespmem:v50+s21+$0x0], $0xffff;
	[tilespmem:v62+s28+$0x0] =	vst.idx.msk $0xffff, v51;
	v62 =	vadd.s32 s7, v16  }
0xd1: {  	v57 =	vor.u32 s9, v30;
	v52 =	vld.idx.msk [tilespmem:v53+s5+$0x0], $0xffff  }
0xd2: {  	v58 =	vor.u32 $0x100, v7;
	[tilespmem:v41+s28+$0x0] =	vst.idx.msk $0xffff, v40  }
0xd3: {  	[tilespmem:v42+s28+$0x0] =	vst.idx.msk $0xffff, v9;
	v6 =	vld.idx.msk [tilespmem:v6+s5+$0x0], $0xffff;
	v9 =	vor.u32 s11, v27  }
0xd4: {  	v1 =	vor.u32 $0x300, v1;
	v40 =	vor.u32 s10, v11;
	[tilespmem:v61+s28+$0x0] =	vst.idx.msk $0xffff, v5;
	v42 =	vld.idx.msk [tilespmem:v60+s5+$0x0], $0xffff  }
0xd5: {  	v46 =	vshll.u32 v50, $0x3;
	v60 =	vor.u32 $0x280, v4;
	v5 =	vld.idx.msk [tilespmem:v62+s21+$0x0], $0xffff  }
0xd6: {  	v41 =	vand.u32 $0x7F, v50;
	v61 =	vand.u32 $0xFFFFFC00, v46;
	[tilespmem:v57+s28+$0x0] =	vst.idx.msk $0xffff, v52  }
0xd7: {  	v56 =	vor.u32 s9, v31;
	v51 =	vor.u32 v41, v61;
	v62 =	vld.idx.msk [tilespmem:v58+s5+$0x0], $0xffff  }
0xd8: {  	v57 =	vand.u32 $0xFFFFFF80, v48;
	v58 =	vor.u32 $0x180, v7;
	[tilespmem:v9+s28+$0x0] =	vst.idx.msk $0xffff, v6  }
0xd9: {  	v3 =	vor.u32 v57, v3;
	v9 =	vor.u32 s11, v28;
	[tilespmem:v40+s28+$0x0] =	vst.idx.msk $0xffff, v42;
	v6 =	vld.idx.msk [tilespmem:v1+s5+$0x0], $0xffff  }
0xda: {  	v3 =	vor.u32 $0x380, v3;
	v42 =	vor.u32 s10, v13;
	v40 =	vld.idx.msk [tilespmem:v60+s5+$0x0], $0xffff;
	v45 =	vshll.u32 v5, $0x3  }
0xdb: {  	s18 =	simm.s32 $0x1000;
	v4 =	vor.u32 $0x300, v4;
	v1 =	vand.u32 $0x7F, v5;
	v5 =	vand.u32 $0xFFFFFC00, v45  }
0xdc: {  	v61 =	vor.u32 s18, v21;
	v60 =	vld.idx.msk [tilespmem:v51+s5+$0x0], $0xffff;
	[tilespmem:v56+s28+$0x0] =	vst.idx.msk $0xffff, v62;
	v5 =	vor.u32 v1, v5  }
0xdd: {  	v57 =	vor.u32 s9, v33;
	v62 =	vor.u32 $0x80, v51;
	v48 =	vld.idx.msk [tilespmem:v58+s5+$0x0], $0xffff  }
0xde: {  	v58 =	vor.u32 $0x200, v7;
	[tilespmem:v9+s28+$0x0] =	vst.idx.msk $0xffff, v6  }
0xdf: {  	v6 =	vand.u32 $0xFFFFFF80, v47;
	v9 =	vor.u32 s11, v29;
	[tilespmem:v42+s28+$0x0] =	vst.idx.msk $0xffff, v40;
	v3 =	vld.idx.msk [tilespmem:v3+s5+$0x0], $0xffff  }
0xe0: {  	v6 =	vor.u32 v6, v49;
	v40 =	vor.u32 s10, v12;
	v42 =	vadd.s32 s2, v8;
	v4 =	vld.idx.msk [tilespmem:v4+s5+$0x0], $0xffff  }
0xe1: {  	v47 =	vor.u32 s17, v16;
	[tilespmem:v61+s28+$0x0] =	vst.idx.msk $0xffff, v60;
	v6 =	vor.u32 $0x380, v6;
	v44 =	vld.idx.msk [tilespmem:v5+s5+$0x0], $0xffff  }
0xe2: {  	v60 =	vor.u32 s18, v22;
	v61 =	vor.u32 $0x80, v5;
	v49 =	vld.idx.msk [tilespmem:v62+s5+$0x0], $0xffff;
	[tilespmem:v57+s28+$0x0] =	vst.idx.msk $0xffff, v48  }
0xe3: {  	v62 =	vor.u32 $0x100, v51;
	v57 =	vld.idx.msk [tilespmem:v58+s5+$0x0], $0xffff;
	v58 =	vor.u32 s9, v34  }
0xe4: {  	v55 =	vor.u32 $0x280, v7;
	[tilespmem:v9+s28+$0x0] =	vst.idx.msk $0xffff, v3  }
0xe5: {  	[tilespmem:v40+s28+$0x0] =	vst.idx.msk $0xffff, v4;
	v3 =	vld.idx.msk [tilespmem:v42+s21+$0x0], $0xffff  }
0xe6: {  	v4 =	vor.u32 s10, v19;
	v6 =	vld.idx.msk [tilespmem:v6+s5+$0x0], $0xffff;
	[tilespmem:v47+s28+$0x0] =	vst.idx.msk $0xffff, v44  }
0xe7: {  	[tilespmem:v60+s28+$0x0] =	vst.idx.msk $0xffff, v49;
	v44 =	vadd.s32 s3, v24;
	v60 =	vor.u32 s17, v38;
	v9 =	vld.idx.msk [tilespmem:v61+s5+$0x0], $0xffff  }
0xe8: {  	v48 =	vld.idx.msk [tilespmem:v62+s5+$0x0], $0xffff;
	v61 =	vor.u32 s18, v23;
	v62 =	vor.u32 $0x100, v5;
	[tilespmem:v58+s28+$0x0] =	vst.idx.msk $0xffff, v57  }
0xe9: {  	v57 =	vor.u32 $0x180, v51;
	v58 =	vor.u32 s9, v35;
	v53 =	vld.idx.msk [tilespmem:v55+s5+$0x0], $0xffff  }
0xea: {  	v7 =	vor.u32 $0x300, v7;
	v42 =	vshll.u32 v3, $0x3  }
0xeb: {  	v40 =	vand.u32 $0x7F, v3;
	[tilespmem:v4+s28+$0x0] =	vst.idx.msk $0xffff, v6;
	v3 =	vand.u32 $0xFFFFFC00, v42  }
0xec: {  	v4 =	vld.idx.msk [tilespmem:v44+s21+$0x0], $0xffff;
	[tilespmem:v60+s28+$0x0] =	vst.idx.msk $0xffff, v9;
	v50 =	vor.u32 v40, v3  }
0xed: {  	v6 =	vor.u32 s17, v39;
	[tilespmem:v61+s28+$0x0] =	vst.idx.msk $0xffff, v48;
	v3 =	vld.idx.msk [tilespmem:v62+s5+$0x0], $0xffff  }
0xee: {  	v9 =	vand.u32 $0xFFFFFF80, v43;
	v61 =	vor.u32 $0x180, v5;
	v60 =	vld.idx.msk [tilespmem:v57+s5+$0x0], $0xffff;
	v62 =	vor.u32 s18, v25;
	[tilespmem:v58+s28+$0x0] =	vst.idx.msk $0xffff, v53  }
0xef: {  	v52 =	vor.u32 s9, v36;
	v2 =	vor.u32 v9, v2;
	v9 =	vor.u32 $0x200, v51;
	v7 =	vld.idx.msk [tilespmem:v7+s5+$0x0], $0xffff  }
0xf0: {  	s25 =	simm.s32 $0x18B;
	v53 =	vor.u32 $0x380, v2  }
0xf1: {  	v59 =	vmovc v54;
	v54 =	vadd.s32 s25, v21;
	v56 =	vor.u32 s11, v8;
	v43 =	vshll.u32 v4, $0x3;
	v55 =	vld.idx.msk [tilespmem:v50+s5+$0x0], $0xffff  }
0xf2: {  	v2 =	vand.u32 $0x7F, v4;
	v4 =	vand.u32 $0xFFFFFC00, v43;
	[tilespmem:v6+s28+$0x0] =	vst.idx.msk $0xffff, v3;
	v3 =	vor.u32 $0x80, v50  }
0xf3: {  	[tilespmem:v62+s28+$0x0] =	vst.idx.msk $0xffff, v60;
	v6 =	vor.u32 s17, v59;
	v44 =	vor.u32 v2, v4;
	v4 =	vld.idx.msk [tilespmem:v61+s5+$0x0], $0xffff  }
0xf4: {  	v47 =	vor.u32 s18, v26;
	v9 =	vld.idx.msk [tilespmem:v9+s5+$0x0], $0xffff;
	[tilespmem:v52+s28+$0x0] =	vst.idx.msk $0xffff, v7;
	v7 =	vor.u32 $0x200, v5  }
0xf5: {  	v49 =	vor.u32 $0x280, v51;
	v60 =	vor.u32 s9, v37;
	v48 =	vld.idx.msk [tilespmem:v53+s5+$0x0], $0xffff  }
0xf6: {  	v62 =	vadd.s32 s1, v16;
	v53 =	vld.idx.msk [tilespmem:v54+s21+$0x0], $0xffff;
	[tilespmem:v56+s28+$0x0] =	vst.idx.msk $0xffff, v55  }
0xf7: {  	v55 =	vor.u32 s11, v30;
	v3 =	vld.idx.msk [tilespmem:v3+s5+$0x0], $0xffff  }
0xf8: {  	v57 =	vor.u32 s10, v24;
	v56 =	vld.idx.msk [tilespmem:v44+s5+$0x0], $0xffff;
	[tilespmem:v6+s28+$0x0] =	vst.idx.msk $0xffff, v4;
	v4 =	vor.u32 $0x100, v50  }
0xf9: {  	v58 =	vor.u32 $0x80, v44;
	v6 =	vor.u32 s17, v11;
	[tilespmem:v47+s28+$0x0] =	vst.idx.msk $0xffff, v9;
	v7 =	vld.idx.msk [tilespmem:v7+s5+$0x0], $0xffff  }
0xfa: {  	v52 =	vor.u32 $0x280, v5;
	v9 =	vld.idx.msk [tilespmem:v49+s5+$0x0], $0xffff;
	[tilespmem:v60+s28+$0x0] =	vst.idx.msk $0xffff, v48;
	v48 =	vor.u32 s18, v27  }
0xfb: {  	v49 =	vshll.u32 v53, $0x3;
	v60 =	vor.u32 $0x300, v51;
	v54 =	vld.idx.msk [tilespmem:v62+s21+$0x0], $0xffff  }
0xfc: {  	v47 =	vand.u32 $0x7F, v53;
	v62 =	vand.u32 $0xFFFFFC00, v49;
	[tilespmem:v55+s28+$0x0] =	vst.idx.msk $0xffff, v3  }
0xfd: {  	v51 =	vor.u32 v47, v62;
	[tilespmem:v57+s28+$0x0] =	vst.idx.msk $0xffff, v56;
	v3 =	vld.idx.msk [tilespmem:v4+s5+$0x0], $0xffff;
	v4 =	vor.u32 s11, v31  }
0xfe: {  	v46 =	vand.u32 $0xFFFFFF80, v46;
	v55 =	vor.u32 s10, v14;
	v53 =	vld.idx.msk [tilespmem:v58+s5+$0x0], $0xffff;
	[tilespmem:v6+s28+$0x0] =	vst.idx.msk $0xffff, v7;
	v6 =	vor.u32 $0x180, v50  }
0xff: {  	v56 =	vor.u32 s17, v13;
	v7 =	vor.u32 v46, v41;
	v46 =	vor.u32 $0x100, v44;
	[tilespmem:v48+s28+$0x0] =	vst.idx.msk $0xffff, v9;
	v9 =	vld.idx.msk [tilespmem:v52+s5+$0x0], $0xffff  }
0x100: {  	v5 =	vor.u32 $0x300, v5;
	v57 =	vld.idx.msk [tilespmem:v60+s5+$0x0], $0xffff;
	v48 =	vshll.u32 v54, $0x3;
	v60 =	vor.u32 s18, v28  }
0x101: {  	s0 =	simm.s32 $0x1400;
	v7 =	vor.u32 $0x380, v7;
	v41 =	vand.u32 $0x7F, v54;
	v62 =	vand.u32 $0xFFFFFC00, v48  }
0x102: {  	v61 =	vmov v59;
	v59 =	vor.u32 s0, v21;
	v54 =	vld.idx.msk [tilespmem:v51+s5+$0x0], $0xffff;
	[tilespmem:v4+s28+$0x0] =	vst.idx.msk $0xffff, v3;
	v52 =	vor.u32 v41, v62  }
0x103: {  	v3 =	vor.u32 $0x80, v51;
	[tilespmem:v55+s28+$0x0] =	vst.idx.msk $0xffff, v53;
	v4 =	vld.idx.msk [tilespmem:v6+s5+$0x0], $0xffff;
	v6 =	vor.u32 s11, v33  }
0x104: {  	v45 =	vand.u32 $0xFFFFFF80, v45;
	v53 =	vor.u32 s10, v15;
	v55 =	vor.u32 $0x200, v50;
	v46 =	vld.idx.msk [tilespmem:v46+s5+$0x0], $0xffff;
	[tilespmem:v56+s28+$0x0] =	vst.idx.msk $0xffff, v9  }
0x105: {  	v1 =	vor.u32 v45, v1;
	v45 =	vor.u32 s17, v12;
	v9 =	vor.u32 $0x180, v44;
	[tilespmem:v60+s28+$0x0] =	vst.idx.msk $0xffff, v57;
	v5 =	vld.idx.msk [tilespmem:v5+s5+$0x0], $0xffff  }
0x106: {  	v1 =	vor.u32 $0x380, v1;
	v56 =	vor.u32 s18, v29;
	v7 =	vld.idx.msk [tilespmem:v7+s5+$0x0], $0xffff  }
0x107: {  	v62 =	vmovc v0;
	v0 =	vmov v12;
	v12 =	vor.u32 s9, v16;
	v57 =	vadd.s32 s31, v8;
	[tilespmem:v59+s28+$0x0] =	vst.idx.msk $0xffff, v54;
	v54 =	vld.idx.msk [tilespmem:v52+s5+$0x0], $0xffff  }
0x108: {  	v3 =	vld.idx.msk [tilespmem:v3+s5+$0x0], $0xffff;
	[tilespmem:v6+s28+$0x0] =	vst.idx.msk $0xffff, v4;
	v4 =	vor.u32 s0, v22;
	v6 =	vor.u32 $0x80, v52  }
0x109: {  	[tilespmem:v53+s28+$0x0] =	vst.idx.msk $0xffff, v46;
	v46 =	vor.u32 $0x100, v51;
	v53 =	vld.idx.msk [tilespmem:v55+s5+$0x0], $0xffff;
	v55 =	vor.u32 s11, v34  }
0x10a: {  	v59 =	vor.u32 $0x280, v50;
	v9 =	vld.idx.msk [tilespmem:v9+s5+$0x0], $0xffff;
	[tilespmem:v45+s28+$0x0] =	vst.idx.msk $0xffff, v5;
	v5 =	vor.u32 s10, v20  }
0x10b: {  	v60 =	vor.u32 s17, v19;
	[tilespmem:v56+s28+$0x0] =	vst.idx.msk $0xffff, v7;
	v1 =	vld.idx.msk [tilespmem:v1+s5+$0x0], $0xffff;
	v7 =	vor.u32 $0x200, v44  }
0x10c: {  	v56 =	vld.idx.msk [tilespmem:v57+s21+$0x0], $0xffff;
	[tilespmem:v12+s28+$0x0] =	vst.idx.msk $0xffff, v54;
	v12 =	vadd.s32 s7, v24  }
0x10d: {  	[tilespmem:v4+s28+$0x0] =	vst.idx.msk $0xffff, v3;
	v3 =	vld.idx.msk [tilespmem:v6+s5+$0x0], $0xffff  }
0x10e: {  	v4 =	vor.u32 s9, v38;
	v6 =	vld.idx.msk [tilespmem:v46+s5+$0x0], $0xffff;
	[tilespmem:v55+s28+$0x0] =	vst.idx.msk $0xffff, v53  }
0x10f: {  	v53 =	vor.u32 s0, v23;
	v55 =	vld.idx.msk [tilespmem:v59+s5+$0x0], $0xffff;
	[tilespmem:v5+s28+$0x0] =	vst.idx.msk $0xffff, v9  }
0x110: {  	v46 =	vor.u32 $0x100, v52;
	v9 =	vor.u32 s11, v35;
	v7 =	vld.idx.msk [tilespmem:v7+s5+$0x0], $0xffff;
	[tilespmem:v60+s28+$0x0] =	vst.idx.msk $0xffff, v1  }
0x111: {  	v57 =	vor.u32 s10, v10;
	v5 =	vor.u32 $0x180, v51;
	v54 =	vld.idx.msk [tilespmem:v12+s21+$0x0], $0xffff;
	v1 =	vand.u32 $0x7F, v56  }
0x112: {  	v58 =	vor.u32 $0x300, v50;
	v45 =	vshll.u32 v56, $0x3;
	[tilespmem:$0x1FC80] =	vst v1  }
0x113: {  	v60 =	vor.u32 $0x280, v44;
	v12 =	vand.u32 $0xFFFFFC00, v45;
	[tilespmem:v4+s28+$0x0] =	vst.idx.msk $0xffff, v3  }
0x114: {  	s20 =	simm.s32 $0x1DA;
	v50 =	vor.u32 v1, v12;
	[tilespmem:v53+s28+$0x0] =	vst.idx.msk $0xffff, v6  }
0x115: {  	v42 =	vand.u32 $0xFFFFFF80, v42;
	v4 =	vor.u32 s9, v39;
	v53 =	vadd.s32 s20, v21;
	v3 =	vld.idx.msk [tilespmem:v46+s5+$0x0], $0xffff;
	[tilespmem:v9+s28+$0x0] =	vst.idx.msk $0xffff, v55  }
0x116: {  	v6 =	vor.u32 $0x180, v52;
	v5 =	vld.idx.msk [tilespmem:v5+s5+$0x0], $0xffff;
	v9 =	vor.u32 s0, v25;
	[tilespmem:v57+s28+$0x0] =	vst.idx.msk $0xffff, v7;
	v46 =	vshll.u32 v54, $0x3  }
0x117: {  	v56 =	vor.u32 s11, v36;
	v55 =	vld.idx.msk [tilespmem:v58+s5+$0x0], $0xffff;
	v7 =	vor.u32 $0x200, v51;
	v1 =	vand.u32 $0x7F, v54;
	[tilespmem:$0x1FC90] =	vst v46  }
0x118: {  	v40 =	vor.u32 v42, v40;
	v57 =	vld.idx.msk [tilespmem:v60+s5+$0x0], $0xffff;
	[tilespmem:$0x1FCA0] =	vst v1  }
0x119: {  	v12 =	vor.u32 s18, v8;
	v58 =	vor.u32 $0x380, v40;
	v60 =	vand.u32 $0xFFFFFC00, v46;
	v54 =	vld.idx.msk [tilespmem:v50+s5+$0x0], $0xffff  }
0x11a: {  	[tilespmem:v4+s28+$0x0] =	vst.idx.msk $0xffff, v3;
	v46 =	vor.u32 v1, v60;
	v3 =	vor.u32 s10, v17;
	v53 =	vld.idx.msk [tilespmem:v53+s21+$0x0], $0xffff  }
0x11b: {  	v4 =	vor.u32 $0x80, v50;
	[tilespmem:v9+s28+$0x0] =	vst.idx.msk $0xffff, v5;
	v5 =	vor.u32 s9, v61;
	v6 =	vld.idx.msk [tilespmem:v6+s5+$0x0], $0xffff  }
0x11c: {  	v9 =	vor.u32 $0x300, v44;
	v7 =	vld.idx.msk [tilespmem:v7+s5+$0x0], $0xffff;
	[tilespmem:v56+s28+$0x0] =	vst.idx.msk $0xffff, v55;
	v55 =	vor.u32 s0, v26  }
0x11d: {  	v44 =	vor.u32 $0x200, v52  }
0x11e: {  	v43 =	vand.u32 $0xFFFFFF80, v43;
	v60 =	vor.u32 s11, v37;
	v56 =	vld.idx.msk [tilespmem:v58+s5+$0x0], $0xffff;
	[tilespmem:v12+s28+$0x0] =	vst.idx.msk $0xffff, v54  }
0x11f: {  	v2 =	vor.u32 v43, v2;
	v58 =	vor.u32 $0x280, v51;
	v54 =	vld.idx.msk [tilespmem:v46+s5+$0x0], $0xffff;
	[tilespmem:v3+s28+$0x0] =	vst.idx.msk $0xffff, v57  }
0x120: {  	v42 =	vmovc v61;
	v59 =	vadd.s32 s2, v16;
	v40 =	vmov v17;
	v17 =	vmov v15;
	v3 =	vld.idx.msk [tilespmem:v4+s5+$0x0], $0xffff;
	[tilespmem:v5+s28+$0x0] =	vst.idx.msk $0xffff, v6  }
0x121: {  	v15 =	vmovc v62;
	v61 =	vor.u32 s17, v24;
	v5 =	vld.idx.msk [tilespmem:v9+s5+$0x0], $0xffff;
	v9 =	vor.u32 s9, v11;
	[tilespmem:v55+s28+$0x0] =	vst.idx.msk $0xffff, v7;
	v11 =	vshll.u32 v53, $0x3  }
0x122: {  	v62 =	vor.u32 s10, v18;
	v12 =	vmovc v20;
	v57 =	vor.u32 $0x80, v46;
	v20 =	vmovc v63;
	v4 =	vor.u32 s18, v30;
	v63 =	vld.idx.msk [tilespmem:v44+s5+$0x0], $0xffff;
	[tilespmem:$0x1FCB0] =	vst v11  }
0x123: {  	v1 =	vor.u32 $0x380, v2;
	v2 =	vand.u32 $0x7F, v53;
	v6 =	vor.u32 $0x100, v50;
	[tilespmem:v60+s28+$0x0] =	vst.idx.msk $0xffff, v56  }
0x124: {  	v7 =	vld.idx.msk [tilespmem:v58+s5+$0x0], $0xffff;
	[tilespmem:$0x1FCC0] =	vst v2  }
0x125: {  	v55 =	vor.u32 s0, v27;
	v56 =	vor.u32 $0x280, v52;
	v53 =	vld.idx.msk [tilespmem:v59+s21+$0x0], $0xffff  }
0x126: {  	v51 =	vor.u32 $0x300, v51;
	v60 =	vand.u32 $0xFFFFFC00, v11;
	[tilespmem:v61+s28+$0x0] =	vst.idx.msk $0xffff, v54  }
0x127: {  	v43 =	vor.u32 v2, v60;
	[tilespmem:v4+s28+$0x0] =	vst.idx.msk $0xffff, v3;
	v3 =	vld.idx.msk [tilespmem:v57+s5+$0x0], $0xffff  }
0x128: {  	v4 =	vor.u32 s17, v14;
	[tilespmem:v62+s28+$0x0] =	vst.idx.msk $0xffff, v5;
	v6 =	vld.idx.msk [tilespmem:v6+s5+$0x0], $0xffff  }
0x129: {  	v5 =	vor.u32 s18, v31;
	[tilespmem:v9+s28+$0x0] =	vst.idx.msk $0xffff, v63;
	v1 =	vld.idx.msk [tilespmem:v1+s5+$0x0], $0xffff  }
0x12a: {  	v57 =	vor.u32 s10, v15;
	v9 =	vor.u32 $0x180, v50;
	[tilespmem:v55+s28+$0x0] =	vst.idx.msk $0xffff, v7;
	v7 =	vld.idx.msk [tilespmem:v56+s5+$0x0], $0xffff;
	v11 =	vshll.u32 v53, $0x3  }
0x12b: {  	v49 =	vand.u32 $0xFFFFFF80, v49;
	v54 =	vor.u32 $0x100, v46;
	v56 =	vld.idx.msk [tilespmem:v51+s5+$0x0], $0xffff;
	v2 =	vand.u32 $0x7F, v53;
	[tilespmem:$0x1FCD0] =	vst v11  }
0x12c: {  	v47 =	vor.u32 v49, v47;
	v58 =	vadd.s32 s3, v32;
	v55 =	vor.u32 s9, v13;
	v60 =	vld.idx.msk [tilespmem:v43+s5+$0x0], $0xffff;
	[tilespmem:$0x1FCE0] =	vst v2  }
0x12d: {  	v52 =	vor.u32 $0x300, v52;
	s3 =	simm.s32 $0x1800;
	v59 =	vor.u32 s0, v28;
	[tilespmem:v4+s28+$0x0] =	vst.idx.msk $0xffff, v3;
	v3 =	vand.u32 $0xFFFFFC00, v11  }
0x12e: {  	v13 =	vor.u32 $0x380, v47;
	v4 =	vor.u32 s3, v21;
	[tilespmem:v5+s28+$0x0] =	vst.idx.msk $0xffff, v6;
	v47 =	vor.u32 v2, v3  }
0x12f: {  	[tilespmem:v57+s28+$0x0] =	vst.idx.msk $0xffff, v1;
	v1 =	vor.u32 s18, v33;
	v3 =	vor.u32 $0x80, v43;
	v6 =	vld.idx.msk [tilespmem:v9+s5+$0x0], $0xffff  }
0x130: {  	v44 =	vor.u32 s17, v17;
	v5 =	vld.idx.msk [tilespmem:v54+s5+$0x0], $0xffff  }
0x131: {  	v62 =	vor.u32 $0x200, v50;
	[tilespmem:v55+s28+$0x0] =	vst.idx.msk $0xffff, v7;
	v9 =	vand.u32 $0xFFFFFF80, v48;
	v53 =	vld.idx.msk [tilespmem:v58+s21+$0x0], $0xffff  }
0x132: {  	v63 =	vor.u32 $0x180, v46;
	[tilespmem:v59+s28+$0x0] =	vst.idx.msk $0xffff, v56;
	v7 =	vor.u32 v9, v41;
	v9 =	vld.idx.msk [tilespmem:v52+s5+$0x0], $0xffff;
	v52 =	vor.u32 s9, v0  }
0x133: {  	v59 =	vor.u32 s11, v16;
	v7 =	vor.u32 $0x380, v7;
	[tilespmem:v4+s28+$0x0] =	vst.idx.msk $0xffff, v60;
	v4 =	vld.idx.msk [tilespmem:v47+s5+$0x0], $0xffff  }
0x134: {  	v3 =	vld.idx.msk [tilespmem:v3+s5+$0x0], $0xffff;
	[tilespmem:v1+s28+$0x0] =	vst.idx.msk $0xffff, v6;
	v1 =	vor.u32 s3, v22;
	v6 =	vor.u32 $0x80, v47  }
0x135: {  	v57 =	vor.u32 s0, v29;
	v56 =	vld.idx.msk [tilespmem:v13+s5+$0x0], $0xffff;
	[tilespmem:v44+s28+$0x0] =	vst.idx.msk $0xffff, v5;
	v5 =	vor.u32 $0x100, v43  }
0x136: {  	v54 =	vor.u32 s18, v34;
	v48 =	vld.idx.msk [tilespmem:v62+s5+$0x0], $0xffff  }
0x137: {  	v49 =	vor.u32 $0x280, v50;
	v44 =	vld.idx.msk [tilespmem:v63+s5+$0x0], $0xffff;
	[tilespmem:v52+s28+$0x0] =	vst.idx.msk $0xffff, v9;
	v9 =	vor.u32 s17, v12  }
0x138: {  	v58 =	vadd.s32 s25, v8;
	v13 =	vshll.u32 v53, $0x3;
	v18 =	vand.u32 $0x7F, v53;
	v7 =	vld.idx.msk [tilespmem:v7+s5+$0x0], $0xffff;
	[tilespmem:v59+s28+$0x0] =	vst.idx.msk $0xffff, v4  }
0x139: {  	v62 =	vand.u32 $0xFFFFFC00, v13;
	v63 =	vor.u32 $0x200, v46;
	v12 =	vor.u32 s9, v19;
	[tilespmem:v1+s28+$0x0] =	vst.idx.msk $0xffff, v3;
	v1 =	vld.idx.msk [tilespmem:v6+s5+$0x0], $0xffff  }
0x13a: {  	[tilespmem:v57+s28+$0x0] =	vst.idx.msk $0xffff, v56;
	v41 =	vor.u32 v18, v62;
	v4 =	vld.idx.msk [tilespmem:v5+s5+$0x0], $0xffff;
	v5 =	vor.u32 s11, v38  }
0x13b: {  	[tilespmem:v54+s28+$0x0] =	vst.idx.msk $0xffff, v48;
	v6 =	vor.u32 s3, v23;
	v54 =	vor.u32 $0x100, v47  }
0x13c: {  	[tilespmem:v9+s28+$0x0] =	vst.idx.msk $0xffff, v44;
	v9 =	vor.u32 $0x180, v43;
	v44 =	vor.u32 s18, v35;
	v48 =	vld.idx.msk [tilespmem:v49+s5+$0x0], $0xffff  }
0x13d: {  	v50 =	vor.u32 $0x300, v50;
	v57 =	vld.idx.msk [tilespmem:v58+s21+$0x0], $0xffff  }
0x13e: {  	v56 =	vld.idx.msk [tilespmem:v63+s5+$0x0], $0xffff;
	[tilespmem:v12+s28+$0x0] =	vst.idx.msk $0xffff, v7  }
0x13f: {  	v59 =	vor.u32 s17, v10;
	v7 =	vld.idx.msk [tilespmem:v41+s5+$0x0], $0xffff;
	[tilespmem:v5+s28+$0x0] =	vst.idx.msk $0xffff, v1  }
0x140: {  	v62 =	vor.u32 s10, v32;
	[tilespmem:v6+s28+$0x0] =	vst.idx.msk $0xffff, v4;
	v4 =	vld.idx.msk [tilespmem:v54+s5+$0x0], $0xffff  }
0x141: {  	v5 =	vor.u32 s11, v39;
	v9 =	vld.idx.msk [tilespmem:v9+s5+$0x0], $0xffff;
	[tilespmem:v44+s28+$0x0] =	vst.idx.msk $0xffff, v48  }
0x142: {  	v1 =	vor.u32 $0x80, v41;
	v58 =	vld.idx.msk [tilespmem:v50+s5+$0x0], $0xffff;
	v50 =	vor.u32 s3, v25  }
0x143: {  	v55 =	vshll.u32 v57, $0x3  }
0x144: {  	v3 =	vadd.s32 s1, v24;
	v12 =	vand.u32 $0x7F, v57;
	v63 =	vand.u32 $0xFFFFFC00, v55;
	v2 =	vld [tilespmem:$0x1FC80];
	[tilespmem:v59+s28+$0x0] =	vst.idx.msk $0xffff, v56  }
0x145: {  	v53 =	vor.u32 v12, v63;
	[tilespmem:v62+s28+$0x0] =	vst.idx.msk $0x7fff, v7  }
0x146: {  	v61 =	vor.u32 $0x280, v46;
	[tilespmem:v5+s28+$0x0] =	vst.idx.msk $0xffff, v4  }
0x147: {  	v6 =	vand.u32 $0xFFFFFF80, v45;
	v45 =	vor.u32 $0x180, v47;
	v51 =	vld.idx.msk [tilespmem:v1+s5+$0x0], $0xffff;
	[tilespmem:v50+s28+$0x0] =	vst.idx.msk $0xffff, v9  }
0x148: {  	v1 =	vld [tilespmem:$0x1FEA0]  }
0x149: {  	v3 =	vld.idx.msk [tilespmem:v3+s21+$0x0], $0xffff;
	v7 =	vor.u32 $0x200, v43;
	v59 =	vor.u32 s18, v36  }
0x14a: {  	v63 =	vor.u32 s0, v8;
	v62 =	vld.idx.msk [tilespmem:v53+s5+$0x0], $0xffff  }
0x14b: {  	v56 =	vld.idx.msk [tilespmem:v61+s5+$0x0], $0xffff;
	v4 =	vor.u32 s17, v40  }
0x14c: {  	v6 =	vor.u32 v6, v2;
	v45 =	vld.idx.msk [tilespmem:v45+s5+$0x0], $0xffff;
	v9 =	vor.u32 s11, v42  }
0x14d: {  	v6 =	vor.u32 $0x380, v6;
	v2 =	vor.u32 s10, v1  }
0x14e: {  	v7 =	vld.idx.msk [tilespmem:v7+s5+$0x0], $0xffff;
	[tilespmem:v59+s28+$0x0] =	vst.idx.msk $0xffff, v58  }
0x14f: {  	s4 =	simm.s32 $0x229;
	v1 =	vld [tilespmem:$0x1FC90];
	[tilespmem:v63+s28+$0x0] =	vst.idx.msk $0xffff, v62  }
0x150: {  	v54 =	vadd.s32 s4, v21;
	v0 =	vshll.u32 v3, $0x3;
	v52 =	vld [tilespmem:$0x1FCA0];
	[tilespmem:v4+s28+$0x0] =	vst.idx.msk $0xffff, v56  }
0x151: {  	v11 =	vand.u32 $0x7F, v3;
	v44 =	vand.u32 $0xFFFFFC00, v0;
	v59 =	vor.u32 s3, v26;
	v4 =	vld [tilespmem:$0x1FF50];
	[tilespmem:v9+s28+$0x0] =	vst.idx.msk $0xffff, v45  }
0x152: {  	v48 =	vor.u32 v11, v44;
	v40 =	vld.idx.msk [tilespmem:v6+s5+$0x0], $0xffff;
	v62 =	vor.u32 s18, v37;
	[tilespmem:v2+s28+$0x0] =	vst.idx.msk $0x7fff, v51  }
0x153: {  	v2 =	vld [tilespmem:$0x1FF60]  }
0x154: {  	v5 =	vor.u32 $0x80, v53;
	_ =	sdelay $0x1  }
0x155: {  	v54 =	vld.idx.msk [tilespmem:v54+s21+$0x0], $0xffff;
	v1 =	vand.u32 $0xFFFFFF80, v1;
	[tilespmem:v59+s28+$0x0] =	vst.idx.msk $0xffff, v7  }
0x156: {  	v63 =	vld.idx.msk [tilespmem:v48+s5+$0x0], $0xffff;
	v1 =	vor.u32 v1, v52;
	[tilespmem:v62+s28+$0x0] =	vst.idx.msk $0xffff, v40  }
0x157: {  	v56 =	vor.u32 s9, v24;
	v49 =	vor.u32 s11, v2;
	v2 =	vor.u32 $0x380, v1;
	v1 =	vld [tilespmem:$0x1FCB0]  }
0x158: {  	v3 =	vor.u32 $0x300, v46;
	v44 =	vld.idx.msk [tilespmem:v5+s5+$0x0], $0xffff;
	v52 =	vor.u32 s17, v4;
	v4 =	vor.u32 s0, v30;
	_ =	sdelay $0x3  }
0x159: {  	v57 =	vshll.u32 v54, $0x3;
	v60 =	vand.u32 $0xFFFFFF80, v1;
	v1 =	vld [tilespmem:$0x1FCC0];
	[tilespmem:v56+s28+$0x0] =	vst.idx.msk $0xffff, v63  }
0x15a: {  	v3 =	vld.idx.msk [tilespmem:v3+s5+$0x0], $0xffff;
	v7 =	vand.u32 $0x7F, v54;
	v54 =	vand.u32 $0xFFFFFC00, v57;
	[tilespmem:v4+s28+$0x0] =	vst.idx.msk $0xffff, v44  }
0x15b: {  	v59 =	vor.u32 s10, v20;
	v54 =	vor.u32 v7, v54;
	v20 =	vmov v7;
	v7 =	vld [tilespmem:$0x1FCD0];
	_ =	sdelay $0x2  }
0x15c: {  	v58 =	vor.u32 $0x200, v47  }
0x15d: {  	v9 =	vor.u32 $0x80, v48;
	[tilespmem:v52+s28+$0x0] =	vst.idx.msk $0xffff, v3  }
0x15e: {  	v61 =	vand.u32 $0xFFFFFF80, v7;
	v7 =	vld [tilespmem:$0x1FCE0];
	_ =	sdelay $0x1  }
0x15f: {  	v6 =	vor.u32 $0x100, v41  }
0x160: {  	v42 =	vor.u32 $0x280, v43;
	v58 =	vld.idx.msk [tilespmem:v58+s5+$0x0], $0xffff  }
0x161: {  	v4 =	vld.idx.msk [tilespmem:v9+s5+$0x0], $0xffff  }
0x162: {  	v5 =	vadd.s32 s31, v16;
	v9 =	vor.u32 s9, v14;
	v14 =	vor.u32 v61, v7;
	v7 =	vld.idx.msk [tilespmem:v2+s5+$0x0], $0xffff  }
0x163: {  	v51 =	vor.u32 $0x100, v53;
	v2 =	vld.idx.msk [tilespmem:v54+s5+$0x0], $0xffff  }
0x164: {  	v6 =	vld.idx.msk [tilespmem:v6+s5+$0x0], $0xffff  }
0x165: {  	v42 =	vld.idx.msk [tilespmem:v42+s5+$0x0], $0xffff;
	v62 =	vor.u32 v60, v1;
	v1 =	vor.u32 s3, v27;
	_ =	sdelay $0x1  }
0x166: {  	v5 =	vld.idx.msk [tilespmem:v5+s21+$0x0], $0xffff;
	[tilespmem:v49+s28+$0x0] =	vst.idx.msk $0xffff, v58  }
0x167: {  	v44 =	vld.idx.msk [tilespmem:v51+s5+$0x0], $0xffff;
	[tilespmem:$0x1FCF0] =	vst v2  }
0x168: {  	[tilespmem:v59+s28+$0x0] =	vst.idx.msk $0x7fff, v6  }
0x169: {  	v63 =	vor.u32 $0x300, v43;
	[tilespmem:v1+s28+$0x0] =	vst.idx.msk $0xffff, v42  }
0x16a: {  	v56 =	vor.u32 $0x280, v47;
	v1 =	vld [tilespmem:$0x1FF90];
	_ =	sdelay $0x1  }
0x16b: {  	v51 =	vor.u32 s0, v31  }
0x16c: {  	v59 =	vor.u32 s17, v15  }
0x16d: {  	v3 =	vor.u32 $0x180, v41;
	v63 =	vld.idx.msk [tilespmem:v63+s5+$0x0], $0xffff;
	[tilespmem:v9+s28+$0x0] =	vst.idx.msk $0xffff, v4;
	v9 =	vor.u32 s3, v28  }
0x16e: {  	v42 =	vld.idx.msk [tilespmem:v56+s5+$0x0], $0xffff;
	v56 =	vor.u32 s11, v1;
	_ =	sdelay $0x1  }
0x16f: {  	v52 =	vand.u32 $0xFFFFFF80, v13;
	[tilespmem:v51+s28+$0x0] =	vst.idx.msk $0xffff, v44  }
0x170: {  	v49 =	vor.u32 $0x100, v48;
	v58 =	vshll.u32 v5, $0x3;
	v61 =	vand.u32 $0x7F, v5;
	[tilespmem:v59+s28+$0x0] =	vst.idx.msk $0xffff, v7  }
0x171: {  	v6 =	vor.u32 $0x180, v53;
	v13 =	vld.idx.msk [tilespmem:v3+s5+$0x0], $0xffff;
	v3 =	vand.u32 $0xFFFFFC00, v58;
	v1 =	vor.u32 $0x300, v47;
	[tilespmem:v9+s28+$0x0] =	vst.idx.msk $0xffff, v63  }
0x172: {  	v47 =	vor.u32 v52, v18;
	v52 =	vor.u32 v61, v3;
	v3 =	vand.u32 $0xFFFFFF80, v55;
	[tilespmem:v56+s28+$0x0] =	vst.idx.msk $0xffff, v42  }
0x173: {  	v55 =	vor.u32 v3, v12;
	v12 =	vand.u32 $0xFFFFFF80, v0;
	v0 =	vld [tilespmem:$0x1FF70];
	_ =	sdelay $0x2  }
0x174: {  	v6 =	vld.idx.msk [tilespmem:v6+s5+$0x0], $0xffff;
	v59 =	vor.u32 s0, v33  }
0x175: {  	s26 =	simm.s32 $0x1C00;
	v2 =	vadd.s32 s7, v32;
	v60 =	vld.idx.msk [tilespmem:v49+s5+$0x0], $0xffff;
	v3 =	vor.u32 s9, v17  }
0x176: {  	v44 =	vor.u32 $0x380, v62;
	v62 =	vor.u32 s26, v21;
	v63 =	vor.u32 s11, v0;
	v0 =	vld [tilespmem:$0x1FCF0]  }
0x177: {  	v42 =	vor.u32 $0x200, v53;
	v1 =	vld.idx.msk [tilespmem:v1+s5+$0x0], $0xffff;
	_ =	sdelay $0x1  }
0x178: {  	[tilespmem:v59+s28+$0x0] =	vst.idx.msk $0xffff, v6  }
0x179: {  	v2 =	vld.idx.msk [tilespmem:v2+s21+$0x0], $0xffff;
	[tilespmem:v3+s28+$0x0] =	vst.idx.msk $0xffff, v60  }
0x17a: {  	v46 =	vor.u32 s11, v10;
	v7 =	vor.u32 $0x80, v54;
	v44 =	vld.idx.msk [tilespmem:v44+s5+$0x0], $0xffff;
	[tilespmem:v62+s28+$0x0] =	vst.idx.msk $0xffff, v0  }
0x17b: {  	v50 =	vor.u32 s9, v10;
	v45 =	vor.u32 s18, v10;
	v15 =	vld.idx.msk [tilespmem:v42+s5+$0x0], $0xffff;
	[tilespmem:v63+s28+$0x0] =	vst.idx.msk $0xffff, v1  }
0x17c: {  	v40 =	vor.u32 s3, v10;
	v5 =	vor.u32 s3, v29;
	v9 =	vor.u32 $0x180, v48;
	v0 =	vld [tilespmem:$0x1FF00]  }
0x17d: {  	v43 =	vor.u32 s0, v10;
	v49 =	vor.u32 $0x380, v14;
	v3 =	vor.u32 s0, v34;
	v1 =	vld [tilespmem:$0x1FEB0]  }
0x17e: {  	v4 =	vor.u32 s18, v16;
	v14 =	vand.u32 $0xFFFFFF80, v57;
	v18 =	vadd.s32 s20, v8;
	v62 =	vld.idx.msk [tilespmem:v52+s5+$0x0], $0xffff  }
0x17f: {  	v57 =	vor.u32 $0x300, v53;
	v6 =	vor.u32 s26, v22;
	v59 =	vor.u32 $0x80, v52;
	v7 =	vld.idx.msk [tilespmem:v7+s5+$0x0], $0xffff  }
0x180: {  	v51 =	vor.u32 v12, v11;
	v12 =	vor.u32 $0x280, v53;
	v56 =	vor.u32 v14, v20  }
0x181: {  	s13 =	sshll.u32 s12, $0x1;
	v14 =	vor.u32 $0x100, v54;
	v17 =	vld.idx.msk [tilespmem:v9+s5+$0x0], $0xffff;
	v42 =	vor.u32 s26, v10;
	[tilespmem:v5+s28+$0x0] =	vst.idx.msk $0xffff, v44;
	v9 =	vor.u32 s9, v0  }
0x182: {  	s16 =	sor.u32 s6, s13;
	s15 =	sand.u32 $0x1E, s13;
	v60 =	vld.idx.msk [tilespmem:v49+s5+$0x0], $0xffff;
	[tilespmem:v3+s28+$0x0] =	vst.idx.msk $0xffff, v15;
	v11 =	vor.u32 s10, v1;
	v1 =	vand.u32 $0xFFFFFF80, v58;
	v58 =	vor.u32 $0x200, v48  }
0x183: {  	p1 =	seq.s32 s16, $0x0;
	p2 =	sne.s32 s15, $0x0;
	v44 =	vshll.u32 v2, $0x3;
	v3 =	vor.u32 s18, v38;
	v5 =	vld.idx.msk [tilespmem:v18+s21+$0x0], $0xffff;
	[tilespmem:v4+s28+$0x0] =	vst.idx.msk $0xffff, v62;
	v4 =	vand.u32 $0x7F, v2  }
0x184: {  	p1 =	por !p1, !p2;
	[tilespmem:v6+s28+$0x0] =	vst.idx.msk $0xffff, v7;
	v6 =	vand.u32 $0xFFFFFF80, v44;
	v2 =	vld.idx.msk [tilespmem:v59+s5+$0x0], $0xffff;
	v59 =	vor.u32 $0x200, v41;
	v7 =	vor.u32 s26, v23  }
0x185: {  	p1 =	por !p1, !p1;
	s7 =	simm.s32 $0x1;
	v62 =	vld.idx.msk [tilespmem:v12+s5+$0x0], $0xffff;
	v53 =	vor.u32 v1, v61;
	v1 =	vand.u32 $0xFFFFFC00, v44;
	v44 =	vor.u32 v6, v4  }
0x186: {  	s14 =	sshrl.u32 s16, $0x5;
	s7 =	simm.s32 @!p1 $0x0;
	v61 =	vor.u32 s11, v19;
	v63 =	vld.idx.msk [tilespmem:v14+s5+$0x0], $0xffff;
	v6 =	vor.u32 s0, v35;
	v49 =	vor.u32 v4, v1;
	[tilespmem:v9+s28+$0x0] =	vst.idx.msk $0xffff, v17  }
0x187: {  	s19 =	ssub.s32 s14, s7;
	s7 =	simm.s32 $0x8;
	s14 =	simm.s32 $0x278;
	v1 =	vadd.s32 s2, v24;
	v4 =	vor.u32 $0x100, v52;
	[tilespmem:v11+s28+$0x0] =	vst.idx.msk $0x7fff, v13;
	v9 =	vor.u32 $0x180, v54;
	v58 =	vld.idx.msk [tilespmem:v58+s5+$0x0], $0xffff  }
.LBB2_3:
0x188: {  	_ =	sdelay $0x2  }
0x189: {  	[tilespmem:v61+s28+$0x0] =	vst.idx.msk $0xffff, v60;
	v0 =	vld [tilespmem:$0x1FE90]  }
0x18a: {  	v60 =	vld.idx.msk [tilespmem:v49+s5+$0x0], $0xffff  }
0x18b: {  	v1 =	vld.idx.msk [tilespmem:v1+s21+$0x0], $0xffff;
	[tilespmem:v3+s28+$0x0] =	vst.idx.msk $0xffff, v2  }
0x18c: {  	v11 =	vshll.u32 v5, $0x3;
	v12 =	vor.u32 $0x280, v48;
	v13 =	vor.u32 s17, v32;
	v3 =	vld.idx.msk [tilespmem:v59+s5+$0x0], $0xffff;
	[tilespmem:v7+s28+$0x0] =	vst.idx.msk $0xffff, v63  }
0x18d: {  	v5 =	vand.u32 $0x7F, v5;
	v14 =	vand.u32 $0xFFFFFC00, v11;
	v2 =	vor.u32 $0x80, v49;
	v4 =	vld.idx.msk [tilespmem:v4+s5+$0x0], $0xffff  }
0x18e: {  	v7 =	vand.u32 $0xFFFFFF80, v11;
	v59 =	vor.u32 v5, v14;
	v9 =	vld.idx.msk [tilespmem:v9+s5+$0x0], $0xffff;
	[tilespmem:v6+s28+$0x0] =	vst.idx.msk $0xffff, v62;
	v61 =	vor.u32 s10, v0  }
0x18f: {  	v11 =	vor.u32 s18, v39;
	v5 =	vor.u32 v7, v5;
	v7 =	vld.idx.msk [tilespmem:v57+s5+$0x0], $0xffff  }
0x190: {  	v6 =	vor.u32 $0x280, v41;
	[tilespmem:v50+s28+$0x0] =	vst.idx.msk $0xffff, v58;
	v0 =	vld [tilespmem:$0x1FF40]  }
0x191: {  	v62 =	vor.u32 $0x180, v52;
	v12 =	vld.idx.msk [tilespmem:v12+s5+$0x0], $0xffff;
	[tilespmem:v13+s28+$0x0] =	vst.idx.msk $0x7fff, v60  }
0x192: {  	v10 =	vadd.s32 s14, v21;
	v14 =	vor.u32 $0x300, v59;
	v50 =	vmov v46;
	v2 =	vld.idx.msk [tilespmem:v2+s5+$0x0], $0xffff  }
0x193: {  	v46 =	vmovc v45;
	v45 =	vmov v43;
	v43 =	vmov v40;
	v40 =	vmov v42;
	v42 =	vld.idx.msk [tilespmem:v59+s5+$0x0], $0xffff;
	[tilespmem:v61+s28+$0x0] =	vst.idx.msk $0x7fff, v3  }
0x194: {  	v17 =	vld [tilespmem:$0x1FEC0];
	v57 =	vmov v14;
	v14 =	vor.u32 s26, v25;
	v63 =	vshll.u32 v1, $0x3;
	[tilespmem:v11+s28+$0x0] =	vst.idx.msk $0xffff, v4  }
0x195: {  	v1 =	vand.u32 $0x7F, v1;
	v15 =	vand.u32 $0xFFFFFC00, v63;
	v58 =	vor.u32 s9, v0;
	v6 =	vld.idx.msk [tilespmem:v6+s5+$0x0], $0xffff  }
0x196: {  	v0 =	vor.u32 $0x380, v55;
	v55 =	vmovc v5;
	v5 =	vor.u32 v1, v15;
	v4 =	vand.u32 $0xFFFFFF80, v63;
	v15 =	vld.idx.msk [tilespmem:v62+s5+$0x0], $0xffff  }
0x197: {  	v13 =	vor.u32 $0x200, v54;
	v1 =	vor.u32 v4, v1;
	v4 =	vld [tilespmem:$0x1FEA0]  }
0x198: {  	v60 =	vor.u32 s0, v36;
	v10 =	vld.idx.msk [tilespmem:v10+s21+$0x0], $0xffff  }
0x199: {  	[tilespmem:v14+s28+$0x0] =	vst.idx.msk $0xffff, v9;
	v9 =	vld [tilespmem:$0x1FF80]  }
0x19a: {  	v3 =	vor.u32 s3, v8;
	_ =	sdelay $0x1  }
0x19b: {  	v11 =	vor.u32 $0x80, v59;
	v13 =	vld.idx.msk [tilespmem:v13+s5+$0x0], $0xffff  }
0x19c: {  	[tilespmem:v60+s28+$0x0] =	vst.idx.msk $0xffff, v7;
	v60 =	vor.u32 s10, v17;
	v17 =	vld [tilespmem:$0x1FF20];
	v4 =	vor.u32 s17, v4  }
0x19d: {  	v0 =	vld.idx.msk [tilespmem:v0+s5+$0x0], $0xffff;
	[tilespmem:v58+s28+$0x0] =	vst.idx.msk $0xffff, v12;
	v9 =	vor.u32 s18, v9  }
0x19e: {  	v14 =	vor.u32 $0x300, v48;
	[tilespmem:v3+s28+$0x0] =	vst.idx.msk $0xffff, v42  }
0x19f: {  	v48 =	vmov v5;
	v7 =	vor.u32 $0x200, v52;
	v5 =	vld.idx.msk [tilespmem:v5+s5+$0x0], $0xffff  }
0x1a0: {  	v61 =	vor.u32 s26, v26;
	v11 =	vld.idx.msk [tilespmem:v11+s5+$0x0], $0xffff  }
0x1a1: {  	v12 =	vor.u32 $0x100, v49;
	v42 =	vor.u32 s17, v17;
	v17 =	vld [tilespmem:$0x1FF50];
	[tilespmem:v4+s28+$0x0] =	vst.idx.msk $0x7fff, v2  }
0x1a2: {  	v58 =	vor.u32 $0x280, v54;
	v3 =	vor.u32 s0, v37;
	v4 =	vld [tilespmem:$0x1FF60];
	[tilespmem:v9+s28+$0x0] =	vst.idx.msk $0xffff, v15  }
0x1a3: {  	v19 =	vor.u32 $0x380, v51;
	v63 =	vor.u32 s11, v24;
	v62 =	vadd.s32 s25, v16;
	v14 =	vld.idx.msk [tilespmem:v14+s5+$0x0], $0xffff  }
0x1a4: {  	v18 =	vor.u32 $0x100, v59;
	v2 =	vor.u32 s3, v30;
	v15 =	vshll.u32 v10, $0x3;
	v7 =	vld.idx.msk [tilespmem:v7+s5+$0x0], $0xffff;
	[tilespmem:v60+s28+$0x0] =	vst.idx.msk $0x7fff, v6  }
0x1a5: {  	v51 =	vmovc v1;
	v1 =	vand.u32 $0x7F, v10;
	v9 =	vor.u32 $0x80, v48;
	v10 =	vand.u32 $0xFFFFFC00, v15;
	[tilespmem:v61+s28+$0x0] =	vst.idx.msk $0xffff, v13  }
0x1a6: {  	v17 =	vor.u32 s9, v17;
	v6 =	vand.u32 $0xFFFFFF80, v15;
	v10 =	vor.u32 v1, v10;
	v12 =	vld.idx.msk [tilespmem:v12+s5+$0x0], $0xffff  }
0x1a7: {  	v1 =	vor.u32 v6, v1;
	v6 =	vld.idx.msk [tilespmem:v58+s5+$0x0], $0xffff;
	[tilespmem:v3+s28+$0x0] =	vst.idx.msk $0xffff, v0;
	v4 =	vor.u32 s18, v4  }
0x1a8: {  	v3 =	vld.idx.msk [tilespmem:v62+s21+$0x0], $0xffff;
	[tilespmem:v63+s28+$0x0] =	vst.idx.msk $0xffff, v5  }
0x1a9: {  	[tilespmem:v2+s28+$0x0] =	vst.idx.msk $0xffff, v11;
	v11 =	vld [tilespmem:$0x1FEE0]  }
0x1aa: {  	v2 =	vld.idx.msk [tilespmem:v9+s5+$0x0], $0xffff  }
0x1ab: {  	v0 =	vor.u32 s26, v27;
	v9 =	vld.idx.msk [tilespmem:v18+s5+$0x0], $0xffff;
	[tilespmem:v17+s28+$0x0] =	vst.idx.msk $0xffff, v14  }
0x1ac: {  	[tilespmem:v4+s28+$0x0] =	vst.idx.msk $0xffff, v7  }
0x1ad: {  	v7 =	vld.idx.msk [tilespmem:v19+s5+$0x0], $0xffff  }
0x1ae: {  	v62 =	vor.u32 $0x280, v52;
	v19 =	vld [tilespmem:$0x1FED0]  }
0x1af: {  	v5 =	vor.u32 $0x300, v54;
	v54 =	vmov v10;
	v11 =	vor.u32 s11, v11;
	v10 =	vld.idx.msk [tilespmem:v10+s5+$0x0], $0xffff;
	[tilespmem:v42+s28+$0x0] =	vst.idx.msk $0x7fff, v12  }
0x1b0: {  	v14 =	vor.u32 $0x180, v49;
	[tilespmem:v0+s28+$0x0] =	vst.idx.msk $0xffff, v6;
	v6 =	vld [tilespmem:$0x1FF90]  }
0x1b1: {  	v15 =	vor.u32 s3, v31;
	v61 =	vor.u32 $0x300, v52;
	v52 =	vld [tilespmem:$0x1FF30]  }
0x1b2: {  	s22 =	smov.u32 s7;
	v17 =	vld [tilespmem:$0x1FEB0];
	v4 =	vor.u32 $0x100, v48  }
0x1b3: {  	s22 =	sshll.u32 s22, $0xA;
	v58 =	vadd.s32 s1, v32;
	v18 =	vor.u32 $0x180, v59;
	v0 =	vld.idx.msk [tilespmem:v62+s5+$0x0], $0xffff;
	v19 =	vor.u32 s9, v19  }
0x1b4: {  	v60 =	vand.u32 $0x7F, v3;
	v3 =	vshll.u32 v3, $0x3;
	v12 =	vor.u32 s22, v21;
	v5 =	vld.idx.msk [tilespmem:v5+s5+$0x0], $0xffff;
	[tilespmem:v11+s28+$0x0] =	vst.idx.msk $0xffff, v2  }
0x1b5: {  	v42 =	vand.u32 $0xFFFFFF80, v3;
	v3 =	vand.u32 $0xFFFFFC00, v3;
	v6 =	vor.u32 s18, v6;
	v2 =	vld.idx.msk [tilespmem:v14+s5+$0x0], $0xffff  }
0x1b6: {  	[tilespmem:v15+s28+$0x0] =	vst.idx.msk $0xffff, v9;
	v9 =	vor.u32 v42, v60;
	v42 =	vor.u32 s22, v52;
	v52 =	vor.u32 v60, v3;
	v3 =	vld [tilespmem:$0x1FEF0]  }
0x1b7: {  	v4 =	vld.idx.msk [tilespmem:v4+s5+$0x0], $0xffff  }
0x1b8: {  	v62 =	vld.idx.msk [tilespmem:v18+s5+$0x0], $0xffff;
	[tilespmem:v19+s28+$0x0] =	vst.idx.msk $0xffff, v7  }
0x1b9: {  	[tilespmem:v12+s28+$0x0] =	vst.idx.msk $0xffff, v10  }
0x1ba: {  	v13 =	vor.u32 $0x300, v41;
	v41 =	vmovc v49;
	v49 =	vor.u32 $0x380, v56;
	v56 =	vmovc v1;
	v1 =	vor.u32 s26, v28;
	v10 =	vld.idx.msk [tilespmem:v58+s21+$0x0], $0xffff  }
0x1bb: {  	[tilespmem:v6+s28+$0x0] =	vst.idx.msk $0xffff, v0;
	v6 =	vld [tilespmem:$0x1FF10]  }
0x1bc: {  	v17 =	vor.u32 s17, v17;
	v18 =	vld [tilespmem:$0x1FF70]  }
0x1bd: {  	v3 =	vor.u32 s11, v3  }
0x1be: {  	v11 =	vor.u32 $0x80, v54;
	v7 =	vor.u32 s3, v33  }
0x1bf: {  	v63 =	vor.u32 $0x200, v59;
	v0 =	vld.idx.msk [tilespmem:v13+s5+$0x0], $0xffff;
	[tilespmem:v1+s28+$0x0] =	vst.idx.msk $0xffff, v5  }
0x1c0: {  	v5 =	vor.u32 $0x180, v48;
	v1 =	vld.idx.msk [tilespmem:v61+s5+$0x0], $0xffff;
	v6 =	vor.u32 s10, v6  }
0x1c1: {  	v18 =	vor.u32 s18, v18;
	v15 =	vld.idx.msk [tilespmem:v49+s5+$0x0], $0xffff;
	[tilespmem:v17+s28+$0x0] =	vst.idx.msk $0x7fff, v2  }
0x1c2: {  	v17 =	vld.idx.msk [tilespmem:v52+s5+$0x0], $0xffff;
	[tilespmem:v3+s28+$0x0] =	vst.idx.msk $0xffff, v4  }
0x1c3: {  	v3 =	vld.idx.msk [tilespmem:v11+s5+$0x0], $0xffff;
	[tilespmem:v7+s28+$0x0] =	vst.idx.msk $0xffff, v62  }
0x1c4: {  	v12 =	vld.idx.msk [tilespmem:v63+s5+$0x0], $0xffff  }
0x1c5: {  	v20 =	vld.idx.msk [tilespmem:v5+s5+$0x0], $0xffff;
	[tilespmem:v6+s28+$0x0] =	vst.idx.msk $0x7fff, v0  }
0x1c6: {  	[tilespmem:v18+s28+$0x0] =	vst.idx.msk $0xffff, v1;
	v1 =	vld [tilespmem:$0x1FFA0];
	_ =	sdelay $0x3  }
0x1c7: {  	s1 =	smov.u32 s2;
	s2 =	smov.u32 s31;
	v13 =	vor.u32 $0x380, v47;
	v2 =	vor.u32 s26, v29;
	v0 =	vld [tilespmem:$0x1FE80]  }
0x1c8: {  	s31 =	smov.u32 s25;
	s25 =	smov.u32 s20;
	s20 =	smov.u32 s4;
	v19 =	vor.u32 $0x380, v53;
	v61 =	vor.u32 s18, v1;
	v1 =	vld [tilespmem:$0x1FF00]  }
0x1c9: {  	v53 =	vmov v9;
	v9 =	vadd.s32 s20, v8;
	v7 =	vor.u32 s0, v16  }
0x1ca: {  	v11 =	vor.u32 s22, v22  }
0x1cb: {  	v4 =	vor.u32 $0x100, v54  }
0x1cc: {  	v14 =	vor.u32 $0x80, v52;
	v58 =	vor.u32 s3, v34;
	v13 =	vld.idx.msk [tilespmem:v13+s5+$0x0], $0xffff;
	[tilespmem:v2+s28+$0x0] =	vst.idx.msk $0xffff, v15;
	v0 =	vor.u32 s10, v0;
	s10 =	smov.u32 s17;
	s17 =	smov.u32 s9;
	s9 =	smov.u32 s11  }
0x1cd: {  	v6 =	vor.u32 $0x280, v59;
	v60 =	vld.idx.msk [tilespmem:v19+s5+$0x0], $0xffff;
	v18 =	vor.u32 s9, v1  }
0x1ce: {  	p1 =	sne.s32 s7, $0x14;
	v15 =	vor.u32 $0x200, v48;
	v5 =	vld.idx.msk [tilespmem:v9+s21+$0x0], $0xffff;
	[tilespmem:v7+s28+$0x0] =	vst.idx.msk $0xffff, v17  }
.Ltmp0:
0x1cf: {  	v47 =	vmov v44;
	v44 =	vshll.u32 v10, $0x3;
	[tilespmem:v11+s28+$0x0] =	vst.idx.msk $0xffff, v3;
	(pc) =	sbr.rel @p1 .LBB2_3-.Ltmp0, $4  }
0x1d0: {  	v49 =	vand.u32 $0xFFFFFC00, v44;
	v2 =	vand.u32 $0xFFFFFF80, v44;
	s11 =	smov.u32 s18;
	v63 =	vld.idx.msk [tilespmem:v4+s5+$0x0], $0xffff;
	s18 =	smov.u32 s0;
	v1 =	vand.u32 $0x7F, v10  }
0x1d1: {  	v59 =	vor.u32 $0x200, v41;
	v9 =	vor.u32 $0x180, v54;
	s0 =	smov.u32 s3;
	s3 =	smov.u32 s26;
	s26 =	smov.u32 s22;
	v44 =	vor.u32 v2, v1;
	v2 =	vld.idx.msk [tilespmem:v14+s5+$0x0], $0xffff;
	[tilespmem:v58+s28+$0x0] =	vst.idx.msk $0xffff, v12  }
0x1d2: {  	v4 =	vor.u32 $0x100, v52;
	v3 =	vor.u32 s18, v38;
	v7 =	vor.u32 s26, v23;
	v62 =	vld.idx.msk [tilespmem:v6+s5+$0x0], $0xffff;
	[tilespmem:v18+s28+$0x0] =	vst.idx.msk $0xffff, v20  }
0x1d3: {  	s7 =	sadd.s32 $0x1, s7;
	s4 =	smov.u32 s14;
	s14 =	sadd.s32 $0x4F, s14;
	v49 =	vor.u32 v1, v49;
	v1 =	vadd.s32 s2, v24;
	v6 =	vor.u32 s0, v35;
	v58 =	vld.idx.msk [tilespmem:v15+s5+$0x0], $0xffff;
	[tilespmem:v0+s28+$0x0] =	vst.idx.msk $0x7fff, v13  }
0x1d4: {  	_ =	sdelay $0x3  }
0x1d5: {  	[tilespmem:v7+s28+$0x0] =	vst.idx.msk $0xffff, v63  }
0x1d6: {  	v7 =	vor.u32 s26, v25;
	v0 =	vld.idx.msk [tilespmem:v9+s5+$0x0], $0xffff;
	v9 =	vshll.u32 v5, $0x3  }
0x1d7: {  	v10 =	vor.u32 $0x200, v54;
	v5 =	vand.u32 $0x7F, v5;
	v11 =	vand.u32 $0xFFFFFC00, v9  }
0x1d8: {  	v11 =	vor.u32 v5, v11;
	_ =	sdelay $0x2  }
0x1d9: {  	[tilespmem:v7+s28+$0x0] =	vst.idx.msk $0xffff, v0  }
0x1da: {  	v7 =	vor.u32 s26, v26;
	v0 =	vld.idx.msk [tilespmem:v10+s5+$0x0], $0xffff  }
0x1db: {  	v13 =	vor.u32 s3, v8;
	v10 =	vor.u32 $0x280, v54;
	v12 =	vld.idx.msk [tilespmem:v11+s5+$0x0], $0xffff  }
0x1dc: {  	v14 =	vor.u32 $0x80, v11;
	_ =	sdelay $0x1  }
0x1dd: {  	[tilespmem:v6+s28+$0x0] =	vst.idx.msk $0xffff, v62  }
0x1de: {  	v15 =	vor.u32 s0, v36;
	v6 =	vld.idx.msk [tilespmem:v57+s5+$0x0], $0xffff;
	[tilespmem:v7+s28+$0x0] =	vst.idx.msk $0xffff, v0  }
0x1df: {  	v0 =	vor.u32 $0x380, v55;
	v7 =	vld.idx.msk [tilespmem:v10+s5+$0x0], $0xffff;
	v10 =	vor.u32 s26, v27;
	[tilespmem:v13+s28+$0x0] =	vst.idx.msk $0xffff, v12  }
0x1e0: {  	v63 =	vor.u32 $0x300, v54;
	v54 =	vor.u32 s3, v30;
	v13 =	vld.idx.msk [tilespmem:v14+s5+$0x0], $0xffff  }
0x1e1: {  	v17 =	vor.u32 $0x100, v11;
	_ =	sdelay $0x1  }
0x1e2: {  	[tilespmem:v15+s28+$0x0] =	vst.idx.msk $0xffff, v6  }
0x1e3: {  	v6 =	vor.u32 s0, v37;
	v0 =	vld.idx.msk [tilespmem:v0+s5+$0x0], $0xffff;
	[tilespmem:v10+s28+$0x0] =	vst.idx.msk $0xffff, v7  }
0x1e4: {  	v55 =	vor.u32 s26, v28;
	v7 =	vadd.s32 s25, v16;
	v10 =	vld.idx.msk [tilespmem:v63+s5+$0x0], $0xffff;
	[tilespmem:v54+s28+$0x0] =	vst.idx.msk $0xffff, v13  }
0x1e5: {  	v56 =	vor.u32 $0x380, v56;
	v15 =	vor.u32 s3, v31;
	v14 =	vld.idx.msk [tilespmem:v17+s5+$0x0], $0xffff  }
0x1e6: {  	v17 =	vor.u32 $0x180, v11;
	_ =	sdelay $0x1  }
0x1e7: {  	[tilespmem:v6+s28+$0x0] =	vst.idx.msk $0xffff, v0  }
0x1e8: {  	v0 =	vld.idx.msk [tilespmem:v7+s21+$0x0], $0xffff;
	[tilespmem:v55+s28+$0x0] =	vst.idx.msk $0xffff, v10  }
0x1e9: {  	v7 =	vor.u32 s26, v29;
	v6 =	vld.idx.msk [tilespmem:v56+s5+$0x0], $0xffff;
	[tilespmem:v15+s28+$0x0] =	vst.idx.msk $0xffff, v14  }
0x1ea: {  	v62 =	vor.u32 s3, v33;
	v10 =	vadd.s32 s4, v8;
	v57 =	vld.idx.msk [tilespmem:v17+s5+$0x0], $0xffff  }
0x1eb: {  	v63 =	vor.u32 $0x200, v11;
	_ =	sdelay $0x1  }
0x1ec: {  	[tilespmem:v3+s28+$0x0] =	vst.idx.msk $0xffff, v2  }
0x1ed: {  	v4 =	vld.idx.msk [tilespmem:v4+s5+$0x0], $0xffff;
	[tilespmem:v7+s28+$0x0] =	vst.idx.msk $0xffff, v6  }
0x1ee: {  	v7 =	vld.idx.msk [tilespmem:v10+s21+$0x0], $0xffff;
	[tilespmem:v62+s28+$0x0] =	vst.idx.msk $0xffff, v57;
	v10 =	vor.u32 s18, v39  }
0x1ef: {  	v3 =	vor.u32 s3, v34;
	v2 =	vld.idx.msk [tilespmem:v63+s5+$0x0], $0xffff;
	_ =	sdelay $0x1  }
0x1f0: {  	v15 =	vshll.u32 v0, $0x3  }
0x1f1: {  	v0 =	vand.u32 $0x7F, v0;
	v17 =	vand.u32 $0xFFFFFC00, v15  }
0x1f2: {  	v6 =	vor.u32 v0, v17;
	[tilespmem:v10+s28+$0x0] =	vst.idx.msk $0xffff, v4  }
0x1f3: {  	v54 =	vor.u32 $0x280, v11;
	[tilespmem:v3+s28+$0x0] =	vst.idx.msk $0xffff, v2  }
0x1f4: {  	v55 =	vor.u32 $0x180, v52;
	v62 =	vld [tilespmem:$0x1FF80];
	_ =	sdelay $0x2  }
0x1f5: {  	v17 =	vor.u32 s0, v16;
	v56 =	vld.idx.msk [tilespmem:v6+s5+$0x0], $0xffff  }
0x1f6: {  	v4 =	vor.u32 s3, v35;
	v2 =	vld.idx.msk [tilespmem:v54+s5+$0x0], $0xffff  }
0x1f7: {  	v10 =	vor.u32 $0x300, v11;
	v11 =	vld.idx.msk [tilespmem:v55+s5+$0x0], $0xffff;
	v57 =	vor.u32 s18, v62;
	_ =	sdelay $0x1  }
0x1f8: {  	v18 =	vshll.u32 v7, $0x3  }
0x1f9: {  	v19 =	vor.u32 $0x80, v6;
	v7 =	vand.u32 $0x7F, v7;
	v20 =	vand.u32 $0xFFFFFC00, v18;
	[tilespmem:v17+s28+$0x0] =	vst.idx.msk $0xffff, v56  }
0x1fa: {  	v3 =	vor.u32 v7, v20;
	[tilespmem:v4+s28+$0x0] =	vst.idx.msk $0xffff, v2  }
0x1fb: {  	[tilespmem:v57+s28+$0x0] =	vst.idx.msk $0xffff, v11  }
0x1fc: {  	v63 =	vor.u32 $0x200, v52;
	v56 =	vld [tilespmem:$0x1FF60];
	_ =	sdelay $0x1  }
0x1fd: {  	v17 =	vor.u32 s0, v38;
	v14 =	vld.idx.msk [tilespmem:v19+s5+$0x0], $0xffff  }
0x1fe: {  	v9 =	vand.u32 $0xFFFFFF80, v9;
	v54 =	vor.u32 s26, v8;
	v20 =	vld.idx.msk [tilespmem:v3+s5+$0x0], $0xffff  }
0x1ff: {  	v4 =	vor.u32 v9, v5;
	v9 =	vor.u32 s3, v36;
	v5 =	vld.idx.msk [tilespmem:v10+s5+$0x0], $0xffff  }
0x200: {  	v11 =	vld.idx.msk [tilespmem:v63+s5+$0x0], $0xffff;
	v10 =	vor.u32 s18, v56;
	_ =	sdelay $0x1  }
0x201: {  	v19 =	vor.u32 $0x100, v6;
	[tilespmem:v17+s28+$0x0] =	vst.idx.msk $0xffff, v14  }
0x202: {  	v2 =	vor.u32 $0x80, v3;
	[tilespmem:v54+s28+$0x0] =	vst.idx.msk $0xffff, v20  }
0x203: {  	v4 =	vor.u32 $0x380, v4;
	[tilespmem:v9+s28+$0x0] =	vst.idx.msk $0xffff, v5  }
0x204: {  	[tilespmem:v10+s28+$0x0] =	vst.idx.msk $0xffff, v11  }
0x205: {  	v57 =	vor.u32 $0x280, v52;
	v55 =	vld [tilespmem:$0x1FF90]  }
0x206: {  	v63 =	vor.u32 s0, v39;
	v13 =	vld.idx.msk [tilespmem:v19+s5+$0x0], $0xffff  }
0x207: {  	v2 =	vld.idx.msk [tilespmem:v2+s5+$0x0], $0xffff;
	v19 =	vor.u32 s26, v30  }
0x208: {  	v9 =	vor.u32 s3, v37;
	v4 =	vld.idx.msk [tilespmem:v4+s5+$0x0], $0xffff;
	_ =	sdelay $0x1  }
0x209: {  	v10 =	vld.idx.msk [tilespmem:v57+s5+$0x0], $0xffff;
	v11 =	vor.u32 s18, v55  }
0x20a: {  	[tilespmem:v63+s28+$0x0] =	vst.idx.msk $0xffff, v13  }
0x20b: {  	[tilespmem:v19+s28+$0x0] =	vst.idx.msk $0xffff, v2  }
0x20c: {  	[tilespmem:v9+s28+$0x0] =	vst.idx.msk $0xffff, v4  }
0x20d: {  	v17 =	vor.u32 $0x180, v6;
	[tilespmem:v61+s28+$0x0] =	vst.idx.msk $0xffff, v60  }
0x20e: {  	v5 =	vor.u32 $0x100, v3;
	[tilespmem:v11+s28+$0x0] =	vst.idx.msk $0xffff, v10  }
0x20f: {  	v20 =	vor.u32 $0x300, v52;
	v54 =	vld [tilespmem:$0x1FF70];
	_ =	sdelay $0x2  }
0x210: {  	v63 =	vor.u32 s0, v62;
	v13 =	vld.idx.msk [tilespmem:v17+s5+$0x0], $0xffff  }
0x211: {  	v57 =	vadd.s32 s20, v16;
	v5 =	vld.idx.msk [tilespmem:v5+s5+$0x0], $0xffff;
	v17 =	vor.u32 s26, v31  }
0x212: {  	v10 =	vld.idx.msk [tilespmem:v20+s5+$0x0], $0xffff;
	v11 =	vor.u32 s18, v54;
	_ =	sdelay $0x2  }
0x213: {  	v2 =	vor.u32 $0x200, v6;
	v12 =	vld.idx.msk [tilespmem:v1+s21+$0x0], $0xffff;
	[tilespmem:v63+s28+$0x0] =	vst.idx.msk $0xffff, v13  }
0x214: {  	v4 =	vor.u32 $0x180, v3;
	v9 =	vld.idx.msk [tilespmem:v57+s21+$0x0], $0xffff;
	[tilespmem:v17+s28+$0x0] =	vst.idx.msk $0xffff, v5  }
0x215: {  	[tilespmem:v11+s28+$0x0] =	vst.idx.msk $0xffff, v10  }
0x216: {  	v1 =	vor.u32 $0x380, v53;
	v61 =	vld [tilespmem:$0x1FFA0];
	_ =	sdelay $0x1  }
0x217: {  	v52 =	vor.u32 s26, v33;
	v13 =	vor.u32 s0, v56;
	v2 =	vld.idx.msk [tilespmem:v2+s5+$0x0], $0xffff  }
0x218: {  	v19 =	vshll.u32 v12, $0x3;
	v5 =	vor.u32 $0x280, v6;
	v56 =	vshll.u32 v9, $0x3;
	v4 =	vld.idx.msk [tilespmem:v4+s5+$0x0], $0xffff  }
0x219: {  	v57 =	vand.u32 $0x7F, v9;
	v17 =	vor.u32 $0x200, v3;
	v9 =	vand.u32 $0xFFFFFC00, v56;
	[tilespmem:$0x1FAB0] =	vst v19  }
0x21a: {  	v20 =	vand.u32 $0x7F, v12;
	v11 =	vld.idx.msk [tilespmem:v1+s5+$0x0], $0xffff;
	v1 =	vor.u32 v57, v9;
	v10 =	vor.u32 s18, v61  }
0x21b: {  	v53 =	vadd.s32 s31, v24;
	[tilespmem:$0x1FAC0] =	vst v20  }
0x21c: {  	v9 =	vand.u32 $0xFFFFFC00, v19;
	[tilespmem:v13+s28+$0x0] =	vst.idx.msk $0xffff, v2  }
0x21d: {  	v2 =	vor.u32 v20, v9;
	[tilespmem:v52+s28+$0x0] =	vst.idx.msk $0xffff, v4;
	v5 =	vld.idx.msk [tilespmem:v5+s5+$0x0], $0xffff  }
0x21e: {  	v9 =	vor.u32 s0, v55;
	v4 =	vor.u32 $0x300, v6;
	v6 =	vld.idx.msk [tilespmem:v17+s5+$0x0], $0xffff  }
0x21f: {  	v55 =	vor.u32 s26, v34;
	[tilespmem:v10+s28+$0x0] =	vst.idx.msk $0xffff, v11;
	v10 =	vld.idx.msk [tilespmem:v1+s5+$0x0], $0xffff  }
0x220: {  	v11 =	vor.u32 s3, v16;
	v12 =	vld.idx.msk [tilespmem:v53+s21+$0x0], $0xffff  }
0x221: {  	v60 =	vor.u32 $0x280, v3  }
0x222: {  	v20 =	vor.u32 s11, v24;
	v19 =	vld.idx.msk [tilespmem:v2+s5+$0x0], $0xffff  }
0x223: {  	[tilespmem:v9+s28+$0x0] =	vst.idx.msk $0xffff, v5  }
0x224: {  	v15 =	vand.u32 $0xFFFFFF80, v15;
	[tilespmem:v55+s28+$0x0] =	vst.idx.msk $0xffff, v6  }
0x225: {  	v0 =	vor.u32 v15, v0;
	v4 =	vld.idx.msk [tilespmem:v4+s5+$0x0], $0xffff;
	[tilespmem:v11+s28+$0x0] =	vst.idx.msk $0xffff, v10;
	v15 =	vshll.u32 v12, $0x3  }
0x226: {  	v17 =	vor.u32 $0x80, v1;
	v6 =	vld.idx.msk [tilespmem:v60+s5+$0x0], $0xffff;
	[tilespmem:$0x1FAD0] =	vst v15  }
0x227: {  	[tilespmem:v20+s28+$0x0] =	vst.idx.msk $0xffff, v19  }
0x228: {  	v5 =	vor.u32 $0x80, v2;
	v55 =	vld [tilespmem:$0x1FEE0];
	_ =	sdelay $0x1  }
0x229: {  	v9 =	vor.u32 s0, v54  }
0x22a: {  	v0 =	vor.u32 $0x380, v0;
	v13 =	vor.u32 s26, v35;
	v10 =	vld.idx.msk [tilespmem:v17+s5+$0x0], $0xffff;
	v20 =	vand.u32 $0x7F, v12  }
0x22b: {  	v3 =	vor.u32 $0x300, v3;
	v11 =	vor.u32 s3, v38;
	v14 =	vld.idx.msk [tilespmem:v49+s5+$0x0], $0xffff;
	[tilespmem:$0x1FAE0] =	vst v20  }
0x22c: {  	v5 =	vld.idx.msk [tilespmem:v5+s5+$0x0], $0xffff;
	v17 =	vor.u32 s11, v55;
	_ =	sdelay $0x1  }
0x22d: {  	v63 =	vand.u32 $0xFFFFFC00, v15;
	v15 =	vor.u32 $0x100, v1;
	[tilespmem:v9+s28+$0x0] =	vst.idx.msk $0xffff, v4  }
0x22e: {  	v60 =	vor.u32 s0, v61;
	v63 =	vor.u32 v20, v63;
	v9 =	vand.u32 $0xFFFFFF80, v18;
	[tilespmem:v13+s28+$0x0] =	vst.idx.msk $0xffff, v6;
	v0 =	vld.idx.msk [tilespmem:v0+s5+$0x0], $0xffff  }
0x22f: {  	v4 =	vor.u32 $0x100, v2;
	v6 =	vor.u32 v9, v7;
	v3 =	vld.idx.msk [tilespmem:v3+s5+$0x0], $0xffff;
	v9 =	vor.u32 s26, v36;
	[tilespmem:v11+s28+$0x0] =	vst.idx.msk $0xffff, v10  }
0x230: {  	v13 =	vld.idx.msk [tilespmem:v59+s5+$0x0], $0xffff;
	v7 =	vadd.s32 s25, v24;
	[tilespmem:v17+s28+$0x0] =	vst.idx.msk $0xffff, v5  }
0x231: {  	v59 =	vld [tilespmem:$0x1FEF0]  }
0x232: {  	v11 =	vld.idx.msk [tilespmem:v15+s5+$0x0], $0xffff  }
0x233: {  	v6 =	vor.u32 $0x380, v6;
	v15 =	vor.u32 s3, v39;
	v5 =	vld.idx.msk [tilespmem:v63+s5+$0x0], $0xffff;
	[tilespmem:v60+s28+$0x0] =	vst.idx.msk $0xffff, v0  }
0x234: {  	v10 =	vor.u32 $0x280, v48;
	v17 =	vor.u32 s18, v24;
	v4 =	vld.idx.msk [tilespmem:v4+s5+$0x0], $0xffff;
	[tilespmem:v9+s28+$0x0] =	vst.idx.msk $0xffff, v3  }
0x235: {  	v18 =	vor.u32 $0x180, v1;
	v0 =	vor.u32 s17, v32;
	[tilespmem:v50+s28+$0x0] =	vst.idx.msk $0xffff, v58;
	v7 =	vld.idx.msk [tilespmem:v7+s21+$0x0], $0xffff  }
0x236: {  	v20 =	vor.u32 $0x80, v63;
	v50 =	vld [tilespmem:$0x1FE90];
	v19 =	vor.u32 s11, v59  }
0x237: {  	v12 =	vor.u32 $0x180, v2  }
0x238: {  	v3 =	vor.u32 $0x80, v49;
	v6 =	vld.idx.msk [tilespmem:v6+s5+$0x0], $0xffff;
	[tilespmem:v15+s28+$0x0] =	vst.idx.msk $0xffff, v11  }
0x239: {  	v9 =	vor.u32 s26, v37;
	v10 =	vld.idx.msk [tilespmem:v10+s5+$0x0], $0xffff;
	[tilespmem:v17+s28+$0x0] =	vst.idx.msk $0xffff, v5  }
0x23a: {  	v5 =	vld.idx.msk [tilespmem:v18+s5+$0x0], $0xffff;
	[tilespmem:v0+s28+$0x0] =	vst.idx.msk $0x7fff, v14  }
0x23b: {  	v11 =	vadd.s32 s4, v16;
	v50 =	vor.u32 s10, v50;
	v53 =	vshll.u32 v7, $0x3;
	[tilespmem:v19+s28+$0x0] =	vst.idx.msk $0xffff, v4;
	v4 =	vld.idx.msk [tilespmem:v20+s5+$0x0], $0xffff  }
0x23c: {  	v60 =	vmov v62;
	v17 =	vor.u32 s3, v62;
	v62 =	vand.u32 $0x7F, v7;
	v0 =	vld.idx.msk [tilespmem:v12+s5+$0x0], $0xffff;
	[tilespmem:$0x1FAF0] =	vst v53  }
0x23d: {  	v18 =	vor.u32 s18, v55;
	v3 =	vld.idx.msk [tilespmem:v3+s5+$0x0], $0xffff;
	[tilespmem:$0x1FB00] =	vst v62  }
0x23e: {  	v58 =	vld [tilespmem:$0x1FF00];
	[tilespmem:v9+s28+$0x0] =	vst.idx.msk $0xffff, v6  }
0x23f: {  	v7 =	vand.u32 $0xFFFFFC00, v53;
	v9 =	vld [tilespmem:$0x1FF40]  }
0x240: {  	v62 =	vor.u32 v62, v7;
	[tilespmem:v50+s28+$0x0] =	vst.idx.msk $0x7fff, v13;
	v7 =	vld.idx.msk [tilespmem:v11+s21+$0x0], $0xffff  }
0x241: {  	v15 =	vor.u32 $0x280, v41;
	v11 =	vld [tilespmem:$0x1FEA0];
	[tilespmem:v17+s28+$0x0] =	vst.idx.msk $0xffff, v5  }
0x242: {  	v19 =	vor.u32 $0x200, v1;
	[tilespmem:v18+s28+$0x0] =	vst.idx.msk $0xffff, v4  }
0x243: {  	v14 =	vor.u32 $0x100, v63;
	v12 =	vor.u32 s11, v58;
	v53 =	vld [tilespmem:$0x1FF60]  }
0x244: {  	v20 =	vor.u32 $0x200, v2;
	v6 =	vor.u32 s9, v9;
	_ =	sdelay $0x1  }
0x245: {  	v13 =	vor.u32 $0x300, v48;
	v54 =	vld.idx.msk [tilespmem:v15+s5+$0x0], $0xffff;
	v11 =	vor.u32 s17, v11  }
0x246: {  	v15 =	vld.idx.msk [tilespmem:v19+s5+$0x0], $0xffff  }
0x247: {  	v4 =	vor.u32 s3, v53;
	[tilespmem:v12+s28+$0x0] =	vst.idx.msk $0xffff, v0;
	v0 =	vld.idx.msk [tilespmem:v14+s5+$0x0], $0xffff  }
0x248: {  	v12 =	vor.u32 s18, v59;
	v17 =	vld.idx.msk [tilespmem:v20+s5+$0x0], $0xffff;
	v20 =	vshll.u32 v7, $0x3;
	[tilespmem:v6+s28+$0x0] =	vst.idx.msk $0xffff, v10  }
0x249: {  	v10 =	vld.idx.msk [tilespmem:v62+s5+$0x0], $0xffff;
	[tilespmem:$0x1FB10] =	vst v20  }
0x24a: {  	v50 =	vmov v59;
	v59 =	vand.u32 $0x7F, v7;
	[tilespmem:v11+s28+$0x0] =	vst.idx.msk $0x7fff, v3;
	v3 =	vld.idx.msk [tilespmem:v13+s5+$0x0], $0xffff  }
0x24b: {  	v52 =	vmov v55;
	[tilespmem:$0x1FB20] =	vst v59;
	v55 =	vld [tilespmem:$0x1FF50]  }
0x24c: {  	v14 =	vor.u32 $0x280, v1;
	[tilespmem:v4+s28+$0x0] =	vst.idx.msk $0xffff, v15  }
0x24d: {  	v18 =	vor.u32 $0x180, v63;
	[tilespmem:v12+s28+$0x0] =	vst.idx.msk $0xffff, v0  }
0x24e: {  	v4 =	vor.u32 $0x380, v51;
	v51 =	vld [tilespmem:$0x1FF90]  }
0x24f: {  	v19 =	vor.u32 s0, v24;
	v6 =	vor.u32 $0x280, v2  }
0x250: {  	v11 =	vor.u32 $0x80, v62;
	v13 =	vor.u32 s9, v55  }
0x251: {  	v7 =	vand.u32 $0xFFFFFC00, v20;
	v0 =	vld.idx.msk [tilespmem:v14+s5+$0x0], $0xffff  }
0x252: {  	v59 =	vor.u32 v59, v7;
	v12 =	vld.idx.msk [tilespmem:v18+s5+$0x0], $0xffff;
	v14 =	vor.u32 s18, v58  }
0x253: {  	[tilespmem:v46+s28+$0x0] =	vst.idx.msk $0xffff, v17;
	v7 =	vor.u32 s3, v51  }
0x254: {  	[tilespmem:v19+s28+$0x0] =	vst.idx.msk $0xffff, v10;
	v6 =	vld.idx.msk [tilespmem:v6+s5+$0x0], $0xffff  }
0x255: {  	v10 =	vld.idx.msk [tilespmem:v11+s5+$0x0], $0xffff;
	[tilespmem:v13+s28+$0x0] =	vst.idx.msk $0xffff, v3  }
0x256: {  	v15 =	vor.u32 s11, v9;
	v17 =	vor.u32 $0x200, v63;
	v48 =	vld [tilespmem:$0x1FED0]  }
0x257: {  	v13 =	vld.idx.msk [tilespmem:v59+s5+$0x0], $0xffff;
	[tilespmem:v14+s28+$0x0] =	vst.idx.msk $0xffff, v12  }
0x258: {  	v4 =	vld.idx.msk [tilespmem:v4+s5+$0x0], $0xffff;
	[tilespmem:v7+s28+$0x0] =	vst.idx.msk $0xffff, v0  }
0x259: {  	v11 =	vor.u32 s0, v52;
	v52 =	vld [tilespmem:$0x1FF70]  }
0x25a: {  	v18 =	vor.u32 s26, v16;
	v14 =	vld [tilespmem:$0x1FAB0]  }
0x25b: {  	v1 =	vor.u32 $0x300, v1;
	[tilespmem:v15+s28+$0x0] =	vst.idx.msk $0xffff, v6;
	v6 =	vld.idx.msk [tilespmem:v17+s5+$0x0], $0xffff;
	v19 =	vor.u32 s9, v48  }
0x25c: {  	v17 =	vld [tilespmem:$0x1FAC0];
	_ =	sdelay $0x1  }
0x25d: {  	v3 =	vor.u32 $0x100, v62;
	[tilespmem:v11+s28+$0x0] =	vst.idx.msk $0xffff, v10  }
0x25e: {  	v5 =	vor.u32 $0x100, v49;
	v2 =	vor.u32 $0x300, v2;
	v20 =	vand.u32 $0xFFFFFF80, v56;
	[tilespmem:v18+s28+$0x0] =	vst.idx.msk $0xffff, v13  }
0x25f: {  	v20 =	vor.u32 v20, v57;
	v0 =	vor.u32 $0x80, v59;
	v1 =	vld.idx.msk [tilespmem:v1+s5+$0x0], $0xffff;
	v14 =	vand.u32 $0xFFFFFF80, v14;
	[tilespmem:v19+s28+$0x0] =	vst.idx.msk $0xffff, v4  }
0x260: {  	v56 =	vmovc v55;
	v12 =	vor.u32 s3, v52;
	v14 =	vor.u32 v14, v17;
	v17 =	vor.u32 s11, v55;
	v55 =	vld [tilespmem:$0x1FEC0]  }
0x261: {  	v15 =	vor.u32 $0x380, v20  }
0x262: {  	v7 =	vadd.s32 s1, v32;
	v11 =	vor.u32 s0, v50;
	v3 =	vld.idx.msk [tilespmem:v3+s5+$0x0], $0xffff  }
0x263: {  	v20 =	vor.u32 $0x280, v63;
	v2 =	vld.idx.msk [tilespmem:v2+s5+$0x0], $0xffff  }
0x264: {  	v13 =	vor.u32 s26, v38;
	v0 =	vld.idx.msk [tilespmem:v0+s5+$0x0], $0xffff;
	v10 =	vor.u32 $0x380, v14  }
0x265: {  	v5 =	vld.idx.msk [tilespmem:v5+s5+$0x0], $0xffff;
	v4 =	vor.u32 $0x180, v62;
	[tilespmem:v12+s28+$0x0] =	vst.idx.msk $0xffff, v1;
	v50 =	vor.u32 s10, v55  }
0x266: {  	[tilespmem:v45+s28+$0x0] =	vst.idx.msk $0xffff, v6;
	v6 =	vor.u32 s3, v61;
	v15 =	vld.idx.msk [tilespmem:v15+s5+$0x0], $0xffff  }
0x267: {  	v7 =	vld.idx.msk [tilespmem:v7+s21+$0x0], $0xffff;
	[tilespmem:v11+s28+$0x0] =	vst.idx.msk $0xffff, v3  }
0x268: {  	v1 =	vor.u32 $0x100, v59;
	[tilespmem:v17+s28+$0x0] =	vst.idx.msk $0xffff, v2;
	v2 =	vld.idx.msk [tilespmem:v20+s5+$0x0], $0xffff  }
0x269: {  	v57 =	vor.u32 $0x300, v41;
	[tilespmem:v13+s28+$0x0] =	vst.idx.msk $0xffff, v0;
	v10 =	vld.idx.msk [tilespmem:v10+s5+$0x0], $0xffff  }
0x26a: {  	v4 =	vld.idx.msk [tilespmem:v4+s5+$0x0], $0xffff;
	[tilespmem:v50+s28+$0x0] =	vst.idx.msk $0x7fff, v54  }
0x26b: {  	v18 =	vadd.s32 s20, v24;
	v17 =	vor.u32 s18, v9;
	v61 =	vld [tilespmem:$0x1FF20];
	[tilespmem:v6+s28+$0x0] =	vst.idx.msk $0xffff, v15  }
0x26c: {  	v50 =	vld [tilespmem:$0x1FF10]  }
0x26d: {  	v19 =	vor.u32 s11, v48;
	v20 =	vor.u32 $0x300, v63;
	v1 =	vld.idx.msk [tilespmem:v1+s5+$0x0], $0xffff  }
0x26e: {  	v3 =	vadd.s32 s2, v32;
	v11 =	vor.u32 s0, v58;
	v12 =	vld.idx.msk [tilespmem:v57+s5+$0x0], $0xffff  }
0x26f: {  	v46 =	vmov v9;
	v0 =	vor.u32 $0x200, v62;
	v9 =	vor.u32 s26, v39;
	v45 =	vld [tilespmem:$0x1FAD0]  }
0x270: {  	v6 =	vor.u32 $0x180, v59;
	v57 =	vshll.u32 v7, $0x3;
	[tilespmem:v17+s28+$0x0] =	vst.idx.msk $0xffff, v2;
	v2 =	vld.idx.msk [tilespmem:v18+s21+$0x0], $0xffff;
	v63 =	vor.u32 s17, v61  }
0x271: {  	[tilespmem:$0x1FB40] =	vst v57;
	v17 =	vld [tilespmem:$0x1FAE0];
	v15 =	vor.u32 s10, v50  }
0x272: {  	v14 =	vor.u32 $0x180, v49;
	[tilespmem:v19+s28+$0x0] =	vst.idx.msk $0xffff, v10;
	v18 =	vld.idx.msk [tilespmem:v20+s5+$0x0], $0xffff  }
0x273: {  	v41 =	vor.u32 $0x380, v47;
	[tilespmem:v11+s28+$0x0] =	vst.idx.msk $0xffff, v4;
	v3 =	vld.idx.msk [tilespmem:v3+s21+$0x0], $0xffff  }
0x274: {  	[tilespmem:v9+s28+$0x0] =	vst.idx.msk $0xffff, v1;
	v0 =	vld.idx.msk [tilespmem:v0+s5+$0x0], $0xffff  }
0x275: {  	v4 =	vld.idx.msk [tilespmem:v6+s5+$0x0], $0xffff;
	[tilespmem:v63+s28+$0x0] =	vst.idx.msk $0x7fff, v5  }
0x276: {  	v58 =	vshll.u32 v2, $0x3;
	v5 =	vor.u32 s26, v60;
	v60 =	vld [tilespmem:$0x1FEB0];
	[tilespmem:v15+s28+$0x0] =	vst.idx.msk $0x7fff, v12  }
0x277: {  	v9 =	vld.idx.msk [tilespmem:v14+s5+$0x0], $0xffff;
	[tilespmem:$0x1FB50] =	vst v58  }
0x278: {  	v12 =	vld.idx.msk [tilespmem:v41+s5+$0x0], $0xffff  }
0x279: {  	v10 =	vor.u32 s18, v56;
	v45 =	vand.u32 $0xFFFFFF80, v45  }
0x27a: {  	v17 =	vor.u32 v45, v17  }
0x27b: {  	v47 =	vand.u32 $0x7F, v7;
	v19 =	vand.u32 $0xFFFFFC00, v57;
	v7 =	vor.u32 $0x380, v17  }
0x27c: {  	v54 =	vmov v56;
	v56 =	vor.u32 v47, v19  }
0x27d: {  	[tilespmem:$0x1FB30] =	vst v12  }
0x27e: {  	v63 =	vand.u32 $0x7F, v2;
	v2 =	vshll.u32 v3, $0x3;
	[tilespmem:v10+s28+$0x0] =	vst.idx.msk $0xffff, v18  }
0x27f: {  	v45 =	vor.u32 s18, v48;
	v6 =	vor.u32 s17, v60;
	[tilespmem:$0x1FB60] =	vst v2  }
0x280: {  	v57 =	vand.u32 $0xFFFFFC00, v2;
	v10 =	vand.u32 $0xFFFFFC00, v58;
	v2 =	vand.u32 $0x7F, v3;
	v7 =	vld.idx.msk [tilespmem:v7+s5+$0x0], $0xffff  }
0x281: {  	v58 =	vor.u32 v63, v10;
	v10 =	vld.idx.msk [tilespmem:v56+s5+$0x0], $0xffff;
	[tilespmem:$0x1FB70] =	vst v2  }
0x282: {  	v1 =	vor.u32 $0x280, v62;
	[tilespmem:v43+s28+$0x0] =	vst.idx.msk $0xffff, v0  }
0x283: {  	v11 =	vor.u32 $0x200, v59;
	[tilespmem:v5+s28+$0x0] =	vst.idx.msk $0xffff, v4  }
0x284: {  	[tilespmem:v6+s28+$0x0] =	vst.idx.msk $0x7fff, v9  }
0x285: {  	[tilespmem:v45+s28+$0x0] =	vst.idx.msk $0xffff, v7  }
0x286: {  	v41 =	vor.u32 $0x200, v49;
	v57 =	vor.u32 v2, v57;
	v2 =	vld [tilespmem:$0x1FE90]  }
0x287: {  	v0 =	vld.idx.msk [tilespmem:v1+s5+$0x0], $0xffff;
	v1 =	vor.u32 s0, v46  }
0x288: {  	v5 =	vor.u32 s26, v53;
	v6 =	vld.idx.msk [tilespmem:v11+s5+$0x0], $0xffff  }
0x289: {  	v3 =	vadd.s32 s31, v32;
	v9 =	vor.u32 s9, v32  }
0x28a: {  	v4 =	vor.u32 $0x300, v62;
	v62 =	vor.u32 s3, v24;
	v7 =	vld.idx.msk [tilespmem:v58+s5+$0x0], $0xffff  }
0x28b: {  	v11 =	vld.idx.msk [tilespmem:v41+s5+$0x0], $0xffff;
	v15 =	vor.u32 s17, v2  }
0x28c: {  	v45 =	vld [tilespmem:$0x1FAF0];
	[tilespmem:v1+s28+$0x0] =	vst.idx.msk $0xffff, v0  }
0x28d: {  	v1 =	vld [tilespmem:$0x1FB00];
	[tilespmem:v5+s28+$0x0] =	vst.idx.msk $0xffff, v6  }
0x28e: {  	v12 =	vor.u32 $0x280, v59;
	v3 =	vld.idx.msk [tilespmem:v3+s21+$0x0], $0xffff;
	[tilespmem:v9+s28+$0x0] =	vst.idx.msk $0x7fff, v10  }
0x28f: {  	v14 =	vor.u32 $0x80, v56;
	v43 =	vld [tilespmem:$0x1FEA0];
	[tilespmem:v62+s28+$0x0] =	vst.idx.msk $0xffff, v7  }
0x290: {  	v20 =	vor.u32 s11, v32;
	v18 =	vor.u32 $0x280, v49;
	v19 =	vld.idx.msk [tilespmem:v57+s5+$0x0], $0xffff;
	[tilespmem:v15+s28+$0x0] =	vst.idx.msk $0x7fff, v11  }
0x291: {  	v17 =	vor.u32 $0x80, v58;
	v7 =	vor.u32 $0x300, v59;
	v59 =	vld [tilespmem:$0x1FEE0]  }
0x292: {  	v0 =	vor.u32 $0x80, v57;
	v4 =	vld.idx.msk [tilespmem:v4+s5+$0x0], $0xffff;
	v41 =	vand.u32 $0xFFFFFF80, v45;
	v45 =	vor.u32 s0, v54  }
0x293: {  	v6 =	vor.u32 s26, v51;
	v5 =	vld.idx.msk [tilespmem:v12+s5+$0x0], $0xffff;
	v1 =	vor.u32 v41, v1;
	v15 =	vshll.u32 v3, $0x3  }
0x294: {  	v9 =	vld.idx.msk [tilespmem:v14+s5+$0x0], $0xffff;
	v1 =	vor.u32 $0x380, v1;
	v10 =	vor.u32 s9, v43;
	[tilespmem:$0x1FB80] =	vst v15  }
0x295: {  	v14 =	vld.idx.msk [tilespmem:v18+s5+$0x0], $0xffff;
	[tilespmem:v20+s28+$0x0] =	vst.idx.msk $0x7fff, v19;
	v18 =	vand.u32 $0x7F, v3  }
0x296: {  	v46 =	vld.idx.msk [tilespmem:v17+s5+$0x0], $0xffff;
	[tilespmem:$0x1FB90] =	vst v18;
	v62 =	vor.u32 s3, v59  }
0x297: {  	v15 =	vand.u32 $0xFFFFFC00, v15;
	v0 =	vld.idx.msk [tilespmem:v0+s5+$0x0], $0xffff;
	[tilespmem:v45+s28+$0x0] =	vst.idx.msk $0xffff, v4  }
0x298: {  	v53 =	vmov v54;
	v11 =	vor.u32 $0x100, v56;
	v54 =	vor.u32 v18, v15;
	v15 =	vld [tilespmem:$0x1FB10];
	[tilespmem:v6+s28+$0x0] =	vst.idx.msk $0xffff, v5  }
0x299: {  	v1 =	vld.idx.msk [tilespmem:v1+s5+$0x0], $0xffff;
	[tilespmem:v10+s28+$0x0] =	vst.idx.msk $0x7fff, v9  }
0x29a: {  	v17 =	vor.u32 s11, v43;
	v5 =	vld [tilespmem:$0x1FB20]  }
0x29b: {  	v18 =	vor.u32 s0, v48;
	v7 =	vld.idx.msk [tilespmem:v7+s5+$0x0], $0xffff;
	[tilespmem:v62+s28+$0x0] =	vst.idx.msk $0xffff, v46  }
0x29c: {  	v3 =	vor.u32 $0x100, v58;
	v9 =	vor.u32 s26, v52;
	v46 =	vld [tilespmem:$0x1FEF0]  }
0x29d: {  	v4 =	vor.u32 $0x100, v57;
	v10 =	vor.u32 s9, v61;
	v11 =	vld.idx.msk [tilespmem:v11+s5+$0x0], $0xffff;
	_ =	sdelay $0x1  }
0x29e: {  	v6 =	vadd.s32 s25, v32;
	v15 =	vand.u32 $0xFFFFFF80, v15;
	[tilespmem:v17+s28+$0x0] =	vst.idx.msk $0x7fff, v0  }
0x29f: {  	v41 =	vor.u32 $0x180, v56;
	v5 =	vor.u32 v15, v5;
	v15 =	vor.u32 s18, v32;
	v0 =	vld.idx.msk [tilespmem:v54+s5+$0x0], $0xffff;
	[tilespmem:v18+s28+$0x0] =	vst.idx.msk $0xffff, v1  }
0x2a0: {  	v5 =	vor.u32 $0x380, v5;
	v3 =	vld.idx.msk [tilespmem:v3+s5+$0x0], $0xffff;
	[tilespmem:v9+s28+$0x0] =	vst.idx.msk $0xffff, v7;
	v45 =	vor.u32 s3, v46  }
0x2a1: {  	[tilespmem:v10+s28+$0x0] =	vst.idx.msk $0x7fff, v11;
	v4 =	vld.idx.msk [tilespmem:v4+s5+$0x0], $0xffff  }
0x2a2: {  	v17 =	vor.u32 $0x180, v58;
	v9 =	vld [tilespmem:$0x1FFA0]  }
0x2a3: {  	v6 =	vld.idx.msk [tilespmem:v6+s21+$0x0], $0xffff  }
0x2a4: {  	v19 =	vor.u32 s11, v61;
	v20 =	vor.u32 $0x80, v54;
	v11 =	vld.idx.msk [tilespmem:v41+s5+$0x0], $0xffff;
	[tilespmem:v15+s28+$0x0] =	vst.idx.msk $0x7fff, v0  }
0x2a5: {  	v1 =	vor.u32 s17, v55;
	v18 =	vor.u32 $0x180, v57;
	v5 =	vld.idx.msk [tilespmem:v5+s5+$0x0], $0xffff;
	[tilespmem:v45+s28+$0x0] =	vst.idx.msk $0xffff, v3  }
0x2a6: {  	v62 =	vld [tilespmem:$0x1FF00]  }
0x2a7: {  	v9 =	vor.u32 s26, v9;
	v0 =	vld.idx.msk [tilespmem:v17+s5+$0x0], $0xffff  }
0x2a8: {  	v7 =	vor.u32 $0x300, v49;
	v10 =	vor.u32 s9, v60;
	v49 =	vld [tilespmem:$0x1FE80]  }
0x2a9: {  	[tilespmem:v19+s28+$0x0] =	vst.idx.msk $0x7fff, v4;
	v4 =	vld.idx.msk [tilespmem:v20+s5+$0x0], $0xffff;
	v17 =	vor.u32 s18, v43  }
0x2aa: {  	[tilespmem:v1+s28+$0x0] =	vst.idx.msk $0x7fff, v14;
	v14 =	vor.u32 s11, v60;
	v18 =	vld.idx.msk [tilespmem:v18+s5+$0x0], $0xffff  }
0x2ab: {  	v12 =	vor.u32 $0x200, v56;
	v13 =	vor.u32 s3, v62  }
0x2ac: {  	[tilespmem:v9+s28+$0x0] =	vst.idx.msk $0xffff, v5  }
0x2ad: {  	v3 =	vadd.s32 s4, v24;
	[tilespmem:v10+s28+$0x0] =	vst.idx.msk $0x7fff, v11  }
0x2ae: {  	v52 =	vshll.u32 v6, $0x3;
	v20 =	vor.u32 $0x100, v54;
	[tilespmem:v17+s28+$0x0] =	vst.idx.msk $0x7fff, v4  }
0x2af: {  	v45 =	vand.u32 $0x7F, v6;
	v19 =	vor.u32 $0x200, v58;
	v1 =	vand.u32 $0xFFFFFC00, v52;
	v7 =	vld.idx.msk [tilespmem:v7+s5+$0x0], $0xffff;
	[tilespmem:v14+s28+$0x0] =	vst.idx.msk $0x7fff, v18  }
0x2b0: {  	v5 =	vor.u32 s17, v50;
	v1 =	vor.u32 v45, v1;
	v10 =	vld.idx.msk [tilespmem:v12+s5+$0x0], $0xffff;
	[tilespmem:v13+s28+$0x0] =	vst.idx.msk $0xffff, v0  }
0x2b1: {  	v51 =	vmovc v48;
	v48 =	vor.u32 $0x200, v57;
	v41 =	vmovc v2;
	v9 =	vor.u32 s9, v2;
	v15 =	vor.u32 s10, v49;
	v2 =	vld [tilespmem:$0x1FB30]  }
0x2b2: {  	v3 =	vld.idx.msk [tilespmem:v3+s21+$0x0], $0xffff  }
0x2b3: {  	v11 =	vor.u32 s18, v61;
	v12 =	vld.idx.msk [tilespmem:v20+s5+$0x0], $0xffff  }
0x2b4: {  	v6 =	vor.u32 $0x380, v44;
	v4 =	vld.idx.msk [tilespmem:v19+s5+$0x0], $0xffff  }
0x2b5: {  	[tilespmem:v5+s28+$0x0] =	vst.idx.msk $0x7fff, v7;
	v7 =	vld.idx.msk [tilespmem:v1+s5+$0x0], $0xffff;
	v19 =	vor.u32 s0, v32  }
0x2b6: {  	v17 =	vld.idx.msk [tilespmem:v48+s5+$0x0], $0xffff;
	v0 =	vor.u32 $0x280, v56;
	[tilespmem:v15+s28+$0x0] =	vst.idx.msk $0x7fff, v2;
	v15 =	vor.u32 s11, v41  }
0x2b7: {  	[tilespmem:v9+s28+$0x0] =	vst.idx.msk $0x7fff, v10  }
0x2b8: {  	v14 =	vor.u32 s17, v49;
	v20 =	vshll.u32 v3, $0x3;
	[tilespmem:v11+s28+$0x0] =	vst.idx.msk $0x7fff, v12  }
0x2b9: {  	v3 =	vand.u32 $0x7F, v3;
	v13 =	vor.u32 $0x280, v58;
	v10 =	vand.u32 $0xFFFFFC00, v20;
	v6 =	vld.idx.msk [tilespmem:v6+s5+$0x0], $0xffff;
	[tilespmem:v40+s28+$0x0] =	vst.idx.msk $0xffff, v4  }
0x2ba: {  	v18 =	vor.u32 $0x180, v54;
	v4 =	vor.u32 v3, v10;
	v10 =	vor.u32 $0x300, v56;
	v56 =	vld [tilespmem:$0x1FF40];
	[tilespmem:v19+s28+$0x0] =	vst.idx.msk $0x7fff, v7  }
0x2bb: {  	v48 =	vor.u32 s9, v55;
	v5 =	vor.u32 $0x280, v57;
	v0 =	vld.idx.msk [tilespmem:v0+s5+$0x0], $0xffff;
	[tilespmem:v15+s28+$0x0] =	vst.idx.msk $0x7fff, v17  }
0x2bc: {  	v2 =	vld [tilespmem:$0x1FB40];
	_ =	sdelay $0x1  }
0x2bd: {  	v11 =	vld.idx.msk [tilespmem:v13+s5+$0x0], $0xffff  }
0x2be: {  	v15 =	vld.idx.msk [tilespmem:v18+s5+$0x0], $0xffff;
	v12 =	vor.u32 s3, v56;
	[tilespmem:v14+s28+$0x0] =	vst.idx.msk $0x7fff, v6  }
0x2bf: {  	v13 =	vor.u32 s18, v60;
	v17 =	vor.u32 $0x300, v58;
	v5 =	vld.idx.msk [tilespmem:v5+s5+$0x0], $0xffff;
	[tilespmem:v48+s28+$0x0] =	vst.idx.msk $0x7fff, v0  }
0x2c0: {  	v18 =	vor.u32 s11, v55;
	v7 =	vand.u32 $0xFFFFFF80, v2;
	v2 =	vld [tilespmem:$0x1FB50];
	_ =	sdelay $0x1  }
0x2c1: {  	v40 =	vor.u32 $0x200, v54;
	v19 =	vld.idx.msk [tilespmem:v4+s5+$0x0], $0xffff  }
0x2c2: {  	v44 =	vor.u32 s26, v24;
	v10 =	vld.idx.msk [tilespmem:v10+s5+$0x0], $0xffff;
	[tilespmem:v12+s28+$0x0] =	vst.idx.msk $0xffff, v11  }
0x2c3: {  	v11 =	vor.u32 $0x80, v4;
	[tilespmem:v13+s28+$0x0] =	vst.idx.msk $0x7fff, v15;
	v7 =	vor.u32 v7, v47;
	v47 =	vor.u32 s9, v50;
	v15 =	vld.idx.msk [tilespmem:v17+s5+$0x0], $0xffff  }
0x2c4: {  	v7 =	vor.u32 $0x380, v7;
	v58 =	vand.u32 $0xFFFFFF80, v2;
	v2 =	vld [tilespmem:$0x1FB60];
	[tilespmem:v18+s28+$0x0] =	vst.idx.msk $0x7fff, v5  }
0x2c5: {  	v6 =	vor.u32 $0x300, v57;
	v57 =	vor.u32 s3, v53;
	v48 =	vor.u32 v58, v63;
	v18 =	vld [tilespmem:$0x1FB70]  }
0x2c6: {  	v17 =	vld.idx.msk [tilespmem:v40+s5+$0x0], $0xffff;
	v5 =	vor.u32 s18, v41;
	v12 =	vor.u32 $0x380, v48  }
0x2c7: {  	[tilespmem:v44+s28+$0x0] =	vst.idx.msk $0xffff, v19  }
0x2c8: {  	[tilespmem:v47+s28+$0x0] =	vst.idx.msk $0x7fff, v10;
	v10 =	vld.idx.msk [tilespmem:v11+s5+$0x0], $0xffff;
	v11 =	vor.u32 s26, v59  }
0x2c9: {  	v19 =	vor.u32 s9, v49;
	v7 =	vld.idx.msk [tilespmem:v7+s5+$0x0], $0xffff;
	v2 =	vand.u32 $0xFFFFFF80, v2  }
0x2ca: {  	v6 =	vld.idx.msk [tilespmem:v6+s5+$0x0], $0xffff;
	[tilespmem:v57+s28+$0x0] =	vst.idx.msk $0xffff, v15;
	v63 =	vor.u32 $0x100, v4;
	v2 =	vor.u32 v2, v18;
	v18 =	vor.u32 s11, v50  }
0x2cb: {  	v44 =	vor.u32 s3, v51;
	[tilespmem:v5+s28+$0x0] =	vst.idx.msk $0x7fff, v17;
	v2 =	vor.u32 $0x380, v2;
	v5 =	vld.idx.msk [tilespmem:v12+s5+$0x0], $0xffff;
	_ =	sdelay $0x1  }
0x2cc: {  	[tilespmem:v11+s28+$0x0] =	vst.idx.msk $0xffff, v10  }
0x2cd: {  	[tilespmem:v19+s28+$0x0] =	vst.idx.msk $0x7fff, v7  }
0x2ce: {  	v11 =	vor.u32 s26, v46;
	v7 =	vld.idx.msk [tilespmem:v63+s5+$0x0], $0xffff;
	[tilespmem:v18+s28+$0x0] =	vst.idx.msk $0x7fff, v6  }
0x2cf: {  	v18 =	vor.u32 s11, v49;
	v2 =	vld.idx.msk [tilespmem:v2+s5+$0x0], $0xffff;
	[tilespmem:v44+s28+$0x0] =	vst.idx.msk $0xffff, v5;
	v5 =	vor.u32 $0x180, v4;
	_ =	sdelay $0x3  }
0x2d0: {  	[tilespmem:v11+s28+$0x0] =	vst.idx.msk $0xffff, v7  }
0x2d1: {  	[tilespmem:v18+s28+$0x0] =	vst.idx.msk $0x7fff, v2;
	v2 =	vld.idx.msk [tilespmem:v5+s5+$0x0], $0xffff;
	v5 =	vor.u32 s26, v62  }
0x2d2: {  	v7 =	vor.u32 $0x200, v4;
	_ =	sdelay $0x3  }
0x2d3: {  	[tilespmem:v5+s28+$0x0] =	vst.idx.msk $0xffff, v2  }
0x2d4: {  	v2 =	vld.idx.msk [tilespmem:v7+s5+$0x0], $0xffff  }
0x2d5: {  	v5 =	vor.u32 $0x280, v4;
	_ =	sdelay $0x3  }
0x2d6: {  	[tilespmem:v42+s28+$0x0] =	vst.idx.msk $0xffff, v2  }
0x2d7: {  	v2 =	vld.idx.msk [tilespmem:v5+s5+$0x0], $0xffff;
	v5 =	vor.u32 s26, v56  }
0x2d8: {  	v4 =	vor.u32 $0x300, v4;
	_ =	sdelay $0x3  }
0x2d9: {  	v7 =	vand.u32 $0xFFFFFF80, v20;
	[tilespmem:v5+s28+$0x0] =	vst.idx.msk $0xffff, v2  }
0x2da: {  	v58 =	vor.u32 $0x280, v54;
	v2 =	vor.u32 v7, v3;
	v3 =	vor.u32 s26, v53;
	v4 =	vld.idx.msk [tilespmem:v4+s5+$0x0], $0xffff  }
0x2db: {  	v2 =	vor.u32 $0x380, v2;
	_ =	sdelay $0x1  }
0x2dc: {  	v9 =	vor.u32 $0x80, v1;
	_ =	sdelay $0x1  }
0x2dd: {  	v15 =	vor.u32 s18, v55;
	v6 =	vld.idx.msk [tilespmem:v58+s5+$0x0], $0xffff;
	[tilespmem:v3+s28+$0x0] =	vst.idx.msk $0xffff, v4  }
0x2de: {  	v17 =	vadd.s32 s20, v32;
	v3 =	vor.u32 s26, v51;
	v2 =	vld.idx.msk [tilespmem:v2+s5+$0x0], $0xffff  }
0x2df: {  	v4 =	vadd.s32 s4, v32  }
0x2e0: {  	v9 =	vld.idx.msk [tilespmem:v9+s5+$0x0], $0xffff;
	v14 =	vor.u32 s0, v43  }
0x2e1: {  	v0 =	vor.u32 $0x100, v1  }
0x2e2: {  	[tilespmem:v15+s28+$0x0] =	vst.idx.msk $0x7fff, v6  }
0x2e3: {  	v6 =	vld.idx.msk [tilespmem:v17+s21+$0x0], $0xffff;
	[tilespmem:v3+s28+$0x0] =	vst.idx.msk $0xffff, v2  }
0x2e4: {  	v2 =	vld.idx.msk [tilespmem:v4+s21+$0x0], $0xffff  }
0x2e5: {  	[tilespmem:v14+s28+$0x0] =	vst.idx.msk $0x7fff, v9  }
0x2e6: {  	v9 =	vor.u32 s0, v61;
	v0 =	vld.idx.msk [tilespmem:v0+s5+$0x0], $0xffff  }
0x2e7: {  	v59 =	vor.u32 $0x180, v1;
	_ =	sdelay $0x1  }
0x2e8: {  	v5 =	vand.u32 $0x7F, v6;
	v3 =	vshll.u32 v6, $0x3;
	v6 =	vshll.u32 v2, $0x3  }
0x2e9: {  	v2 =	vand.u32 $0x7F, v2;
	v7 =	vand.u32 $0xFFFFFC00, v6  }
0x2ea: {  	[tilespmem:v9+s28+$0x0] =	vst.idx.msk $0x7fff, v0;
	v4 =	vand.u32 $0xFFFFFC00, v3;
	v7 =	vor.u32 v2, v7  }
0x2eb: {  	v9 =	vor.u32 s0, v60;
	v10 =	vld.idx.msk [tilespmem:v59+s5+$0x0], $0xffff;
	v4 =	vor.u32 v5, v4;
	_ =	sdelay $0x3  }
0x2ec: {  	v48 =	vor.u32 s26, v32;
	v47 =	vld.idx.msk [tilespmem:v7+s5+$0x0], $0xffff  }
0x2ed: {  	[tilespmem:v9+s28+$0x0] =	vst.idx.msk $0x7fff, v10;
	v10 =	vor.u32 s3, v32;
	v9 =	vld.idx.msk [tilespmem:v4+s5+$0x0], $0xffff;
	v51 =	vor.u32 $0x80, v7  }
0x2ee: {  	v11 =	vor.u32 $0x80, v4;
	_ =	sdelay $0x2  }
0x2ef: {  	[tilespmem:v48+s28+$0x0] =	vst.idx.msk $0x7fff, v47  }
0x2f0: {  	v53 =	vor.u32 s26, v43;
	[tilespmem:v10+s28+$0x0] =	vst.idx.msk $0x7fff, v9;
	v12 =	vld.idx.msk [tilespmem:v51+s5+$0x0], $0xffff  }
0x2f1: {  	v0 =	vor.u32 $0x300, v54;
	v54 =	vor.u32 $0x100, v7;
	v10 =	vor.u32 s3, v43;
	v9 =	vld.idx.msk [tilespmem:v11+s5+$0x0], $0xffff  }
0x2f2: {  	v11 =	vor.u32 $0x100, v4;
	_ =	sdelay $0x2  }
0x2f3: {  	[tilespmem:v53+s28+$0x0] =	vst.idx.msk $0x7fff, v12  }
0x2f4: {  	v58 =	vmov v56;
	v56 =	vor.u32 s26, v61;
	[tilespmem:v10+s28+$0x0] =	vst.idx.msk $0x7fff, v9;
	v13 =	vld.idx.msk [tilespmem:v54+s5+$0x0], $0xffff  }
0x2f5: {  	v57 =	vor.u32 $0x180, v7;
	v9 =	vor.u32 s3, v61;
	v10 =	vld.idx.msk [tilespmem:v11+s5+$0x0], $0xffff  }
0x2f6: {  	v11 =	vor.u32 $0x180, v4;
	_ =	sdelay $0x2  }
0x2f7: {  	[tilespmem:v56+s28+$0x0] =	vst.idx.msk $0x7fff, v13  }
0x2f8: {  	v61 =	vor.u32 s26, v60;
	[tilespmem:v9+s28+$0x0] =	vst.idx.msk $0x7fff, v10;
	v9 =	vor.u32 $0x200, v1;
	v14 =	vld.idx.msk [tilespmem:v57+s5+$0x0], $0xffff  }
0x2f9: {  	v15 =	vor.u32 $0x200, v7;
	v10 =	vor.u32 s3, v60;
	v11 =	vld.idx.msk [tilespmem:v11+s5+$0x0], $0xffff  }
0x2fa: {  	v59 =	vor.u32 $0x200, v4;
	_ =	sdelay $0x2  }
0x2fb: {  	v17 =	vor.u32 s0, v41;
	v9 =	vld.idx.msk [tilespmem:v9+s5+$0x0], $0xffff;
	[tilespmem:v61+s28+$0x0] =	vst.idx.msk $0x7fff, v14  }
0x2fc: {  	v63 =	vor.u32 s26, v41;
	[tilespmem:v10+s28+$0x0] =	vst.idx.msk $0x7fff, v11;
	v10 =	vor.u32 $0x280, v1;
	v15 =	vld.idx.msk [tilespmem:v15+s5+$0x0], $0xffff  }
0x2fd: {  	v18 =	vor.u32 $0x280, v7;
	v11 =	vor.u32 s3, v41;
	v12 =	vld.idx.msk [tilespmem:v59+s5+$0x0], $0xffff;
	_ =	sdelay $0x2  }
0x2fe: {  	v62 =	vor.u32 $0x280, v4;
	[tilespmem:v17+s28+$0x0] =	vst.idx.msk $0x7fff, v9  }
0x2ff: {  	v9 =	vld.idx.msk [tilespmem:v10+s5+$0x0], $0xffff;
	[tilespmem:v63+s28+$0x0] =	vst.idx.msk $0x7fff, v15  }
0x300: {  	[tilespmem:v11+s28+$0x0] =	vst.idx.msk $0x7fff, v12;
	v41 =	vld.idx.msk [tilespmem:v18+s5+$0x0], $0xffff  }
0x301: {  	v10 =	vor.u32 s0, v55;
	v15 =	vld [tilespmem:$0x1FB80]  }
0x302: {  	v42 =	vor.u32 s26, v55;
	v1 =	vor.u32 $0x300, v1;
	v17 =	vld [tilespmem:$0x1FB90]  }
0x303: {  	v40 =	vor.u32 s3, v55;
	v7 =	vor.u32 $0x300, v7;
	v11 =	vld.idx.msk [tilespmem:v62+s5+$0x0], $0xffff  }
0x304: {  	v3 =	vand.u32 $0xFFFFFF80, v3;
	v4 =	vor.u32 $0x300, v4  }
0x305: {  	v3 =	vor.u32 v3, v5;
	v5 =	vor.u32 s0, v50  }
0x306: {  	v0 =	vld.idx.msk [tilespmem:v0+s5+$0x0], $0xffff;
	v6 =	vand.u32 $0xFFFFFF80, v6;
	v18 =	vor.u32 s18, v50;
	[tilespmem:v10+s28+$0x0] =	vst.idx.msk $0x7fff, v9;
	v15 =	vand.u32 $0xFFFFFF80, v15  }
0x307: {  	v2 =	vor.u32 v6, v2;
	v1 =	vld.idx.msk [tilespmem:v1+s5+$0x0], $0xffff;
	[tilespmem:v42+s28+$0x0] =	vst.idx.msk $0x7fff, v41;
	v15 =	vor.u32 v15, v17  }
0x308: {  	[tilespmem:v40+s28+$0x0] =	vst.idx.msk $0x7fff, v11;
	v17 =	vand.u32 $0xFFFFFF80, v52;
	v6 =	vld.idx.msk [tilespmem:v7+s5+$0x0], $0xffff;
	v7 =	vor.u32 s26, v50;
	v9 =	vor.u32 $0x380, v15  }
0x309: {  	v2 =	vor.u32 $0x380, v2;
	v11 =	vor.u32 s3, v50;
	v4 =	vld.idx.msk [tilespmem:v4+s5+$0x0], $0xffff;
	v17 =	vor.u32 v17, v45  }
0x30a: {  	v10 =	vor.u32 $0x380, v17  }
0x30b: {  	v3 =	vor.u32 $0x380, v3;
	[tilespmem:v18+s28+$0x0] =	vst.idx.msk $0x7fff, v0  }
0x30c: {  	[tilespmem:v5+s28+$0x0] =	vst.idx.msk $0x7fff, v1  }
0x30d: {  	v0 =	vor.u32 s18, v49;
	[tilespmem:v7+s28+$0x0] =	vst.idx.msk $0x7fff, v6;
	v9 =	vld.idx.msk [tilespmem:v9+s5+$0x0], $0xffff  }
0x30e: {  	[tilespmem:v11+s28+$0x0] =	vst.idx.msk $0x7fff, v4;
	v4 =	vmov s13;
	v6 =	vor.u32 s26, v49;
	v2 =	vld.idx.msk [tilespmem:v2+s5+$0x0], $0xffff  }
0x30f: {  	v1 =	vor.u32 s0, v49;
	v4 =	vand.u32 $0xFFFFFFFE, v4;
	v5 =	vld.idx.msk [tilespmem:v10+s5+$0x0], $0xffff  }
0x310: {  	v3 =	vld.idx.msk [tilespmem:v3+s5+$0x0], $0xffff;
	v4 =	vbroadcast v4, $0x0;
	v10 =	vor.u32 s3, v49;
	_ =	sdelay $0x1  }
0x311: {  	[tilespmem:v0+s28+$0x0] =	vst.idx.msk $0x7fff, v9  }
0x312: {  	[tilespmem:v6+s28+$0x0] =	vst.idx.msk $0x7fff, v2  }
0x313: {  	[tilespmem:v1+s28+$0x0] =	vst.idx.msk $0x7fff, v5  }
0x314: {  	s4 =	simm.s32 $0xBC00;
	[tilespmem:v10+s28+$0x0] =	vst.idx.msk $0x7fff, v3  }
0x315: {  	v0 =	vld.idx.msk [tilespmem:v4+s4+$0x0], $0xffff  }
0x316: {  	s6 =	simm.s32 $0xBC80  }
0x317: {  	v1 =	vld.idx.msk [tilespmem:v4+s6+$0x0], $0xffff  }
0x318: {  	v2 =	vld [tilespmem:$0x1FD00];
	_ =	sdelay $0x1  }
0x319: {  	v3 =	vld [tilespmem:$0x1FD10];
	vm1 =	vgt.s32 v0, $0x0  }
0x31a: {  	v0 =	vnsel vm1, $0x0, v0  }
0x31b: {  	vm1 =	vgt.s32 v1, $0x0;
	v0 =	vmin.u32 v0, $0x14  }
0x31c: {  	v1 =	vnsel vm1, $0x0, v1;
	v0 =	vadd.s32 v2, v0  }
0x31d: {  	v1 =	vmin.u32 v1, $0x4E;
	v2 =	vmul.u32 $0x4F, v0  }
0x31e: {  	v1 =	vadd.s32 v3, v1  }
0x31f: {  	v2 =	vadd.s32 v1, v2  }
0x320: {  	vm1 =	vgt.s32 v2, $0x0  }
0x321: {  	v2 =	vnsel vm1, $0x0, v2  }
0x322: {  	v2 =	vmin.u32 v2, $0x67A;
	_ =	sdelay $0x4  }
0x323: {  	v2 =	vld.idx.msk [tilespmem:v2+s21+$0x0], $0xffff;
	_ =	sdelay $0x1  }
0x324: {  	vm2 =	vlt.u32 v1, $0x4F;
	vm1 =	vlt.u32 v0, $0x15  }
0x325: {  	vm1 =	vmand vm1, vm2  }
0x326: {  	vm1 =	vmand vm1, vm0  }
0x327: {  	v0 =	vnsel vm1, $0x1758, v2  }
0x328: {  	v1 =	vshll.u32 v0, $0x3  }
0x329: {  	v0 =	vand.u32 $0x7F, v0;
	v2 =	vand.u32 $0xFFFFFC00, v1  }
0x32a: {  	v2 =	vor.u32 v0, v2;
	_ =	sdelay $0x2  }
0x32b: {  	s7 =	sand.u32 $0x3E, s13  }
0x32c: {  	s0 =	sshll.u32 s7, $0x7  }
0x32d: {  	v4 =	vor.u32 s0, v21;
	v3 =	vld.idx.msk [tilespmem:v2+s5+$0x0], $0xffff  }
0x32e: {  	v5 =	vor.u32 $0x80, v2;
	_ =	sdelay $0x3  }
0x32f: {  	[tilespmem:v4+s29+$0x0] =	vst.idx.msk $0x1ff, v3  }
0x330: {  	v3 =	vld.idx.msk [tilespmem:v5+s5+$0x0], $0xffff  }
0x331: {  	v4 =	vld [tilespmem:$0x1FD20];
	_ =	sdelay $0x4  }
0x332: {  	v4 =	vor.u32 s0, v4;
	_ =	sdelay $0x4  }
0x333: {  	v5 =	vor.u32 $0x100, v2;
	[tilespmem:v4+s29+$0x0] =	vst.idx.msk $0x1ff, v3;
	v4 =	vld [tilespmem:$0x1FD30];
	_ =	sdelay $0x4  }
0x334: {  	v3 =	vld.idx.msk [tilespmem:v5+s5+$0x0], $0xffff;
	v4 =	vor.u32 s0, v4;
	_ =	sdelay $0x4  }
0x335: {  	v5 =	vor.u32 $0x180, v2;
	[tilespmem:v4+s29+$0x0] =	vst.idx.msk $0x1ff, v3;
	v4 =	vld [tilespmem:$0x1FD40];
	_ =	sdelay $0x4  }
0x336: {  	v3 =	vld.idx.msk [tilespmem:v5+s5+$0x0], $0xffff;
	v4 =	vor.u32 s0, v4;
	_ =	sdelay $0x4  }
0x337: {  	v5 =	vor.u32 $0x200, v2;
	[tilespmem:v4+s29+$0x0] =	vst.idx.msk $0x1ff, v3;
	v4 =	vld [tilespmem:$0x1FD50];
	_ =	sdelay $0x4  }
0x338: {  	v3 =	vld.idx.msk [tilespmem:v5+s5+$0x0], $0xffff;
	v4 =	vor.u32 s0, v4;
	_ =	sdelay $0x4  }
0x339: {  	v5 =	vor.u32 $0x280, v2;
	[tilespmem:v4+s29+$0x0] =	vst.idx.msk $0x1ff, v3;
	v4 =	vld [tilespmem:$0x1FD60];
	_ =	sdelay $0x4  }
0x33a: {  	v3 =	vld.idx.msk [tilespmem:v5+s5+$0x0], $0xffff;
	v4 =	vor.u32 s0, v4;
	_ =	sdelay $0x4  }
0x33b: {  	v2 =	vor.u32 $0x300, v2;
	[tilespmem:v4+s29+$0x0] =	vst.idx.msk $0x1ff, v3;
	v3 =	vld [tilespmem:$0x1FD70];
	_ =	sdelay $0x3  }
0x33c: {  	v1 =	vand.u32 $0xFFFFFF80, v1  }
0x33d: {  	v0 =	vor.u32 v1, v0;
	v2 =	vld.idx.msk [tilespmem:v2+s5+$0x0], $0xffff;
	v3 =	vor.u32 s0, v3  }
0x33e: {  	v0 =	vor.u32 $0x380, v0;
	v1 =	vld [tilespmem:$0x1FD80];
	_ =	sdelay $0x3  }
0x33f: {  	[tilespmem:v3+s29+$0x0] =	vst.idx.msk $0x1ff, v2  }
0x340: {  	v1 =	vor.u32 s0, v1;
	v0 =	vld.idx.msk [tilespmem:v0+s5+$0x0], $0xffff;
	_ =	sdelay $0x4  }
0x341: {  	s9 =	simm.s32 $0x10D00;
	[tilespmem:v1+s29+$0x0] =	vst.idx.msk $0x1ff, v0  }
0x342: {  	v0 =	vld.idx.msk [tilespmem:v21+s9+$0x0], $0xffff;
	_ =	sdelay $0x4  }
0x343: {  	v1 =	vshll.u32 v0, $0x3  }
0x344: {  	v0 =	vand.u32 $0x7F, v0;
	v2 =	vand.u32 $0xFFFFFC00, v1  }
0x345: {  	v2 =	vor.u32 v0, v2;
	_ =	sdelay $0x2  }
0x346: {  	s10 =	sand.u32 $0x6, s13  }
0x347: {  	s0 =	sshll.u32 s10, $0x7  }
0x348: {  	v4 =	vor.u32 s0, v21;
	v3 =	vld.idx.msk [tilespmem:v2+s5+$0x0], $0xffff;
	_ =	sdelay $0x4  }
0x349: {  	v5 =	vor.u32 $0x80, v2;
	[tilespmem:v4+s30+$0x0] =	vst.idx.msk $0xffff, v3;
	v4 =	vld [tilespmem:$0x1FD90];
	_ =	sdelay $0x4  }
0x34a: {  	v3 =	vld.idx.msk [tilespmem:v5+s5+$0x0], $0xffff;
	v4 =	vor.u32 s0, v4;
	_ =	sdelay $0x4  }
0x34b: {  	v5 =	vor.u32 $0x100, v2;
	[tilespmem:v4+s30+$0x0] =	vst.idx.msk $0xffff, v3;
	v4 =	vld [tilespmem:$0x1FDA0];
	_ =	sdelay $0x4  }
0x34c: {  	v3 =	vld.idx.msk [tilespmem:v5+s5+$0x0], $0xffff;
	v4 =	vor.u32 s0, v4;
	_ =	sdelay $0x4  }
0x34d: {  	v5 =	vor.u32 $0x180, v2;
	[tilespmem:v4+s30+$0x0] =	vst.idx.msk $0xffff, v3;
	v4 =	vld [tilespmem:$0x1FDB0];
	_ =	sdelay $0x4  }
0x34e: {  	v3 =	vld.idx.msk [tilespmem:v5+s5+$0x0], $0xffff;
	v4 =	vor.u32 s0, v4;
	_ =	sdelay $0x4  }
0x34f: {  	v5 =	vor.u32 $0x200, v2;
	[tilespmem:v4+s30+$0x0] =	vst.idx.msk $0xffff, v3;
	v4 =	vld [tilespmem:$0x1FDC0];
	_ =	sdelay $0x4  }
0x350: {  	v3 =	vld.idx.msk [tilespmem:v5+s5+$0x0], $0xffff;
	v4 =	vor.u32 s0, v4;
	_ =	sdelay $0x4  }
0x351: {  	v5 =	vor.u32 $0x280, v2;
	[tilespmem:v4+s30+$0x0] =	vst.idx.msk $0xffff, v3;
	v4 =	vld [tilespmem:$0x1FDD0];
	_ =	sdelay $0x4  }
0x352: {  	v3 =	vld.idx.msk [tilespmem:v5+s5+$0x0], $0xffff;
	v4 =	vor.u32 s0, v4;
	_ =	sdelay $0x4  }
0x353: {  	v2 =	vor.u32 $0x300, v2;
	[tilespmem:v4+s30+$0x0] =	vst.idx.msk $0xffff, v3;
	v3 =	vld [tilespmem:$0x1FDE0];
	_ =	sdelay $0x3  }
0x354: {  	v1 =	vand.u32 $0xFFFFFF80, v1  }
0x355: {  	v0 =	vor.u32 v1, v0;
	v2 =	vld.idx.msk [tilespmem:v2+s5+$0x0], $0xffff;
	v3 =	vor.u32 s0, v3  }
0x356: {  	v1 =	vld [tilespmem:$0x1FDF0];
	v0 =	vor.u32 $0x380, v0;
	_ =	sdelay $0x3  }
0x357: {  	[tilespmem:v3+s30+$0x0] =	vst.idx.msk $0xffff, v2  }
0x358: {  	v1 =	vor.u32 s0, v1;
	v0 =	vld.idx.msk [tilespmem:v0+s5+$0x0], $0xffff;
	_ =	sdelay $0x4  }
0x359: {  	[tilespmem:v1+s30+$0x0] =	vst.idx.msk $0xffff, v0  }
0x35a: {  	v0 =	vld.idx.msk [tilespmem:v8+s9+$0x0], $0xffff;
	_ =	sdelay $0x4  }
0x35b: {  	v1 =	vshll.u32 v0, $0x3  }
0x35c: {  	v0 =	vand.u32 $0x7F, v0;
	v2 =	vand.u32 $0xFFFFFC00, v1  }
0x35d: {  	v2 =	vor.u32 v0, v2;
	_ =	sdelay $0x4  }
0x35e: {  	v4 =	vor.u32 s0, v8;
	v3 =	vld.idx.msk [tilespmem:v2+s5+$0x0], $0xffff;
	_ =	sdelay $0x4  }
0x35f: {  	v5 =	vor.u32 $0x80, v2;
	[tilespmem:v4+s30+$0x0] =	vst.idx.msk $0xffff, v3;
	v4 =	vld [tilespmem:$0x1FE00];
	_ =	sdelay $0x4  }
0x360: {  	v3 =	vld.idx.msk [tilespmem:v5+s5+$0x0], $0xffff;
	v4 =	vor.u32 s0, v4;
	_ =	sdelay $0x4  }
0x361: {  	v5 =	vor.u32 $0x100, v2;
	[tilespmem:v4+s30+$0x0] =	vst.idx.msk $0xffff, v3;
	v4 =	vld [tilespmem:$0x1FE10];
	_ =	sdelay $0x4  }
0x362: {  	v3 =	vld.idx.msk [tilespmem:v5+s5+$0x0], $0xffff;
	v4 =	vor.u32 s0, v4;
	_ =	sdelay $0x4  }
0x363: {  	v5 =	vor.u32 $0x180, v2;
	[tilespmem:v4+s30+$0x0] =	vst.idx.msk $0xffff, v3;
	v4 =	vld [tilespmem:$0x1FE20];
	_ =	sdelay $0x4  }
0x364: {  	v3 =	vld.idx.msk [tilespmem:v5+s5+$0x0], $0xffff;
	v4 =	vor.u32 s0, v4;
	_ =	sdelay $0x4  }
0x365: {  	v5 =	vor.u32 $0x200, v2;
	[tilespmem:v4+s30+$0x0] =	vst.idx.msk $0xffff, v3;
	v4 =	vld [tilespmem:$0x1FE30];
	_ =	sdelay $0x4  }
0x366: {  	v3 =	vld.idx.msk [tilespmem:v5+s5+$0x0], $0xffff;
	v4 =	vor.u32 s0, v4;
	_ =	sdelay $0x4  }
0x367: {  	v5 =	vor.u32 $0x280, v2;
	[tilespmem:v4+s30+$0x0] =	vst.idx.msk $0xffff, v3;
	v4 =	vld [tilespmem:$0x1FE40];
	_ =	sdelay $0x4  }
0x368: {  	v3 =	vld.idx.msk [tilespmem:v5+s5+$0x0], $0xffff;
	v4 =	vor.u32 s0, v4;
	_ =	sdelay $0x4  }
0x369: {  	v2 =	vor.u32 $0x300, v2;
	[tilespmem:v4+s30+$0x0] =	vst.idx.msk $0xffff, v3;
	v3 =	vld [tilespmem:$0x1FE50];
	_ =	sdelay $0x3  }
0x36a: {  	v1 =	vand.u32 $0xFFFFFF80, v1  }
0x36b: {  	v0 =	vor.u32 v1, v0;
	v2 =	vld.idx.msk [tilespmem:v2+s5+$0x0], $0xffff;
	v3 =	vor.u32 s0, v3  }
0x36c: {  	v1 =	vld [tilespmem:$0x1FE60];
	v0 =	vor.u32 $0x380, v0;
	_ =	sdelay $0x3  }
0x36d: {  	[tilespmem:v3+s30+$0x0] =	vst.idx.msk $0xffff, v2  }
0x36e: {  	v1 =	vor.u32 s0, v1;
	v0 =	vld.idx.msk [tilespmem:v0+s5+$0x0], $0xffff;
	_ =	sdelay $0x4  }
0x36f: {  	[tilespmem:v1+s30+$0x0] =	vst.idx.msk $0xffff, v0  }
0x370: {  	v0 =	vld.idx.msk [tilespmem:v16+s9+$0x0], $0xffff;
	_ =	sdelay $0x4  }
0x371: {  	v1 =	vshll.u32 v0, $0x3  }
0x372: {  	v0 =	vand.u32 $0x7F, v0;
	v2 =	vand.u32 $0xFFFFFC00, v1  }
0x373: {  	v2 =	vor.u32 v0, v2;
	_ =	sdelay $0x4  }
0x374: {  	v4 =	vor.u32 s0, v16;
	v3 =	vld.idx.msk [tilespmem:v2+s5+$0x0], $0xffff;
	_ =	sdelay $0x4  }
0x375: {  	v5 =	vor.u32 $0x80, v2;
	[tilespmem:v4+s30+$0x0] =	vst.idx.msk $0xffff, v3;
	v4 =	vld [tilespmem:$0x1FE70];
	_ =	sdelay $0x4  }
0x376: {  	v3 =	vld.idx.msk [tilespmem:v5+s5+$0x0], $0xffff;
	v4 =	vor.u32 s0, v4  }
0x377: {  	v5 =	vor.u32 $0x100, v2;
	_ =	sdelay $0x3  }
0x378: {  	[tilespmem:v4+s30+$0x0] =	vst.idx.msk $0xffff, v3;
	v4 =	vor.u32 $0x820, v21  }
0x379: {  	v3 =	vld.idx.msk [tilespmem:v5+s5+$0x0], $0xffff;
	[tilespmem:$0x1FBA0] =	vst v4;
	v4 =	vor.u32 s0, v4  }
0x37a: {  	v5 =	vor.u32 $0x180, v2;
	_ =	sdelay $0x3  }
0x37b: {  	[tilespmem:v4+s30+$0x0] =	vst.idx.msk $0xffff, v3;
	v4 =	vor.u32 $0xC20, v21  }
0x37c: {  	v3 =	vld.idx.msk [tilespmem:v5+s5+$0x0], $0xffff;
	[tilespmem:$0x1FBB0] =	vst v4;
	v4 =	vor.u32 s0, v4  }
0x37d: {  	v5 =	vor.u32 $0x200, v2;
	_ =	sdelay $0x3  }
0x37e: {  	[tilespmem:v4+s30+$0x0] =	vst.idx.msk $0xffff, v3;
	v4 =	vor.u32 $0x1020, v21  }
0x37f: {  	v3 =	vld.idx.msk [tilespmem:v5+s5+$0x0], $0xffff;
	[tilespmem:$0x1FBC0] =	vst v4;
	v4 =	vor.u32 s0, v4  }
0x380: {  	v5 =	vor.u32 $0x280, v2;
	_ =	sdelay $0x3  }
0x381: {  	[tilespmem:v4+s30+$0x0] =	vst.idx.msk $0xffff, v3;
	v4 =	vor.u32 $0x1420, v21  }
0x382: {  	v3 =	vld.idx.msk [tilespmem:v5+s5+$0x0], $0xffff;
	[tilespmem:$0x1FBD0] =	vst v4;
	v4 =	vor.u32 s0, v4  }
0x383: {  	v2 =	vor.u32 $0x300, v2;
	_ =	sdelay $0x3  }
0x384: {  	v1 =	vand.u32 $0xFFFFFF80, v1;
	[tilespmem:v4+s30+$0x0] =	vst.idx.msk $0xffff, v3;
	v3 =	vor.u32 $0x1820, v21  }
0x385: {  	v0 =	vor.u32 v1, v0;
	v2 =	vld.idx.msk [tilespmem:v2+s5+$0x0], $0xffff;
	[tilespmem:$0x1FBE0] =	vst v3;
	v3 =	vor.u32 s0, v3  }
0x386: {  	v0 =	vor.u32 $0x380, v0;
	_ =	sdelay $0x3  }
0x387: {  	v1 =	vor.u32 $0x1C20, v21;
	[tilespmem:v3+s30+$0x0] =	vst.idx.msk $0xffff, v2  }
0x388: {  	[tilespmem:$0x1FBF0] =	vst v1;
	v1 =	vor.u32 s0, v1;
	v0 =	vld.idx.msk [tilespmem:v0+s5+$0x0], $0xffff;
	_ =	sdelay $0x4  }
0x389: {  	[tilespmem:v1+s30+$0x0] =	vst.idx.msk $0xffff, v0  }
0x38a: {  	v0 =	vld.idx.msk [tilespmem:v24+s9+$0x0], $0xffff;
	_ =	sdelay $0x4  }
0x38b: {  	v1 =	vshll.u32 v0, $0x3  }
0x38c: {  	v0 =	vand.u32 $0x7F, v0;
	v2 =	vand.u32 $0xFFFFFC00, v1  }
0x38d: {  	v2 =	vor.u32 v0, v2;
	_ =	sdelay $0x4  }
0x38e: {  	v4 =	vor.u32 s0, v24;
	v3 =	vld.idx.msk [tilespmem:v2+s5+$0x0], $0xffff  }
0x38f: {  	v5 =	vor.u32 $0x80, v2;
	_ =	sdelay $0x3  }
0x390: {  	[tilespmem:v4+s30+$0x0] =	vst.idx.msk $0x7f, v3;
	v4 =	vor.u32 $0x430, v21  }
0x391: {  	v3 =	vld.idx.msk [tilespmem:v5+s5+$0x0], $0xffff;
	[tilespmem:$0x1FC00] =	vst v4;
	v4 =	vor.u32 s0, v4  }
0x392: {  	v5 =	vor.u32 $0x100, v2;
	_ =	sdelay $0x3  }
0x393: {  	[tilespmem:v4+s30+$0x0] =	vst.idx.msk $0x7f, v3;
	v4 =	vor.u32 $0x830, v21  }
0x394: {  	v3 =	vld.idx.msk [tilespmem:v5+s5+$0x0], $0xffff;
	[tilespmem:$0x1FC10] =	vst v4;
	v4 =	vor.u32 s0, v4  }
0x395: {  	v5 =	vor.u32 $0x180, v2;
	_ =	sdelay $0x3  }
0x396: {  	[tilespmem:v4+s30+$0x0] =	vst.idx.msk $0x7f, v3;
	v4 =	vor.u32 $0xC30, v21  }
0x397: {  	v3 =	vld.idx.msk [tilespmem:v5+s5+$0x0], $0xffff;
	[tilespmem:$0x1FC20] =	vst v4;
	v4 =	vor.u32 s0, v4  }
0x398: {  	v5 =	vor.u32 $0x200, v2;
	_ =	sdelay $0x3  }
0x399: {  	[tilespmem:v4+s30+$0x0] =	vst.idx.msk $0x7f, v3;
	v4 =	vor.u32 $0x1030, v21  }
0x39a: {  	v3 =	vld.idx.msk [tilespmem:v5+s5+$0x0], $0xffff;
	[tilespmem:$0x1FC30] =	vst v4;
	v4 =	vor.u32 s0, v4  }
0x39b: {  	v5 =	vor.u32 $0x280, v2;
	_ =	sdelay $0x3  }
0x39c: {  	[tilespmem:v4+s30+$0x0] =	vst.idx.msk $0x7f, v3;
	v4 =	vor.u32 $0x1430, v21  }
0x39d: {  	v3 =	vld.idx.msk [tilespmem:v5+s5+$0x0], $0xffff;
	[tilespmem:$0x1FC40] =	vst v4;
	v4 =	vor.u32 s0, v4  }
0x39e: {  	v2 =	vor.u32 $0x300, v2;
	_ =	sdelay $0x3  }
0x39f: {  	v1 =	vand.u32 $0xFFFFFF80, v1;
	[tilespmem:v4+s30+$0x0] =	vst.idx.msk $0x7f, v3;
	v3 =	vor.u32 $0x1830, v21  }
0x3a0: {  	v0 =	vor.u32 v1, v0;
	v2 =	vld.idx.msk [tilespmem:v2+s5+$0x0], $0xffff;
	[tilespmem:$0x1FC50] =	vst v3;
	v3 =	vor.u32 s0, v3  }
0x3a1: {  	v0 =	vor.u32 $0x380, v0;
	_ =	sdelay $0x3  }
0x3a2: {  	v1 =	vor.u32 $0x1C30, v21;
	[tilespmem:v3+s30+$0x0] =	vst.idx.msk $0x7f, v2  }
0x3a3: {  	[tilespmem:$0x1FC60] =	vst v1;
	v1 =	vor.u32 s0, v1;
	v0 =	vld.idx.msk [tilespmem:v0+s5+$0x0], $0xffff;
	_ =	sdelay $0x1  }
0x3a4: {  	p1 =	seq.s32 s12, $0x3F  }
0x3a5: {  	s0 =	sadd.s32 @!p1 $0x2, s16  }
0x3a6: {  	s14 =	smul.u32 $0x2A000, s15;
	s2 =	simm.s32 @!p1 $0x0;
	s1 =	sshll.u32 @!p1 s0, $0x8  }
0x3a7: {  	s11 =	smul.u32 $0x540000, s19;
	s3 =	simm.s32 @!p1 $0xFD00;
	s1 =	sadd.s32 @!p1 s24, s1;
	[tilespmem:v1+s30+$0x0] =	vst.idx.msk $0x7f, v0  }
0x3a8: {  	[tilespmem:s3], [sflag:$0x1] =	stream.linear.gather @!p1 [hbm4b:s1+s2], $0x800, $0x38;
	[tilespmem:$0x1BD00] =	vst v63  }
0x3a9: {  	s15 =	sadd.s32 s14, s11;
	s0 =	sshll.u32 @!p1 s0, $0x7;
	s3 =	rddreg [dreg:$0x2]  }
0x3aa: {  	s16 =	rddreg [dreg:$0x11];
	s0 =	sadd.s32 @!p1 s3, s0;
	s3 =	simm.s32 @!p1 $0x10D00  }
0x3ab: {  	[tilespmem:s3], [sflag:$0x3] =	stream.linear.gather @!p1 [hbm4b:s0+s2], $0x400, $0x38;
	[tilespmem:$0x1BD00] =	vst v63  }
0x3ac: {  	s0 =	sor.u32 s16, s15  }
0x3ad: {  	s20 =	simm.s32 $0x2;
	s17 =	rddreg [dreg:$0x5];
	s0 =	sshrl.u32 s0, $0x3  }
0x3ae: {  	s19 =	simm.s32 $0x2000;
	s18 =	simm.s32 $0x400;
	s0 =	sadd.s32 s17, s0  }
0x3af: {  	[hbm4b:s0+s18] =	stream.strided.scatter [tilespmem:s28], [sflag:$0x5], $0x5400, s19, s18, $0x38;
	[tilespmem:$0x1BD00] =	vst v63  }
0x3b0: {  	_ =	swait.ge [sflag:s20], $0x800  }
0x3b1: {  	[sflag:s20] =	ssyncset.done $0x0  }
0x3b2: {  	s22 =	simm.s32 $0x4;
	[sflag:s20] =	ssyncadd.s32 $0xFFFFF800  }
0x3b3: {  	s6 =	smov.u32 s24;
	s24 =	simm.s32 $0x0;
	_ =	swait.ge [sflag:s22], $0x400  }
0x3b4: {  	v0 =	vadd.s32 s24, v21;
	[sflag:s22] =	ssyncset.done $0x0  }
0x3b5: {  	s0 =	simm.s32 @!p0 $0x6;
	[sflag:s22] =	ssyncadd.s32 $0xFFFFFC00  }
0x3b6: {  	_ =	swait.ge @!p0 [sflag:s0], $0x5400  }
0x3b7: {  	[sflag:s0] =	ssyncset.done @!p0 $0x0  }
0x3b8: {  	[sflag:s0] =	ssyncadd.s32 @!p0 $0xFFFFAC00  }
0x3b9: {  	v0 =	vld.idx.msk [tilespmem:v0+s23+$0x0], $0xffff;
	_ =	sdelay $0x4  }
0x3ba: {  	v1 =	vshll.u32 v0, $0x3  }
0x3bb: {  	v0 =	vand.u32 $0x7F, v0;
	v2 =	vand.u32 $0xFFFFFC00, v1  }
0x3bc: {  	v2 =	vor.u32 v0, v2;
	_ =	sdelay $0x3  }
0x3bd: {  	s18 =	simm.s32 $0x0  }
0x3be: {  	v4 =	vor.u32 s18, v21;
	v3 =	vld.idx.msk [tilespmem:v2+s5+$0x0], $0xffff  }
0x3bf: {  	v5 =	vor.u32 $0x80, v2;
	_ =	sdelay $0x3  }
0x3c0: {  	[tilespmem:v4+s8+$0x0] =	vst.idx.msk $0xffff, v3  }
0x3c1: {  	v4 =	vor.u32 s18, v22;
	v3 =	vld.idx.msk [tilespmem:v5+s5+$0x0], $0xffff  }
0x3c2: {  	v5 =	vor.u32 $0x100, v2;
	_ =	sdelay $0x3  }
0x3c3: {  	[tilespmem:v4+s8+$0x0] =	vst.idx.msk $0xffff, v3  }
0x3c4: {  	v4 =	vor.u32 s18, v23;
	v3 =	vld.idx.msk [tilespmem:v5+s5+$0x0], $0xffff  }
0x3c5: {  	v5 =	vor.u32 $0x180, v2;
	_ =	sdelay $0x3  }
0x3c6: {  	[tilespmem:v4+s8+$0x0] =	vst.idx.msk $0xffff, v3  }
0x3c7: {  	v4 =	vor.u32 s18, v25;
	v3 =	vld.idx.msk [tilespmem:v5+s5+$0x0], $0xffff  }
0x3c8: {  	s26 =	simm.s32 $0x4F;
	v5 =	vor.u32 $0x200, v2  }
0x3c9: {  	v6 =	vadd.s32 s26, v21;
	_ =	sdelay $0x2  }
0x3ca: {  	[tilespmem:v4+s8+$0x0] =	vst.idx.msk $0xffff, v3  }
0x3cb: {  	v4 =	vor.u32 s18, v26;
	v3 =	vld.idx.msk [tilespmem:v5+s5+$0x0], $0xffff  }
0x3cc: {  	v5 =	vld.idx.msk [tilespmem:v6+s23+$0x0], $0xffff;
	v6 =	vor.u32 $0x280, v2;
	_ =	sdelay $0x3  }
0x3cd: {  	[tilespmem:v4+s8+$0x0] =	vst.idx.msk $0xffff, v3  }
0x3ce: {  	v3 =	vshll.u32 v5, $0x3;
	v4 =	vld.idx.msk [tilespmem:v6+s5+$0x0], $0xffff;
	v6 =	vor.u32 s18, v27  }
0x3cf: {  	v2 =	vor.u32 $0x300, v2;
	v5 =	vand.u32 $0x7F, v5;
	v7 =	vand.u32 $0xFFFFFC00, v3  }
0x3d0: {  	v7 =	vor.u32 v5, v7;
	_ =	sdelay $0x2  }
0x3d1: {  	v1 =	vand.u32 $0xFFFFFF80, v1;
	[tilespmem:v6+s8+$0x0] =	vst.idx.msk $0xffff, v4  }
0x3d2: {  	s9 =	simm.s32 $0x400;
	v0 =	vor.u32 v1, v0;
	v1 =	vld.idx.msk [tilespmem:v2+s5+$0x0], $0xffff;
	v2 =	vor.u32 s18, v28  }
0x3d3: {  	v0 =	vor.u32 $0x380, v0;
	v6 =	vor.u32 s9, v21;
	v4 =	vld.idx.msk [tilespmem:v7+s5+$0x0], $0xffff  }
0x3d4: {  	v9 =	vor.u32 $0x80, v7;
	_ =	sdelay $0x2  }
0x3d5: {  	[tilespmem:v2+s8+$0x0] =	vst.idx.msk $0xffff, v1  }
0x3d6: {  	[tilespmem:v6+s8+$0x0] =	vst.idx.msk $0xffff, v4;
	v1 =	vor.u32 s18, v29;
	v0 =	vld.idx.msk [tilespmem:v0+s5+$0x0], $0xffff  }
0x3d7: {  	v4 =	vadd.s32 s24, v8;
	v6 =	vor.u32 s9, v22;
	v2 =	vld.idx.msk [tilespmem:v9+s5+$0x0], $0xffff  }
0x3d8: {  	v9 =	vor.u32 $0x100, v7;
	_ =	sdelay $0x2  }
0x3d9: {  	[tilespmem:v1+s8+$0x0] =	vst.idx.msk $0xffff, v0  }
0x3da: {  	[tilespmem:v6+s8+$0x0] =	vst.idx.msk $0xffff, v2;
	v0 =	vld.idx.msk [tilespmem:v4+s23+$0x0], $0xffff  }
0x3db: {  	v2 =	vor.u32 s9, v23;
	v1 =	vld.idx.msk [tilespmem:v9+s5+$0x0], $0xffff  }
0x3dc: {  	v4 =	vor.u32 $0x180, v7;
	_ =	sdelay $0x2  }
0x3dd: {  	v6 =	vshll.u32 v0, $0x3  }
0x3de: {  	v0 =	vand.u32 $0x7F, v0;
	[tilespmem:v2+s8+$0x0] =	vst.idx.msk $0xffff, v1;
	v9 =	vand.u32 $0xFFFFFC00, v6  }
0x3df: {  	v2 =	vld.idx.msk [tilespmem:v4+s5+$0x0], $0xffff;
	v4 =	vor.u32 s9, v25;
	v1 =	vor.u32 v0, v9  }
0x3e0: {  	v9 =	vor.u32 $0x200, v7  }
0x3e1: {  	s1 =	simm.s32 $0x9E  }
0x3e2: {  	v10 =	vadd.s32 s1, v21;
	_ =	sdelay $0x1  }
0x3e3: {  	v43 =	vor.u32 s18, v8;
	[tilespmem:v4+s8+$0x0] =	vst.idx.msk $0xffff, v2;
	v11 =	vld.idx.msk [tilespmem:v1+s5+$0x0], $0xffff  }
0x3e4: {  	v2 =	vor.u32 $0x80, v1;
	v4 =	vld.idx.msk [tilespmem:v9+s5+$0x0], $0xffff;
	v9 =	vor.u32 s9, v26  }
0x3e5: {  	v44 =	vor.u32 $0x280, v7  }
0x3e6: {  	v10 =	vld.idx.msk [tilespmem:v10+s23+$0x0], $0xffff;
	_ =	sdelay $0x1  }
0x3e7: {  	[tilespmem:v43+s8+$0x0] =	vst.idx.msk $0xffff, v11  }
0x3e8: {  	v11 =	vor.u32 s18, v30;
	[tilespmem:v9+s8+$0x0] =	vst.idx.msk $0xffff, v4;
	v2 =	vld.idx.msk [tilespmem:v2+s5+$0x0], $0xffff  }
0x3e9: {  	v45 =	vor.u32 s9, v27;
	v4 =	vor.u32 $0x100, v1;
	v9 =	vld.idx.msk [tilespmem:v44+s5+$0x0], $0xffff  }
0x3ea: {  	v46 =	vshll.u32 v10, $0x3;
	v7 =	vor.u32 $0x300, v7  }
0x3eb: {  	v10 =	vand.u32 $0x7F, v10;
	v47 =	vand.u32 $0xFFFFFC00, v46  }
0x3ec: {  	v14 =	vor.u32 v10, v47  }
0x3ed: {  	[tilespmem:v11+s8+$0x0] =	vst.idx.msk $0xffff, v2  }
0x3ee: {  	v2 =	vand.u32 $0xFFFFFF80, v3;
	[tilespmem:v45+s8+$0x0] =	vst.idx.msk $0xffff, v9;
	v3 =	vld.idx.msk [tilespmem:v4+s5+$0x0], $0xffff;
	v4 =	vor.u32 s18, v31  }
0x3ef: {  	v9 =	vor.u32 s9, v28;
	v2 =	vor.u32 v2, v5;
	v5 =	vor.u32 $0x180, v1;
	v7 =	vld.idx.msk [tilespmem:v7+s5+$0x0], $0xffff  }
0x3f0: {  	s17 =	simm.s32 $0x800;
	v2 =	vor.u32 $0x380, v2  }
0x3f1: {  	v48 =	vor.u32 s17, v21;
	v11 =	vld.idx.msk [tilespmem:v14+s5+$0x0], $0xffff  }
0x3f2: {  	v15 =	vor.u32 $0x80, v14  }
0x3f3: {  	[tilespmem:v4+s8+$0x0] =	vst.idx.msk $0xffff, v3  }
0x3f4: {  	v4 =	vor.u32 s18, v33;
	[tilespmem:v9+s8+$0x0] =	vst.idx.msk $0xffff, v7;
	v3 =	vld.idx.msk [tilespmem:v5+s5+$0x0], $0xffff  }
0x3f5: {  	v7 =	vor.u32 s9, v29;
	v5 =	vor.u32 $0x200, v1;
	v2 =	vld.idx.msk [tilespmem:v2+s5+$0x0], $0xffff  }
0x3f6: {  	[tilespmem:v48+s8+$0x0] =	vst.idx.msk $0xffff, v11;
	v9 =	vadd.s32 s26, v8  }
0x3f7: {  	v49 =	vor.u32 s17, v22;
	v11 =	vld.idx.msk [tilespmem:v15+s5+$0x0], $0xffff  }
0x3f8: {  	v15 =	vor.u32 $0x100, v14  }
0x3f9: {  	[tilespmem:v4+s8+$0x0] =	vst.idx.msk $0xffff, v3  }
0x3fa: {  	v4 =	vor.u32 s18, v34;
	[tilespmem:v7+s8+$0x0] =	vst.idx.msk $0xffff, v2;
	v3 =	vld.idx.msk [tilespmem:v5+s5+$0x0], $0xffff  }
0x3fb: {  	v2 =	vor.u32 $0x280, v1;
	v5 =	vld.idx.msk [tilespmem:v9+s23+$0x0], $0xffff  }
0x3fc: {  	[tilespmem:v49+s8+$0x0] =	vst.idx.msk $0xffff, v11  }
0x3fd: {  	v7 =	vld.idx.msk [tilespmem:v15+s5+$0x0], $0xffff;
	v9 =	vor.u32 s17, v23;
	_ =	sdelay $0x1  }
0x3fe: {  	v11 =	vor.u32 $0x180, v14;
	[tilespmem:v4+s8+$0x0] =	vst.idx.msk $0xffff, v3  }
0x3ff: {  	v3 =	vor.u32 s18, v35;
	v4 =	vshll.u32 v5, $0x3;
	v2 =	vld.idx.msk [tilespmem:v2+s5+$0x0], $0xffff  }
0x400: {  	v1 =	vor.u32 $0x300, v1;
	v5 =	vand.u32 $0x7F, v5;
	v50 =	vand.u32 $0xFFFFFC00, v4  }
0x401: {  	[tilespmem:v9+s8+$0x0] =	vst.idx.msk $0xffff, v7;
	v7 =	vor.u32 v5, v50;
	_ =	sdelay $0x1  }
0x402: {  	v9 =	vld.idx.msk [tilespmem:v11+s5+$0x0], $0xffff;
	v11 =	vor.u32 s17, v25  }
0x403: {  	s0 =	simm.s32 $0xED;
	v51 =	vor.u32 $0x200, v14;
	v6 =	vand.u32 $0xFFFFFF80, v6;
	[tilespmem:v3+s8+$0x0] =	vst.idx.msk $0xffff, v2  }
0x404: {  	v0 =	vor.u32 v6, v0;
	v2 =	vadd.s32 s0, v21;
	v3 =	vor.u32 s18, v36;
	v1 =	vld.idx.msk [tilespmem:v1+s5+$0x0], $0xffff  }
0x405: {  	v0 =	vor.u32 $0x380, v0;
	v15 =	vor.u32 s9, v8;
	v6 =	vld.idx.msk [tilespmem:v7+s5+$0x0], $0xffff  }
0x406: {  	v17 =	vor.u32 $0x80, v7  }
0x407: {  	[tilespmem:v11+s8+$0x0] =	vst.idx.msk $0xffff, v9  }
0x408: {  	v11 =	vor.u32 s17, v26;
	v9 =	vld.idx.msk [tilespmem:v51+s5+$0x0], $0xffff  }
0x409: {  	v52 =	vor.u32 $0x280, v14;
	v2 =	vld.idx.msk [tilespmem:v2+s23+$0x0], $0xffff;
	[tilespmem:v3+s8+$0x0] =	vst.idx.msk $0xffff, v1  }
0x40a: {  	[tilespmem:v15+s8+$0x0] =	vst.idx.msk $0xffff, v6;
	v1 =	vor.u32 s18, v37;
	v0 =	vld.idx.msk [tilespmem:v0+s5+$0x0], $0xffff  }
0x40b: {  	v6 =	vadd.s32 s24, v16;
	v15 =	vor.u32 s9, v30;
	v3 =	vld.idx.msk [tilespmem:v17+s5+$0x0], $0xffff  }
0x40c: {  	v17 =	vor.u32 $0x100, v7  }
0x40d: {  	[tilespmem:v11+s8+$0x0] =	vst.idx.msk $0xffff, v9  }
0x40e: {  	v11 =	vor.u32 s17, v27;
	v9 =	vld.idx.msk [tilespmem:v52+s5+$0x0], $0xffff;
	v12 =	vshll.u32 v2, $0x3  }
0x40f: {  	v14 =	vor.u32 $0x300, v14;
	v18 =	vand.u32 $0x7F, v2;
	v2 =	vand.u32 $0xFFFFFC00, v12;
	[tilespmem:v1+s8+$0x0] =	vst.idx.msk $0xffff, v0  }
0x410: {  	v0 =	vor.u32 v18, v2;
	[tilespmem:v15+s8+$0x0] =	vst.idx.msk $0xffff, v3;
	v1 =	vld.idx.msk [tilespmem:v6+s23+$0x0], $0xffff  }
0x411: {  	v3 =	vor.u32 s9, v31;
	v2 =	vld.idx.msk [tilespmem:v17+s5+$0x0], $0xffff  }
0x412: {  	v53 =	vor.u32 $0x180, v7  }
0x413: {  	[tilespmem:v11+s8+$0x0] =	vst.idx.msk $0xffff, v9;
	v6 =	vand.u32 $0xFFFFFF80, v46  }
0x414: {  	s10 =	simm.s32 $0xC00;
	v9 =	vld.idx.msk [tilespmem:v14+s5+$0x0], $0xffff;
	v6 =	vor.u32 v6, v10;
	v10 =	vor.u32 s17, v28  }
0x415: {  	v54 =	vor.u32 s10, v21;
	v6 =	vor.u32 $0x380, v6;
	v11 =	vld.idx.msk [tilespmem:v0+s5+$0x0], $0xffff;
	v15 =	vshll.u32 v1, $0x3  }
0x416: {  	v17 =	vand.u32 $0x7F, v1;
	v1 =	vor.u32 $0x80, v0;
	[tilespmem:v3+s8+$0x0] =	vst.idx.msk $0xffff, v2;
	v2 =	vand.u32 $0xFFFFFC00, v15  }
0x417: {  	v3 =	vld.idx.msk [tilespmem:v53+s5+$0x0], $0xffff;
	v55 =	vor.u32 v17, v2;
	v2 =	vor.u32 s9, v33  }
0x418: {  	v19 =	vor.u32 $0x200, v7  }
0x419: {  	[tilespmem:v10+s8+$0x0] =	vst.idx.msk $0xffff, v9  }
0x41a: {  	v9 =	vor.u32 s17, v29;
	v6 =	vld.idx.msk [tilespmem:v6+s5+$0x0], $0xffff;
	[tilespmem:v54+s8+$0x0] =	vst.idx.msk $0xffff, v11  }
0x41b: {  	v10 =	vadd.s32 s1, v8;
	v11 =	vor.u32 s10, v22;
	v1 =	vld.idx.msk [tilespmem:v1+s5+$0x0], $0xffff  }
0x41c: {  	v20 =	vor.u32 $0x100, v0;
	v62 =	vld.idx.msk [tilespmem:v55+s5+$0x0], $0xffff;
	[tilespmem:v2+s8+$0x0] =	vst.idx.msk $0xffff, v3;
	v2 =	vor.u32 s18, v16  }
0x41d: {  	v63 =	vor.u32 s9, v34;
	v3 =	vld.idx.msk [tilespmem:v19+s5+$0x0], $0xffff;
	v19 =	vor.u32 $0x80, v55;
	_ =	sdelay $0x1  }
0x41e: {  	[tilespmem:v9+s8+$0x0] =	vst.idx.msk $0xffff, v6  }
0x41f: {  	v6 =	vld.idx.msk [tilespmem:v10+s23+$0x0], $0xffff;
	[tilespmem:v11+s8+$0x0] =	vst.idx.msk $0xffff, v1  }
0x420: {  	v44 =	vor.u32 $0x280, v7;
	v9 =	vor.u32 s10, v23;
	v1 =	vld.idx.msk [tilespmem:v20+s5+$0x0], $0xffff;
	[tilespmem:v2+s8+$0x0] =	vst.idx.msk $0xffff, v62  }
0x421: {  	v11 =	vor.u32 $0x180, v0;
	v10 =	vld.idx.msk [tilespmem:v19+s5+$0x0], $0xffff;
	[tilespmem:v63+s8+$0x0] =	vst.idx.msk $0xffff, v3;
	v3 =	vor.u32 s18, v38  }
0x422: {  	v19 =	vor.u32 $0x100, v55;
	_ =	sdelay $0x2  }
0x423: {  	v20 =	vor.u32 s9, v35;
	v45 =	vld.idx.msk [tilespmem:v44+s5+$0x0], $0xffff;
	[tilespmem:v9+s8+$0x0] =	vst.idx.msk $0xffff, v1  }
0x424: {  	v1 =	vld.idx.msk [tilespmem:v11+s5+$0x0], $0xffff;
	[tilespmem:v3+s8+$0x0] =	vst.idx.msk $0xffff, v10;
	v3 =	vor.u32 s10, v25  }
0x425: {  	v7 =	vor.u32 $0x300, v7;
	v10 =	vor.u32 s18, v39;
	v9 =	vld.idx.msk [tilespmem:v19+s5+$0x0], $0xffff;
	_ =	sdelay $0x1  }
0x426: {  	v42 =	vshll.u32 v6, $0x3  }
0x427: {  	v2 =	vand.u32 $0x7F, v6;
	v6 =	vand.u32 $0xFFFFFC00, v42;
	[tilespmem:v20+s8+$0x0] =	vst.idx.msk $0xffff, v45  }
0x428: {  	v4 =	vand.u32 $0xFFFFFF80, v4;
	v6 =	vor.u32 v2, v6;
	[tilespmem:v3+s8+$0x0] =	vst.idx.msk $0xffff, v1  }
0x429: {  	v4 =	vor.u32 v4, v5;
	v11 =	vor.u32 $0x200, v0;
	v5 =	vld.idx.msk [tilespmem:v7+s5+$0x0], $0xffff;
	[tilespmem:v10+s8+$0x0] =	vst.idx.msk $0xffff, v9  }
0x42a: {  	v7 =	vor.u32 $0x180, v55;
	v62 =	vld [tilespmem:$0x1FF80];
	_ =	sdelay $0x1  }
0x42b: {  	v46 =	vor.u32 s9, v36  }
0x42c: {  	v47 =	vor.u32 s17, v8;
	v20 =	vld.idx.msk [tilespmem:v6+s5+$0x0], $0xffff  }
0x42d: {  	v3 =	vor.u32 s10, v26;
	v1 =	vld.idx.msk [tilespmem:v11+s5+$0x0], $0xffff  }
0x42e: {  	v7 =	vld.idx.msk [tilespmem:v7+s5+$0x0], $0xffff;
	v9 =	vor.u32 s18, v62;
	_ =	sdelay $0x1  }
0x42f: {  	[tilespmem:v46+s8+$0x0] =	vst.idx.msk $0xffff, v5  }
0x430: {  	v4 =	vor.u32 $0x380, v4;
	[tilespmem:v47+s8+$0x0] =	vst.idx.msk $0xffff, v20  }
0x431: {  	v48 =	vor.u32 $0x80, v6;
	[tilespmem:v3+s8+$0x0] =	vst.idx.msk $0xffff, v1  }
0x432: {  	v5 =	vor.u32 $0x280, v0;
	[tilespmem:v9+s8+$0x0] =	vst.idx.msk $0xffff, v7  }
0x433: {  	v10 =	vor.u32 $0x200, v55;
	v57 =	vld [tilespmem:$0x1FF60];
	_ =	sdelay $0x1  }
0x434: {  	v11 =	vor.u32 s9, v37;
	v4 =	vld.idx.msk [tilespmem:v4+s5+$0x0], $0xffff  }
0x435: {  	v50 =	vor.u32 s17, v30;
	v20 =	vld.idx.msk [tilespmem:v48+s5+$0x0], $0xffff  }
0x436: {  	v3 =	vor.u32 s10, v27;
	v1 =	vld.idx.msk [tilespmem:v5+s5+$0x0], $0xffff  }
0x437: {  	v7 =	vld.idx.msk [tilespmem:v10+s5+$0x0], $0xffff;
	v5 =	vor.u32 s18, v57  }
0x438: {  	s15 =	simm.s32 $0x13C  }
0x439: {  	v19 =	vadd.s32 s15, v21;
	[tilespmem:v11+s8+$0x0] =	vst.idx.msk $0xffff, v4  }
0x43a: {  	[tilespmem:v50+s8+$0x0] =	vst.idx.msk $0xffff, v20  }
0x43b: {  	v51 =	vor.u32 $0x100, v6;
	[tilespmem:v3+s8+$0x0] =	vst.idx.msk $0xffff, v1  }
0x43c: {  	v0 =	vor.u32 $0x300, v0;
	[tilespmem:v5+s8+$0x0] =	vst.idx.msk $0xffff, v7  }
0x43d: {  	v9 =	vor.u32 $0x280, v55;
	v48 =	vld [tilespmem:$0x1FF90]  }
0x43e: {  	v49 =	vld.idx.msk [tilespmem:v19+s23+$0x0], $0xffff;
	v19 =	vadd.s32 s26, v16;
	_ =	sdelay $0x1  }
0x43f: {  	v52 =	vor.u32 s17, v31;
	v11 =	vld.idx.msk [tilespmem:v51+s5+$0x0], $0xffff  }
0x440: {  	v3 =	vor.u32 s10, v28;
	v0 =	vld.idx.msk [tilespmem:v0+s5+$0x0], $0xffff  }
0x441: {  	v5 =	vld.idx.msk [tilespmem:v9+s5+$0x0], $0xffff;
	v7 =	vor.u32 s18, v48  }
0x442: {  	v47 =	vshll.u32 v49, $0x3;
	v4 =	vld.idx.msk [tilespmem:v19+s23+$0x0], $0xffff  }
0x443: {  	v45 =	vand.u32 $0x7F, v49;
	v10 =	vand.u32 $0xFFFFFC00, v47  }
0x444: {  	v12 =	vand.u32 $0xFFFFFF80, v12;
	v10 =	vor.u32 v45, v10;
	[tilespmem:v52+s8+$0x0] =	vst.idx.msk $0xffff, v11  }
0x445: {  	v1 =	vor.u32 v12, v18;
	v19 =	vor.u32 $0x180, v6;
	[tilespmem:v3+s8+$0x0] =	vst.idx.msk $0xffff, v0  }
0x446: {  	v9 =	vor.u32 $0x380, v1;
	[tilespmem:v7+s8+$0x0] =	vst.idx.msk $0xffff, v5  }
0x447: {  	v44 =	vshll.u32 v4, $0x3;
	v1 =	vand.u32 $0x7F, v4;
	v4 =	vor.u32 $0x300, v55;
	v63 =	vld [tilespmem:$0x1FF70]  }
0x448: {  	s11 =	simm.s32 $0x1000  }
0x449: {  	v18 =	vor.u32 s11, v21;
	v54 =	vld.idx.msk [tilespmem:v10+s5+$0x0], $0xffff  }
0x44a: {  	v14 =	vld.idx.msk [tilespmem:v19+s5+$0x0], $0xffff;
	v19 =	vor.u32 s17, v33  }
0x44b: {  	v53 =	vand.u32 $0xFFFFFC00, v44;
	v3 =	vld.idx.msk [tilespmem:v9+s5+$0x0], $0xffff;
	v5 =	vor.u32 s10, v29  }
0x44c: {  	v11 =	vor.u32 v1, v53;
	v4 =	vld.idx.msk [tilespmem:v4+s5+$0x0], $0xffff;
	v7 =	vor.u32 s18, v63;
	_ =	sdelay $0x1  }
0x44d: {  	v55 =	vor.u32 $0x80, v10;
	[tilespmem:v18+s8+$0x0] =	vst.idx.msk $0xffff, v54  }
0x44e: {  	v20 =	vor.u32 $0x200, v6;
	[tilespmem:v19+s8+$0x0] =	vst.idx.msk $0xffff, v14  }
0x44f: {  	v0 =	vand.u32 $0xFFFFFF80, v15;
	[tilespmem:v5+s8+$0x0] =	vst.idx.msk $0xffff, v3  }
0x450: {  	v0 =	vor.u32 v0, v17;
	v9 =	vadd.s32 s0, v8;
	v56 =	vld.idx.msk [tilespmem:v11+s5+$0x0], $0xffff;
	[tilespmem:v7+s8+$0x0] =	vst.idx.msk $0xffff, v4  }
0x451: {  	v15 =	vor.u32 s9, v16;
	v0 =	vor.u32 $0x380, v0;
	v53 =	vld [tilespmem:$0x1FFA0]  }
0x452: {  	v59 =	vor.u32 s11, v22;
	v17 =	vor.u32 $0x80, v11;
	v12 =	vld.idx.msk [tilespmem:v55+s5+$0x0], $0xffff  }
0x453: {  	v18 =	vor.u32 $0x100, v10;
	v19 =	vld.idx.msk [tilespmem:v20+s5+$0x0], $0xffff;
	v20 =	vor.u32 s17, v34  }
0x454: {  	v60 =	vor.u32 $0x280, v6  }
0x455: {  	v3 =	vld.idx.msk [tilespmem:v9+s23+$0x0], $0xffff  }
0x456: {  	v0 =	vld.idx.msk [tilespmem:v0+s5+$0x0], $0xffff;
	[tilespmem:v15+s8+$0x0] =	vst.idx.msk $0xffff, v56;
	v4 =	vor.u32 s18, v53  }
0x457: {  	v9 =	vor.u32 s9, v38;
	v7 =	vadd.s32 s24, v24;
	[tilespmem:v59+s8+$0x0] =	vst.idx.msk $0xffff, v12;
	v5 =	vld.idx.msk [tilespmem:v17+s5+$0x0], $0xffff  }
0x458: {  	v61 =	vor.u32 s11, v23;
	v46 =	vor.u32 $0x100, v11;
	[tilespmem:v20+s8+$0x0] =	vst.idx.msk $0xffff, v19;
	v12 =	vld.idx.msk [tilespmem:v18+s5+$0x0], $0xffff  }
0x459: {  	v15 =	vld.idx.msk [tilespmem:v60+s5+$0x0], $0xffff;
	v17 =	vor.u32 $0x180, v10;
	v18 =	vor.u32 s17, v35  }
0x45a: {  	v6 =	vor.u32 $0x300, v6;
	v41 =	vshll.u32 v3, $0x3  }
0x45b: {  	v59 =	vand.u32 $0x7F, v3;
	[tilespmem:v4+s8+$0x0] =	vst.idx.msk $0xffff, v0;
	v0 =	vand.u32 $0xFFFFFC00, v41  }
0x45c: {  	[tilespmem:v9+s8+$0x0] =	vst.idx.msk $0xffff, v5;
	v3 =	vld.idx.msk [tilespmem:v7+s23+$0x0], $0xffff;
	v51 =	vor.u32 v59, v0  }
0x45d: {  	[tilespmem:v61+s8+$0x0] =	vst.idx.msk $0xffff, v12;
	v4 =	vor.u32 s9, v39;
	v0 =	vld.idx.msk [tilespmem:v46+s5+$0x0], $0xffff  }
0x45e: {  	v50 =	vor.u32 s11, v25;
	v5 =	vand.u32 $0xFFFFFF80, v42;
	[tilespmem:v18+s8+$0x0] =	vst.idx.msk $0xffff, v15;
	v7 =	vld.idx.msk [tilespmem:v17+s5+$0x0], $0xffff  }
0x45f: {  	v2 =	vor.u32 v5, v2;
	v5 =	vld.idx.msk [tilespmem:v6+s5+$0x0], $0xffff;
	v6 =	vor.u32 $0x200, v10  }
0x460: {  	v52 =	vor.u32 s17, v36;
	v9 =	vor.u32 $0x180, v11  }
0x461: {  	v18 =	vor.u32 s10, v8;
	v54 =	vor.u32 $0x380, v2;
	v42 =	vshll.u32 v3, $0x3;
	v17 =	vld.idx.msk [tilespmem:v51+s5+$0x0], $0xffff  }
0x462: {  	v2 =	vand.u32 $0x7F, v3;
	[tilespmem:v4+s8+$0x0] =	vst.idx.msk $0xffff, v0;
	v0 =	vor.u32 $0x80, v51;
	v3 =	vand.u32 $0xFFFFFC00, v42  }
0x463: {  	[tilespmem:v50+s8+$0x0] =	vst.idx.msk $0xffff, v7;
	v43 =	vor.u32 v2, v3  }
0x464: {  	v7 =	vor.u32 s11, v26;
	v6 =	vld.idx.msk [tilespmem:v6+s5+$0x0], $0xffff  }
0x465: {  	[tilespmem:v52+s8+$0x0] =	vst.idx.msk $0xffff, v5;
	v4 =	vor.u32 s9, v62;
	v3 =	vld.idx.msk [tilespmem:v9+s5+$0x0], $0xffff  }
0x466: {  	s20 =	simm.s32 $0x18B;
	v56 =	vor.u32 s17, v37;
	v9 =	vld.idx.msk [tilespmem:v54+s5+$0x0], $0xffff;
	[tilespmem:v18+s8+$0x0] =	vst.idx.msk $0xffff, v17  }
0x467: {  	v15 =	vadd.s32 s20, v21;
	v17 =	vor.u32 s10, v30;
	v0 =	vld.idx.msk [tilespmem:v0+s5+$0x0], $0xffff  }
0x468: {  	v19 =	vor.u32 s18, v24;
	v18 =	vld.idx.msk [tilespmem:v43+s5+$0x0], $0xffff  }
0x469: {  	[tilespmem:v7+s8+$0x0] =	vst.idx.msk $0xffff, v6  }
0x46a: {  	v55 =	vor.u32 $0x280, v10;
	[tilespmem:v4+s8+$0x0] =	vst.idx.msk $0xffff, v3  }
0x46b: {  	v5 =	vor.u32 $0x200, v11;
	[tilespmem:v56+s8+$0x0] =	vst.idx.msk $0xffff, v9  }
0x46c: {  	v60 =	vld.idx.msk [tilespmem:v15+s23+$0x0], $0xffff;
	v15 =	vadd.s32 s1, v16;
	[tilespmem:v17+s8+$0x0] =	vst.idx.msk $0xffff, v0  }
0x46d: {  	v3 =	vor.u32 $0x100, v51;
	[tilespmem:v19+s8+$0x0] =	vst.idx.msk $0xffff, v18  }
0x46e: {  	v40 =	vmov v57;
	v20 =	vor.u32 $0x80, v43;
	v4 =	vor.u32 s9, v57;
	v57 =	vld [tilespmem:$0x1FEE0]  }
0x46f: {  	v6 =	vld.idx.msk [tilespmem:v55+s5+$0x0], $0xffff  }
0x470: {  	v5 =	vld.idx.msk [tilespmem:v5+s5+$0x0], $0xffff  }
0x471: {  	v7 =	vor.u32 s11, v27;
	v61 =	vld.idx.msk [tilespmem:v15+s23+$0x0], $0xffff  }
0x472: {  	v9 =	vor.u32 $0x280, v11;
	v0 =	vld.idx.msk [tilespmem:v3+s5+$0x0], $0xffff;
	v3 =	vor.u32 s10, v31  }
0x473: {  	v10 =	vor.u32 $0x300, v10;
	v14 =	vld.idx.msk [tilespmem:v20+s5+$0x0], $0xffff;
	v15 =	vor.u32 s18, v57  }
0x474: {  	v49 =	vshll.u32 v60, $0x3  }
0x475: {  	v46 =	vand.u32 $0x7F, v60;
	v54 =	vand.u32 $0xFFFFFC00, v49;
	[tilespmem:v4+s8+$0x0] =	vst.idx.msk $0xffff, v5  }
0x476: {  	v50 =	vor.u32 v46, v54;
	[tilespmem:v7+s8+$0x0] =	vst.idx.msk $0xffff, v6  }
0x477: {  	v4 =	vor.u32 $0x180, v51;
	v7 =	vor.u32 s9, v48;
	v6 =	vld.idx.msk [tilespmem:v9+s5+$0x0], $0xffff;
	[tilespmem:v3+s8+$0x0] =	vst.idx.msk $0xffff, v0  }
0x478: {  	v55 =	vand.u32 $0xFFFFFF80, v47;
	v11 =	vor.u32 $0x300, v11;
	v9 =	vld.idx.msk [tilespmem:v10+s5+$0x0], $0xffff;
	v10 =	vor.u32 s11, v28;
	[tilespmem:v15+s8+$0x0] =	vst.idx.msk $0xffff, v14  }
0x479: {  	v60 =	vor.u32 $0x100, v43;
	v5 =	vor.u32 v55, v45;
	v55 =	vld [tilespmem:$0x1FEF0]  }
0x47a: {  	s2 =	simm.s32 $0x1400  }
0x47b: {  	v17 =	vld.idx.msk [tilespmem:v50+s5+$0x0], $0xffff;
	v18 =	vor.u32 s2, v21  }
0x47c: {  	v3 =	vld.idx.msk [tilespmem:v4+s5+$0x0], $0xffff;
	v4 =	vor.u32 s10, v33;
	[tilespmem:v7+s8+$0x0] =	vst.idx.msk $0xffff, v6  }
0x47d: {  	[tilespmem:v10+s8+$0x0] =	vst.idx.msk $0xffff, v9;
	v9 =	vor.u32 s9, v63;
	v6 =	vld.idx.msk [tilespmem:v11+s5+$0x0], $0xffff  }
0x47e: {  	v54 =	vshll.u32 v61, $0x3;
	v5 =	vor.u32 $0x380, v5;
	v13 =	vld.idx.msk [tilespmem:v60+s5+$0x0], $0xffff;
	v45 =	vor.u32 s18, v55  }
0x47f: {  	v47 =	vand.u32 $0x7F, v61;
	v61 =	vand.u32 $0xFFFFFC00, v54  }
0x480: {  	v52 =	vor.u32 v47, v61;
	[tilespmem:v18+s8+$0x0] =	vst.idx.msk $0xffff, v17  }
0x481: {  	v44 =	vand.u32 $0xFFFFFF80, v44;
	v0 =	vor.u32 $0x80, v50;
	[tilespmem:v4+s8+$0x0] =	vst.idx.msk $0xffff, v3  }
0x482: {  	v1 =	vor.u32 v44, v1;
	v15 =	vor.u32 $0x200, v51;
	[tilespmem:v9+s8+$0x0] =	vst.idx.msk $0xffff, v6  }
0x483: {  	v1 =	vor.u32 $0x380, v1;
	v5 =	vld.idx.msk [tilespmem:v5+s5+$0x0], $0xffff;
	[tilespmem:v45+s8+$0x0] =	vst.idx.msk $0xffff, v13  }
0x484: {  	v7 =	vor.u32 $0x180, v43;
	v10 =	vor.u32 s11, v29;
	v61 =	vld [tilespmem:$0x1FF00]  }
0x485: {  	v17 =	vor.u32 s17, v16;
	v11 =	vld.idx.msk [tilespmem:v52+s5+$0x0], $0xffff  }
0x486: {  	v3 =	vor.u32 s2, v22;
	v0 =	vld.idx.msk [tilespmem:v0+s5+$0x0], $0xffff  }
0x487: {  	v56 =	vld.idx.msk [tilespmem:v15+s5+$0x0], $0xffff;
	v15 =	vor.u32 s10, v34  }
0x488: {  	v9 =	vor.u32 s9, v53;
	v1 =	vld.idx.msk [tilespmem:v1+s5+$0x0], $0xffff  }
0x489: {  	v12 =	vadd.s32 s15, v8;
	v7 =	vld.idx.msk [tilespmem:v7+s5+$0x0], $0xffff;
	[tilespmem:v10+s8+$0x0] =	vst.idx.msk $0xffff, v5;
	v6 =	vor.u32 s18, v61  }
0x48a: {  	[tilespmem:v17+s8+$0x0] =	vst.idx.msk $0xffff, v11  }
0x48b: {  	v4 =	vor.u32 $0x80, v52;
	[tilespmem:v3+s8+$0x0] =	vst.idx.msk $0xffff, v0  }
0x48c: {  	v18 =	vor.u32 $0x280, v51;
	[tilespmem:v15+s8+$0x0] =	vst.idx.msk $0xffff, v56  }
0x48d: {  	v13 =	vor.u32 $0x100, v50;
	[tilespmem:v9+s8+$0x0] =	vst.idx.msk $0xffff, v1  }
0x48e: {  	v11 =	vadd.s32 s26, v24;
	v10 =	vld.idx.msk [tilespmem:v12+s23+$0x0], $0xffff;
	[tilespmem:v6+s8+$0x0] =	vst.idx.msk $0xffff, v7  }
0x48f: {  	v5 =	vor.u32 $0x200, v43;
	v60 =	vld [tilespmem:$0x1FF30]  }
0x490: {  	v0 =	vld.idx.msk [tilespmem:v4+s5+$0x0], $0xffff  }
0x491: {  	v3 =	vor.u32 s17, v38;
	v14 =	vld.idx.msk [tilespmem:v18+s5+$0x0], $0xffff  }
0x492: {  	v45 =	vor.u32 s2, v23;
	v12 =	vor.u32 $0x100, v52;
	v4 =	vld.idx.msk [tilespmem:v13+s5+$0x0], $0xffff  }
0x493: {  	v11 =	vld.idx.msk [tilespmem:v11+s23+$0x0], $0xffff;
	v6 =	vor.u32 $0x180, v50;
	v7 =	vor.u32 s10, v35  }
0x494: {  	v15 =	vor.u32 $0x300, v51;
	v1 =	vshll.u32 v10, $0x3;
	v5 =	vld.idx.msk [tilespmem:v5+s5+$0x0], $0xffff;
	v9 =	vor.u32 s18, v60  }
0x495: {  	v17 =	vor.u32 $0x280, v43;
	v56 =	vand.u32 $0x7F, v10;
	v10 =	vand.u32 $0xFFFFFC00, v1  }
0x496: {  	v51 =	vor.u32 v56, v10;
	[tilespmem:v3+s8+$0x0] =	vst.idx.msk $0xffff, v0  }
0x497: {  	v10 =	vand.u32 $0xFFFFFF80, v41;
	v3 =	vor.u32 s17, v39;
	[tilespmem:v45+s8+$0x0] =	vst.idx.msk $0xffff, v4;
	v0 =	vld.idx.msk [tilespmem:v12+s5+$0x0], $0xffff  }
0x498: {  	s25 =	simm.s32 $0x1DA;
	v10 =	vor.u32 v10, v59;
	v6 =	vld.idx.msk [tilespmem:v6+s5+$0x0], $0xffff;
	[tilespmem:v7+s8+$0x0] =	vst.idx.msk $0xffff, v14  }
0x499: {  	v18 =	vand.u32 $0x7F, v11;
	v12 =	vadd.s32 s25, v21;
	v7 =	vor.u32 s2, v25;
	v59 =	vld.idx.msk [tilespmem:v15+s5+$0x0], $0xffff;
	[tilespmem:v9+s8+$0x0] =	vst.idx.msk $0xffff, v5  }
0x49a: {  	v44 =	vmov v53;
	v4 =	vor.u32 $0x180, v52;
	v9 =	vor.u32 s10, v36;
	v53 =	vld.idx.msk [tilespmem:v17+s5+$0x0], $0xffff;
	[tilespmem:$0x1FC70] =	vst v18  }
0x49b: {  	v5 =	vor.u32 $0x200, v50;
	v17 =	vor.u32 s11, v8;
	v15 =	vld.idx.msk [tilespmem:v51+s5+$0x0], $0xffff  }
0x49c: {  	v41 =	vshll.u32 v11, $0x3;
	v10 =	vor.u32 $0x380, v10;
	[tilespmem:v3+s8+$0x0] =	vst.idx.msk $0xffff, v0;
	v0 =	vor.u32 s18, v58  }
0x49d: {  	v11 =	vand.u32 $0xFFFFFC00, v41  }
0x49e: {  	v45 =	vor.u32 v18, v11;
	v11 =	vld.idx.msk [tilespmem:v12+s23+$0x0], $0xffff;
	[tilespmem:v7+s8+$0x0] =	vst.idx.msk $0xffff, v6  }
0x49f: {  	v3 =	vor.u32 $0x80, v51;
	v4 =	vld.idx.msk [tilespmem:v4+s5+$0x0], $0xffff;
	[tilespmem:v9+s8+$0x0] =	vst.idx.msk $0xffff, v59  }
0x4a0: {  	v6 =	vor.u32 s17, v62;
	v7 =	vor.u32 $0x300, v43;
	v5 =	vld.idx.msk [tilespmem:v5+s5+$0x0], $0xffff;
	[tilespmem:v17+s8+$0x0] =	vst.idx.msk $0xffff, v15  }
0x4a1: {  	v9 =	vor.u32 $0x200, v52;
	v10 =	vld.idx.msk [tilespmem:v10+s5+$0x0], $0xffff;
	[tilespmem:v0+s8+$0x0] =	vst.idx.msk $0xffff, v53  }
0x4a2: {  	v12 =	vor.u32 s2, v26;
	v43 =	vld [tilespmem:$0x1FF50]  }
0x4a3: {  	v18 =	vor.u32 s10, v37;
	v15 =	vld.idx.msk [tilespmem:v45+s5+$0x0], $0xffff  }
0x4a4: {  	v19 =	vor.u32 s9, v24;
	v0 =	vld.idx.msk [tilespmem:v3+s5+$0x0], $0xffff  }
0x4a5: {  	v59 =	vor.u32 $0x280, v50;
	v3 =	vor.u32 s11, v30;
	[tilespmem:v6+s8+$0x0] =	vst.idx.msk $0xffff, v4;
	v4 =	vld.idx.msk [tilespmem:v7+s5+$0x0], $0xffff  }
0x4a6: {  	v20 =	vand.u32 $0xFFFFFF80, v42;
	v17 =	vadd.s32 s0, v16;
	v7 =	vor.u32 s17, v40;
	v9 =	vld.idx.msk [tilespmem:v9+s5+$0x0], $0xffff  }
0x4a7: {  	v2 =	vor.u32 v20, v2;
	v14 =	vor.u32 $0x80, v45;
	[tilespmem:v12+s8+$0x0] =	vst.idx.msk $0xffff, v5;
	v20 =	vor.u32 s18, v43  }
0x4a8: {  	[tilespmem:v18+s8+$0x0] =	vst.idx.msk $0xffff, v10  }
0x4a9: {  	v53 =	vor.u32 $0x380, v2;
	[tilespmem:v19+s8+$0x0] =	vst.idx.msk $0xffff, v15  }
0x4aa: {  	v2 =	vshll.u32 v11, $0x3;
	v6 =	vor.u32 $0x100, v51;
	v12 =	vor.u32 $0x280, v52;
	v5 =	vld.idx.msk [tilespmem:v59+s5+$0x0], $0xffff;
	[tilespmem:v3+s8+$0x0] =	vst.idx.msk $0xffff, v0  }
0x4ab: {  	v10 =	vor.u32 s2, v27;
	v59 =	vand.u32 $0x7F, v11;
	v11 =	vand.u32 $0xFFFFFC00, v2;
	v13 =	vld.idx.msk [tilespmem:v17+s23+$0x0], $0xffff;
	[tilespmem:v7+s8+$0x0] =	vst.idx.msk $0xffff, v9  }
0x4ac: {  	v42 =	vor.u32 v59, v11;
	v0 =	vld.idx.msk [tilespmem:v14+s5+$0x0], $0xffff;
	v3 =	vor.u32 s9, v57;
	[tilespmem:v20+s8+$0x0] =	vst.idx.msk $0xffff, v4  }
0x4ad: {  	v17 =	vld [tilespmem:$0x1FED0]  }
0x4ae: {  	v15 =	vor.u32 $0x300, v50  }
0x4af: {  	v11 =	vor.u32 $0x100, v45;
	v50 =	vand.u32 $0xFFFFFF80, v49;
	v6 =	vld.idx.msk [tilespmem:v6+s5+$0x0], $0xffff;
	v4 =	vor.u32 s11, v31  }
0x4b0: {  	s3 =	simm.s32 $0x1800;
	v19 =	vor.u32 $0x300, v52;
	v14 =	vor.u32 v50, v46;
	[tilespmem:v10+s8+$0x0] =	vst.idx.msk $0xffff, v5;
	v5 =	vld.idx.msk [tilespmem:v12+s5+$0x0], $0xffff;
	v10 =	vor.u32 s17, v48  }
0x4b1: {  	v9 =	vor.u32 $0x180, v51;
	v50 =	vshll.u32 v13, $0x3;
	v20 =	vld.idx.msk [tilespmem:v42+s5+$0x0], $0xffff;
	[tilespmem:v3+s8+$0x0] =	vst.idx.msk $0xffff, v0;
	v3 =	vor.u32 s3, v21  }
0x4b2: {  	v49 =	vand.u32 $0x7F, v13;
	v7 =	vld.idx.msk [tilespmem:v53+s5+$0x0], $0xffff;
	v0 =	vand.u32 $0xFFFFFC00, v50;
	v17 =	vor.u32 s18, v17  }
0x4b3: {  	v40 =	vld.idx.msk [tilespmem:v15+s5+$0x0], $0xffff;
	v15 =	vor.u32 s2, v28;
	v46 =	vor.u32 v49, v0  }
0x4b4: {  	v14 =	vor.u32 $0x380, v14;
	[tilespmem:v4+s8+$0x0] =	vst.idx.msk $0xffff, v6  }
0x4b5: {  	v18 =	vadd.s32 s24, v32;
	v4 =	vld.idx.msk [tilespmem:v11+s5+$0x0], $0xffff;
	[tilespmem:v10+s8+$0x0] =	vst.idx.msk $0xffff, v5  }
0x4b6: {  	v11 =	vor.u32 s9, v55;
	v6 =	vld.idx.msk [tilespmem:v9+s5+$0x0], $0xffff;
	v9 =	vand.u32 $0xFFFFFF80, v54;
	[tilespmem:v3+s8+$0x0] =	vst.idx.msk $0xffff, v20  }
0x4b7: {  	v0 =	vor.u32 $0x80, v42;
	v5 =	vor.u32 v9, v47;
	v9 =	vld.idx.msk [tilespmem:v19+s5+$0x0], $0xffff;
	[tilespmem:v17+s8+$0x0] =	vst.idx.msk $0xffff, v7;
	v7 =	vor.u32 s11, v33  }
0x4b8: {  	v48 =	vor.u32 s17, v63;
	v10 =	vor.u32 $0x180, v45;
	[tilespmem:v15+s8+$0x0] =	vst.idx.msk $0xffff, v40;
	v3 =	vld.idx.msk [tilespmem:v46+s5+$0x0], $0xffff  }
0x4b9: {  	v19 =	vor.u32 s10, v16;
	v14 =	vld.idx.msk [tilespmem:v14+s5+$0x0], $0xffff;
	v5 =	vor.u32 $0x380, v5  }
0x4ba: {  	v15 =	vor.u32 s2, v29;
	v17 =	vor.u32 $0x200, v51;
	v13 =	vld.idx.msk [tilespmem:v18+s23+$0x0], $0xffff  }
0x4bb: {  	[tilespmem:v11+s8+$0x0] =	vst.idx.msk $0xffff, v4;
	v18 =	vadd.s32 s20, v8  }
0x4bc: {  	v0 =	vld.idx.msk [tilespmem:v0+s5+$0x0], $0xffff;
	[tilespmem:v7+s8+$0x0] =	vst.idx.msk $0xffff, v6;
	v6 =	vor.u32 s3, v22;
	v7 =	vor.u32 $0x80, v46  }
0x4bd: {  	v4 =	vor.u32 $0x100, v42;
	v10 =	vld.idx.msk [tilespmem:v10+s5+$0x0], $0xffff;
	[tilespmem:v48+s8+$0x0] =	vst.idx.msk $0xffff, v9;
	v9 =	vor.u32 s9, v61  }
0x4be: {  	v40 =	vor.u32 $0x200, v45;
	v47 =	vor.u32 s17, v44;
	[tilespmem:v19+s8+$0x0] =	vst.idx.msk $0xffff, v3;
	v5 =	vld.idx.msk [tilespmem:v5+s5+$0x0], $0xffff  }
0x4bf: {  	v3 =	vadd.s32 s1, v24;
	[tilespmem:v15+s8+$0x0] =	vst.idx.msk $0xffff, v14;
	v11 =	vld.idx.msk [tilespmem:v17+s5+$0x0], $0xffff;
	v17 =	vor.u32 s11, v34;
	v52 =	vshll.u32 v13, $0x3  }
0x4c0: {  	v20 =	vor.u32 $0x280, v51;
	v48 =	vand.u32 $0x7F, v13;
	v15 =	vld.idx.msk [tilespmem:v18+s23+$0x0], $0xffff;
	v61 =	vand.u32 $0xFFFFFC00, v52  }
0x4c1: {  	v53 =	vor.u32 v48, v61;
	[tilespmem:v6+s8+$0x0] =	vst.idx.msk $0xffff, v0;
	v0 =	vld.idx.msk [tilespmem:v7+s5+$0x0], $0xffff;
	v6 =	vor.u32 s10, v38  }
0x4c2: {  	v55 =	vor.u32 $0x100, v46;
	[tilespmem:v9+s8+$0x0] =	vst.idx.msk $0xffff, v10;
	v7 =	vor.u32 s3, v23;
	v4 =	vld.idx.msk [tilespmem:v4+s5+$0x0], $0xffff  }
0x4c3: {  	v9 =	vor.u32 $0x180, v42;
	v14 =	vld.idx.msk [tilespmem:v40+s5+$0x0], $0xffff;
	[tilespmem:v47+s8+$0x0] =	vst.idx.msk $0xffff, v5  }
0x4c4: {  	v3 =	vld.idx.msk [tilespmem:v3+s23+$0x0], $0xffff;
	[tilespmem:v17+s8+$0x0] =	vst.idx.msk $0xffff, v11;
	v17 =	vor.u32 s9, v60  }
0x4c5: {  	v10 =	vor.u32 s11, v35;
	v11 =	vld.idx.msk [tilespmem:v20+s5+$0x0], $0xffff  }
0x4c6: {  	v20 =	vor.u32 s18, v32;
	v5 =	vld.idx.msk [tilespmem:v53+s5+$0x0], $0xffff;
	[tilespmem:v6+s8+$0x0] =	vst.idx.msk $0xffff, v0  }
0x4c7: {  	v18 =	vor.u32 $0x300, v51;
	v6 =	vor.u32 s10, v39;
	[tilespmem:v7+s8+$0x0] =	vst.idx.msk $0xffff, v4;
	v4 =	vld.idx.msk [tilespmem:v55+s5+$0x0], $0xffff  }
0x4c8: {  	v19 =	vor.u32 $0x280, v45;
	v40 =	vor.u32 s3, v25;
	v9 =	vld.idx.msk [tilespmem:v9+s5+$0x0], $0xffff  }
0x4c9: {  	v13 =	vshll.u32 v15, $0x3;
	[tilespmem:v17+s8+$0x0] =	vst.idx.msk $0xffff, v14  }
0x4ca: {  	v15 =	vand.u32 $0x7F, v15;
	v61 =	vand.u32 $0xFFFFFC00, v13;
	[tilespmem:v10+s8+$0x0] =	vst.idx.msk $0xffff, v11  }
0x4cb: {  	v47 =	vor.u32 v15, v61;
	[tilespmem:v20+s8+$0x0] =	vst.idx.msk $0x7fff, v5  }
0x4cc: {  	v11 =	vld.idx.msk [tilespmem:v18+s5+$0x0], $0xffff;
	v18 =	vshll.u32 v3, $0x3;
	[tilespmem:v6+s8+$0x0] =	vst.idx.msk $0xffff, v4  }
0x4cd: {  	v10 =	vor.u32 $0x180, v46;
	v14 =	vld.idx.msk [tilespmem:v19+s5+$0x0], $0xffff;
	v3 =	vand.u32 $0x7F, v3;
	v19 =	vand.u32 $0xFFFFFC00, v18;
	[tilespmem:v40+s8+$0x0] =	vst.idx.msk $0xffff, v9  }
0x4ce: {  	v0 =	vor.u32 $0x80, v53;
	v7 =	vand.u32 $0xFFFFFF80, v1;
	v61 =	vor.u32 v3, v19;
	v19 =	vld [tilespmem:$0x1FEA0]  }
0x4cf: {  	v17 =	vor.u32 s11, v36;
	v1 =	vor.u32 v7, v56;
	v5 =	vor.u32 $0x200, v42  }
0x4d0: {  	v44 =	vor.u32 s2, v8;
	v1 =	vor.u32 $0x380, v1;
	v20 =	vld.idx.msk [tilespmem:v47+s5+$0x0], $0xffff  }
0x4d1: {  	v4 =	vor.u32 s9, v58  }
0x4d2: {  	v10 =	vld.idx.msk [tilespmem:v10+s5+$0x0], $0xffff;
	v9 =	vor.u32 s10, v62  }
0x4d3: {  	v0 =	vld.idx.msk [tilespmem:v0+s5+$0x0], $0xffff;
	v19 =	vor.u32 s18, v19  }
0x4d4: {  	s7 =	simm.s32 $0x229;
	v5 =	vld.idx.msk [tilespmem:v5+s5+$0x0], $0xffff;
	[tilespmem:v17+s8+$0x0] =	vst.idx.msk $0xffff, v11;
	v17 =	vor.u32 s3, v26  }
0x4d5: {  	v7 =	vadd.s32 s7, v21;
	[tilespmem:v44+s8+$0x0] =	vst.idx.msk $0xffff, v20;
	v20 =	vor.u32 s11, v37;
	v1 =	vld.idx.msk [tilespmem:v1+s5+$0x0], $0xffff  }
0x4d6: {  	v44 =	vld [tilespmem:$0x1FC70];
	[tilespmem:v4+s8+$0x0] =	vst.idx.msk $0xffff, v14  }
0x4d7: {  	[tilespmem:v9+s8+$0x0] =	vst.idx.msk $0xffff, v10  }
0x4d8: {  	v6 =	vor.u32 $0x80, v47;
	[tilespmem:v19+s8+$0x0] =	vst.idx.msk $0x7fff, v0  }
0x4d9: {  	v12 =	vor.u32 $0x300, v45;
	v0 =	vld [tilespmem:$0x1FF60];
	[tilespmem:v17+s8+$0x0] =	vst.idx.msk $0xffff, v5  }
0x4da: {  	v7 =	vld.idx.msk [tilespmem:v7+s23+$0x0], $0xffff;
	v11 =	vor.u32 $0x200, v46;
	[tilespmem:v20+s8+$0x0] =	vst.idx.msk $0xffff, v1  }
0x4db: {  	v45 =	vor.u32 $0x100, v53;
	v1 =	vand.u32 $0xFFFFFF80, v2;
	v2 =	vld [tilespmem:$0x1FF20]  }
0x4dc: {  	v54 =	vld.idx.msk [tilespmem:v61+s5+$0x0], $0xffff;
	v14 =	vor.u32 s17, v24  }
0x4dd: {  	v41 =	vand.u32 $0xFFFFFF80, v41;
	v56 =	vor.u32 s2, v30;
	v4 =	vld.idx.msk [tilespmem:v6+s5+$0x0], $0xffff  }
0x4de: {  	v10 =	vld.idx.msk [tilespmem:v12+s5+$0x0], $0xffff;
	v40 =	vor.u32 v41, v44;
	v41 =	vor.u32 s9, v43  }
0x4df: {  	v51 =	vor.u32 $0x280, v42;
	v11 =	vld.idx.msk [tilespmem:v11+s5+$0x0], $0xffff;
	v0 =	vor.u32 s10, v0  }
0x4e0: {  	v5 =	vor.u32 $0x380, v40;
	v40 =	vld.idx.msk [tilespmem:v45+s5+$0x0], $0xffff;
	v2 =	vor.u32 s18, v2  }
0x4e1: {  	[tilespmem:v14+s8+$0x0] =	vst.idx.msk $0xffff, v54  }
0x4e2: {  	v12 =	vshll.u32 v7, $0x3;
	[tilespmem:v56+s8+$0x0] =	vst.idx.msk $0xffff, v4  }
0x4e3: {  	v9 =	vor.u32 $0x80, v61;
	v7 =	vand.u32 $0x7F, v7;
	v17 =	vand.u32 $0xFFFFFC00, v12;
	[tilespmem:v41+s8+$0x0] =	vst.idx.msk $0xffff, v10  }
0x4e4: {  	v19 =	vor.u32 $0x100, v47;
	v20 =	vor.u32 s3, v27;
	v44 =	vor.u32 v7, v17;
	v17 =	vld.idx.msk [tilespmem:v51+s5+$0x0], $0xffff;
	[tilespmem:v0+s8+$0x0] =	vst.idx.msk $0xffff, v11  }
0x4e5: {  	[tilespmem:v2+s8+$0x0] =	vst.idx.msk $0x7fff, v40  }
0x4e6: {  	v40 =	vld [tilespmem:$0x1FED0];
	_ =	sdelay $0x1  }
0x4e7: {  	v6 =	vadd.s32 s15, v16;
	v4 =	vld.idx.msk [tilespmem:v9+s5+$0x0], $0xffff  }
0x4e8: {  	v9 =	vor.u32 s17, v57;
	v19 =	vld.idx.msk [tilespmem:v19+s5+$0x0], $0xffff;
	[tilespmem:v20+s8+$0x0] =	vst.idx.msk $0xffff, v17  }
0x4e9: {  	v14 =	vor.u32 $0x280, v46;
	v51 =	vor.u32 s2, v31;
	v20 =	vld [tilespmem:$0x1FF90]  }
0x4ea: {  	v42 =	vor.u32 $0x300, v42;
	v5 =	vld.idx.msk [tilespmem:v5+s5+$0x0], $0xffff;
	v40 =	vor.u32 s9, v40;
	_ =	sdelay $0x1  }
0x4eb: {  	v6 =	vld.idx.msk [tilespmem:v6+s23+$0x0], $0xffff  }
0x4ec: {  	[tilespmem:v9+s8+$0x0] =	vst.idx.msk $0xffff, v4  }
0x4ed: {  	v2 =	vor.u32 $0x180, v47;
	v14 =	vld.idx.msk [tilespmem:v14+s5+$0x0], $0xffff;
	[tilespmem:v51+s8+$0x0] =	vst.idx.msk $0xffff, v19;
	v20 =	vor.u32 s10, v20  }
0x4ee: {  	v50 =	vand.u32 $0xFFFFFF80, v50;
	v46 =	vor.u32 $0x300, v46;
	v42 =	vld.idx.msk [tilespmem:v42+s5+$0x0], $0xffff;
	v9 =	vor.u32 s3, v28;
	[tilespmem:v40+s8+$0x0] =	vst.idx.msk $0xffff, v5  }
0x4ef: {  	v45 =	vor.u32 v50, v49;
	v0 =	vor.u32 $0x100, v61;
	v50 =	vld [tilespmem:$0x1FEF0]  }
0x4f0: {  	s4 =	simm.s32 $0x1C00;
	v1 =	vor.u32 v1, v59;
	v4 =	vshll.u32 v6, $0x3  }
0x4f1: {  	v56 =	vor.u32 s4, v21;
	v11 =	vld.idx.msk [tilespmem:v44+s5+$0x0], $0xffff;
	v6 =	vand.u32 $0x7F, v6;
	v19 =	vand.u32 $0xFFFFFC00, v4  }
0x4f2: {  	v17 =	vadd.s32 s26, v32;
	v41 =	vor.u32 v6, v19;
	v19 =	vor.u32 s2, v33;
	v2 =	vld.idx.msk [tilespmem:v2+s5+$0x0], $0xffff;
	[tilespmem:v20+s8+$0x0] =	vst.idx.msk $0xffff, v14  }
0x4f3: {  	v13 =	vand.u32 $0xFFFFFF80, v13;
	v1 =	vor.u32 $0x380, v1;
	[tilespmem:v9+s8+$0x0] =	vst.idx.msk $0xffff, v42;
	v20 =	vor.u32 s10, v63;
	v9 =	vld.idx.msk [tilespmem:v46+s5+$0x0], $0xffff  }
0x4f4: {  	v43 =	vor.u32 v13, v15;
	v0 =	vld.idx.msk [tilespmem:v0+s5+$0x0], $0xffff;
	v5 =	vor.u32 $0x80, v44;
	v13 =	vor.u32 s17, v50;
	_ =	sdelay $0x1  }
0x4f5: {  	[tilespmem:v56+s8+$0x0] =	vst.idx.msk $0xffff, v11  }
0x4f6: {  	v15 =	vld.idx.msk [tilespmem:v17+s23+$0x0], $0xffff;
	[tilespmem:v19+s8+$0x0] =	vst.idx.msk $0xffff, v2  }
0x4f7: {  	v12 =	vand.u32 $0xFFFFFF80, v12;
	v1 =	vld.idx.msk [tilespmem:v1+s5+$0x0], $0xffff;
	[tilespmem:v20+s8+$0x0] =	vst.idx.msk $0xffff, v9  }
0x4f8: {  	v17 =	vand.u32 $0xFFFFFF80, v18;
	v46 =	vor.u32 v12, v7;
	v7 =	vld.idx.msk [tilespmem:v5+s5+$0x0], $0xffff;
	[tilespmem:v13+s8+$0x0] =	vst.idx.msk $0xffff, v0  }
0x4f9: {  	v63 =	vor.u32 v17, v3;
	v3 =	vor.u32 s3, v29;
	v5 =	vld [tilespmem:$0x1FEB0]  }
0x4fa: {  	v54 =	vand.u32 $0xFFFFFF80, v52;
	v52 =	vor.u32 s11, v16;
	v11 =	vld.idx.msk [tilespmem:v41+s5+$0x0], $0xffff  }
0x4fb: {  	v10 =	vor.u32 $0x180, v53;
	v2 =	vor.u32 s4, v22;
	_ =	sdelay $0x1  }
0x4fc: {  	v51 =	vor.u32 $0x200, v47  }
0x4fd: {  	v18 =	vor.u32 $0x180, v61;
	v9 =	vor.u32 s18, v5;
	v5 =	vld [tilespmem:$0x1FF00];
	[tilespmem:v3+s8+$0x0] =	vst.idx.msk $0xffff, v1  }
0x4fe: {  	v55 =	vor.u32 s10, v60;
	v58 =	vor.u32 s2, v60;
	v17 =	vor.u32 $0x380, v45;
	[tilespmem:v52+s8+$0x0] =	vst.idx.msk $0xffff, v11  }
0x4ff: {  	v62 =	vor.u32 s17, v60;
	v59 =	vor.u32 s11, v60;
	v10 =	vld.idx.msk [tilespmem:v10+s5+$0x0], $0xffff;
	v56 =	vor.u32 $0x80, v41;
	[tilespmem:v2+s8+$0x0] =	vst.idx.msk $0xffff, v7  }
0x500: {  	v57 =	vor.u32 s3, v60;
	v54 =	vor.u32 v54, v48;
	v0 =	vor.u32 $0x100, v44;
	v2 =	vld [tilespmem:$0x1FFA0]  }
0x501: {  	v4 =	vand.u32 $0xFFFFFF80, v4;
	v40 =	vadd.s32 s25, v8;
	v14 =	vor.u32 s2, v34;
	v13 =	vld.idx.msk [tilespmem:v51+s5+$0x0], $0xffff  }
0x502: {  	v19 =	vor.u32 $0x280, v47;
	v42 =	vor.u32 v4, v6;
	v18 =	vld.idx.msk [tilespmem:v18+s5+$0x0], $0xffff;
	v20 =	vor.u32 s17, v5  }
0x503: {  	v45 =	vor.u32 $0x300, v47;
	v47 =	vor.u32 $0x200, v53;
	v49 =	vld.idx.msk [tilespmem:v17+s5+$0x0], $0xffff;
	v17 =	vor.u32 $0x200, v61  }
0x504: {  	v4 =	vand.u32 $0x7F, v15;
	v51 =	vadd.s32 s0, v24;
	v1 =	vshll.u32 v15, $0x3;
	v52 =	vld.idx.msk [tilespmem:v56+s5+$0x0], $0xffff  }
0x505: {  	v7 =	vor.u32 s4, v23;
	v3 =	vand.u32 $0xFFFFFC00, v1;
	v6 =	vld.idx.msk [tilespmem:v0+s5+$0x0], $0xffff;
	v50 =	vor.u32 s10, v2  }
0x506: {  	s26 =	sor.u32 $0x1, s13;
	v1 =	vand.u32 $0xFFFFFF80, v1;
	s14 =	rddreg [dreg:$0x9];
	[tilespmem:v14+s8+$0x0] =	vst.idx.msk $0xffff, v13;
	v5 =	vld.idx.msk [tilespmem:v40+s23+$0x0], $0xffff;
	v40 =	vor.u32 s4, v60;
	v60 =	vor.u32 v4, v3  }
0x507: {  	s22 =	simm.s32 $0x278;
	v23 =	vlaneseq.u32;
	s19 =	sor.u32 s14, s26;
	v56 =	vor.u32 v1, v4;
	v1 =	vor.u32 s11, v38;
	v3 =	vld.idx.msk [tilespmem:v19+s5+$0x0], $0xffff;
	[tilespmem:v20+s8+$0x0] =	vst.idx.msk $0xffff, v18  }
0x508: {  	s31 =	sand.u32 $0x1F, s26;
	s14 =	simm.s32 $0x8;
	s16 =	sshrl.u32 s19, $0x5;
	[tilespmem:v9+s8+$0x0] =	vst.idx.msk $0x7fff, v10;
	v9 =	vor.u32 $0x180, v44;
	v4 =	vor.u32 s2, v35;
	v2 =	vor.u32 $0x100, v41;
	v48 =	vld.idx.msk [tilespmem:v17+s5+$0x0], $0xffff  }
.LBB2_5:
0x509: {  	_ = 	snop  }
0x50a: {  	[tilespmem:v50+s8+$0x0] =	vst.idx.msk $0xffff, v49;
	v11 =	vld [tilespmem:$0x1FE90]  }
0x50b: {  	v10 =	vld.idx.msk [tilespmem:v60+s5+$0x0], $0xffff  }
0x50c: {  	v12 =	vshll.u32 v5, $0x3;
	v14 =	vor.u32 $0x280, v61;
	v13 =	vld.idx.msk [tilespmem:v51+s23+$0x0], $0xffff;
	[tilespmem:v1+s8+$0x0] =	vst.idx.msk $0xffff, v52  }
0x50d: {  	v15 =	vor.u32 s9, v32;
	v5 =	vand.u32 $0x7F, v5;
	v17 =	vand.u32 $0xFFFFFC00, v12;
	v18 =	vld.idx.msk [tilespmem:v47+s5+$0x0], $0xffff  }
0x50e: {  	v1 =	vor.u32 $0x80, v60;
	[tilespmem:v7+s8+$0x0] =	vst.idx.msk $0xffff, v6;
	v47 =	vor.u32 v5, v17;
	v17 =	vld [tilespmem:$0x1FF40]  }
0x50f: {  	v2 =	vld.idx.msk [tilespmem:v2+s5+$0x0], $0xffff;
	v11 =	vor.u32 s18, v11  }
0x510: {  	v7 =	vor.u32 s11, v39;
	v9 =	vld.idx.msk [tilespmem:v9+s5+$0x0], $0xffff;
	[tilespmem:v4+s8+$0x0] =	vst.idx.msk $0xffff, v3  }
0x511: {  	v6 =	vand.u32 $0xFFFFFF80, v12;
	v3 =	vor.u32 $0x280, v53;
	v4 =	vld.idx.msk [tilespmem:v45+s5+$0x0], $0xffff;
	[tilespmem:v62+s8+$0x0] =	vst.idx.msk $0xffff, v48  }
0x512: {  	v5 =	vor.u32 v6, v5;
	v6 =	vor.u32 $0x180, v41;
	v14 =	vld.idx.msk [tilespmem:v14+s5+$0x0], $0xffff;
	[tilespmem:v15+s8+$0x0] =	vst.idx.msk $0x7fff, v10  }
0x513: {  	v0 =	vadd.s32 s22, v23;
	v1 =	vld.idx.msk [tilespmem:v1+s5+$0x0], $0xffff  }
0x514: {  	v12 =	vor.u32 s4, v25;
	v51 =	vor.u32 $0x300, v47;
	v20 =	vld.idx.msk [tilespmem:v47+s5+$0x0], $0xffff;
	[tilespmem:v11+s8+$0x0] =	vst.idx.msk $0x7fff, v18  }
0x515: {  	v45 =	vmov v51;
	v51 =	vld [tilespmem:$0x1FEA0];
	v10 =	vor.u32 $0x200, v44;
	[tilespmem:v7+s8+$0x0] =	vst.idx.msk $0xffff, v2  }
0x516: {  	v15 =	vor.u32 s2, v36;
	v3 =	vld.idx.msk [tilespmem:v3+s5+$0x0], $0xffff  }
0x517: {  	v6 =	vld.idx.msk [tilespmem:v6+s5+$0x0], $0xffff  }
0x518: {  	v0 =	vld.idx.msk [tilespmem:v0+s23+$0x0], $0xffff  }
0x519: {  	v62 =	vmov v55;
	v55 =	vmov v59;
	v59 =	vmov v58;
	[tilespmem:v12+s8+$0x0] =	vst.idx.msk $0xffff, v9;
	v9 =	vld [tilespmem:$0x1FF80]  }
0x51a: {  	v58 =	vmovc v57;
	v57 =	vmovc v40;
	v40 =	vor.u32 $0x380, v43;
	v19 =	vshll.u32 v13, $0x3;
	v17 =	vor.u32 s17, v17;
	v10 =	vld.idx.msk [tilespmem:v10+s5+$0x0], $0xffff  }
0x51b: {  	v43 =	vmovc v5;
	v5 =	vor.u32 s3, v8;
	v13 =	vand.u32 $0x7F, v13;
	v52 =	vand.u32 $0xFFFFFC00, v19;
	[tilespmem:v15+s8+$0x0] =	vst.idx.msk $0xffff, v4;
	v15 =	vld [tilespmem:$0x1FEC0]  }
0x51c: {  	v2 =	vand.u32 $0xFFFFFF80, v19;
	v7 =	vor.u32 v13, v52  }
0x51d: {  	v11 =	vor.u32 $0x80, v47;
	v2 =	vor.u32 v2, v13;
	v13 =	vor.u32 s9, v51  }
0x51e: {  	v9 =	vor.u32 s11, v9  }
0x51f: {  	v52 =	vor.u32 $0x300, v61;
	v19 =	vld.idx.msk [tilespmem:v40+s5+$0x0], $0xffff;
	[tilespmem:v17+s8+$0x0] =	vst.idx.msk $0xffff, v14  }
0x520: {  	v21 =	vld [tilespmem:$0x1FF50];
	v4 =	vor.u32 $0x200, v41;
	[tilespmem:v5+s8+$0x0] =	vst.idx.msk $0xffff, v20;
	v15 =	vor.u32 s18, v15  }
0x521: {  	v18 =	vor.u32 s4, v26;
	v61 =	vmov v7;
	v7 =	vld.idx.msk [tilespmem:v7+s5+$0x0], $0xffff  }
0x522: {  	v14 =	vor.u32 $0x100, v60;
	v11 =	vld.idx.msk [tilespmem:v11+s5+$0x0], $0xffff;
	[tilespmem:v13+s8+$0x0] =	vst.idx.msk $0x7fff, v1  }
0x523: {  	v17 =	vor.u32 $0x280, v44;
	v5 =	vor.u32 s2, v37;
	[tilespmem:v9+s8+$0x0] =	vst.idx.msk $0xffff, v6;
	v6 =	vld [tilespmem:$0x1FF60]  }
0x524: {  	v48 =	vor.u32 s10, v24;
	v40 =	vadd.s32 s20, v16;
	v12 =	vld.idx.msk [tilespmem:v52+s5+$0x0], $0xffff  }
0x525: {  	v50 =	vor.u32 $0x100, v47;
	v49 =	vor.u32 s17, v21;
	v1 =	vor.u32 s3, v30;
	v4 =	vld.idx.msk [tilespmem:v4+s5+$0x0], $0xffff;
	[tilespmem:v15+s8+$0x0] =	vst.idx.msk $0x7fff, v3  }
0x526: {  	v51 =	vor.u32 $0x380, v63;
	v20 =	vld [tilespmem:$0x1FF20];
	v13 =	vshll.u32 v0, $0x3;
	v0 =	vand.u32 $0x7F, v0;
	[tilespmem:v18+s8+$0x0] =	vst.idx.msk $0xffff, v10  }
0x527: {  	v63 =	vmovc v2;
	v2 =	vand.u32 $0xFFFFFF80, v13;
	v9 =	vor.u32 $0x80, v61;
	v3 =	vand.u32 $0xFFFFFC00, v13;
	v10 =	vld.idx.msk [tilespmem:v14+s5+$0x0], $0xffff  }
0x528: {  	v3 =	vor.u32 v0, v3;
	v0 =	vor.u32 v2, v0;
	v2 =	vld.idx.msk [tilespmem:v17+s5+$0x0], $0xffff;
	[tilespmem:v5+s8+$0x0] =	vst.idx.msk $0xffff, v19  }
0x529: {  	v13 =	vld.idx.msk [tilespmem:v40+s23+$0x0], $0xffff;
	[tilespmem:v48+s8+$0x0] =	vst.idx.msk $0xffff, v7;
	v6 =	vor.u32 s11, v6  }
0x52a: {  	[tilespmem:v1+s8+$0x0] =	vst.idx.msk $0xffff, v11;
	v11 =	vld [tilespmem:$0x1FEE0]  }
0x52b: {  	v20 =	vor.u32 s9, v20;
	v17 =	vld [tilespmem:$0x1FEB0]  }
0x52c: {  	v5 =	vor.u32 s4, v27;
	v1 =	vld.idx.msk [tilespmem:v9+s5+$0x0], $0xffff  }
0x52d: {  	v9 =	vld.idx.msk [tilespmem:v50+s5+$0x0], $0xffff;
	[tilespmem:v49+s8+$0x0] =	vst.idx.msk $0xffff, v12  }
0x52e: {  	v19 =	vld [tilespmem:$0x1FED0];
	v40 =	vor.u32 $0x280, v41;
	[tilespmem:v6+s8+$0x0] =	vst.idx.msk $0xffff, v4  }
0x52f: {  	v7 =	vor.u32 $0x300, v44;
	v11 =	vor.u32 s10, v11;
	v6 =	vld.idx.msk [tilespmem:v51+s5+$0x0], $0xffff  }
0x530: {  	v15 =	vor.u32 s3, v31;
	v44 =	vmov v3;
	v12 =	vor.u32 $0x180, v60;
	v3 =	vld.idx.msk [tilespmem:v3+s5+$0x0], $0xffff;
	[tilespmem:v20+s8+$0x0] =	vst.idx.msk $0x7fff, v10  }
0x531: {  	v4 =	vor.u32 $0x100, v61;
	[tilespmem:v5+s8+$0x0] =	vst.idx.msk $0xffff, v2;
	v5 =	vld [tilespmem:$0x1FF90]  }
0x532: {  	s24 =	smov.u32 s14;
	v18 =	vor.u32 $0x180, v47;
	v14 =	vor.u32 $0x300, v53;
	v53 =	vmovc v60;
	v60 =	vor.u32 $0x300, v41;
	v41 =	vld [tilespmem:$0x1FF30]  }
0x533: {  	s24 =	sshll.u32 s24, $0xA;
	v19 =	vor.u32 s17, v19;
	v2 =	vld.idx.msk [tilespmem:v40+s5+$0x0], $0xffff  }
0x534: {  	v10 =	vor.u32 s24, v23;
	v7 =	vld.idx.msk [tilespmem:v7+s5+$0x0], $0xffff;
	[tilespmem:v11+s8+$0x0] =	vst.idx.msk $0xffff, v1  }
0x535: {  	v48 =	vadd.s32 s1, v32;
	v1 =	vld.idx.msk [tilespmem:v12+s5+$0x0], $0xffff;
	[tilespmem:v15+s8+$0x0] =	vst.idx.msk $0xffff, v9  }
0x536: {  	v49 =	vand.u32 $0x7F, v13;
	v13 =	vshll.u32 v13, $0x3;
	v5 =	vor.u32 s11, v5;
	v4 =	vld.idx.msk [tilespmem:v4+s5+$0x0], $0xffff  }
0x537: {  	v9 =	vand.u32 $0xFFFFFC00, v13;
	v51 =	vld.idx.msk [tilespmem:v18+s5+$0x0], $0xffff  }
0x538: {  	v40 =	vor.u32 s24, v41;
	v41 =	vor.u32 v49, v9;
	v9 =	vld [tilespmem:$0x1FEF0];
	[tilespmem:v19+s8+$0x0] =	vst.idx.msk $0xffff, v6  }
0x539: {  	[tilespmem:v10+s8+$0x0] =	vst.idx.msk $0xffff, v3  }
0x53a: {  	v20 =	vor.u32 $0x380, v46;
	v46 =	vmov v0;
	v0 =	vor.u32 s4, v28;
	v6 =	vld.idx.msk [tilespmem:v48+s23+$0x0], $0xffff  }
0x53b: {  	[tilespmem:v5+s8+$0x0] =	vst.idx.msk $0xffff, v2;
	v5 =	vld [tilespmem:$0x1FF10]  }
0x53c: {  	v17 =	vor.u32 s9, v17;
	v18 =	vld [tilespmem:$0x1FF70]  }
0x53d: {  	v9 =	vor.u32 s10, v9  }
0x53e: {  	v11 =	vor.u32 $0x80, v44;
	v3 =	vor.u32 s3, v33  }
0x53f: {  	v10 =	vor.u32 $0x200, v47;
	v2 =	vld.idx.msk [tilespmem:v14+s5+$0x0], $0xffff;
	[tilespmem:v0+s8+$0x0] =	vst.idx.msk $0xffff, v7  }
0x540: {  	v7 =	vor.u32 $0x180, v61;
	v0 =	vld.idx.msk [tilespmem:v60+s5+$0x0], $0xffff;
	v5 =	vor.u32 s18, v5  }
0x541: {  	v18 =	vor.u32 s11, v18;
	v15 =	vld.idx.msk [tilespmem:v20+s5+$0x0], $0xffff;
	[tilespmem:v17+s8+$0x0] =	vst.idx.msk $0x7fff, v1  }
0x542: {  	v17 =	vld.idx.msk [tilespmem:v41+s5+$0x0], $0xffff;
	[tilespmem:v9+s8+$0x0] =	vst.idx.msk $0xffff, v4  }
0x543: {  	v4 =	vld.idx.msk [tilespmem:v11+s5+$0x0], $0xffff;
	[tilespmem:v3+s8+$0x0] =	vst.idx.msk $0xffff, v51  }
0x544: {  	v10 =	vld.idx.msk [tilespmem:v10+s5+$0x0], $0xffff  }
0x545: {  	v21 =	vld.idx.msk [tilespmem:v7+s5+$0x0], $0xffff;
	[tilespmem:v5+s8+$0x0] =	vst.idx.msk $0x7fff, v2  }
0x546: {  	[tilespmem:v18+s8+$0x0] =	vst.idx.msk $0xffff, v0;
	v0 =	vld [tilespmem:$0x1FFA0];
	_ =	sdelay $0x1  }
0x547: {  	s1 =	smov.u32 s0;
	s0 =	smov.u32 s15;
	v60 =	vor.u32 $0x380, v54;
	v1 =	vor.u32 s4, v29;
	v51 =	vld [tilespmem:$0x1FFC0]  }
0x548: {  	s15 =	smov.u32 s20;
	s20 =	smov.u32 s25;
	s25 =	smov.u32 s7;
	v19 =	vor.u32 $0x380, v42  }
0x549: {  	v11 =	vadd.s32 s25, v8;
	v2 =	vld [tilespmem:$0x1FE80]  }
0x54a: {  	v52 =	vand.u32 $0xFFFFFF80, v13;
	v3 =	vor.u32 s2, v16;
	v50 =	vor.u32 s11, v0;
	v0 =	vld [tilespmem:$0x1FF00]  }
0x54b: {  	v12 =	vor.u32 v52, v49  }
0x54c: {  	v42 =	vmov v12;
	v12 =	vor.u32 s24, v51;
	v14 =	vld.idx.msk [tilespmem:v60+s5+$0x0], $0xffff;
	[tilespmem:v1+s8+$0x0] =	vst.idx.msk $0xffff, v15  }
0x54d: {  	v52 =	vor.u32 $0x80, v41;
	v49 =	vld.idx.msk [tilespmem:v19+s5+$0x0], $0xffff  }
0x54e: {  	v48 =	vor.u32 s3, v34;
	v9 =	vor.u32 $0x100, v44;
	v5 =	vld.idx.msk [tilespmem:v11+s23+$0x0], $0xffff;
	v22 =	vor.u32 s18, v2;
	s18 =	smov.u32 s9;
	s9 =	smov.u32 s17;
	s17 =	smov.u32 s10  }
0x54f: {  	[tilespmem:v3+s8+$0x0] =	vst.idx.msk $0xffff, v17;
	v3 =	vld [tilespmem:$0x1FFB0];
	v2 =	vor.u32 $0x280, v47;
	v0 =	vor.u32 s17, v0  }
0x550: {  	p0 =	sne.s32 s14, $0x14;
	v20 =	vshll.u32 v6, $0x3;
	v15 =	vor.u32 $0x200, v61  }
.Ltmp1:
0x551: {  	v7 =	vand.u32 $0xFFFFFC00, v20;
	[tilespmem:v12+s8+$0x0] =	vst.idx.msk $0xffff, v4;
	(pc) =	sbr.rel @p0 .LBB2_5-.Ltmp1, $4  }
0x552: {  	v54 =	vmovc v56;
	v51 =	vadd.s32 s0, v24;
	v1 =	vand.u32 $0x7F, v6;
	v6 =	vand.u32 $0xFFFFFF80, v20;
	s10 =	smov.u32 s11;
	s11 =	smov.u32 s2;
	v52 =	vld.idx.msk [tilespmem:v52+s5+$0x0], $0xffff  }
0x553: {  	v60 =	vor.u32 v1, v7;
	v56 =	vor.u32 v6, v1;
	s2 =	smov.u32 s3;
	s3 =	smov.u32 s4;
	s4 =	smov.u32 s24;
	v6 =	vld.idx.msk [tilespmem:v9+s5+$0x0], $0xffff;
	[tilespmem:v48+s8+$0x0] =	vst.idx.msk $0xffff, v10  }
0x554: {  	v47 =	vor.u32 $0x200, v53;
	v1 =	vor.u32 s11, v38;
	v7 =	vor.u32 s4, v3;
	v3 =	vld.idx.msk [tilespmem:v2+s5+$0x0], $0xffff;
	[tilespmem:v0+s8+$0x0] =	vst.idx.msk $0xffff, v21  }
0x555: {  	s14 =	sadd.s32 $0x1, s14;
	s7 =	smov.u32 s22;
	s22 =	sadd.s32 $0x4F, s22;
	v9 =	vor.u32 $0x180, v44;
	v4 =	vor.u32 s2, v35;
	v2 =	vor.u32 $0x100, v41;
	v48 =	vld.idx.msk [tilespmem:v15+s5+$0x0], $0xffff;
	[tilespmem:v22+s8+$0x0] =	vst.idx.msk $0x7fff, v14  }
0x556: {  	_ =	sdelay $0x3  }
0x557: {  	[tilespmem:v7+s8+$0x0] =	vst.idx.msk $0xffff, v6  }
0x558: {  	v6 =	vor.u32 s4, v25;
	v0 =	vld.idx.msk [tilespmem:v9+s5+$0x0], $0xffff  }
0x559: {  	v7 =	vor.u32 $0x200, v44;
	_ =	sdelay $0x3  }
0x55a: {  	[tilespmem:v6+s8+$0x0] =	vst.idx.msk $0xffff, v0  }
0x55b: {  	v6 =	vor.u32 s4, v26;
	v0 =	vld.idx.msk [tilespmem:v7+s5+$0x0], $0xffff  }
0x55c: {  	v7 =	vor.u32 $0x280, v44;
	_ =	sdelay $0x3  }
0x55d: {  	[tilespmem:v6+s8+$0x0] =	vst.idx.msk $0xffff, v0  }
0x55e: {  	v6 =	vor.u32 s4, v27;
	v0 =	vld.idx.msk [tilespmem:v7+s5+$0x0], $0xffff  }
0x55f: {  	v7 =	vor.u32 $0x300, v44;
	_ =	sdelay $0x3  }
0x560: {  	[tilespmem:v6+s8+$0x0] =	vst.idx.msk $0xffff, v0  }
0x561: {  	v6 =	vor.u32 s4, v28;
	v0 =	vld.idx.msk [tilespmem:v7+s5+$0x0], $0xffff  }
0x562: {  	v7 =	vor.u32 $0x380, v46;
	_ =	sdelay $0x3  }
0x563: {  	[tilespmem:v6+s8+$0x0] =	vst.idx.msk $0xffff, v0  }
0x564: {  	v6 =	vor.u32 s4, v29;
	v0 =	vld.idx.msk [tilespmem:v7+s5+$0x0], $0xffff  }
0x565: {  	v7 =	vadd.s32 s7, v8;
	_ =	sdelay $0x3  }
0x566: {  	[tilespmem:v6+s8+$0x0] =	vst.idx.msk $0xffff, v0  }
0x567: {  	v0 =	vld.idx.msk [tilespmem:v7+s23+$0x0], $0xffff;
	_ =	sdelay $0x3  }
0x568: {  	v6 =	vshll.u32 v5, $0x3  }
0x569: {  	v46 =	vand.u32 $0x7F, v5;
	v7 =	vand.u32 $0xFFFFFC00, v6;
	v9 =	vshll.u32 v0, $0x3  }
0x56a: {  	v7 =	vor.u32 v46, v7;
	v0 =	vand.u32 $0x7F, v0;
	v10 =	vand.u32 $0xFFFFFC00, v9  }
0x56b: {  	v10 =	vor.u32 v0, v10;
	_ =	sdelay $0x3  }
0x56c: {  	v12 =	vor.u32 s3, v8;
	v11 =	vld.idx.msk [tilespmem:v7+s5+$0x0], $0xffff  }
0x56d: {  	v15 =	vor.u32 s4, v8;
	v13 =	vor.u32 $0x80, v7;
	v14 =	vld.idx.msk [tilespmem:v10+s5+$0x0], $0xffff  }
0x56e: {  	v17 =	vor.u32 $0x80, v10;
	_ =	sdelay $0x2  }
0x56f: {  	[tilespmem:v12+s8+$0x0] =	vst.idx.msk $0xffff, v11  }
0x570: {  	v12 =	vor.u32 s3, v30;
	v11 =	vld.idx.msk [tilespmem:v13+s5+$0x0], $0xffff;
	[tilespmem:v15+s8+$0x0] =	vst.idx.msk $0xffff, v14  }
0x571: {  	v13 =	vor.u32 $0x100, v7;
	v15 =	vor.u32 s4, v30;
	v14 =	vld.idx.msk [tilespmem:v17+s5+$0x0], $0xffff  }
0x572: {  	v17 =	vor.u32 $0x100, v10;
	_ =	sdelay $0x2  }
0x573: {  	[tilespmem:v12+s8+$0x0] =	vst.idx.msk $0xffff, v11  }
0x574: {  	v12 =	vor.u32 s3, v31;
	v11 =	vld.idx.msk [tilespmem:v13+s5+$0x0], $0xffff;
	[tilespmem:v15+s8+$0x0] =	vst.idx.msk $0xffff, v14  }
0x575: {  	v13 =	vor.u32 $0x180, v7;
	v15 =	vor.u32 s4, v31;
	v14 =	vld.idx.msk [tilespmem:v17+s5+$0x0], $0xffff  }
0x576: {  	v17 =	vor.u32 $0x180, v10;
	_ =	sdelay $0x2  }
0x577: {  	[tilespmem:v12+s8+$0x0] =	vst.idx.msk $0xffff, v11  }
0x578: {  	v12 =	vor.u32 s3, v33;
	v11 =	vld.idx.msk [tilespmem:v13+s5+$0x0], $0xffff;
	[tilespmem:v15+s8+$0x0] =	vst.idx.msk $0xffff, v14  }
0x579: {  	v13 =	vor.u32 $0x200, v7;
	v15 =	vor.u32 s4, v33;
	v14 =	vld.idx.msk [tilespmem:v17+s5+$0x0], $0xffff  }
0x57a: {  	v17 =	vor.u32 $0x200, v10;
	_ =	sdelay $0x2  }
0x57b: {  	[tilespmem:v12+s8+$0x0] =	vst.idx.msk $0xffff, v11  }
0x57c: {  	v12 =	vor.u32 s3, v34;
	v11 =	vld.idx.msk [tilespmem:v13+s5+$0x0], $0xffff;
	[tilespmem:v15+s8+$0x0] =	vst.idx.msk $0xffff, v14  }
0x57d: {  	v13 =	vor.u32 $0x280, v7;
	v15 =	vor.u32 s4, v34;
	v14 =	vld.idx.msk [tilespmem:v17+s5+$0x0], $0xffff  }
0x57e: {  	v17 =	vor.u32 $0x280, v10;
	_ =	sdelay $0x2  }
0x57f: {  	[tilespmem:v12+s8+$0x0] =	vst.idx.msk $0xffff, v11  }
0x580: {  	v12 =	vor.u32 s3, v35;
	v11 =	vld.idx.msk [tilespmem:v13+s5+$0x0], $0xffff;
	[tilespmem:v15+s8+$0x0] =	vst.idx.msk $0xffff, v14  }
0x581: {  	v7 =	vor.u32 $0x300, v7;
	v14 =	vor.u32 s4, v35;
	v13 =	vld.idx.msk [tilespmem:v17+s5+$0x0], $0xffff  }
0x582: {  	v10 =	vor.u32 $0x300, v10  }
0x583: {  	[tilespmem:v4+s8+$0x0] =	vst.idx.msk $0xffff, v3  }
0x584: {  	v3 =	vld.idx.msk [tilespmem:v45+s5+$0x0], $0xffff;
	v33 =	vor.u32 s2, v36  }
0x585: {  	v6 =	vand.u32 $0xFFFFFF80, v6;
	v15 =	vor.u32 $0x380, v43;
	[tilespmem:v12+s8+$0x0] =	vst.idx.msk $0xffff, v11  }
0x586: {  	v5 =	vor.u32 v6, v46;
	v6 =	vand.u32 $0xFFFFFF80, v9;
	v9 =	vor.u32 s3, v36;
	v7 =	vld.idx.msk [tilespmem:v7+s5+$0x0], $0xffff;
	[tilespmem:v14+s8+$0x0] =	vst.idx.msk $0xffff, v13  }
0x587: {  	v5 =	vor.u32 $0x380, v5;
	v0 =	vor.u32 v6, v0;
	v6 =	vld.idx.msk [tilespmem:v10+s5+$0x0], $0xffff;
	v10 =	vor.u32 s4, v36  }
0x588: {  	v0 =	vor.u32 $0x380, v0  }
0x589: {  	[tilespmem:v33+s8+$0x0] =	vst.idx.msk $0xffff, v3  }
0x58a: {  	v43 =	vor.u32 s2, v37;
	v3 =	vld.idx.msk [tilespmem:v15+s5+$0x0], $0xffff  }
0x58b: {  	v11 =	vadd.s32 s20, v16;
	[tilespmem:v9+s8+$0x0] =	vst.idx.msk $0xffff, v7  }
0x58c: {  	v7 =	vor.u32 s3, v37;
	v5 =	vld.idx.msk [tilespmem:v5+s5+$0x0], $0xffff;
	[tilespmem:v10+s8+$0x0] =	vst.idx.msk $0xffff, v6  }
0x58d: {  	v9 =	vor.u32 s4, v37;
	v6 =	vadd.s32 s25, v16;
	v0 =	vld.idx.msk [tilespmem:v0+s5+$0x0], $0xffff  }
0x58e: {  	v10 =	vadd.s32 s7, v16  }
0x58f: {  	[tilespmem:v43+s8+$0x0] =	vst.idx.msk $0xffff, v3  }
0x590: {  	v3 =	vld.idx.msk [tilespmem:v11+s23+$0x0], $0xffff  }
0x591: {  	[tilespmem:v7+s8+$0x0] =	vst.idx.msk $0xffff, v5  }
0x592: {  	v44 =	vld.idx.msk [tilespmem:v6+s23+$0x0], $0xffff;
	[tilespmem:v9+s8+$0x0] =	vst.idx.msk $0xffff, v0  }
0x593: {  	v0 =	vld.idx.msk [tilespmem:v10+s23+$0x0], $0xffff;
	_ =	sdelay $0x1  }
0x594: {  	v45 =	vshll.u32 v3, $0x3  }
0x595: {  	v3 =	vand.u32 $0x7F, v3;
	v6 =	vand.u32 $0xFFFFFC00, v45  }
0x596: {  	v6 =	vor.u32 v3, v6;
	v7 =	vshll.u32 v44, $0x3  }
0x597: {  	v4 =	vand.u32 $0x7F, v44;
	v9 =	vand.u32 $0xFFFFFC00, v7;
	v10 =	vshll.u32 v0, $0x3  }
0x598: {  	v9 =	vor.u32 v4, v9;
	v0 =	vand.u32 $0x7F, v0;
	v11 =	vand.u32 $0xFFFFFC00, v10  }
0x599: {  	v11 =	vor.u32 v0, v11;
	_ =	sdelay $0x2  }
0x59a: {  	v13 =	vor.u32 s2, v16;
	v12 =	vld.idx.msk [tilespmem:v6+s5+$0x0], $0xffff  }
0x59b: {  	v17 =	vor.u32 s3, v16;
	v14 =	vor.u32 $0x80, v6;
	v15 =	vld.idx.msk [tilespmem:v9+s5+$0x0], $0xffff  }
0x59c: {  	v20 =	vor.u32 s4, v16;
	v18 =	vor.u32 $0x80, v9;
	v19 =	vld.idx.msk [tilespmem:v11+s5+$0x0], $0xffff  }
0x59d: {  	v21 =	vor.u32 $0x80, v11;
	_ =	sdelay $0x1  }
0x59e: {  	[tilespmem:v13+s8+$0x0] =	vst.idx.msk $0xffff, v12  }
0x59f: {  	v13 =	vor.u32 s2, v38;
	v12 =	vld.idx.msk [tilespmem:v14+s5+$0x0], $0xffff;
	[tilespmem:v17+s8+$0x0] =	vst.idx.msk $0xffff, v15  }
0x5a0: {  	v17 =	vor.u32 s3, v38;
	v15 =	vld.idx.msk [tilespmem:v18+s5+$0x0], $0xffff;
	[tilespmem:v20+s8+$0x0] =	vst.idx.msk $0xffff, v19  }
0x5a1: {  	[tilespmem:v1+s8+$0x0] =	vst.idx.msk $0xffff, v52;
	v20 =	vor.u32 s4, v38;
	v19 =	vld.idx.msk [tilespmem:v21+s5+$0x0], $0xffff  }
0x5a2: {  	v2 =	vld.idx.msk [tilespmem:v2+s5+$0x0], $0xffff;
	v21 =	vor.u32 s11, v39;
	_ =	sdelay $0x1  }
0x5a3: {  	[tilespmem:v13+s8+$0x0] =	vst.idx.msk $0xffff, v12  }
0x5a4: {  	v14 =	vor.u32 $0x100, v6;
	[tilespmem:v17+s8+$0x0] =	vst.idx.msk $0xffff, v15  }
0x5a5: {  	v18 =	vor.u32 $0x100, v9;
	[tilespmem:v20+s8+$0x0] =	vst.idx.msk $0xffff, v19  }
0x5a6: {  	v1 =	vor.u32 $0x100, v11;
	[tilespmem:v21+s8+$0x0] =	vst.idx.msk $0xffff, v2  }
0x5a7: {  	v12 =	vor.u32 $0x180, v41;
	v46 =	vld [tilespmem:$0x1FF80];
	_ =	sdelay $0x1  }
0x5a8: {  	v13 =	vld.idx.msk [tilespmem:v14+s5+$0x0], $0xffff;
	v14 =	vor.u32 s2, v39  }
0x5a9: {  	v17 =	vor.u32 s3, v39;
	v15 =	vld.idx.msk [tilespmem:v18+s5+$0x0], $0xffff  }
0x5aa: {  	v19 =	vor.u32 s4, v39;
	v1 =	vld.idx.msk [tilespmem:v1+s5+$0x0], $0xffff  }
0x5ab: {  	v12 =	vld.idx.msk [tilespmem:v12+s5+$0x0], $0xffff;
	v20 =	vor.u32 s11, v46;
	_ =	sdelay $0x1  }
0x5ac: {  	[tilespmem:v14+s8+$0x0] =	vst.idx.msk $0xffff, v13  }
0x5ad: {  	v22 =	vor.u32 $0x180, v6;
	[tilespmem:v17+s8+$0x0] =	vst.idx.msk $0xffff, v15  }
0x5ae: {  	v18 =	vor.u32 $0x180, v9;
	[tilespmem:v19+s8+$0x0] =	vst.idx.msk $0xffff, v1  }
0x5af: {  	v2 =	vor.u32 $0x180, v11;
	[tilespmem:v20+s8+$0x0] =	vst.idx.msk $0xffff, v12  }
0x5b0: {  	v13 =	vor.u32 $0x200, v41;
	v52 =	vld [tilespmem:$0x1FF60];
	_ =	sdelay $0x1  }
0x5b1: {  	v14 =	vld.idx.msk [tilespmem:v22+s5+$0x0], $0xffff;
	v21 =	vor.u32 s2, v46  }
0x5b2: {  	v15 =	vld.idx.msk [tilespmem:v18+s5+$0x0], $0xffff;
	v17 =	vor.u32 s3, v46  }
0x5b3: {  	v18 =	vor.u32 s4, v46;
	v2 =	vld.idx.msk [tilespmem:v2+s5+$0x0], $0xffff  }
0x5b4: {  	v13 =	vld.idx.msk [tilespmem:v13+s5+$0x0], $0xffff;
	v19 =	vor.u32 s11, v52;
	_ =	sdelay $0x1  }
0x5b5: {  	[tilespmem:v21+s8+$0x0] =	vst.idx.msk $0xffff, v14  }
0x5b6: {  	v22 =	vor.u32 $0x200, v6;
	[tilespmem:v17+s8+$0x0] =	vst.idx.msk $0xffff, v15  }
0x5b7: {  	v1 =	vor.u32 $0x200, v9;
	[tilespmem:v18+s8+$0x0] =	vst.idx.msk $0xffff, v2  }
0x5b8: {  	v12 =	vor.u32 $0x200, v11;
	[tilespmem:v19+s8+$0x0] =	vst.idx.msk $0xffff, v13  }
0x5b9: {  	v14 =	vor.u32 $0x280, v41;
	v33 =	vld [tilespmem:$0x1FF90];
	_ =	sdelay $0x1  }
0x5ba: {  	v21 =	vld.idx.msk [tilespmem:v22+s5+$0x0], $0xffff;
	v20 =	vor.u32 s2, v52  }
0x5bb: {  	v1 =	vld.idx.msk [tilespmem:v1+s5+$0x0], $0xffff;
	v15 =	vor.u32 s3, v52  }
0x5bc: {  	v12 =	vld.idx.msk [tilespmem:v12+s5+$0x0], $0xffff;
	v17 =	vor.u32 s4, v52  }
0x5bd: {  	v14 =	vld.idx.msk [tilespmem:v14+s5+$0x0], $0xffff;
	v18 =	vor.u32 s11, v33;
	_ =	sdelay $0x1  }
0x5be: {  	[tilespmem:v20+s8+$0x0] =	vst.idx.msk $0xffff, v21  }
0x5bf: {  	v22 =	vor.u32 $0x280, v6;
	[tilespmem:v15+s8+$0x0] =	vst.idx.msk $0xffff, v1  }
0x5c0: {  	v2 =	vor.u32 $0x280, v9;
	[tilespmem:v17+s8+$0x0] =	vst.idx.msk $0xffff, v12  }
0x5c1: {  	v13 =	vor.u32 $0x280, v11;
	[tilespmem:v18+s8+$0x0] =	vst.idx.msk $0xffff, v14  }
0x5c2: {  	v19 =	vor.u32 $0x300, v41;
	v18 =	vld [tilespmem:$0x1FF70];
	_ =	sdelay $0x1  }
0x5c3: {  	v20 =	vld.idx.msk [tilespmem:v22+s5+$0x0], $0xffff;
	v21 =	vor.u32 s2, v33  }
0x5c4: {  	v1 =	vld.idx.msk [tilespmem:v2+s5+$0x0], $0xffff;
	v2 =	vor.u32 s3, v33  }
0x5c5: {  	v12 =	vld.idx.msk [tilespmem:v13+s5+$0x0], $0xffff;
	v13 =	vor.u32 s4, v33  }
0x5c6: {  	v6 =	vor.u32 $0x300, v6;
	v14 =	vld.idx.msk [tilespmem:v19+s5+$0x0], $0xffff;
	v15 =	vor.u32 s11, v18;
	_ =	sdelay $0x1  }
0x5c7: {  	v9 =	vor.u32 $0x300, v9;
	[tilespmem:v21+s8+$0x0] =	vst.idx.msk $0xffff, v20  }
0x5c8: {  	[tilespmem:v2+s8+$0x0] =	vst.idx.msk $0xffff, v1  }
0x5c9: {  	v5 =	vand.u32 $0xFFFFFF80, v45;
	v11 =	vor.u32 $0x300, v11;
	[tilespmem:v13+s8+$0x0] =	vst.idx.msk $0xffff, v12  }
0x5ca: {  	v45 =	vor.u32 $0x380, v42;
	v3 =	vor.u32 v5, v3;
	v6 =	vld.idx.msk [tilespmem:v6+s5+$0x0], $0xffff;
	v17 =	vor.u32 s2, v18;
	[tilespmem:v15+s8+$0x0] =	vst.idx.msk $0xffff, v14  }
0x5cb: {  	v3 =	vor.u32 $0x380, v3;
	v7 =	vand.u32 $0xFFFFFF80, v7;
	v14 =	vld [tilespmem:$0x1FFA0]  }
0x5cc: {  	v1 =	vor.u32 v7, v4;
	v46 =	vld.idx.msk [tilespmem:v9+s5+$0x0], $0xffff;
	v7 =	vor.u32 s3, v18  }
0x5cd: {  	v2 =	vand.u32 $0xFFFFFF80, v10;
	v1 =	vor.u32 $0x380, v1  }
0x5ce: {  	v0 =	vor.u32 v2, v0;
	v2 =	vld.idx.msk [tilespmem:v11+s5+$0x0], $0xffff  }
0x5cf: {  	v9 =	vor.u32 s4, v18;
	v5 =	vld.idx.msk [tilespmem:v45+s5+$0x0], $0xffff;
	[tilespmem:v17+s8+$0x0] =	vst.idx.msk $0xffff, v6  }
0x5d0: {  	[tilespmem:v50+s8+$0x0] =	vst.idx.msk $0xffff, v49;
	v3 =	vld.idx.msk [tilespmem:v3+s5+$0x0], $0xffff;
	v10 =	vor.u32 s11, v14  }
0x5d1: {  	v0 =	vor.u32 $0x380, v0;
	[tilespmem:v7+s8+$0x0] =	vst.idx.msk $0xffff, v46;
	v12 =	vld.idx.msk [tilespmem:v51+s23+$0x0], $0xffff;
	v11 =	vor.u32 s2, v14  }
0x5d2: {  	v13 =	vadd.s32 s20, v24;
	v1 =	vld.idx.msk [tilespmem:v1+s5+$0x0], $0xffff;
	v51 =	vor.u32 s3, v14;
	_ =	sdelay $0x1  }
0x5d3: {  	v6 =	vadd.s32 s15, v24;
	[tilespmem:v9+s8+$0x0] =	vst.idx.msk $0xffff, v2  }
0x5d4: {  	[tilespmem:v10+s8+$0x0] =	vst.idx.msk $0xffff, v5  }
0x5d5: {  	v0 =	vld.idx.msk [tilespmem:v0+s5+$0x0], $0xffff;
	v7 =	vor.u32 s4, v14;
	[tilespmem:v11+s8+$0x0] =	vst.idx.msk $0xffff, v3  }
0x5d6: {  	v52 =	vadd.s32 s7, v24;
	[tilespmem:v51+s8+$0x0] =	vst.idx.msk $0xffff, v1;
	v3 =	vld.idx.msk [tilespmem:v13+s23+$0x0], $0xffff  }
0x5d7: {  	v33 =	vld [tilespmem:$0x1FE90]  }
0x5d8: {  	v2 =	vadd.s32 s25, v24;
	v6 =	vld.idx.msk [tilespmem:v6+s23+$0x0], $0xffff  }
0x5d9: {  	v42 =	vshll.u32 v12, $0x3  }
0x5da: {  	v9 =	vld.idx.msk [tilespmem:v60+s5+$0x0], $0xffff;
	v41 =	vand.u32 $0x7F, v12;
	v1 =	vand.u32 $0xFFFFFC00, v42;
	[tilespmem:v7+s8+$0x0] =	vst.idx.msk $0xffff, v0  }
0x5db: {  	v0 =	vor.u32 s9, v32;
	v1 =	vor.u32 v41, v1;
	v5 =	vld.idx.msk [tilespmem:v52+s23+$0x0], $0xffff  }
0x5dc: {  	v4 =	vor.u32 s18, v33;
	v46 =	vshll.u32 v3, $0x3;
	v44 =	vand.u32 $0x7F, v3;
	v3 =	vld.idx.msk [tilespmem:v47+s5+$0x0], $0xffff  }
0x5dd: {  	v11 =	vld.idx.msk [tilespmem:v2+s23+$0x0], $0xffff;
	v50 =	vshll.u32 v6, $0x3;
	v49 =	vand.u32 $0x7F, v6;
	v6 =	vor.u32 $0x280, v53  }
0x5de: {  	v2 =	vand.u32 $0xFFFFFC00, v50  }
0x5df: {  	v52 =	vor.u32 v49, v2  }
0x5e0: {  	v10 =	vor.u32 $0x280, v61;
	v7 =	vor.u32 $0x80, v60;
	[tilespmem:v62+s8+$0x0] =	vst.idx.msk $0xffff, v48  }
0x5e1: {  	v45 =	vshll.u32 v5, $0x3;
	v62 =	vand.u32 $0x7F, v5;
	v5 =	vld.idx.msk [tilespmem:v1+s5+$0x0], $0xffff;
	v2 =	vand.u32 $0xFFFFFC00, v46;
	[tilespmem:v4+s8+$0x0] =	vst.idx.msk $0x7fff, v3  }
0x5e2: {  	[tilespmem:v0+s8+$0x0] =	vst.idx.msk $0x7fff, v9;
	v51 =	vor.u32 v44, v2;
	v2 =	vshll.u32 v11, $0x3;
	v6 =	vld.idx.msk [tilespmem:v6+s5+$0x0], $0xffff  }
0x5e3: {  	v43 =	vand.u32 $0x7F, v11;
	v9 =	vor.u32 s10, v24;
	v0 =	vand.u32 $0xFFFFFC00, v2;
	v21 =	vld [tilespmem:$0x1FF40]  }
0x5e4: {  	v12 =	vor.u32 s11, v24;
	v48 =	vor.u32 v43, v0;
	v11 =	vld.idx.msk [tilespmem:v52+s5+$0x0], $0xffff  }
0x5e5: {  	v10 =	vld.idx.msk [tilespmem:v10+s5+$0x0], $0xffff  }
0x5e6: {  	v7 =	vld.idx.msk [tilespmem:v7+s5+$0x0], $0xffff  }
0x5e7: {  	v13 =	vor.u32 s2, v24;
	v0 =	vand.u32 $0xFFFFFC00, v45;
	v4 =	vld.idx.msk [tilespmem:v51+s5+$0x0], $0xffff;
	[tilespmem:$0x1FAA0] =	vst v6  }
0x5e8: {  	v47 =	vor.u32 v62, v0;
	v14 =	vor.u32 s17, v21;
	[tilespmem:v9+s8+$0x0] =	vst.idx.msk $0xffff, v5  }
0x5e9: {  	v18 =	vor.u32 s3, v24;
	v0 =	vor.u32 $0x80, v1;
	v17 =	vld.idx.msk [tilespmem:v48+s5+$0x0], $0xffff;
	[tilespmem:v12+s8+$0x0] =	vst.idx.msk $0xffff, v11  }
0x5ea: {  	v20 =	vld [tilespmem:$0x1FEE0]  }
0x5eb: {  	v3 =	vor.u32 $0x80, v52  }
0x5ec: {  	[tilespmem:v13+s8+$0x0] =	vst.idx.msk $0xffff, v4  }
0x5ed: {  	v6 =	vor.u32 $0x80, v51;
	v9 =	vld.idx.msk [tilespmem:v47+s5+$0x0], $0xffff;
	[tilespmem:v14+s8+$0x0] =	vst.idx.msk $0xffff, v10  }
0x5ee: {  	v19 =	vor.u32 s4, v24;
	v5 =	vor.u32 $0x80, v48;
	v0 =	vld.idx.msk [tilespmem:v0+s5+$0x0], $0xffff;
	[tilespmem:v18+s8+$0x0] =	vst.idx.msk $0xffff, v17  }
0x5ef: {  	v11 =	vor.u32 s10, v20;
	v28 =	vld [tilespmem:$0x1FEA0]  }
0x5f0: {  	v3 =	vld.idx.msk [tilespmem:v3+s5+$0x0], $0xffff;
	v13 =	vor.u32 s11, v20;
	_ =	sdelay $0x1  }
0x5f1: {  	v6 =	vld.idx.msk [tilespmem:v6+s5+$0x0], $0xffff;
	v14 =	vor.u32 s2, v20  }
0x5f2: {  	v12 =	vor.u32 $0x80, v47;
	[tilespmem:v19+s8+$0x0] =	vst.idx.msk $0xffff, v9;
	v5 =	vld.idx.msk [tilespmem:v5+s5+$0x0], $0xffff;
	v19 =	vor.u32 s3, v20  }
0x5f3: {  	v15 =	vor.u32 $0x300, v61;
	v61 =	vor.u32 $0x100, v1;
	v17 =	vor.u32 s9, v28;
	[tilespmem:v11+s8+$0x0] =	vst.idx.msk $0xffff, v0  }
0x5f4: {  	[tilespmem:v13+s8+$0x0] =	vst.idx.msk $0xffff, v3  }
0x5f5: {  	v22 =	vld [tilespmem:$0x1FEF0]  }
0x5f6: {  	[tilespmem:v14+s8+$0x0] =	vst.idx.msk $0xffff, v6  }
0x5f7: {  	v10 =	vor.u32 $0x100, v52;
	v11 =	vld.idx.msk [tilespmem:v12+s5+$0x0], $0xffff;
	[tilespmem:v19+s8+$0x0] =	vst.idx.msk $0xffff, v5  }
0x5f8: {  	v18 =	vor.u32 $0x100, v51;
	v4 =	vld.idx.msk [tilespmem:v61+s5+$0x0], $0xffff;
	[tilespmem:v17+s8+$0x0] =	vst.idx.msk $0x7fff, v7  }
0x5f9: {  	v12 =	vor.u32 s4, v20;
	v61 =	vld [tilespmem:$0x1FF50]  }
0x5fa: {  	v3 =	vor.u32 s10, v22;
	_ =	sdelay $0x1  }
0x5fb: {  	v10 =	vld.idx.msk [tilespmem:v10+s5+$0x0], $0xffff;
	v14 =	vor.u32 s11, v22  }
0x5fc: {  	v0 =	vor.u32 $0x100, v48;
	v17 =	vld.idx.msk [tilespmem:v18+s5+$0x0], $0xffff;
	v18 =	vor.u32 s2, v22  }
0x5fd: {  	v15 =	vld.idx.msk [tilespmem:v15+s5+$0x0], $0xffff;
	v13 =	vor.u32 $0x100, v47;
	[tilespmem:v12+s8+$0x0] =	vst.idx.msk $0xffff, v11;
	v5 =	vor.u32 s17, v61  }
0x5fe: {  	[tilespmem:v3+s8+$0x0] =	vst.idx.msk $0xffff, v4  }
0x5ff: {  	v6 =	vor.u32 $0x180, v1;
	v11 =	vor.u32 s3, v22;
	v12 =	vor.u32 s4, v22;
	v22 =	vld [tilespmem:$0x1FF00]  }
0x600: {  	v7 =	vor.u32 $0x180, v52;
	[tilespmem:v14+s8+$0x0] =	vst.idx.msk $0xffff, v10  }
0x601: {  	v19 =	vor.u32 $0x180, v51;
	v0 =	vld.idx.msk [tilespmem:v0+s5+$0x0], $0xffff;
	[tilespmem:v18+s8+$0x0] =	vst.idx.msk $0xffff, v17  }
0x602: {  	v20 =	vor.u32 $0x380, v63;
	v63 =	vld.idx.msk [tilespmem:v13+s5+$0x0], $0xffff;
	v3 =	vor.u32 $0x180, v48;
	[tilespmem:v5+s8+$0x0] =	vst.idx.msk $0xffff, v15  }
0x603: {  	v26 =	vld [tilespmem:$0x1FED0]  }
0x604: {  	v6 =	vld.idx.msk [tilespmem:v6+s5+$0x0], $0xffff;
	v13 =	vor.u32 s10, v22  }
0x605: {  	v7 =	vld.idx.msk [tilespmem:v7+s5+$0x0], $0xffff;
	v17 =	vor.u32 s11, v22  }
0x606: {  	v15 =	vld.idx.msk [tilespmem:v19+s5+$0x0], $0xffff;
	v18 =	vor.u32 s2, v22;
	[tilespmem:v11+s8+$0x0] =	vst.idx.msk $0xffff, v0  }
0x607: {  	v9 =	vor.u32 $0x100, v60;
	[tilespmem:v12+s8+$0x0] =	vst.idx.msk $0xffff, v63;
	v63 =	vor.u32 s3, v22;
	v3 =	vld.idx.msk [tilespmem:v3+s5+$0x0], $0xffff  }
0x608: {  	v10 =	vor.u32 $0x180, v47;
	v19 =	vld.idx.msk [tilespmem:v20+s5+$0x0], $0xffff;
	v20 =	vor.u32 s17, v26  }
0x609: {  	[tilespmem:v13+s8+$0x0] =	vst.idx.msk $0xffff, v6  }
0x60a: {  	v14 =	vor.u32 $0x200, v1;
	[tilespmem:v17+s8+$0x0] =	vst.idx.msk $0xffff, v7  }
0x60b: {  	v5 =	vor.u32 $0x200, v52;
	[tilespmem:v18+s8+$0x0] =	vst.idx.msk $0xffff, v15  }
0x60c: {  	v9 =	vld.idx.msk [tilespmem:v9+s5+$0x0], $0xffff;
	v0 =	vor.u32 $0x200, v51;
	[tilespmem:v63+s8+$0x0] =	vst.idx.msk $0xffff, v3  }
0x60d: {  	v10 =	vld.idx.msk [tilespmem:v10+s5+$0x0], $0xffff;
	v6 =	vor.u32 $0x200, v48;
	[tilespmem:v20+s8+$0x0] =	vst.idx.msk $0xffff, v19  }
0x60e: {  	v11 =	vadd.s32 s1, v32;
	v12 =	vor.u32 s4, v22;
	v63 =	vld [tilespmem:$0x1FF20]  }
0x60f: {  	v13 =	vor.u32 $0x200, v47;
	v7 =	vld.idx.msk [tilespmem:v14+s5+$0x0], $0xffff  }
0x610: {  	v14 =	vor.u32 $0x280, v1;
	v5 =	vld.idx.msk [tilespmem:v5+s5+$0x0], $0xffff  }
0x611: {  	v15 =	vor.u32 $0x280, v52;
	v0 =	vld.idx.msk [tilespmem:v0+s5+$0x0], $0xffff  }
0x612: {  	v6 =	vld.idx.msk [tilespmem:v6+s5+$0x0], $0xffff  }
0x613: {  	v4 =	vld.idx.msk [tilespmem:v11+s23+$0x0], $0xffff;
	v11 =	vor.u32 $0x280, v51;
	[tilespmem:v12+s8+$0x0] =	vst.idx.msk $0xffff, v10;
	v3 =	vor.u32 s9, v63  }
0x614: {  	[tilespmem:v55+s8+$0x0] =	vst.idx.msk $0xffff, v7;
	v12 =	vld.idx.msk [tilespmem:v13+s5+$0x0], $0xffff  }
0x615: {  	[tilespmem:v59+s8+$0x0] =	vst.idx.msk $0xffff, v5;
	v14 =	vld.idx.msk [tilespmem:v14+s5+$0x0], $0xffff  }
0x616: {  	v55 =	vor.u32 s10, v21;
	[tilespmem:v58+s8+$0x0] =	vst.idx.msk $0xffff, v0;
	v15 =	vld.idx.msk [tilespmem:v15+s5+$0x0], $0xffff  }
0x617: {  	v0 =	vor.u32 s11, v21;
	v59 =	vld [tilespmem:$0x1FEC0]  }
0x618: {  	[tilespmem:v3+s8+$0x0] =	vst.idx.msk $0x7fff, v9;
	v9 =	vld.idx.msk [tilespmem:v11+s5+$0x0], $0xffff;
	v11 =	vor.u32 s2, v21  }
0x619: {  	[tilespmem:v57+s8+$0x0] =	vst.idx.msk $0xffff, v6  }
0x61a: {  	v7 =	vor.u32 $0x280, v48;
	[tilespmem:v40+s8+$0x0] =	vst.idx.msk $0xffff, v12  }
0x61b: {  	v17 =	vor.u32 $0x280, v47;
	[tilespmem:v55+s8+$0x0] =	vst.idx.msk $0xffff, v14  }
0x61c: {  	v1 =	vor.u32 $0x300, v1;
	[tilespmem:v0+s8+$0x0] =	vst.idx.msk $0xffff, v15  }
0x61d: {  	v3 =	vor.u32 $0x300, v52;
	[tilespmem:v11+s8+$0x0] =	vst.idx.msk $0xffff, v9  }
0x61e: {  	v20 =	vor.u32 $0x300, v51;
	v18 =	vor.u32 s18, v59;
	v9 =	vld [tilespmem:$0x1FAA0]  }
0x61f: {  	v57 =	vld.idx.msk [tilespmem:v7+s5+$0x0], $0xffff;
	v7 =	vor.u32 s3, v21  }
0x620: {  	v22 =	vor.u32 s11, v61;
	v14 =	vld.idx.msk [tilespmem:v17+s5+$0x0], $0xffff;
	v17 =	vor.u32 s4, v21  }
0x621: {  	v10 =	vor.u32 $0x180, v60;
	v12 =	vand.u32 $0xFFFFFF80, v50;
	v1 =	vld.idx.msk [tilespmem:v1+s5+$0x0], $0xffff;
	v21 =	vor.u32 s10, v61  }
0x622: {  	v58 =	vor.u32 $0x300, v48;
	v15 =	vand.u32 $0xFFFFFF80, v46;
	v12 =	vor.u32 v12, v49;
	v3 =	vld.idx.msk [tilespmem:v3+s5+$0x0], $0xffff  }
0x623: {  	v11 =	vor.u32 $0x380, v12;
	v12 =	vor.u32 s2, v61;
	[tilespmem:v18+s8+$0x0] =	vst.idx.msk $0x7fff, v9;
	v9 =	vor.u32 v15, v44;
	v15 =	vld.idx.msk [tilespmem:v20+s5+$0x0], $0xffff  }
0x624: {  	v13 =	vand.u32 $0xFFFFFF80, v42;
	[tilespmem:v7+s8+$0x0] =	vst.idx.msk $0xffff, v57  }
0x625: {  	v13 =	vor.u32 v13, v41;
	v0 =	vor.u32 $0x300, v47;
	[tilespmem:v17+s8+$0x0] =	vst.idx.msk $0xffff, v14  }
0x626: {  	v13 =	vor.u32 $0x380, v13;
	v42 =	vshll.u32 v4, $0x3;
	[tilespmem:v21+s8+$0x0] =	vst.idx.msk $0xffff, v1  }
0x627: {  	v41 =	vand.u32 $0x7F, v4;
	v6 =	vand.u32 $0xFFFFFC00, v42;
	v10 =	vld.idx.msk [tilespmem:v10+s5+$0x0], $0xffff;
	[tilespmem:v22+s8+$0x0] =	vst.idx.msk $0xffff, v3  }
0x628: {  	v40 =	vor.u32 v41, v6;
	v5 =	vld.idx.msk [tilespmem:v58+s5+$0x0], $0xffff;
	v6 =	vor.u32 $0x380, v9;
	[tilespmem:v12+s8+$0x0] =	vst.idx.msk $0xffff, v15  }
0x629: {  	v2 =	vand.u32 $0xFFFFFF80, v2;
	v19 =	vor.u32 $0x300, v53;
	v7 =	vor.u32 s3, v61;
	v58 =	vld [tilespmem:$0x1FEB0]  }
0x62a: {  	v2 =	vor.u32 v2, v43;
	v48 =	vand.u32 $0xFFFFFF80, v45;
	v49 =	vor.u32 s4, v61;
	v0 =	vld.idx.msk [tilespmem:v0+s5+$0x0], $0xffff  }
0x62b: {  	v2 =	vor.u32 $0x380, v2;
	v1 =	vor.u32 v48, v62;
	v9 =	vld.idx.msk [tilespmem:v13+s5+$0x0], $0xffff;
	v13 =	vor.u32 s10, v26  }
0x62c: {  	v14 =	vor.u32 s11, v26;
	v1 =	vor.u32 $0x380, v1;
	v11 =	vld.idx.msk [tilespmem:v11+s5+$0x0], $0xffff  }
0x62d: {  	v3 =	vadd.s32 s0, v32;
	v15 =	vor.u32 s2, v26;
	v6 =	vld.idx.msk [tilespmem:v6+s5+$0x0], $0xffff  }
0x62e: {  	v18 =	vld.idx.msk [tilespmem:v19+s5+$0x0], $0xffff;
	v12 =	vadd.s32 s15, v32;
	[tilespmem:v7+s8+$0x0] =	vst.idx.msk $0xffff, v5;
	v19 =	vor.u32 s9, v58  }
0x62f: {  	[tilespmem:v49+s8+$0x0] =	vst.idx.msk $0xffff, v0  }
0x630: {  	[tilespmem:v13+s8+$0x0] =	vst.idx.msk $0xffff, v9;
	v2 =	vld.idx.msk [tilespmem:v2+s5+$0x0], $0xffff  }
0x631: {  	v17 =	vadd.s32 s20, v32;
	[tilespmem:v14+s8+$0x0] =	vst.idx.msk $0xffff, v11;
	v1 =	vld.idx.msk [tilespmem:v1+s5+$0x0], $0xffff  }
0x632: {  	v3 =	vld.idx.msk [tilespmem:v3+s23+$0x0], $0xffff;
	[tilespmem:v15+s8+$0x0] =	vst.idx.msk $0xffff, v6  }
0x633: {  	v50 =	vor.u32 $0x200, v60;
	v7 =	vor.u32 s3, v26;
	v12 =	vld.idx.msk [tilespmem:v12+s23+$0x0], $0xffff;
	[tilespmem:v19+s8+$0x0] =	vst.idx.msk $0x7fff, v10  }
0x634: {  	v51 =	vor.u32 s4, v26;
	v0 =	vadd.s32 s25, v32;
	v62 =	vld [tilespmem:$0x1FF10]  }
0x635: {  	v20 =	vld.idx.msk [tilespmem:v40+s5+$0x0], $0xffff;
	v9 =	vadd.s32 s7, v32;
	v13 =	vor.u32 s17, v32  }
0x636: {  	v11 =	vor.u32 $0x80, v40;
	v6 =	vld.idx.msk [tilespmem:v17+s23+$0x0], $0xffff  }
0x637: {  	v61 =	vld [tilespmem:$0x1FE80]  }
0x638: {  	v4 =	vor.u32 s9, v59;
	v15 =	vor.u32 $0x380, v54;
	v17 =	vor.u32 s17, v28;
	v5 =	vld.idx.msk [tilespmem:v50+s5+$0x0], $0xffff;
	[tilespmem:v7+s8+$0x0] =	vst.idx.msk $0xffff, v2  }
0x639: {  	v49 =	vand.u32 $0x7F, v3;
	v48 =	vshll.u32 v12, $0x3;
	[tilespmem:v51+s8+$0x0] =	vst.idx.msk $0xffff, v1;
	v0 =	vld.idx.msk [tilespmem:v0+s23+$0x0], $0xffff;
	v10 =	vor.u32 s18, v62  }
0x63a: {  	v47 =	vand.u32 $0x7F, v12;
	v2 =	vor.u32 s9, v33;
	v7 =	vor.u32 $0x280, v60;
	[tilespmem:v13+s8+$0x0] =	vst.idx.msk $0x7fff, v20;
	v9 =	vld.idx.msk [tilespmem:v9+s23+$0x0], $0xffff  }
0x63b: {  	v13 =	vor.u32 $0x100, v40;
	v50 =	vshll.u32 v3, $0x3;
	v43 =	vshll.u32 v6, $0x3;
	v11 =	vld.idx.msk [tilespmem:v11+s5+$0x0], $0xffff  }
0x63c: {  	v44 =	vand.u32 $0x7F, v6;
	v1 =	vand.u32 $0xFFFFFC00, v50;
	v3 =	vand.u32 $0xFFFFFC00, v43  }
0x63d: {  	v53 =	vor.u32 v49, v1;
	v1 =	vand.u32 $0xFFFFFC00, v48;
	v51 =	vor.u32 v44, v3  }
0x63e: {  	v55 =	vor.u32 v47, v1;
	v14 =	vor.u32 s18, v61;
	v45 =	vshll.u32 v0, $0x3;
	[tilespmem:v10+s8+$0x0] =	vst.idx.msk $0x7fff, v18  }
0x63f: {  	[tilespmem:v2+s8+$0x0] =	vst.idx.msk $0x7fff, v5;
	v46 =	vand.u32 $0x7F, v0;
	v1 =	vshll.u32 v9, $0x3;
	v2 =	vand.u32 $0xFFFFFC00, v45;
	v3 =	vld.idx.msk [tilespmem:v15+s5+$0x0], $0xffff  }
0x640: {  	v0 =	vld.idx.msk [tilespmem:v7+s5+$0x0], $0xffff;
	[tilespmem:v17+s8+$0x0] =	vst.idx.msk $0x7fff, v11;
	v52 =	vand.u32 $0xFFFFFC00, v1;
	v54 =	vor.u32 v46, v2;
	v2 =	vand.u32 $0x7F, v9  }
0x641: {  	v6 =	vor.u32 s17, v63;
	v7 =	vld.idx.msk [tilespmem:v13+s5+$0x0], $0xffff;
	v52 =	vor.u32 v2, v52  }
0x642: {  	v5 =	vor.u32 $0x180, v40;
	v9 =	vld.idx.msk [tilespmem:v53+s5+$0x0], $0xffff;
	v10 =	vor.u32 s10, v32  }
0x643: {  	v11 =	vor.u32 $0x80, v53;
	v13 =	vor.u32 s11, v32;
	v12 =	vld.idx.msk [tilespmem:v55+s5+$0x0], $0xffff  }
0x644: {  	v15 =	vor.u32 s2, v32;
	[tilespmem:v14+s8+$0x0] =	vst.idx.msk $0x7fff, v3;
	v3 =	vor.u32 $0x80, v55;
	v14 =	vld.idx.msk [tilespmem:v51+s5+$0x0], $0xffff  }
0x645: {  	v17 =	vor.u32 s3, v32;
	[tilespmem:v4+s8+$0x0] =	vst.idx.msk $0x7fff, v0;
	v0 =	vor.u32 $0x80, v51;
	v4 =	vld.idx.msk [tilespmem:v54+s5+$0x0], $0xffff  }
0x646: {  	v18 =	vor.u32 s4, v32;
	[tilespmem:v6+s8+$0x0] =	vst.idx.msk $0x7fff, v7;
	v6 =	vor.u32 $0x80, v54;
	v7 =	vld.idx.msk [tilespmem:v52+s5+$0x0], $0xffff  }
0x647: {  	v5 =	vld.idx.msk [tilespmem:v5+s5+$0x0], $0xffff;
	[tilespmem:v10+s8+$0x0] =	vst.idx.msk $0x7fff, v9;
	v9 =	vor.u32 s17, v58;
	v10 =	vor.u32 $0x80, v52  }
0x648: {  	[tilespmem:v13+s8+$0x0] =	vst.idx.msk $0x7fff, v12;
	v12 =	vor.u32 $0x300, v60;
	v13 =	vor.u32 s10, v28;
	v11 =	vld.idx.msk [tilespmem:v11+s5+$0x0], $0xffff  }
0x649: {  	[tilespmem:v15+s8+$0x0] =	vst.idx.msk $0x7fff, v14;
	v14 =	vor.u32 $0x100, v53;
	v3 =	vld.idx.msk [tilespmem:v3+s5+$0x0], $0xffff;
	v15 =	vor.u32 s11, v28  }
0x64a: {  	[tilespmem:v17+s8+$0x0] =	vst.idx.msk $0x7fff, v4;
	v4 =	vor.u32 $0x100, v55;
	v17 =	vor.u32 s2, v28;
	v0 =	vld.idx.msk [tilespmem:v0+s5+$0x0], $0xffff  }
0x64b: {  	[tilespmem:v18+s8+$0x0] =	vst.idx.msk $0x7fff, v7;
	v7 =	vor.u32 $0x100, v51;
	v6 =	vld.idx.msk [tilespmem:v6+s5+$0x0], $0xffff;
	v18 =	vor.u32 s3, v28  }
0x64c: {  	v60 =	vor.u32 $0x100, v54;
	[tilespmem:v9+s8+$0x0] =	vst.idx.msk $0x7fff, v5;
	v9 =	vld.idx.msk [tilespmem:v10+s5+$0x0], $0xffff;
	v10 =	vor.u32 s4, v28  }
0x64d: {  	v12 =	vld.idx.msk [tilespmem:v12+s5+$0x0], $0xffff;
	[tilespmem:v13+s8+$0x0] =	vst.idx.msk $0x7fff, v11;
	v11 =	vor.u32 s9, v62;
	v13 =	vor.u32 $0x100, v52  }
0x64e: {  	v19 =	vor.u32 $0x380, v56;
	[tilespmem:v15+s8+$0x0] =	vst.idx.msk $0x7fff, v3;
	v3 =	vor.u32 s10, v63;
	v14 =	vld.idx.msk [tilespmem:v14+s5+$0x0], $0xffff  }
0x64f: {  	v15 =	vor.u32 $0x180, v53;
	[tilespmem:v17+s8+$0x0] =	vst.idx.msk $0x7fff, v0;
	v0 =	vor.u32 s11, v63;
	v4 =	vld.idx.msk [tilespmem:v4+s5+$0x0], $0xffff  }
0x650: {  	[tilespmem:v18+s8+$0x0] =	vst.idx.msk $0x7fff, v6;
	v6 =	vor.u32 s2, v63;
	v17 =	vor.u32 $0x180, v55;
	v7 =	vld.idx.msk [tilespmem:v7+s5+$0x0], $0xffff  }
0x651: {  	v18 =	vor.u32 $0x180, v51;
	[tilespmem:v10+s8+$0x0] =	vst.idx.msk $0x7fff, v9;
	v9 =	vor.u32 s3, v63;
	v5 =	vld.idx.msk [tilespmem:v60+s5+$0x0], $0xffff  }
0x652: {  	v10 =	vor.u32 $0x180, v54;
	[tilespmem:v11+s8+$0x0] =	vst.idx.msk $0x7fff, v12;
	v11 =	vor.u32 s4, v63;
	v12 =	vld.idx.msk [tilespmem:v13+s5+$0x0], $0xffff  }
0x653: {  	v13 =	vor.u32 s9, v61;
	[tilespmem:v3+s8+$0x0] =	vst.idx.msk $0x7fff, v14;
	v3 =	vld.idx.msk [tilespmem:v19+s5+$0x0], $0xffff;
	v14 =	vor.u32 $0x180, v52  }
0x654: {  	v60 =	vor.u32 s10, v58;
	[tilespmem:v0+s8+$0x0] =	vst.idx.msk $0x7fff, v4;
	v0 =	vor.u32 $0x200, v40;
	v15 =	vld.idx.msk [tilespmem:v15+s5+$0x0], $0xffff  }
0x655: {  	[tilespmem:v6+s8+$0x0] =	vst.idx.msk $0x7fff, v7;
	v6 =	vor.u32 $0x200, v53;
	v7 =	vor.u32 s11, v58;
	v17 =	vld.idx.msk [tilespmem:v17+s5+$0x0], $0xffff  }
0x656: {  	v56 =	vor.u32 $0x200, v55;
	[tilespmem:v9+s8+$0x0] =	vst.idx.msk $0x7fff, v5;
	v9 =	vor.u32 s2, v58;
	v18 =	vld.idx.msk [tilespmem:v18+s5+$0x0], $0xffff  }
0x657: {  	[tilespmem:v11+s8+$0x0] =	vst.idx.msk $0x7fff, v12;
	v11 =	vor.u32 $0x200, v51;
	v12 =	vor.u32 s3, v58;
	v10 =	vld.idx.msk [tilespmem:v10+s5+$0x0], $0xffff  }
0x658: {  	[tilespmem:v13+s8+$0x0] =	vst.idx.msk $0x7fff, v3;
	v3 =	vor.u32 $0x200, v54;
	v13 =	vor.u32 s4, v58;
	v14 =	vld.idx.msk [tilespmem:v14+s5+$0x0], $0xffff  }
0x659: {  	[tilespmem:v60+s8+$0x0] =	vst.idx.msk $0x7fff, v15;
	v60 =	vor.u32 s17, v33;
	v0 =	vld.idx.msk [tilespmem:v0+s5+$0x0], $0xffff;
	v15 =	vor.u32 $0x200, v52  }
0x65a: {  	[tilespmem:v7+s8+$0x0] =	vst.idx.msk $0x7fff, v17;
	v7 =	vor.u32 $0x280, v40;
	v17 =	vor.u32 s10, v33;
	v6 =	vld.idx.msk [tilespmem:v6+s5+$0x0], $0xffff  }
0x65b: {  	[tilespmem:v9+s8+$0x0] =	vst.idx.msk $0x7fff, v18;
	v9 =	vor.u32 $0x280, v53;
	v18 =	vor.u32 s11, v33;
	v5 =	vld.idx.msk [tilespmem:v56+s5+$0x0], $0xffff  }
0x65c: {  	[tilespmem:v12+s8+$0x0] =	vst.idx.msk $0x7fff, v10;
	v10 =	vor.u32 $0x280, v55;
	v12 =	vor.u32 s2, v33;
	v11 =	vld.idx.msk [tilespmem:v11+s5+$0x0], $0xffff  }
0x65d: {  	[tilespmem:v13+s8+$0x0] =	vst.idx.msk $0x7fff, v14;
	v13 =	vor.u32 $0x280, v51;
	v14 =	vor.u32 s3, v33;
	v3 =	vld.idx.msk [tilespmem:v3+s5+$0x0], $0xffff  }
0x65e: {  	v33 =	vor.u32 s4, v33;
	[tilespmem:v60+s8+$0x0] =	vst.idx.msk $0x7fff, v0;
	v0 =	vor.u32 $0x280, v54;
	v15 =	vld.idx.msk [tilespmem:v15+s5+$0x0], $0xffff  }
0x65f: {  	v19 =	vand.u32 $0xFFFFFF80, v42;
	v7 =	vld.idx.msk [tilespmem:v7+s5+$0x0], $0xffff;
	[tilespmem:v17+s8+$0x0] =	vst.idx.msk $0x7fff, v6;
	v6 =	vor.u32 s17, v59;
	v17 =	vor.u32 $0x280, v52  }
0x660: {  	v42 =	vor.u32 v19, v41;
	v19 =	vor.u32 s10, v59;
	[tilespmem:v18+s8+$0x0] =	vst.idx.msk $0x7fff, v5;
	v18 =	vor.u32 $0x300, v40;
	v9 =	vld.idx.msk [tilespmem:v9+s5+$0x0], $0xffff  }
0x661: {  	v20 =	vor.u32 s11, v59;
	[tilespmem:v12+s8+$0x0] =	vst.idx.msk $0x7fff, v11;
	v11 =	vand.u32 $0xFFFFFF80, v50;
	v12 =	vor.u32 $0x300, v53;
	v10 =	vld.idx.msk [tilespmem:v10+s5+$0x0], $0xffff  }
0x662: {  	[tilespmem:v14+s8+$0x0] =	vst.idx.msk $0x7fff, v3;
	v3 =	vor.u32 v11, v49;
	v11 =	vor.u32 $0x300, v55;
	v13 =	vld.idx.msk [tilespmem:v13+s5+$0x0], $0xffff;
	v14 =	vor.u32 s2, v59  }
0x663: {  	v21 =	vor.u32 s3, v59;
	v48 =	vand.u32 $0xFFFFFF80, v48;
	[tilespmem:v33+s8+$0x0] =	vst.idx.msk $0x7fff, v15;
	v15 =	vor.u32 $0x300, v51;
	v0 =	vld.idx.msk [tilespmem:v0+s5+$0x0], $0xffff  }
0x664: {  	v4 =	vor.u32 v48, v47;
	[tilespmem:v6+s8+$0x0] =	vst.idx.msk $0x7fff, v7;
	v6 =	vor.u32 $0x300, v54;
	v7 =	vld.idx.msk [tilespmem:v17+s5+$0x0], $0xffff;
	v17 =	vor.u32 s4, v59  }
0x665: {  	v5 =	vor.u32 $0x380, v42;
	[tilespmem:v19+s8+$0x0] =	vst.idx.msk $0x7fff, v9;
	v9 =	vld.idx.msk [tilespmem:v18+s5+$0x0], $0xffff;
	v18 =	vor.u32 s17, v62;
	v19 =	vor.u32 $0x300, v52  }
0x666: {  	v3 =	vor.u32 $0x380, v3;
	[tilespmem:v20+s8+$0x0] =	vst.idx.msk $0x7fff, v10;
	v10 =	vld.idx.msk [tilespmem:v12+s5+$0x0], $0xffff;
	v12 =	vor.u32 s10, v62;
	v20 =	vand.u32 $0xFFFFFF80, v43  }
0x667: {  	[tilespmem:v14+s8+$0x0] =	vst.idx.msk $0x7fff, v13;
	v13 =	vor.u32 v20, v44;
	v11 =	vld.idx.msk [tilespmem:v11+s5+$0x0], $0xffff;
	v14 =	vor.u32 s11, v62;
	v20 =	vand.u32 $0xFFFFFF80, v45  }
0x668: {  	[tilespmem:v21+s8+$0x0] =	vst.idx.msk $0x7fff, v0;
	v0 =	vor.u32 $0x380, v4;
	v49 =	vor.u32 v20, v46;
	v15 =	vld.idx.msk [tilespmem:v15+s5+$0x0], $0xffff;
	v20 =	vor.u32 s2, v62  }
0x669: {  	v1 =	vand.u32 $0xFFFFFF80, v1;
	[tilespmem:v17+s8+$0x0] =	vst.idx.msk $0x7fff, v7;
	v7 =	vor.u32 $0x380, v13;
	v6 =	vld.idx.msk [tilespmem:v6+s5+$0x0], $0xffff;
	v13 =	vor.u32 s3, v62  }
0x66a: {  	v1 =	vor.u32 v1, v2;
	v2 =	vor.u32 $0x380, v49;
	[tilespmem:v18+s8+$0x0] =	vst.idx.msk $0x7fff, v9;
	v50 =	vld.idx.msk [tilespmem:v19+s5+$0x0], $0xffff;
	v9 =	vor.u32 s4, v62  }
0x66b: {  	v1 =	vor.u32 $0x380, v1;
	v17 =	vor.u32 s17, v61;
	[tilespmem:v12+s8+$0x0] =	vst.idx.msk $0x7fff, v10;
	v5 =	vld.idx.msk [tilespmem:v5+s5+$0x0], $0xffff  }
0x66c: {  	v10 =	vor.u32 s10, v61;
	[tilespmem:v14+s8+$0x0] =	vst.idx.msk $0x7fff, v11;
	v3 =	vld.idx.msk [tilespmem:v3+s5+$0x0], $0xffff  }
0x66d: {  	v11 =	vor.u32 s11, v61;
	[tilespmem:v20+s8+$0x0] =	vst.idx.msk $0x7fff, v15;
	v0 =	vld.idx.msk [tilespmem:v0+s5+$0x0], $0xffff  }
0x66e: {  	[tilespmem:v13+s8+$0x0] =	vst.idx.msk $0x7fff, v6;
	v6 =	vor.u32 s2, v61;
	v7 =	vld.idx.msk [tilespmem:v7+s5+$0x0], $0xffff  }
0x66f: {  	v51 =	vor.u32 s3, v61;
	[tilespmem:v9+s8+$0x0] =	vst.idx.msk $0x7fff, v50;
	v2 =	vld.idx.msk [tilespmem:v2+s5+$0x0], $0xffff  }
0x670: {  	v52 =	vor.u32 s4, v61;
	[tilespmem:v17+s8+$0x0] =	vst.idx.msk $0x7fff, v5;
	v1 =	vld.idx.msk [tilespmem:v1+s5+$0x0], $0xffff  }
0x671: {  	[tilespmem:v10+s8+$0x0] =	vst.idx.msk $0x7fff, v3;
	v3 =	vmov s26  }
0x672: {  	[tilespmem:v11+s8+$0x0] =	vst.idx.msk $0x7fff, v0  }
0x673: {  	[tilespmem:v6+s8+$0x0] =	vst.idx.msk $0x7fff, v7  }
0x674: {  	[tilespmem:v51+s8+$0x0] =	vst.idx.msk $0x7fff, v2  }
0x675: {  	s9 =	simm.s32 $0xBC00;
	[tilespmem:v52+s8+$0x0] =	vst.idx.msk $0x7fff, v1  }
0x676: {  	v0 =	vld.idx.msk [tilespmem:v3+s9+$0x0], $0xffff  }
0x677: {  	s10 =	simm.s32 $0xBC80  }
0x678: {  	v1 =	vld.idx.msk [tilespmem:v3+s10+$0x0], $0xffff  }
0x679: {  	v2 =	vld [tilespmem:$0x1FD00];
	_ =	sdelay $0x1  }
0x67a: {  	v3 =	vld [tilespmem:$0x1FD10];
	vm1 =	vgt.s32 v0, $0x0  }
0x67b: {  	v0 =	vnsel vm1, $0x0, v0  }
0x67c: {  	vm1 =	vgt.s32 v1, $0x0;
	v0 =	vmin.u32 v0, $0x14  }
0x67d: {  	v1 =	vnsel vm1, $0x0, v1;
	v0 =	vadd.s32 v2, v0  }
0x67e: {  	v1 =	vmin.u32 v1, $0x4E;
	v2 =	vmul.u32 $0x4F, v0  }
0x67f: {  	v1 =	vadd.s32 v3, v1  }
0x680: {  	v2 =	vadd.s32 v1, v2  }
0x681: {  	vm1 =	vgt.s32 v2, $0x0  }
0x682: {  	v2 =	vnsel vm1, $0x0, v2  }
0x683: {  	v2 =	vmin.u32 v2, $0x67A;
	_ =	sdelay $0x4  }
0x684: {  	v2 =	vld.idx.msk [tilespmem:v2+s23+$0x0], $0xffff;
	_ =	sdelay $0x1  }
0x685: {  	vm2 =	vlt.u32 v1, $0x4F;
	vm1 =	vlt.u32 v0, $0x15  }
0x686: {  	vm1 =	vmand vm1, vm2  }
0x687: {  	vm1 =	vmand vm1, vm0  }
0x688: {  	v0 =	vnsel vm1, $0x1758, v2  }
0x689: {  	v1 =	vshll.u32 v0, $0x3  }
0x68a: {  	v0 =	vand.u32 $0x7F, v0;
	v2 =	vand.u32 $0xFFFFFC00, v1  }
0x68b: {  	v2 =	vor.u32 v0, v2;
	_ =	sdelay $0x2  }
0x68c: {  	s0 =	sand.u32 $0x3F, s26  }
0x68d: {  	s11 =	sshll.u32 s0, $0x7  }
0x68e: {  	v53 =	vor.u32 s11, v23;
	v3 =	vld.idx.msk [tilespmem:v2+s5+$0x0], $0xffff  }
0x68f: {  	v55 =	vld [tilespmem:$0x1FD20];
	v54 =	vor.u32 $0x80, v2;
	_ =	sdelay $0x3  }
0x690: {  	[tilespmem:v53+s29+$0x0] =	vst.idx.msk $0x1ff, v3  }
0x691: {  	v4 =	vor.u32 s11, v55;
	v3 =	vld.idx.msk [tilespmem:v54+s5+$0x0], $0xffff  }
0x692: {  	v58 =	vld [tilespmem:$0x1FD30];
	v56 =	vor.u32 $0x100, v2;
	_ =	sdelay $0x3  }
0x693: {  	[tilespmem:v4+s29+$0x0] =	vst.idx.msk $0x1ff, v3  }
0x694: {  	v4 =	vor.u32 s11, v58;
	v3 =	vld.idx.msk [tilespmem:v56+s5+$0x0], $0xffff  }
0x695: {  	v60 =	vld [tilespmem:$0x1FD40];
	v59 =	vor.u32 $0x180, v2;
	_ =	sdelay $0x3  }
0x696: {  	[tilespmem:v4+s29+$0x0] =	vst.idx.msk $0x1ff, v3  }
0x697: {  	v4 =	vor.u32 s11, v60;
	v3 =	vld.idx.msk [tilespmem:v59+s5+$0x0], $0xffff  }
0x698: {  	v62 =	vld [tilespmem:$0x1FD50];
	v61 =	vor.u32 $0x200, v2;
	_ =	sdelay $0x3  }
0x699: {  	[tilespmem:v4+s29+$0x0] =	vst.idx.msk $0x1ff, v3  }
0x69a: {  	v4 =	vor.u32 s11, v62;
	v3 =	vld.idx.msk [tilespmem:v61+s5+$0x0], $0xffff  }
0x69b: {  	v40 =	vld [tilespmem:$0x1FD60];
	v33 =	vor.u32 $0x280, v2;
	_ =	sdelay $0x3  }
0x69c: {  	[tilespmem:v4+s29+$0x0] =	vst.idx.msk $0x1ff, v3  }
0x69d: {  	v4 =	vor.u32 s11, v40;
	v3 =	vld.idx.msk [tilespmem:v33+s5+$0x0], $0xffff;
	_ =	sdelay $0x4  }
0x69e: {  	v2 =	vor.u32 $0x300, v2;
	[tilespmem:v4+s29+$0x0] =	vst.idx.msk $0x1ff, v3;
	v3 =	vld [tilespmem:$0x1FD70];
	_ =	sdelay $0x3  }
0x69f: {  	v1 =	vand.u32 $0xFFFFFF80, v1  }
0x6a0: {  	v0 =	vor.u32 v1, v0;
	v2 =	vld.idx.msk [tilespmem:v2+s5+$0x0], $0xffff;
	v3 =	vor.u32 s11, v3  }
0x6a1: {  	v1 =	vld [tilespmem:$0x1FD80];
	v0 =	vor.u32 $0x380, v0;
	_ =	sdelay $0x3  }
0x6a2: {  	[tilespmem:v3+s29+$0x0] =	vst.idx.msk $0x1ff, v2  }
0x6a3: {  	v1 =	vor.u32 s11, v1;
	v0 =	vld.idx.msk [tilespmem:v0+s5+$0x0], $0xffff;
	_ =	sdelay $0x4  }
0x6a4: {  	s14 =	simm.s32 $0x11100;
	[tilespmem:v1+s29+$0x0] =	vst.idx.msk $0x1ff, v0  }
0x6a5: {  	v0 =	vld.idx.msk [tilespmem:v23+s14+$0x0], $0xffff;
	_ =	sdelay $0x4  }
0x6a6: {  	v1 =	vshll.u32 v0, $0x3  }
0x6a7: {  	v0 =	vand.u32 $0x7F, v0;
	v2 =	vand.u32 $0xFFFFFC00, v1  }
0x6a8: {  	v2 =	vor.u32 v0, v2;
	_ =	sdelay $0x2  }
0x6a9: {  	s15 =	sand.u32 $0x7, s26  }
0x6aa: {  	s17 =	sshll.u32 s15, $0x7  }
0x6ab: {  	v41 =	vor.u32 s17, v23;
	v3 =	vld.idx.msk [tilespmem:v2+s5+$0x0], $0xffff  }
0x6ac: {  	v43 =	vld [tilespmem:$0x1FD90];
	v42 =	vor.u32 $0x80, v2;
	_ =	sdelay $0x3  }
0x6ad: {  	[tilespmem:v41+s30+$0x0] =	vst.idx.msk $0xffff, v3  }
0x6ae: {  	v4 =	vor.u32 s17, v43;
	v3 =	vld.idx.msk [tilespmem:v42+s5+$0x0], $0xffff  }
0x6af: {  	v45 =	vld [tilespmem:$0x1FDA0];
	v44 =	vor.u32 $0x100, v2;
	_ =	sdelay $0x3  }
0x6b0: {  	[tilespmem:v4+s30+$0x0] =	vst.idx.msk $0xffff, v3  }
0x6b1: {  	v4 =	vor.u32 s17, v45;
	v3 =	vld.idx.msk [tilespmem:v44+s5+$0x0], $0xffff  }
0x6b2: {  	v47 =	vld [tilespmem:$0x1FDB0];
	v46 =	vor.u32 $0x180, v2;
	_ =	sdelay $0x3  }
0x6b3: {  	[tilespmem:v4+s30+$0x0] =	vst.idx.msk $0xffff, v3  }
0x6b4: {  	v4 =	vor.u32 s17, v47;
	v3 =	vld.idx.msk [tilespmem:v46+s5+$0x0], $0xffff  }
0x6b5: {  	v49 =	vld [tilespmem:$0x1FDC0];
	v48 =	vor.u32 $0x200, v2;
	_ =	sdelay $0x3  }
0x6b6: {  	[tilespmem:v4+s30+$0x0] =	vst.idx.msk $0xffff, v3  }
0x6b7: {  	v4 =	vor.u32 s17, v49;
	v3 =	vld.idx.msk [tilespmem:v48+s5+$0x0], $0xffff  }
0x6b8: {  	v51 =	vld [tilespmem:$0x1FDD0];
	v50 =	vor.u32 $0x280, v2;
	_ =	sdelay $0x3  }
0x6b9: {  	[tilespmem:v4+s30+$0x0] =	vst.idx.msk $0xffff, v3  }
0x6ba: {  	v4 =	vor.u32 s17, v51;
	v3 =	vld.idx.msk [tilespmem:v50+s5+$0x0], $0xffff;
	_ =	sdelay $0x4  }
0x6bb: {  	v2 =	vor.u32 $0x300, v2;
	[tilespmem:v4+s30+$0x0] =	vst.idx.msk $0xffff, v3;
	v3 =	vld [tilespmem:$0x1FDE0];
	_ =	sdelay $0x3  }
0x6bc: {  	v1 =	vand.u32 $0xFFFFFF80, v1  }
0x6bd: {  	v0 =	vor.u32 v1, v0;
	v2 =	vld.idx.msk [tilespmem:v2+s5+$0x0], $0xffff;
	v3 =	vor.u32 s17, v3  }
0x6be: {  	v1 =	vld [tilespmem:$0x1FDF0];
	v0 =	vor.u32 $0x380, v0;
	_ =	sdelay $0x3  }
0x6bf: {  	[tilespmem:v3+s30+$0x0] =	vst.idx.msk $0xffff, v2  }
0x6c0: {  	v1 =	vor.u32 s17, v1;
	v0 =	vld.idx.msk [tilespmem:v0+s5+$0x0], $0xffff;
	_ =	sdelay $0x4  }
0x6c1: {  	[tilespmem:v1+s30+$0x0] =	vst.idx.msk $0xffff, v0  }
0x6c2: {  	v0 =	vld.idx.msk [tilespmem:v8+s14+$0x0], $0xffff;
	_ =	sdelay $0x4  }
0x6c3: {  	v1 =	vshll.u32 v0, $0x3  }
0x6c4: {  	v0 =	vand.u32 $0x7F, v0;
	v2 =	vand.u32 $0xFFFFFC00, v1  }
0x6c5: {  	v2 =	vor.u32 v0, v2;
	_ =	sdelay $0x4  }
0x6c6: {  	v52 =	vor.u32 s17, v8;
	v3 =	vld.idx.msk [tilespmem:v2+s5+$0x0], $0xffff  }
0x6c7: {  	v54 =	vld [tilespmem:$0x1FE00];
	v53 =	vor.u32 $0x80, v2;
	_ =	sdelay $0x3  }
0x6c8: {  	[tilespmem:v52+s30+$0x0] =	vst.idx.msk $0xffff, v3  }
0x6c9: {  	v4 =	vor.u32 s17, v54;
	v3 =	vld.idx.msk [tilespmem:v53+s5+$0x0], $0xffff  }
0x6ca: {  	v56 =	vld [tilespmem:$0x1FE10];
	v55 =	vor.u32 $0x100, v2;
	_ =	sdelay $0x3  }
0x6cb: {  	[tilespmem:v4+s30+$0x0] =	vst.idx.msk $0xffff, v3  }
0x6cc: {  	v4 =	vor.u32 s17, v56;
	v3 =	vld.idx.msk [tilespmem:v55+s5+$0x0], $0xffff  }
0x6cd: {  	v59 =	vld [tilespmem:$0x1FE20];
	v58 =	vor.u32 $0x180, v2;
	_ =	sdelay $0x3  }
0x6ce: {  	[tilespmem:v4+s30+$0x0] =	vst.idx.msk $0xffff, v3  }
0x6cf: {  	v4 =	vor.u32 s17, v59;
	v3 =	vld.idx.msk [tilespmem:v58+s5+$0x0], $0xffff  }
0x6d0: {  	v61 =	vld [tilespmem:$0x1FE30];
	v60 =	vor.u32 $0x200, v2;
	_ =	sdelay $0x3  }
0x6d1: {  	[tilespmem:v4+s30+$0x0] =	vst.idx.msk $0xffff, v3  }
0x6d2: {  	v4 =	vor.u32 s17, v61;
	v3 =	vld.idx.msk [tilespmem:v60+s5+$0x0], $0xffff  }
0x6d3: {  	v33 =	vld [tilespmem:$0x1FE40];
	v62 =	vor.u32 $0x280, v2;
	_ =	sdelay $0x3  }
0x6d4: {  	[tilespmem:v4+s30+$0x0] =	vst.idx.msk $0xffff, v3  }
0x6d5: {  	v4 =	vor.u32 s17, v33;
	v3 =	vld.idx.msk [tilespmem:v62+s5+$0x0], $0xffff;
	_ =	sdelay $0x4  }
0x6d6: {  	v2 =	vor.u32 $0x300, v2;
	[tilespmem:v4+s30+$0x0] =	vst.idx.msk $0xffff, v3;
	v3 =	vld [tilespmem:$0x1FE50];
	_ =	sdelay $0x3  }
0x6d7: {  	v1 =	vand.u32 $0xFFFFFF80, v1  }
0x6d8: {  	v0 =	vor.u32 v1, v0;
	v2 =	vld.idx.msk [tilespmem:v2+s5+$0x0], $0xffff;
	v3 =	vor.u32 s17, v3  }
0x6d9: {  	v1 =	vld [tilespmem:$0x1FE60];
	v0 =	vor.u32 $0x380, v0;
	_ =	sdelay $0x3  }
0x6da: {  	[tilespmem:v3+s30+$0x0] =	vst.idx.msk $0xffff, v2  }
0x6db: {  	v1 =	vor.u32 s17, v1;
	v0 =	vld.idx.msk [tilespmem:v0+s5+$0x0], $0xffff;
	_ =	sdelay $0x4  }
0x6dc: {  	[tilespmem:v1+s30+$0x0] =	vst.idx.msk $0xffff, v0  }
0x6dd: {  	v0 =	vld.idx.msk [tilespmem:v16+s14+$0x0], $0xffff;
	_ =	sdelay $0x4  }
0x6de: {  	v1 =	vshll.u32 v0, $0x3  }
0x6df: {  	v0 =	vand.u32 $0x7F, v0;
	v2 =	vand.u32 $0xFFFFFC00, v1  }
0x6e0: {  	v2 =	vor.u32 v0, v2;
	_ =	sdelay $0x4  }
0x6e1: {  	v40 =	vor.u32 s17, v16;
	v3 =	vld.idx.msk [tilespmem:v2+s5+$0x0], $0xffff  }
0x6e2: {  	v42 =	vld [tilespmem:$0x1FE70];
	v41 =	vor.u32 $0x80, v2;
	_ =	sdelay $0x3  }
0x6e3: {  	[tilespmem:v40+s30+$0x0] =	vst.idx.msk $0xffff, v3  }
0x6e4: {  	v4 =	vor.u32 s17, v42;
	v3 =	vld.idx.msk [tilespmem:v41+s5+$0x0], $0xffff  }
0x6e5: {  	v44 =	vld [tilespmem:$0x1FBA0];
	v43 =	vor.u32 $0x100, v2;
	_ =	sdelay $0x3  }
0x6e6: {  	[tilespmem:v4+s30+$0x0] =	vst.idx.msk $0xffff, v3  }
0x6e7: {  	v4 =	vor.u32 s17, v44;
	v3 =	vld.idx.msk [tilespmem:v43+s5+$0x0], $0xffff  }
0x6e8: {  	v46 =	vld [tilespmem:$0x1FBB0];
	v45 =	vor.u32 $0x180, v2;
	_ =	sdelay $0x3  }
0x6e9: {  	[tilespmem:v4+s30+$0x0] =	vst.idx.msk $0xffff, v3  }
0x6ea: {  	v4 =	vor.u32 s17, v46;
	v3 =	vld.idx.msk [tilespmem:v45+s5+$0x0], $0xffff  }
0x6eb: {  	v48 =	vld [tilespmem:$0x1FBC0];
	v47 =	vor.u32 $0x200, v2;
	_ =	sdelay $0x3  }
0x6ec: {  	[tilespmem:v4+s30+$0x0] =	vst.idx.msk $0xffff, v3  }
0x6ed: {  	v4 =	vor.u32 s17, v48;
	v3 =	vld.idx.msk [tilespmem:v47+s5+$0x0], $0xffff  }
0x6ee: {  	v50 =	vld [tilespmem:$0x1FBD0];
	v49 =	vor.u32 $0x280, v2;
	_ =	sdelay $0x3  }
0x6ef: {  	[tilespmem:v4+s30+$0x0] =	vst.idx.msk $0xffff, v3  }
0x6f0: {  	v4 =	vor.u32 s17, v50;
	v3 =	vld.idx.msk [tilespmem:v49+s5+$0x0], $0xffff;
	_ =	sdelay $0x4  }
0x6f1: {  	v2 =	vor.u32 $0x300, v2;
	[tilespmem:v4+s30+$0x0] =	vst.idx.msk $0xffff, v3;
	v3 =	vld [tilespmem:$0x1FBE0];
	_ =	sdelay $0x3  }
0x6f2: {  	v1 =	vand.u32 $0xFFFFFF80, v1  }
0x6f3: {  	v0 =	vor.u32 v1, v0;
	v2 =	vld.idx.msk [tilespmem:v2+s5+$0x0], $0xffff;
	v3 =	vor.u32 s17, v3  }
0x6f4: {  	v1 =	vld [tilespmem:$0x1FBF0];
	v0 =	vor.u32 $0x380, v0;
	_ =	sdelay $0x3  }
0x6f5: {  	[tilespmem:v3+s30+$0x0] =	vst.idx.msk $0xffff, v2  }
0x6f6: {  	v1 =	vor.u32 s17, v1;
	v0 =	vld.idx.msk [tilespmem:v0+s5+$0x0], $0xffff;
	_ =	sdelay $0x4  }
0x6f7: {  	[tilespmem:v1+s30+$0x0] =	vst.idx.msk $0xffff, v0  }
0x6f8: {  	v0 =	vld.idx.msk [tilespmem:v24+s14+$0x0], $0xffff;
	_ =	sdelay $0x4  }
0x6f9: {  	v1 =	vshll.u32 v0, $0x3  }
0x6fa: {  	v0 =	vand.u32 $0x7F, v0;
	v2 =	vand.u32 $0xFFFFFC00, v1  }
0x6fb: {  	v2 =	vor.u32 v0, v2;
	_ =	sdelay $0x4  }
0x6fc: {  	v51 =	vor.u32 s17, v24;
	v3 =	vld.idx.msk [tilespmem:v2+s5+$0x0], $0xffff  }
0x6fd: {  	v53 =	vld [tilespmem:$0x1FC00];
	v52 =	vor.u32 $0x80, v2;
	_ =	sdelay $0x3  }
0x6fe: {  	[tilespmem:v51+s30+$0x0] =	vst.idx.msk $0x7f, v3  }
0x6ff: {  	v4 =	vor.u32 s17, v53;
	v3 =	vld.idx.msk [tilespmem:v52+s5+$0x0], $0xffff  }
0x700: {  	v55 =	vld [tilespmem:$0x1FC10];
	v54 =	vor.u32 $0x100, v2;
	_ =	sdelay $0x3  }
0x701: {  	[tilespmem:v4+s30+$0x0] =	vst.idx.msk $0x7f, v3  }
0x702: {  	v4 =	vor.u32 s17, v55;
	v3 =	vld.idx.msk [tilespmem:v54+s5+$0x0], $0xffff  }
0x703: {  	v58 =	vld [tilespmem:$0x1FC20];
	v56 =	vor.u32 $0x180, v2;
	_ =	sdelay $0x3  }
0x704: {  	[tilespmem:v4+s30+$0x0] =	vst.idx.msk $0x7f, v3  }
0x705: {  	v4 =	vor.u32 s17, v58;
	v3 =	vld.idx.msk [tilespmem:v56+s5+$0x0], $0xffff  }
0x706: {  	v60 =	vld [tilespmem:$0x1FC30];
	v59 =	vor.u32 $0x200, v2;
	_ =	sdelay $0x3  }
0x707: {  	[tilespmem:v4+s30+$0x0] =	vst.idx.msk $0x7f, v3  }
0x708: {  	v4 =	vor.u32 s17, v60;
	v3 =	vld.idx.msk [tilespmem:v59+s5+$0x0], $0xffff  }
0x709: {  	v62 =	vld [tilespmem:$0x1FC40];
	v61 =	vor.u32 $0x280, v2;
	_ =	sdelay $0x3  }
0x70a: {  	[tilespmem:v4+s30+$0x0] =	vst.idx.msk $0x7f, v3  }
0x70b: {  	v4 =	vor.u32 s17, v62;
	v3 =	vld.idx.msk [tilespmem:v61+s5+$0x0], $0xffff  }
0x70c: {  	v2 =	vor.u32 $0x300, v2;
	_ =	sdelay $0x3  }
0x70d: {  	v1 =	vand.u32 $0xFFFFFF80, v1;
	[tilespmem:v4+s30+$0x0] =	vst.idx.msk $0x7f, v3  }
0x70e: {  	v0 =	vor.u32 v1, v0;
	v1 =	vld.idx.msk [tilespmem:v2+s5+$0x0], $0xffff  }
0x70f: {  	v2 =	vld [tilespmem:$0x1FC50];
	_ =	sdelay $0x4  }
0x710: {  	v2 =	vor.u32 s17, v2;
	_ =	sdelay $0x4  }
0x711: {  	v0 =	vor.u32 $0x380, v0;
	[tilespmem:v2+s30+$0x0] =	vst.idx.msk $0x7f, v1;
	v1 =	vld [tilespmem:$0x1FC60];
	_ =	sdelay $0x4  }
0x712: {  	v0 =	vld.idx.msk [tilespmem:v0+s5+$0x0], $0xffff;
	v1 =	vor.u32 s17, v1;
	_ =	sdelay $0x1  }
0x713: {  	s24 =	smov.u32 s6;
	s7 =	simm.s32 @!p1 $0x10500;
	s18 =	smul.u32 $0x540000, s16  }
0x714: {  	s25 =	rddreg [dreg:$0x5];
	s2 =	sadd.s32 @!p1 $0x2, s19;
	s19 =	smul.u32 $0x2A000, s31  }
0x715: {  	s4 =	simm.s32 @!p1 $0x0;
	s3 =	sshll.u32 @!p1 s2, $0x8;
	s2 =	sshll.u32 @!p1 s2, $0x7  }
0x716: {  	s3 =	sadd.s32 @!p1 s6, s3;
	s6 =	rddreg [dreg:$0x2];
	s20 =	sadd.s32 s19, s18;
	[tilespmem:v1+s30+$0x0] =	vst.idx.msk $0x7f, v0  }
0x717: {  	[tilespmem:s7], [sflag:$0x2] =	stream.linear.gather @!p1 [hbm4b:s3+s4], $0x800, $0x38;
	[tilespmem:$0x1BD00] =	vst v63  }
0x718: {  	s2 =	sadd.s32 @!p1 s6, s2;
	s22 =	rddreg [dreg:$0x11];
	s7 =	simm.s32 @!p1 $0x11100  }
0x719: {  	[tilespmem:s7], [sflag:$0x4] =	stream.linear.gather @!p1 [hbm4b:s2+s4], $0x400, $0x38;
	[tilespmem:$0x1BD00] =	vst v63  }
0x71a: {  	s31 =	simm.s32 $0x2000;
	s2 =	sor.u32 s22, s20;
	p1 =	sne.s32 s15, $0x7  }
0x71b: {  	s6 =	rddreg [dreg:$0x9];
	s2 =	sshrl.u32 s2, $0x3;
	s1 =	sand.u32 @!p1 $0x78, s13  }
0x71c: {  	s26 =	simm.s32 $0x400;
	s2 =	sadd.s32 s25, s2;
	s1 =	sor.u32 @!p1 s6, s1  }
0x71d: {  	[hbm4b:s2+s26] =	stream.strided.scatter [tilespmem:s8], [sflag:$0x6], $0x5400, s31, s26, $0x38;
	[tilespmem:$0x1BD00] =	vst v63  }
0x71e: {  	s3 =	simm.s32 @!p1 $0x10000;
	s1 =	sshll.u32 @!p1 s1, $0x4;
	s2 =	rddreg [dreg:$0x12]  }
0x71f: {  	s4 =	simm.s32 @!p1 $0xDD00;
	s1 =	sadd.s32 @!p1 s1, s2;
	s2 =	simm.s32 @!p1 $0x400  }
0x720: {  	[hbm4b:s1+s2] =	stream.strided.scatter @!p1 [tilespmem:s4], [sflag:$0x8], $0x2000, s3, s2, $0x38;
	[tilespmem:$0x1BD00] =	vst v63  }
0x721: {  	p0 =	sne.s32 s0, $0x3F;
	s1 =	simm.s32 @!p1 $0x8  }
0x722: {  	s0 =	sand.u32 @!p0 $0x40, s13;
	_ =	swait.ge @!p1 [sflag:s1], $0x2000  }
0x723: {  	s0 =	sor.u32 @!p0 s6, s0;
	[sflag:s1] =	ssyncset.done @!p1 $0x0  }
0x724: {  	s0 =	sshll.u32 @!p0 s0, $0x4;
	[sflag:s1] =	ssyncadd.s32 @!p1 $0xFFFFE000;
	s1 =	rddreg [dreg:$0x13]  }
0x725: {  	s2 =	simm.s32 @!p0 $0xBD00;
	s0 =	sadd.s32 @!p0 s0, s1;
	s1 =	simm.s32 @!p0 $0x0  }
0x726: {  	[hbm4b:s0+s1] =	stream.linear.scatter @!p0 [tilespmem:s2], [sflag:$0x7], $0x2000, $0x38;
	[tilespmem:$0x1BD00] =	vst v63  }
0x727: {  	s0 =	simm.s32 @!p0 $0x7  }
0x728: {  	_ =	swait.ge @!p0 [sflag:s0], $0x2000  }
0x729: {  	v22 =	vld [tilespmem:$0x1FFC0]  }
0x72a: {  	v23 =	vld [tilespmem:$0x1FFB0]  }
0x72b: {  	v57 =	vmov v26;
	v26 =	vld [tilespmem:$0x1FFD0]  }
0x72c: {  	v28 =	vld [tilespmem:$0x1FFE0]  }
0x72d: {  	v33 =	vld [tilespmem:$0x1FFF0]  }
0x72e: {  	v9 =	vld [tilespmem:$0x1FF80]  }
0x72f: {  	v11 =	vld [tilespmem:$0x1FF60]  }
0x730: {  	v13 =	vld [tilespmem:$0x1FF90]  }
0x731: {  	v12 =	vld [tilespmem:$0x1FF70]  }
0x732: {  	s12 =	sadd.s32 $0x1, s12;
	v19 =	vld [tilespmem:$0x1FFA0]  }
0x733: {  	p1 =	sne.s32 s12, $0x40;
	v14 =	vld [tilespmem:$0x1FEE0]  }
.Ltmp2:
0x734: {  	v15 =	vld [tilespmem:$0x1FEF0];
	(pc) =	sbr.rel @p1 .LBB2_2-.Ltmp2, $4  }
0x735: {  	v20 =	vld [tilespmem:$0x1FF00]  }
0x736: {  	v10 =	vld [tilespmem:$0x1FF30]  }
0x737: {  	[sflag:s0] =	ssyncset.done @!p0 $0x0;
	v17 =	vld [tilespmem:$0x1FF40]  }
0x738: {  	v21 =	vlaneseq.u32;
	s10 =	simm.s32 $0x11100;
	v0 =	vmov v57;
	v18 =	vld [tilespmem:$0x1FF50];
	[sflag:s0] =	ssyncadd.s32 @!p0 $0xFFFFE000  }
0x739: {  	s0 =	simm.s32 $0x5  }
0x73a: {  	_ =	swait.ge [sflag:s0], $0x5400  }
0x73b: {  	[sflag:s0] =	ssyncset.done $0x0  }
0x73c: {  	s1 =	simm.s32 $0x6;
	[sflag:s0] =	ssyncadd.s32 $0xFFFFAC00  }
0x73d: {  	_ =	swait.ge [sflag:s1], $0x5400  }
0x73e: {  	s2 =	rddreg [dreg:$0x15]  }
0x73f: {  	s31 =	rddreg [dreg:$0x14];
	s2 =	sadd.s32 $0x1, s2  }
0x740: {  	p0 =	sne.s32 s2, s31  }
.Ltmp3:
0x741: {  	_ = 	snop;
	(pc) =	sbr.rel @p0 .LBB2_1-.Ltmp3, $3  }
0x742: {  	_ =	sdelay $0x1  }
0x743: {  	[sflag:s1] =	ssyncset.done $0x0  }
0x744: {  	[sflag:s1] =	ssyncadd.s32 $0xFFFFAC00  }
0x745: {  	_ =	sfence.sel $0x180000  }
0x746: {  	[bflag:$0x0] =	sbarrier.arrive $0xFFFF  }
0x747: {  	_ =	strace $0x90000047  }
0x748: {  	s0 =	stileid.u32;
	[bflag:$0x2] =	sbarrier.arrive $0xFFFF  }
0x749: {  	p0 =	sne.s32 s0, $0x0;
	s0 =	rddreg [dreg:$0x8]  }
0x74a: {  	s0 =	sadd.s32 @!p0 $0x100000, s0  }
0x74b: {  	[sflag:s0] =	ssyncadd.tile.s32 @!p0 $0x1;
	_ =	shalt  }
.Lfunc_end2:
_tile_overlayer_lowered:
.L_overlay_start_2:
0x74c: {  	(tag) =	ssettag $0x2  }
0x74d: {  	s0 =	rddreg [dreg:$0x0];
	s2 =	stileid.u32  }
0x74e: {  	s1 =	rddreg [dreg:$0x1];
	p0 =	sne.s32 s2, $0x0  }
0x74f: {  	s3 =	rddreg [dreg:$0x2];
	[bflag:$0x3] =	sbarrier.arrive $0xFFFF;
	s2 =	simm.s32 @!p0 $0x1C07  }
0x750: {  	[timem:s3], [sflag:s2] =	dma.local @!p0 [hbm:s0], s1  }
0x751: {  	s0 =	simm.s32 @!p0 $0x7  }
0x752: {  	_ =	swait.ge @!p0 [sflag:s0], s1  }
0x753: {  	s1 =	ssub.s32 @!p0 $0x0, s1;
	[sflag:s0] =	ssyncset.done @!p0 $0x0  }
0x754: {  	[sflag:s0] =	ssyncadd.s32 @!p0 s1  }
0x755: {  	[bflag:$0x3] =	sbarrier.arrive $0xFFFF  }
0x756: {  	_ =	shalt  }

</sc_bundles>
